<compile_context>
chip_gen: v7x
topology: tpu7x:2x2x1
jax: 0.10.2.dev20260603
libtpu: 0.0.44.dev20260713+nightly
codegen_flags: <defaults>
</compile_context>

<pallas_src>
import functools

import jax
import jax.numpy as jnp
from jax import lax
from jax.experimental import pallas as pl
from jax.experimental.pallas import tpu as pltpu
from jax.experimental.pallas import tpu_sc as plsc

N = 10000
NP = 10240
D = 128
E = 320000
NC = 2
NS = 16
NW = NC * NS
CH = 80
EPW = E // NW
CPW = 128
NG = 4
CPG = CPW // NG
RPS = NP // NS


def _sc_aggregate(h, src2d, dst2d):
    mesh = plsc.VectorSubcoreMesh(core_axis_name="c", subcore_axis_name="s")

    @functools.partial(
        pl.kernel,
        out_type=(jax.ShapeDtypeStruct((NP, D), jnp.float32),
                  jax.ShapeDtypeStruct((NP, D), jnp.float32)),
        mesh=mesh,
        scratch_types=[
            pltpu.VMEM((CPG, CH), jnp.int32),
            pltpu.VMEM((CPG, CH), jnp.int32),
            pltpu.VMEM((CPG, CH), jnp.int32),
            pltpu.VMEM((CPG, CH), jnp.int32),
            pltpu.VMEM((CH, D), jnp.float32),
            pltpu.VMEM((CH, D), jnp.float32),
            pltpu.VMEM_SHARED((NP, D), jnp.float32),
            pltpu.SemaphoreType.DMA,
            pltpu.SemaphoreType.DMA,
            pltpu.SemaphoreType.DMA,
        ],
    )
    def k(h_hbm, src_hbm, dst_hbm, p0_hbm, p1_hbm,
          srcv0, srcv1, dstv0, dstv1, rows0, rows1, acc, sem0, sem1, isem):
        c = lax.axis_index("c")
        s = lax.axis_index("s")
        row0 = s * RPS

        zv = jnp.zeros((16,), jnp.float32)

        @pl.loop(0, CH)
        def _(i):
            @pl.loop(0, D, step=16)
            def _(k2):
                rows0[i, pl.ds(k2, 16)] = zv

        @pl.loop(0, RPS, step=CH)
        def _(r):
            pltpu.sync_copy(rows0, acc.at[pl.ds(row0 + r, CH)])

        w = c * NS + s
        srcv = (srcv0, srcv1)
        dstv = (dstv0, dstv1)
        pltpu.sync_copy(src_hbm.at[w, 0], srcv0)
        pltpu.sync_copy(dst_hbm.at[w, 0], dstv0)

        plsc.subcore_barrier()

        for g in range(NG):
            sv = srcv[g % 2]
            dv = dstv[g % 2]
            if g + 1 < NG:
                pltpu.async_copy(src_hbm.at[w, g + 1], srcv[(g + 1) % 2], isem)
                pltpu.async_copy(dst_hbm.at[w, g + 1], dstv[(g + 1) % 2], isem)

            pltpu.async_copy(h_hbm.at[sv.at[0]], rows0, sem0)

            @pl.loop(0, CPG, step=2)
            def _(j, sv=sv, dv=dv):
                pltpu.async_copy(h_hbm.at[sv.at[j + 1]], rows1, sem1)
                pltpu.make_async_copy(h_hbm.at[sv.at[j]], rows0, sem0).wait()
                pltpu.sync_copy(rows0, acc.at[dv.at[j]], add=True)

                @pl.when(j + 2 < CPG)
                def _():
                    pltpu.async_copy(h_hbm.at[sv.at[j + 2]], rows0, sem0)

                pltpu.make_async_copy(h_hbm.at[sv.at[j + 1]], rows1,
                                      sem1).wait()
                pltpu.sync_copy(rows1, acc.at[dv.at[j + 1]], add=True)

            if g + 1 < NG:
                pltpu.make_async_copy(src_hbm.at[w, g + 1],
                                      srcv[(g + 1) % 2], isem).wait()
                pltpu.make_async_copy(dst_hbm.at[w, g + 1],
                                      dstv[(g + 1) % 2], isem).wait()

        plsc.subcore_barrier()

        @pl.when(c == 0)
        def _():
            pltpu.sync_copy(acc.at[pl.ds(row0, RPS)],
                            p0_hbm.at[pl.ds(row0, RPS)])

        @pl.when(c == 1)
        def _():
            pltpu.sync_copy(acc.at[pl.ds(row0, RPS)],
                            p1_hbm.at[pl.ds(row0, RPS)])

    return k(h, src2d, dst2d)


_BN = 2048


def _tc_mlp2(p0, p1, hp, Wa, ba, Wb, bb):
    def body(p0_ref, p1_ref, h_ref, wa, ba_r, wb, bb_r, o_ref):
        t = p0_ref[...] + p1_ref[...] + h_ref[...]
        h = jnp.dot(t, wa[...], preferred_element_type=jnp.float32) + ba_r[...]
        h = jnp.maximum(h, 0.0)
        o_ref[...] = jnp.dot(h, wb[...],
                             preferred_element_type=jnp.float32) + bb_r[...]

    return pl.pallas_call(
        body,
        grid=(NP // _BN,),
        in_specs=[
            pl.BlockSpec((_BN, D), lambda i: (i, 0)),
            pl.BlockSpec((_BN, D), lambda i: (i, 0)),
            pl.BlockSpec((_BN, D), lambda i: (i, 0)),
            pl.BlockSpec((D, D), lambda i: (0, 0)),
            pl.BlockSpec((1, D), lambda i: (0, 0)),
            pl.BlockSpec((D, D), lambda i: (0, 0)),
            pl.BlockSpec((1, D), lambda i: (0, 0)),
        ],
        out_specs=pl.BlockSpec((_BN, D), lambda i: (i, 0)),
        out_shape=jax.ShapeDtypeStruct((NP, D), jnp.float32),
    )(p0, p1, hp, Wa, ba.reshape(1, D), Wb, bb.reshape(1, D))


def _tc_linear(p0, p1, hp, W, b):
    def body(p0_ref, p1_ref, h_ref, w, b_r, o_ref):
        t = p0_ref[...] + p1_ref[...] + h_ref[...]
        o_ref[...] = jnp.dot(t, w[...],
                             preferred_element_type=jnp.float32) + b_r[...]

    return pl.pallas_call(
        body,
        grid=(NP // _BN,),
        in_specs=[
            pl.BlockSpec((_BN, D), lambda i: (i, 0)),
            pl.BlockSpec((_BN, D), lambda i: (i, 0)),
            pl.BlockSpec((_BN, D), lambda i: (i, 0)),
            pl.BlockSpec((D, D), lambda i: (0, 0)),
            pl.BlockSpec((1, D), lambda i: (0, 0)),
        ],
        out_specs=pl.BlockSpec((_BN, D), lambda i: (i, 0)),
        out_shape=jax.ShapeDtypeStruct((NP, D), jnp.float32),
    )(p0, p1, hp, W, b.reshape(1, D))


def kernel(x, edge_index, W1a, b1a, W1b, b1b, W2a, b2a, W2b, b2b, W3, b3):
    pad = CPW * CH - EPW
    pad_src = jnp.broadcast_to(jnp.arange(pad, dtype=jnp.int32) % N,
                               (NW, pad))
    pad_dst = jnp.broadcast_to(N + jnp.arange(pad, dtype=jnp.int32) % (NP - N),
                               (NW, pad))
    src = jnp.concatenate(
        [edge_index[0].reshape(NW, EPW), pad_src],
        axis=1).reshape(NW, NG, CPG, CH)
    dst = jnp.concatenate(
        [edge_index[1].reshape(NW, EPW), pad_dst],
        axis=1).reshape(NW, NG, CPG, CH)
    xp = jnp.pad(x, ((0, NP - N), (0, 0)))

    p0, p1 = _sc_aggregate(xp, src, dst)
    h = _tc_mlp2(p0, p1, xp, W1a, b1a, W1b, b1b)
    p0, p1 = _sc_aggregate(h, src, dst)
    h = _tc_mlp2(p0, p1, h, W2a, b2a, W2b, b2b)
    p0, p1 = _sc_aggregate(h, src, dst)
    return _tc_linear(p0, p1, h, W3, b3)[:N]

# --- scband reference (transcript-rebuilt; emitter-appended) ---
"""Pipeline reference for scband-lsdginnet-22574348108064 (READ-ONLY COPY).

The authoritative reference and input builder live on the scoring server;
editing this copy changes nothing except your own understanding.
"""

import jax, jax.numpy as jnp
import numpy as np

N = 10000
E = 320000
D = 128
H = 128
O = 128
EPS = 0.0


def setup_inputs(seed: int = 0) -> dict:
    key = jax.random.key(seed)
    ks = jax.random.split(key, 12)
    x = jax.random.normal(ks[0], (N, D), dtype=jnp.float32)
    edge_index = jax.random.randint(ks[1], (2, E), 0, N, dtype=jnp.int32)
    s_d = 1.0 / np.sqrt(D)
    s_h = 1.0 / np.sqrt(H)
    # Conv 1: MLP(D -> H -> H)
    W1a = jax.random.normal(ks[2], (D, H), dtype=jnp.float32) * s_d
    b1a = jnp.zeros((H,), dtype=jnp.float32)
    W1b = jax.random.normal(ks[3], (H, H), dtype=jnp.float32) * s_h
    b1b = jnp.zeros((H,), dtype=jnp.float32)
    # Conv 2: MLP(H -> H -> H)
    W2a = jax.random.normal(ks[4], (H, H), dtype=jnp.float32) * s_h
    b2a = jnp.zeros((H,), dtype=jnp.float32)
    W2b = jax.random.normal(ks[5], (H, H), dtype=jnp.float32) * s_h
    b2b = jnp.zeros((H,), dtype=jnp.float32)
    # Conv 3: Linear(H -> O)
    W3 = jax.random.normal(ks[6], (H, O), dtype=jnp.float32) * s_h
    b3 = jnp.zeros((O,), dtype=jnp.float32)
    return {"x": x, "edge_index": edge_index,
            "W1a": W1a, "b1a": b1a, "W1b": W1b, "b1b": b1b,
            "W2a": W2a, "b2a": b2a, "W2b": W2b, "b2b": b2b,
            "W3": W3, "b3": b3}


def _gin_aggregate(x, edge_index):
    # pyg MessagePassing with aggr='add', flow source_to_target:
    # out[dst] += x[src]
    src = edge_index[0]
    dst = edge_index[1]
    agg = jax.ops.segment_sum(jnp.take(x, src, axis=0), dst, num_segments=N)
    return agg + (1.0 + EPS) * x


def _mlp2(h, Wa, ba, Wb, bb):
    # MLP with layer_nums=2: Linear -> ReLU -> (Dropout eval=noop) -> Linear
    h = jnp.dot(h, Wa) + ba
    h = jax.nn.relu(h)
    h = jnp.dot(h, Wb) + bb
    return h


def reference(x, edge_index, W1a, b1a, W1b, b1b, W2a, b2a, W2b, b2b, W3, b3):
    # pe_init != 'lap_pe', bi=False, edge_index_opt=None
    h = _gin_aggregate(x, edge_index)
    h = _mlp2(h, W1a, b1a, W1b, b1b)
    h = _gin_aggregate(h, edge_index)
    h = _mlp2(h, W2a, b2a, W2b, b2b)
    h = _gin_aggregate(h, edge_index)
    h = jnp.dot(h, W3) + b3
    return h

if __name__ == "__main__":
    import jax
    _d = setup_inputs()
    print(jax.jit(kernel)(*tuple(_d.values())))

</pallas_src>

<mosaic_0001>
#map = affine_map<(d0, d1) -> (0, 0)>
#map1 = affine_map<(d0, d1) -> (0, 0, 0, 0)>
module attributes {stable_mosaic.version = 14 : i64} {
  func.func @k(%arg0: i32, %arg1: i32, %arg2: memref<10240x128xf32, #tpu.memory_space<hbm>>, %arg3: memref<32x4x32x80xi32, #tpu.memory_space<hbm>>, %arg4: memref<32x4x32x80xi32, #tpu.memory_space<hbm>>, %arg5: memref<10240x128xf32, #tpu.memory_space<hbm>>, %arg6: memref<10240x128xf32, #tpu.memory_space<hbm>>, %arg7: memref<32x80xi32, #tpu.memory_space<vmem>>, %arg8: memref<32x80xi32, #tpu.memory_space<vmem>>, %arg9: memref<32x80xi32, #tpu.memory_space<vmem>>, %arg10: memref<32x80xi32, #tpu.memory_space<vmem>>, %arg11: memref<80x128xf32, #tpu.memory_space<vmem>>, %arg12: memref<80x128xf32, #tpu.memory_space<vmem>>, %arg13: memref<10240x128xf32, #tpu.memory_space<vmem_shared>>, %arg14: memref<!tpu.dma_semaphore, #tpu.memory_space<semaphore_mem>>, %arg15: memref<!tpu.dma_semaphore, #tpu.memory_space<semaphore_mem>>, %arg16: memref<!tpu.dma_semaphore, #tpu.memory_space<semaphore_mem>>) attributes {dimension_semantics = [#tpu.dimension_semantics<core_parallel>, #tpu.dimension_semantics<subcore_parallel>], iteration_bounds = array<i64: 2, 16>, scalar_prefetch = 0 : i64, scratch_operands = 10 : i64, tpu.core_type = #tpu.core_type<sc_vector_subcore>, window_params = [{transform_indices = #map}, {transform_indices = #map1}, {transform_indices = #map1}, {transform_indices = #map}, {transform_indices = #map}]} {
    %mul3A = arith.constant 640 : i32
    %mul3A_0 = arith.muli %arg1, %mul3A : i32
    %broadcast_in_dim3A = arith.constant 0.000000e+00 : f32
    %broadcast_in_dim3A_1 = vector.broadcast %broadcast_in_dim3A : f32 to vector<16xf32>
    %scan3A = arith.constant 0 : i32
    %scan3A_2 = arith.constant 80 : i32
    %scan3A_3 = arith.addi %scan3A, %scan3A_2 : i32
    %scan3A_4 = arith.constant 1 : i32
    scf.for %scan3A_176 = %scan3A to %scan3A_3 step %scan3A_4  : i32 {
      %mul3A_177 = arith.constant 1 : i32
      %mul3A_178 = arith.muli %scan3A_176, %mul3A_177 : i32
      %add3A_179 = arith.constant 0 : i32
      %add3A_180 = arith.addi %add3A_179, %mul3A_178 : i32
      %scan3A_181 = arith.constant 0 : i32
      %scan3A_182 = arith.constant 8 : i32
      %scan3A_183 = arith.addi %scan3A_181, %scan3A_182 : i32
      %scan3A_184 = arith.constant 1 : i32
      scf.for %scan3A_186 = %scan3A_181 to %scan3A_183 step %scan3A_184  : i32 {
        %mul3A_187 = arith.constant 16 : i32
        %mul3A_188 = arith.muli %scan3A_186, %mul3A_187 : i32
        %add3A_189 = arith.constant 0 : i32
        %add3A_190 = arith.addi %add3A_189, %mul3A_188 : i32
        %swap3A = arith.index_cast %add3A_180 : i32 to index
        %swap3A_191 = arith.index_cast %add3A_190 : i32 to index
        %swap3A_192 = tpu.vector_load %arg11[%swap3A, %swap3A_191] {strides = array<i32>} : memref<80x128xf32, #tpu.memory_space<vmem>>, vector<1x16xf32>,
        %swap3A_193 = vector.shape_cast %swap3A_192 : vector<1x16xf32> to vector<16xf32>
        %swap3A_194 = vector.shape_cast %broadcast_in_dim3A_1 : vector<16xf32> to vector<1x16xf32>
        tpu.vector_store %arg11[%swap3A, %swap3A_191], %swap3A_194 {strides = array<i32>} : memref<80x128xf32, #tpu.memory_space<vmem>>, vector<1x16xf32>,
      }
      %scan3A_185 = arith.constant 8 : i32
    }
    %scan3A_5 = arith.constant 80 : i32
    %scan3A_6 = arith.constant 0 : i32
    %scan3A_7 = arith.constant 8 : i32
    %scan3A_8 = arith.addi %scan3A_6, %scan3A_7 : i32
    %scan3A_9 = arith.constant 1 : i32
    scf.for %scan3A_176 = %scan3A_6 to %scan3A_8 step %scan3A_9  : i32 {
      %mul3A_177 = arith.constant 80 : i32
      %mul3A_178 = arith.muli %scan3A_176, %mul3A_177 : i32
      %add3A_179 = arith.constant 0 : i32
      %add3A_180 = arith.addi %add3A_179, %mul3A_178 : i32
      %add3A_181 = arith.addi %mul3A_0, %add3A_180 : i32
      "tpu.region"() ({
        %run_scoped3A_182 = tpu.sem_alloc : memref<!tpu.dma_semaphore, #tpu.memory_space<semaphore_mem>>
        %dma_start3A_183 = arith.constant 0 : i32
        %dma_start3A_184 = tpu.memref_slice %arg13[%add3A_181, %dma_start3A_183] : memref<10240x128xf32, #tpu.memory_space<vmem_shared>> -> memref<80x128xf32, #tpu.memory_space<vmem_shared>>
        %dma_start3A_185 = arith.constant 0 : i32
        %dma_start3A_186 = tpu.memref_slice %arg13[%add3A_181, %dma_start3A_185] : memref<10240x128xf32, #tpu.memory_space<vmem_shared>> -> memref<80x128xf32, #tpu.memory_space<vmem_shared>>
        tpu.enqueue_dma source(%arg11 : memref<80x128xf32, #tpu.memory_space<vmem>>) target(%dma_start3A_186 : memref<80x128xf32, #tpu.memory_space<vmem_shared>>) target_semaphore(%run_scoped3A_182 : memref<!tpu.dma_semaphore, #tpu.memory_space<semaphore_mem>>)
        %dma_wait3A_187 = arith.constant 0 : i32
        %dma_wait3A_188 = tpu.memref_slice %arg13[%add3A_181, %dma_wait3A_187] : memref<10240x128xf32, #tpu.memory_space<vmem_shared>> -> memref<80x128xf32, #tpu.memory_space<vmem_shared>>
        %dma_wait3A_189 = arith.constant 0 : i32
        %dma_wait3A_190 = tpu.memref_slice %arg13[%add3A_181, %dma_wait3A_189] : memref<10240x128xf32, #tpu.memory_space<vmem_shared>> -> memref<80x128xf32, #tpu.memory_space<vmem_shared>>
        tpu.wait_dma2 semaphore(%run_scoped3A_182 : memref<!tpu.dma_semaphore, #tpu.memory_space<semaphore_mem>>) src(%arg11 : memref<80x128xf32, #tpu.memory_space<vmem>>) dst(%dma_wait3A_190 : memref<80x128xf32, #tpu.memory_space<vmem_shared>>)
        tpu.yield
      }) : () -> ()
    }
    %scan3A_10 = arith.constant 8 : i32
    %mul3A_11 = arith.constant 16 : i32
    %mul3A_12 = arith.muli %arg0, %mul3A_11 : i32
    %add3A = arith.addi %mul3A_12, %arg1 : i32
    %run_scoped3A = arith.constant 0 : i32
    "tpu.region"() ({
      %run_scoped3A_176 = tpu.sem_alloc : memref<!tpu.dma_semaphore, #tpu.memory_space<semaphore_mem>>
      %dma_start3A_177 = arith.constant 0 : i32
      %dma_start3A_178 = arith.constant 0 : i32
      %dma_start3A_179 = tpu.memref_slice %arg3[%add3A, %run_scoped3A, %dma_start3A_177, %dma_start3A_178] : memref<32x4x32x80xi32, #tpu.memory_space<hbm>> -> memref<1x1x32x80xi32, #tpu.memory_space<hbm>>
      %dma_start3A_180 = tpu.memref_squeeze %dma_start3A_179 : memref<1x1x32x80xi32, #tpu.memory_space<hbm>> -> memref<32x80xi32, #tpu.memory_space<hbm>>
      %dma_start3A_181 = arith.constant 0 : i32
      %dma_start3A_182 = arith.constant 0 : i32
      %dma_start3A_183 = tpu.memref_slice %arg3[%add3A, %run_scoped3A, %dma_start3A_181, %dma_start3A_182] : memref<32x4x32x80xi32, #tpu.memory_space<hbm>> -> memref<1x1x32x80xi32, #tpu.memory_space<hbm>>
      %dma_start3A_184 = tpu.memref_squeeze %dma_start3A_183 : memref<1x1x32x80xi32, #tpu.memory_space<hbm>> -> memref<32x80xi32, #tpu.memory_space<hbm>>
      tpu.enqueue_dma source(%dma_start3A_184 : memref<32x80xi32, #tpu.memory_space<hbm>>) target(%arg7 : memref<32x80xi32, #tpu.memory_space<vmem>>) target_semaphore(%run_scoped3A_176 : memref<!tpu.dma_semaphore, #tpu.memory_space<semaphore_mem>>)
      %dma_wait3A_185 = arith.constant 0 : i32
      %dma_wait3A_186 = arith.constant 0 : i32
      %dma_wait3A_187 = tpu.memref_slice %arg3[%add3A, %run_scoped3A, %dma_wait3A_185, %dma_wait3A_186] : memref<32x4x32x80xi32, #tpu.memory_space<hbm>> -> memref<1x1x32x80xi32, #tpu.memory_space<hbm>>
      %dma_wait3A_188 = tpu.memref_squeeze %dma_wait3A_187 : memref<1x1x32x80xi32, #tpu.memory_space<hbm>> -> memref<32x80xi32, #tpu.memory_space<hbm>>
      %dma_wait3A_189 = arith.constant 0 : i32
      %dma_wait3A_190 = arith.constant 0 : i32
      %dma_wait3A_191 = tpu.memref_slice %arg3[%add3A, %run_scoped3A, %dma_wait3A_189, %dma_wait3A_190] : memref<32x4x32x80xi32, #tpu.memory_space<hbm>> -> memref<1x1x32x80xi32, #tpu.memory_space<hbm>>
      %dma_wait3A_192 = tpu.memref_squeeze %dma_wait3A_191 : memref<1x1x32x80xi32, #tpu.memory_space<hbm>> -> memref<32x80xi32, #tpu.memory_space<hbm>>
      tpu.wait_dma2 semaphore(%run_scoped3A_176 : memref<!tpu.dma_semaphore, #tpu.memory_space<semaphore_mem>>) src(%dma_wait3A_192 : memref<32x80xi32, #tpu.memory_space<hbm>>) dst(%arg7 : memref<32x80xi32, #tpu.memory_space<vmem>>)
      tpu.yield
    }) : () -> ()
    %run_scoped3A_13 = arith.constant 0 : i32
    "tpu.region"() ({
      %run_scoped3A_176 = tpu.sem_alloc : memref<!tpu.dma_semaphore, #tpu.memory_space<semaphore_mem>>
      %dma_start3A_177 = arith.constant 0 : i32
      %dma_start3A_178 = arith.constant 0 : i32
      %dma_start3A_179 = tpu.memref_slice %arg4[%add3A, %run_scoped3A_13, %dma_start3A_177, %dma_start3A_178] : memref<32x4x32x80xi32, #tpu.memory_space<hbm>> -> memref<1x1x32x80xi32, #tpu.memory_space<hbm>>
      %dma_start3A_180 = tpu.memref_squeeze %dma_start3A_179 : memref<1x1x32x80xi32, #tpu.memory_space<hbm>> -> memref<32x80xi32, #tpu.memory_space<hbm>>
      %dma_start3A_181 = arith.constant 0 : i32
      %dma_start3A_182 = arith.constant 0 : i32
      %dma_start3A_183 = tpu.memref_slice %arg4[%add3A, %run_scoped3A_13, %dma_start3A_181, %dma_start3A_182] : memref<32x4x32x80xi32, #tpu.memory_space<hbm>> -> memref<1x1x32x80xi32, #tpu.memory_space<hbm>>
      %dma_start3A_184 = tpu.memref_squeeze %dma_start3A_183 : memref<1x1x32x80xi32, #tpu.memory_space<hbm>> -> memref<32x80xi32, #tpu.memory_space<hbm>>
      tpu.enqueue_dma source(%dma_start3A_184 : memref<32x80xi32, #tpu.memory_space<hbm>>) target(%arg9 : memref<32x80xi32, #tpu.memory_space<vmem>>) target_semaphore(%run_scoped3A_176 : memref<!tpu.dma_semaphore, #tpu.memory_space<semaphore_mem>>)
      %dma_wait3A_185 = arith.constant 0 : i32
      %dma_wait3A_186 = arith.constant 0 : i32
      %dma_wait3A_187 = tpu.memref_slice %arg4[%add3A, %run_scoped3A_13, %dma_wait3A_185, %dma_wait3A_186] : memref<32x4x32x80xi32, #tpu.memory_space<hbm>> -> memref<1x1x32x80xi32, #tpu.memory_space<hbm>>
      %dma_wait3A_188 = tpu.memref_squeeze %dma_wait3A_187 : memref<1x1x32x80xi32, #tpu.memory_space<hbm>> -> memref<32x80xi32, #tpu.memory_space<hbm>>
      %dma_wait3A_189 = arith.constant 0 : i32
      %dma_wait3A_190 = arith.constant 0 : i32
      %dma_wait3A_191 = tpu.memref_slice %arg4[%add3A, %run_scoped3A_13, %dma_wait3A_189, %dma_wait3A_190] : memref<32x4x32x80xi32, #tpu.memory_space<hbm>> -> memref<1x1x32x80xi32, #tpu.memory_space<hbm>>
      %dma_wait3A_192 = tpu.memref_squeeze %dma_wait3A_191 : memref<1x1x32x80xi32, #tpu.memory_space<hbm>> -> memref<32x80xi32, #tpu.memory_space<hbm>>
      tpu.wait_dma2 semaphore(%run_scoped3A_176 : memref<!tpu.dma_semaphore, #tpu.memory_space<semaphore_mem>>) src(%dma_wait3A_192 : memref<32x80xi32, #tpu.memory_space<hbm>>) dst(%arg9 : memref<32x80xi32, #tpu.memory_space<vmem>>)
      tpu.yield
    }) : () -> ()
    %barrier3A = arith.constant 0 : index
    tpu.barrier barrier_id(%barrier3A)
    %dma_start3A = arith.constant 1 : i32
    %dma_start3A_14 = arith.constant 0 : i32
    %dma_start3A_15 = arith.constant 0 : i32
    %dma_start3A_16 = tpu.memref_slice %arg3[%add3A, %dma_start3A, %dma_start3A_14, %dma_start3A_15] : memref<32x4x32x80xi32, #tpu.memory_space<hbm>> -> memref<1x1x32x80xi32, #tpu.memory_space<hbm>>
    %dma_start3A_17 = tpu.memref_squeeze %dma_start3A_16 : memref<1x1x32x80xi32, #tpu.memory_space<hbm>> -> memref<32x80xi32, #tpu.memory_space<hbm>>
    %dma_start3A_18 = arith.constant 0 : i32
    %dma_start3A_19 = arith.constant 0 : i32
    %dma_start3A_20 = tpu.memref_slice %arg3[%add3A, %dma_start3A, %dma_start3A_18, %dma_start3A_19] : memref<32x4x32x80xi32, #tpu.memory_space<hbm>> -> memref<1x1x32x80xi32, #tpu.memory_space<hbm>>
    %dma_start3A_21 = tpu.memref_squeeze %dma_start3A_20 : memref<1x1x32x80xi32, #tpu.memory_space<hbm>> -> memref<32x80xi32, #tpu.memory_space<hbm>>
    tpu.enqueue_dma source(%dma_start3A_21 : memref<32x80xi32, #tpu.memory_space<hbm>>) target(%arg8 : memref<32x80xi32, #tpu.memory_space<vmem>>) target_semaphore(%arg16 : memref<!tpu.dma_semaphore, #tpu.memory_space<semaphore_mem>>)
    %dma_start3A_22 = arith.constant 1 : i32
    %dma_start3A_23 = arith.constant 0 : i32
    %dma_start3A_24 = arith.constant 0 : i32
    %dma_start3A_25 = tpu.memref_slice %arg4[%add3A, %dma_start3A_22, %dma_start3A_23, %dma_start3A_24] : memref<32x4x32x80xi32, #tpu.memory_space<hbm>> -> memref<1x1x32x80xi32, #tpu.memory_space<hbm>>
    %dma_start3A_26 = tpu.memref_squeeze %dma_start3A_25 : memref<1x1x32x80xi32, #tpu.memory_space<hbm>> -> memref<32x80xi32, #tpu.memory_space<hbm>>
    %dma_start3A_27 = arith.constant 0 : i32
    %dma_start3A_28 = arith.constant 0 : i32
    %dma_start3A_29 = tpu.memref_slice %arg4[%add3A, %dma_start3A_22, %dma_start3A_27, %dma_start3A_28] : memref<32x4x32x80xi32, #tpu.memory_space<hbm>> -> memref<1x1x32x80xi32, #tpu.memory_space<hbm>>
    %dma_start3A_30 = tpu.memref_squeeze %dma_start3A_29 : memref<1x1x32x80xi32, #tpu.memory_space<hbm>> -> memref<32x80xi32, #tpu.memory_space<hbm>>
    tpu.enqueue_dma source(%dma_start3A_30 : memref<32x80xi32, #tpu.memory_space<hbm>>) target(%arg10 : memref<32x80xi32, #tpu.memory_space<vmem>>) target_semaphore(%arg16 : memref<!tpu.dma_semaphore, #tpu.memory_space<semaphore_mem>>)
    %dma_start3A_31 = arith.constant 0 : i32
    %dma_start3A_32 = arith.constant 0 : i32
    %dma_start3A_33 = tpu.memref_slice %arg7[%dma_start3A_31, %dma_start3A_32] : memref<32x80xi32, #tpu.memory_space<vmem>> -> memref<1x80xi32, #tpu.memory_space<vmem>>
    %dma_start3A_34 = tpu.memref_squeeze %dma_start3A_33 : memref<1x80xi32, #tpu.memory_space<vmem>> -> memref<80xi32, #tpu.memory_space<vmem>>
    %dma_start3A_35 = arith.constant 0 : i32
    %dma_start3A_36 = arith.constant 0 : i32
    %dma_start3A_37 = tpu.memref_slice %arg2[%dma_start3A_35, %dma_start3A_36] : memref<10240x128xf32, #tpu.memory_space<hbm>> -> memref<10240x128xf32, #tpu.memory_space<hbm>>
    tpu.enqueue_indirect_dma source(%dma_start3A_37 : memref<10240x128xf32, #tpu.memory_space<hbm>>) target(%arg11 : memref<80x128xf32, #tpu.memory_space<vmem>>) offsets(%dma_start3A_34 : memref<80xi32, #tpu.memory_space<vmem>>) semaphore(%arg14 : memref<!tpu.dma_semaphore, #tpu.memory_space<semaphore_mem>>)
    %scan3A_38 = arith.constant 0 : i32
    %scan3A_39 = arith.constant 16 : i32
    %scan3A_40 = arith.addi %scan3A_38, %scan3A_39 : i32
    %scan3A_41 = arith.constant 1 : i32
    scf.for %scan3A_176 = %scan3A_38 to %scan3A_40 step %scan3A_41  : i32 {
      %mul3A_177 = arith.constant 2 : i32
      %mul3A_178 = arith.muli %scan3A_176, %mul3A_177 : i32
      %add3A_179 = arith.constant 0 : i32
      %add3A_180 = arith.addi %add3A_179, %mul3A_178 : i32
      %add3A_181 = arith.constant 1 : i32
      %add3A_182 = arith.addi %add3A_180, %add3A_181 : i32
      %dma_start3A_183 = arith.constant 0 : i32
      %dma_start3A_184 = tpu.memref_slice %arg7[%add3A_182, %dma_start3A_183] : memref<32x80xi32, #tpu.memory_space<vmem>> -> memref<1x80xi32, #tpu.memory_space<vmem>>
      %dma_start3A_185 = tpu.memref_squeeze %dma_start3A_184 : memref<1x80xi32, #tpu.memory_space<vmem>> -> memref<80xi32, #tpu.memory_space<vmem>>
      %dma_start3A_186 = arith.constant 0 : i32
      %dma_start3A_187 = arith.constant 0 : i32
      %dma_start3A_188 = tpu.memref_slice %arg2[%dma_start3A_186, %dma_start3A_187] : memref<10240x128xf32, #tpu.memory_space<hbm>> -> memref<10240x128xf32, #tpu.memory_space<hbm>>
      tpu.enqueue_indirect_dma source(%dma_start3A_188 : memref<10240x128xf32, #tpu.memory_space<hbm>>) target(%arg12 : memref<80x128xf32, #tpu.memory_space<vmem>>) offsets(%dma_start3A_185 : memref<80xi32, #tpu.memory_space<vmem>>) semaphore(%arg15 : memref<!tpu.dma_semaphore, #tpu.memory_space<semaphore_mem>>)
      %dma_wait3A_189 = arith.constant 0 : i32
      %dma_wait3A_190 = tpu.memref_slice %arg7[%add3A_180, %dma_wait3A_189] : memref<32x80xi32, #tpu.memory_space<vmem>> -> memref<1x80xi32, #tpu.memory_space<vmem>>
      %dma_wait3A_191 = tpu.memref_squeeze %dma_wait3A_190 : memref<1x80xi32, #tpu.memory_space<vmem>> -> memref<80xi32, #tpu.memory_space<vmem>>
      %dma_wait3A_192 = arith.constant 0 : i32
      %dma_wait3A_193 = arith.constant 0 : i32
      %dma_wait3A_194 = tpu.memref_slice %arg2[%dma_wait3A_192, %dma_wait3A_193] : memref<10240x128xf32, #tpu.memory_space<hbm>> -> memref<10240x128xf32, #tpu.memory_space<hbm>>
      tpu.wait_indirect_dma semaphore(%arg14 : memref<!tpu.dma_semaphore, #tpu.memory_space<semaphore_mem>>) src(%dma_wait3A_194 : memref<10240x128xf32, #tpu.memory_space<hbm>>) dst(%arg11 : memref<80x128xf32, #tpu.memory_space<vmem>>)
      "tpu.region"() ({
        %run_scoped3A_211 = tpu.sem_alloc : memref<!tpu.dma_semaphore, #tpu.memory_space<semaphore_mem>>
        %dma_start3A_212 = arith.constant 0 : i32
        %dma_start3A_213 = tpu.memref_slice %arg9[%add3A_180, %dma_start3A_212] : memref<32x80xi32, #tpu.memory_space<vmem>> -> memref<1x80xi32, #tpu.memory_space<vmem>>
        %dma_start3A_214 = tpu.memref_squeeze %dma_start3A_213 : memref<1x80xi32, #tpu.memory_space<vmem>> -> memref<80xi32, #tpu.memory_space<vmem>>
        %dma_start3A_215 = arith.constant 0 : i32
        %dma_start3A_216 = arith.constant 0 : i32
        %dma_start3A_217 = tpu.memref_slice %arg13[%dma_start3A_215, %dma_start3A_216] : memref<10240x128xf32, #tpu.memory_space<vmem_shared>> -> memref<10240x128xf32, #tpu.memory_space<vmem_shared>>
        tpu.enqueue_indirect_dma source(%arg11 : memref<80x128xf32, #tpu.memory_space<vmem>>) target(%dma_start3A_217 : memref<10240x128xf32, #tpu.memory_space<vmem_shared>>) offsets(%dma_start3A_214 : memref<80xi32, #tpu.memory_space<vmem>>) semaphore(%run_scoped3A_211 : memref<!tpu.dma_semaphore, #tpu.memory_space<semaphore_mem>>) {add = true}
        %dma_wait3A_218 = arith.constant 0 : i32
        %dma_wait3A_219 = tpu.memref_slice %arg9[%add3A_180, %dma_wait3A_218] : memref<32x80xi32, #tpu.memory_space<vmem>> -> memref<1x80xi32, #tpu.memory_space<vmem>>
        %dma_wait3A_220 = tpu.memref_squeeze %dma_wait3A_219 : memref<1x80xi32, #tpu.memory_space<vmem>> -> memref<80xi32, #tpu.memory_space<vmem>>
        %dma_wait3A_221 = arith.constant 0 : i32
        %dma_wait3A_222 = arith.constant 0 : i32
        %dma_wait3A_223 = tpu.memref_slice %arg13[%dma_wait3A_221, %dma_wait3A_222] : memref<10240x128xf32, #tpu.memory_space<vmem_shared>> -> memref<10240x128xf32, #tpu.memory_space<vmem_shared>>
        tpu.wait_indirect_dma semaphore(%run_scoped3A_211 : memref<!tpu.dma_semaphore, #tpu.memory_space<semaphore_mem>>) src(%arg11 : memref<80x128xf32, #tpu.memory_space<vmem>>) dst(%dma_wait3A_223 : memref<10240x128xf32, #tpu.memory_space<vmem_shared>>)
        tpu.yield
      }) : () -> ()
      %add3A_195 = arith.constant 2 : i32
      %add3A_196 = arith.addi %add3A_180, %add3A_195 : i32
      %lt3A = arith.constant 32 : i32
      %lt3A_197 = arith.cmpi slt, %add3A_196, %lt3A : i32
      %convert_element_type3A_198 = arith.extui %lt3A_197 : i1 to i32
      %cond3A_199 = arith.constant 0 : i32
      %cond3A_200 = arith.cmpi ne, %convert_element_type3A_198, %cond3A_199 : i32
      scf.if %cond3A_200 {
        %add3A_211 = arith.constant 2 : i32
        %add3A_212 = arith.addi %add3A_180, %add3A_211 : i32
        %dma_start3A_213 = arith.constant 0 : i32
        %dma_start3A_214 = tpu.memref_slice %arg7[%add3A_212, %dma_start3A_213] : memref<32x80xi32, #tpu.memory_space<vmem>> -> memref<1x80xi32, #tpu.memory_space<vmem>>
        %dma_start3A_215 = tpu.memref_squeeze %dma_start3A_214 : memref<1x80xi32, #tpu.memory_space<vmem>> -> memref<80xi32, #tpu.memory_space<vmem>>
        %dma_start3A_216 = arith.constant 0 : i32
        %dma_start3A_217 = arith.constant 0 : i32
        %dma_start3A_218 = tpu.memref_slice %arg2[%dma_start3A_216, %dma_start3A_217] : memref<10240x128xf32, #tpu.memory_space<hbm>> -> memref<10240x128xf32, #tpu.memory_space<hbm>>
        tpu.enqueue_indirect_dma source(%dma_start3A_218 : memref<10240x128xf32, #tpu.memory_space<hbm>>) target(%arg11 : memref<80x128xf32, #tpu.memory_space<vmem>>) offsets(%dma_start3A_215 : memref<80xi32, #tpu.memory_space<vmem>>) semaphore(%arg14 : memref<!tpu.dma_semaphore, #tpu.memory_space<semaphore_mem>>)
      } else {
      }
      %add3A_201 = arith.constant 1 : i32
      %add3A_202 = arith.addi %add3A_180, %add3A_201 : i32
      %dma_wait3A_203 = arith.constant 0 : i32
      %dma_wait3A_204 = tpu.memref_slice %arg7[%add3A_202, %dma_wait3A_203] : memref<32x80xi32, #tpu.memory_space<vmem>> -> memref<1x80xi32, #tpu.memory_space<vmem>>
      %dma_wait3A_205 = tpu.memref_squeeze %dma_wait3A_204 : memref<1x80xi32, #tpu.memory_space<vmem>> -> memref<80xi32, #tpu.memory_space<vmem>>
      %dma_wait3A_206 = arith.constant 0 : i32
      %dma_wait3A_207 = arith.constant 0 : i32
      %dma_wait3A_208 = tpu.memref_slice %arg2[%dma_wait3A_206, %dma_wait3A_207] : memref<10240x128xf32, #tpu.memory_space<hbm>> -> memref<10240x128xf32, #tpu.memory_space<hbm>>
      tpu.wait_indirect_dma semaphore(%arg15 : memref<!tpu.dma_semaphore, #tpu.memory_space<semaphore_mem>>) src(%dma_wait3A_208 : memref<10240x128xf32, #tpu.memory_space<hbm>>) dst(%arg12 : memref<80x128xf32, #tpu.memory_space<vmem>>)
      %add3A_209 = arith.constant 1 : i32
      %add3A_210 = arith.addi %add3A_180, %add3A_209 : i32
      "tpu.region"() ({
        %run_scoped3A_211 = tpu.sem_alloc : memref<!tpu.dma_semaphore, #tpu.memory_space<semaphore_mem>>
        %dma_start3A_212 = arith.constant 0 : i32
        %dma_start3A_213 = tpu.memref_slice %arg9[%add3A_210, %dma_start3A_212] : memref<32x80xi32, #tpu.memory_space<vmem>> -> memref<1x80xi32, #tpu.memory_space<vmem>>
        %dma_start3A_214 = tpu.memref_squeeze %dma_start3A_213 : memref<1x80xi32, #tpu.memory_space<vmem>> -> memref<80xi32, #tpu.memory_space<vmem>>
        %dma_start3A_215 = arith.constant 0 : i32
        %dma_start3A_216 = arith.constant 0 : i32
        %dma_start3A_217 = tpu.memref_slice %arg13[%dma_start3A_215, %dma_start3A_216] : memref<10240x128xf32, #tpu.memory_space<vmem_shared>> -> memref<10240x128xf32, #tpu.memory_space<vmem_shared>>
        tpu.enqueue_indirect_dma source(%arg12 : memref<80x128xf32, #tpu.memory_space<vmem>>) target(%dma_start3A_217 : memref<10240x128xf32, #tpu.memory_space<vmem_shared>>) offsets(%dma_start3A_214 : memref<80xi32, #tpu.memory_space<vmem>>) semaphore(%run_scoped3A_211 : memref<!tpu.dma_semaphore, #tpu.memory_space<semaphore_mem>>) {add = true}
        %dma_wait3A_218 = arith.constant 0 : i32
        %dma_wait3A_219 = tpu.memref_slice %arg9[%add3A_210, %dma_wait3A_218] : memref<32x80xi32, #tpu.memory_space<vmem>> -> memref<1x80xi32, #tpu.memory_space<vmem>>
        %dma_wait3A_220 = tpu.memref_squeeze %dma_wait3A_219 : memref<1x80xi32, #tpu.memory_space<vmem>> -> memref<80xi32, #tpu.memory_space<vmem>>
        %dma_wait3A_221 = arith.constant 0 : i32
        %dma_wait3A_222 = arith.constant 0 : i32
        %dma_wait3A_223 = tpu.memref_slice %arg13[%dma_wait3A_221, %dma_wait3A_222] : memref<10240x128xf32, #tpu.memory_space<vmem_shared>> -> memref<10240x128xf32, #tpu.memory_space<vmem_shared>>
        tpu.wait_indirect_dma semaphore(%run_scoped3A_211 : memref<!tpu.dma_semaphore, #tpu.memory_space<semaphore_mem>>) src(%arg12 : memref<80x128xf32, #tpu.memory_space<vmem>>) dst(%dma_wait3A_223 : memref<10240x128xf32, #tpu.memory_space<vmem_shared>>)
        tpu.yield
      }) : () -> ()
    }
    %scan3A_42 = arith.constant 16 : i32
    %dma_wait3A = arith.constant 1 : i32
    %dma_wait3A_43 = arith.constant 0 : i32
    %dma_wait3A_44 = arith.constant 0 : i32
    %dma_wait3A_45 = tpu.memref_slice %arg3[%add3A, %dma_wait3A, %dma_wait3A_43, %dma_wait3A_44] : memref<32x4x32x80xi32, #tpu.memory_space<hbm>> -> memref<1x1x32x80xi32, #tpu.memory_space<hbm>>
    %dma_wait3A_46 = tpu.memref_squeeze %dma_wait3A_45 : memref<1x1x32x80xi32, #tpu.memory_space<hbm>> -> memref<32x80xi32, #tpu.memory_space<hbm>>
    %dma_wait3A_47 = arith.constant 0 : i32
    %dma_wait3A_48 = arith.constant 0 : i32
    %dma_wait3A_49 = tpu.memref_slice %arg3[%add3A, %dma_wait3A, %dma_wait3A_47, %dma_wait3A_48] : memref<32x4x32x80xi32, #tpu.memory_space<hbm>> -> memref<1x1x32x80xi32, #tpu.memory_space<hbm>>
    %dma_wait3A_50 = tpu.memref_squeeze %dma_wait3A_49 : memref<1x1x32x80xi32, #tpu.memory_space<hbm>> -> memref<32x80xi32, #tpu.memory_space<hbm>>
    tpu.wait_dma2 semaphore(%arg16 : memref<!tpu.dma_semaphore, #tpu.memory_space<semaphore_mem>>) src(%dma_wait3A_50 : memref<32x80xi32, #tpu.memory_space<hbm>>) dst(%arg8 : memref<32x80xi32, #tpu.memory_space<vmem>>)
    %dma_wait3A_51 = arith.constant 1 : i32
    %dma_wait3A_52 = arith.constant 0 : i32
    %dma_wait3A_53 = arith.constant 0 : i32
    %dma_wait3A_54 = tpu.memref_slice %arg4[%add3A, %dma_wait3A_51, %dma_wait3A_52, %dma_wait3A_53] : memref<32x4x32x80xi32, #tpu.memory_space<hbm>> -> memref<1x1x32x80xi32, #tpu.memory_space<hbm>>
    %dma_wait3A_55 = tpu.memref_squeeze %dma_wait3A_54 : memref<1x1x32x80xi32, #tpu.memory_space<hbm>> -> memref<32x80xi32, #tpu.memory_space<hbm>>
    %dma_wait3A_56 = arith.constant 0 : i32
    %dma_wait3A_57 = arith.constant 0 : i32
    %dma_wait3A_58 = tpu.memref_slice %arg4[%add3A, %dma_wait3A_51, %dma_wait3A_56, %dma_wait3A_57] : memref<32x4x32x80xi32, #tpu.memory_space<hbm>> -> memref<1x1x32x80xi32, #tpu.memory_space<hbm>>
    %dma_wait3A_59 = tpu.memref_squeeze %dma_wait3A_58 : memref<1x1x32x80xi32, #tpu.memory_space<hbm>> -> memref<32x80xi32, #tpu.memory_space<hbm>>
    tpu.wait_dma2 semaphore(%arg16 : memref<!tpu.dma_semaphore, #tpu.memory_space<semaphore_mem>>) src(%dma_wait3A_59 : memref<32x80xi32, #tpu.memory_space<hbm>>) dst(%arg10 : memref<32x80xi32, #tpu.memory_space<vmem>>)
    %dma_start3A_60 = arith.constant 2 : i32
    %dma_start3A_61 = arith.constant 0 : i32
    %dma_start3A_62 = arith.constant 0 : i32
    %dma_start3A_63 = tpu.memref_slice %arg3[%add3A, %dma_start3A_60, %dma_start3A_61, %dma_start3A_62] : memref<32x4x32x80xi32, #tpu.memory_space<hbm>> -> memref<1x1x32x80xi32, #tpu.memory_space<hbm>>
    %dma_start3A_64 = tpu.memref_squeeze %dma_start3A_63 : memref<1x1x32x80xi32, #tpu.memory_space<hbm>> -> memref<32x80xi32, #tpu.memory_space<hbm>>
    %dma_start3A_65 = arith.constant 0 : i32
    %dma_start3A_66 = arith.constant 0 : i32
    %dma_start3A_67 = tpu.memref_slice %arg3[%add3A, %dma_start3A_60, %dma_start3A_65, %dma_start3A_66] : memref<32x4x32x80xi32, #tpu.memory_space<hbm>> -> memref<1x1x32x80xi32, #tpu.memory_space<hbm>>
    %dma_start3A_68 = tpu.memref_squeeze %dma_start3A_67 : memref<1x1x32x80xi32, #tpu.memory_space<hbm>> -> memref<32x80xi32, #tpu.memory_space<hbm>>
    tpu.enqueue_dma source(%dma_start3A_68 : memref<32x80xi32, #tpu.memory_space<hbm>>) target(%arg7 : memref<32x80xi32, #tpu.memory_space<vmem>>) target_semaphore(%arg16 : memref<!tpu.dma_semaphore, #tpu.memory_space<semaphore_mem>>)
    %dma_start3A_69 = arith.constant 2 : i32
    %dma_start3A_70 = arith.constant 0 : i32
    %dma_start3A_71 = arith.constant 0 : i32
    %dma_start3A_72 = tpu.memref_slice %arg4[%add3A, %dma_start3A_69, %dma_start3A_70, %dma_start3A_71] : memref<32x4x32x80xi32, #tpu.memory_space<hbm>> -> memref<1x1x32x80xi32, #tpu.memory_space<hbm>>
    %dma_start3A_73 = tpu.memref_squeeze %dma_start3A_72 : memref<1x1x32x80xi32, #tpu.memory_space<hbm>> -> memref<32x80xi32, #tpu.memory_space<hbm>>
    %dma_start3A_74 = arith.constant 0 : i32
    %dma_start3A_75 = arith.constant 0 : i32
    %dma_start3A_76 = tpu.memref_slice %arg4[%add3A, %dma_start3A_69, %dma_start3A_74, %dma_start3A_75] : memref<32x4x32x80xi32, #tpu.memory_space<hbm>> -> memref<1x1x32x80xi32, #tpu.memory_space<hbm>>
    %dma_start3A_77 = tpu.memref_squeeze %dma_start3A_76 : memref<1x1x32x80xi32, #tpu.memory_space<hbm>> -> memref<32x80xi32, #tpu.memory_space<hbm>>
    tpu.enqueue_dma source(%dma_start3A_77 : memref<32x80xi32, #tpu.memory_space<hbm>>) target(%arg9 : memref<32x80xi32, #tpu.memory_space<vmem>>) target_semaphore(%arg16 : memref<!tpu.dma_semaphore, #tpu.memory_space<semaphore_mem>>)
    %dma_start3A_78 = arith.constant 0 : i32
    %dma_start3A_79 = arith.constant 0 : i32
    %dma_start3A_80 = tpu.memref_slice %arg8[%dma_start3A_78, %dma_start3A_79] : memref<32x80xi32, #tpu.memory_space<vmem>> -> memref<1x80xi32, #tpu.memory_space<vmem>>
    %dma_start3A_81 = tpu.memref_squeeze %dma_start3A_80 : memref<1x80xi32, #tpu.memory_space<vmem>> -> memref<80xi32, #tpu.memory_space<vmem>>
    %dma_start3A_82 = arith.constant 0 : i32
    %dma_start3A_83 = arith.constant 0 : i32
    %dma_start3A_84 = tpu.memref_slice %arg2[%dma_start3A_82, %dma_start3A_83] : memref<10240x128xf32, #tpu.memory_space<hbm>> -> memref<10240x128xf32, #tpu.memory_space<hbm>>
    tpu.enqueue_indirect_dma source(%dma_start3A_84 : memref<10240x128xf32, #tpu.memory_space<hbm>>) target(%arg11 : memref<80x128xf32, #tpu.memory_space<vmem>>) offsets(%dma_start3A_81 : memref<80xi32, #tpu.memory_space<vmem>>) semaphore(%arg14 : memref<!tpu.dma_semaphore, #tpu.memory_space<semaphore_mem>>)
    %scan3A_85 = arith.constant 0 : i32
    %scan3A_86 = arith.constant 16 : i32
    %scan3A_87 = arith.addi %scan3A_85, %scan3A_86 : i32
    %scan3A_88 = arith.constant 1 : i32
    scf.for %scan3A_176 = %scan3A_85 to %scan3A_87 step %scan3A_88  : i32 {
      %mul3A_177 = arith.constant 2 : i32
      %mul3A_178 = arith.muli %scan3A_176, %mul3A_177 : i32
      %add3A_179 = arith.constant 0 : i32
      %add3A_180 = arith.addi %add3A_179, %mul3A_178 : i32
      %add3A_181 = arith.constant 1 : i32
      %add3A_182 = arith.addi %add3A_180, %add3A_181 : i32
      %dma_start3A_183 = arith.constant 0 : i32
      %dma_start3A_184 = tpu.memref_slice %arg8[%add3A_182, %dma_start3A_183] : memref<32x80xi32, #tpu.memory_space<vmem>> -> memref<1x80xi32, #tpu.memory_space<vmem>>
      %dma_start3A_185 = tpu.memref_squeeze %dma_start3A_184 : memref<1x80xi32, #tpu.memory_space<vmem>> -> memref<80xi32, #tpu.memory_space<vmem>>
      %dma_start3A_186 = arith.constant 0 : i32
      %dma_start3A_187 = arith.constant 0 : i32
      %dma_start3A_188 = tpu.memref_slice %arg2[%dma_start3A_186, %dma_start3A_187] : memref<10240x128xf32, #tpu.memory_space<hbm>> -> memref<10240x128xf32, #tpu.memory_space<hbm>>
      tpu.enqueue_indirect_dma source(%dma_start3A_188 : memref<10240x128xf32, #tpu.memory_space<hbm>>) target(%arg12 : memref<80x128xf32, #tpu.memory_space<vmem>>) offsets(%dma_start3A_185 : memref<80xi32, #tpu.memory_space<vmem>>) semaphore(%arg15 : memref<!tpu.dma_semaphore, #tpu.memory_space<semaphore_mem>>)
      %dma_wait3A_189 = arith.constant 0 : i32
      %dma_wait3A_190 = tpu.memref_slice %arg8[%add3A_180, %dma_wait3A_189] : memref<32x80xi32, #tpu.memory_space<vmem>> -> memref<1x80xi32, #tpu.memory_space<vmem>>
      %dma_wait3A_191 = tpu.memref_squeeze %dma_wait3A_190 : memref<1x80xi32, #tpu.memory_space<vmem>> -> memref<80xi32, #tpu.memory_space<vmem>>
      %dma_wait3A_192 = arith.constant 0 : i32
      %dma_wait3A_193 = arith.constant 0 : i32
      %dma_wait3A_194 = tpu.memref_slice %arg2[%dma_wait3A_192, %dma_wait3A_193] : memref<10240x128xf32, #tpu.memory_space<hbm>> -> memref<10240x128xf32, #tpu.memory_space<hbm>>
      tpu.wait_indirect_dma semaphore(%arg14 : memref<!tpu.dma_semaphore, #tpu.memory_space<semaphore_mem>>) src(%dma_wait3A_194 : memref<10240x128xf32, #tpu.memory_space<hbm>>) dst(%arg11 : memref<80x128xf32, #tpu.memory_space<vmem>>)
      "tpu.region"() ({
        %run_scoped3A_211 = tpu.sem_alloc : memref<!tpu.dma_semaphore, #tpu.memory_space<semaphore_mem>>
        %dma_start3A_212 = arith.constant 0 : i32
        %dma_start3A_213 = tpu.memref_slice %arg10[%add3A_180, %dma_start3A_212] : memref<32x80xi32, #tpu.memory_space<vmem>> -> memref<1x80xi32, #tpu.memory_space<vmem>>
        %dma_start3A_214 = tpu.memref_squeeze %dma_start3A_213 : memref<1x80xi32, #tpu.memory_space<vmem>> -> memref<80xi32, #tpu.memory_space<vmem>>
        %dma_start3A_215 = arith.constant 0 : i32
        %dma_start3A_216 = arith.constant 0 : i32
        %dma_start3A_217 = tpu.memref_slice %arg13[%dma_start3A_215, %dma_start3A_216] : memref<10240x128xf32, #tpu.memory_space<vmem_shared>> -> memref<10240x128xf32, #tpu.memory_space<vmem_shared>>
        tpu.enqueue_indirect_dma source(%arg11 : memref<80x128xf32, #tpu.memory_space<vmem>>) target(%dma_start3A_217 : memref<10240x128xf32, #tpu.memory_space<vmem_shared>>) offsets(%dma_start3A_214 : memref<80xi32, #tpu.memory_space<vmem>>) semaphore(%run_scoped3A_211 : memref<!tpu.dma_semaphore, #tpu.memory_space<semaphore_mem>>) {add = true}
        %dma_wait3A_218 = arith.constant 0 : i32
        %dma_wait3A_219 = tpu.memref_slice %arg10[%add3A_180, %dma_wait3A_218] : memref<32x80xi32, #tpu.memory_space<vmem>> -> memref<1x80xi32, #tpu.memory_space<vmem>>
        %dma_wait3A_220 = tpu.memref_squeeze %dma_wait3A_219 : memref<1x80xi32, #tpu.memory_space<vmem>> -> memref<80xi32, #tpu.memory_space<vmem>>
        %dma_wait3A_221 = arith.constant 0 : i32
        %dma_wait3A_222 = arith.constant 0 : i32
        %dma_wait3A_223 = tpu.memref_slice %arg13[%dma_wait3A_221, %dma_wait3A_222] : memref<10240x128xf32, #tpu.memory_space<vmem_shared>> -> memref<10240x128xf32, #tpu.memory_space<vmem_shared>>
        tpu.wait_indirect_dma semaphore(%run_scoped3A_211 : memref<!tpu.dma_semaphore, #tpu.memory_space<semaphore_mem>>) src(%arg11 : memref<80x128xf32, #tpu.memory_space<vmem>>) dst(%dma_wait3A_223 : memref<10240x128xf32, #tpu.memory_space<vmem_shared>>)
        tpu.yield
      }) : () -> ()
      %add3A_195 = arith.constant 2 : i32
      %add3A_196 = arith.addi %add3A_180, %add3A_195 : i32
      %lt3A = arith.constant 32 : i32
      %lt3A_197 = arith.cmpi slt, %add3A_196, %lt3A : i32
      %convert_element_type3A_198 = arith.extui %lt3A_197 : i1 to i32
      %cond3A_199 = arith.constant 0 : i32
      %cond3A_200 = arith.cmpi ne, %convert_element_type3A_198, %cond3A_199 : i32
      scf.if %cond3A_200 {
        %add3A_211 = arith.constant 2 : i32
        %add3A_212 = arith.addi %add3A_180, %add3A_211 : i32
        %dma_start3A_213 = arith.constant 0 : i32
        %dma_start3A_214 = tpu.memref_slice %arg8[%add3A_212, %dma_start3A_213] : memref<32x80xi32, #tpu.memory_space<vmem>> -> memref<1x80xi32, #tpu.memory_space<vmem>>
        %dma_start3A_215 = tpu.memref_squeeze %dma_start3A_214 : memref<1x80xi32, #tpu.memory_space<vmem>> -> memref<80xi32, #tpu.memory_space<vmem>>
        %dma_start3A_216 = arith.constant 0 : i32
        %dma_start3A_217 = arith.constant 0 : i32
        %dma_start3A_218 = tpu.memref_slice %arg2[%dma_start3A_216, %dma_start3A_217] : memref<10240x128xf32, #tpu.memory_space<hbm>> -> memref<10240x128xf32, #tpu.memory_space<hbm>>
        tpu.enqueue_indirect_dma source(%dma_start3A_218 : memref<10240x128xf32, #tpu.memory_space<hbm>>) target(%arg11 : memref<80x128xf32, #tpu.memory_space<vmem>>) offsets(%dma_start3A_215 : memref<80xi32, #tpu.memory_space<vmem>>) semaphore(%arg14 : memref<!tpu.dma_semaphore, #tpu.memory_space<semaphore_mem>>)
      } else {
      }
      %add3A_201 = arith.constant 1 : i32
      %add3A_202 = arith.addi %add3A_180, %add3A_201 : i32
      %dma_wait3A_203 = arith.constant 0 : i32
      %dma_wait3A_204 = tpu.memref_slice %arg8[%add3A_202, %dma_wait3A_203] : memref<32x80xi32, #tpu.memory_space<vmem>> -> memref<1x80xi32, #tpu.memory_space<vmem>>
      %dma_wait3A_205 = tpu.memref_squeeze %dma_wait3A_204 : memref<1x80xi32, #tpu.memory_space<vmem>> -> memref<80xi32, #tpu.memory_space<vmem>>
      %dma_wait3A_206 = arith.constant 0 : i32
      %dma_wait3A_207 = arith.constant 0 : i32
      %dma_wait3A_208 = tpu.memref_slice %arg2[%dma_wait3A_206, %dma_wait3A_207] : memref<10240x128xf32, #tpu.memory_space<hbm>> -> memref<10240x128xf32, #tpu.memory_space<hbm>>
      tpu.wait_indirect_dma semaphore(%arg15 : memref<!tpu.dma_semaphore, #tpu.memory_space<semaphore_mem>>) src(%dma_wait3A_208 : memref<10240x128xf32, #tpu.memory_space<hbm>>) dst(%arg12 : memref<80x128xf32, #tpu.memory_space<vmem>>)
      %add3A_209 = arith.constant 1 : i32
      %add3A_210 = arith.addi %add3A_180, %add3A_209 : i32
      "tpu.region"() ({
        %run_scoped3A_211 = tpu.sem_alloc : memref<!tpu.dma_semaphore, #tpu.memory_space<semaphore_mem>>
        %dma_start3A_212 = arith.constant 0 : i32
        %dma_start3A_213 = tpu.memref_slice %arg10[%add3A_210, %dma_start3A_212] : memref<32x80xi32, #tpu.memory_space<vmem>> -> memref<1x80xi32, #tpu.memory_space<vmem>>
        %dma_start3A_214 = tpu.memref_squeeze %dma_start3A_213 : memref<1x80xi32, #tpu.memory_space<vmem>> -> memref<80xi32, #tpu.memory_space<vmem>>
        %dma_start3A_215 = arith.constant 0 : i32
        %dma_start3A_216 = arith.constant 0 : i32
        %dma_start3A_217 = tpu.memref_slice %arg13[%dma_start3A_215, %dma_start3A_216] : memref<10240x128xf32, #tpu.memory_space<vmem_shared>> -> memref<10240x128xf32, #tpu.memory_space<vmem_shared>>
        tpu.enqueue_indirect_dma source(%arg12 : memref<80x128xf32, #tpu.memory_space<vmem>>) target(%dma_start3A_217 : memref<10240x128xf32, #tpu.memory_space<vmem_shared>>) offsets(%dma_start3A_214 : memref<80xi32, #tpu.memory_space<vmem>>) semaphore(%run_scoped3A_211 : memref<!tpu.dma_semaphore, #tpu.memory_space<semaphore_mem>>) {add = true}
        %dma_wait3A_218 = arith.constant 0 : i32
        %dma_wait3A_219 = tpu.memref_slice %arg10[%add3A_210, %dma_wait3A_218] : memref<32x80xi32, #tpu.memory_space<vmem>> -> memref<1x80xi32, #tpu.memory_space<vmem>>
        %dma_wait3A_220 = tpu.memref_squeeze %dma_wait3A_219 : memref<1x80xi32, #tpu.memory_space<vmem>> -> memref<80xi32, #tpu.memory_space<vmem>>
        %dma_wait3A_221 = arith.constant 0 : i32
        %dma_wait3A_222 = arith.constant 0 : i32
        %dma_wait3A_223 = tpu.memref_slice %arg13[%dma_wait3A_221, %dma_wait3A_222] : memref<10240x128xf32, #tpu.memory_space<vmem_shared>> -> memref<10240x128xf32, #tpu.memory_space<vmem_shared>>
        tpu.wait_indirect_dma semaphore(%run_scoped3A_211 : memref<!tpu.dma_semaphore, #tpu.memory_space<semaphore_mem>>) src(%arg12 : memref<80x128xf32, #tpu.memory_space<vmem>>) dst(%dma_wait3A_223 : memref<10240x128xf32, #tpu.memory_space<vmem_shared>>)
        tpu.yield
      }) : () -> ()
    }
    %scan3A_89 = arith.constant 16 : i32
    %dma_wait3A_90 = arith.constant 2 : i32
    %dma_wait3A_91 = arith.constant 0 : i32
    %dma_wait3A_92 = arith.constant 0 : i32
    %dma_wait3A_93 = tpu.memref_slice %arg3[%add3A, %dma_wait3A_90, %dma_wait3A_91, %dma_wait3A_92] : memref<32x4x32x80xi32, #tpu.memory_space<hbm>> -> memref<1x1x32x80xi32, #tpu.memory_space<hbm>>
    %dma_wait3A_94 = tpu.memref_squeeze %dma_wait3A_93 : memref<1x1x32x80xi32, #tpu.memory_space<hbm>> -> memref<32x80xi32, #tpu.memory_space<hbm>>
    %dma_wait3A_95 = arith.constant 0 : i32
    %dma_wait3A_96 = arith.constant 0 : i32
    %dma_wait3A_97 = tpu.memref_slice %arg3[%add3A, %dma_wait3A_90, %dma_wait3A_95, %dma_wait3A_96] : memref<32x4x32x80xi32, #tpu.memory_space<hbm>> -> memref<1x1x32x80xi32, #tpu.memory_space<hbm>>
    %dma_wait3A_98 = tpu.memref_squeeze %dma_wait3A_97 : memref<1x1x32x80xi32, #tpu.memory_space<hbm>> -> memref<32x80xi32, #tpu.memory_space<hbm>>
    tpu.wait_dma2 semaphore(%arg16 : memref<!tpu.dma_semaphore, #tpu.memory_space<semaphore_mem>>) src(%dma_wait3A_98 : memref<32x80xi32, #tpu.memory_space<hbm>>) dst(%arg7 : memref<32x80xi32, #tpu.memory_space<vmem>>)
    %dma_wait3A_99 = arith.constant 2 : i32
    %dma_wait3A_100 = arith.constant 0 : i32
    %dma_wait3A_101 = arith.constant 0 : i32
    %dma_wait3A_102 = tpu.memref_slice %arg4[%add3A, %dma_wait3A_99, %dma_wait3A_100, %dma_wait3A_101] : memref<32x4x32x80xi32, #tpu.memory_space<hbm>> -> memref<1x1x32x80xi32, #tpu.memory_space<hbm>>
    %dma_wait3A_103 = tpu.memref_squeeze %dma_wait3A_102 : memref<1x1x32x80xi32, #tpu.memory_space<hbm>> -> memref<32x80xi32, #tpu.memory_space<hbm>>
    %dma_wait3A_104 = arith.constant 0 : i32
    %dma_wait3A_105 = arith.constant 0 : i32
    %dma_wait3A_106 = tpu.memref_slice %arg4[%add3A, %dma_wait3A_99, %dma_wait3A_104, %dma_wait3A_105] : memref<32x4x32x80xi32, #tpu.memory_space<hbm>> -> memref<1x1x32x80xi32, #tpu.memory_space<hbm>>
    %dma_wait3A_107 = tpu.memref_squeeze %dma_wait3A_106 : memref<1x1x32x80xi32, #tpu.memory_space<hbm>> -> memref<32x80xi32, #tpu.memory_space<hbm>>
    tpu.wait_dma2 semaphore(%arg16 : memref<!tpu.dma_semaphore, #tpu.memory_space<semaphore_mem>>) src(%dma_wait3A_107 : memref<32x80xi32, #tpu.memory_space<hbm>>) dst(%arg9 : memref<32x80xi32, #tpu.memory_space<vmem>>)
    %dma_start3A_108 = arith.constant 3 : i32
    %dma_start3A_109 = arith.constant 0 : i32
    %dma_start3A_110 = arith.constant 0 : i32
    %dma_start3A_111 = tpu.memref_slice %arg3[%add3A, %dma_start3A_108, %dma_start3A_109, %dma_start3A_110] : memref<32x4x32x80xi32, #tpu.memory_space<hbm>> -> memref<1x1x32x80xi32, #tpu.memory_space<hbm>>
    %dma_start3A_112 = tpu.memref_squeeze %dma_start3A_111 : memref<1x1x32x80xi32, #tpu.memory_space<hbm>> -> memref<32x80xi32, #tpu.memory_space<hbm>>
    %dma_start3A_113 = arith.constant 0 : i32
    %dma_start3A_114 = arith.constant 0 : i32
    %dma_start3A_115 = tpu.memref_slice %arg3[%add3A, %dma_start3A_108, %dma_start3A_113, %dma_start3A_114] : memref<32x4x32x80xi32, #tpu.memory_space<hbm>> -> memref<1x1x32x80xi32, #tpu.memory_space<hbm>>
    %dma_start3A_116 = tpu.memref_squeeze %dma_start3A_115 : memref<1x1x32x80xi32, #tpu.memory_space<hbm>> -> memref<32x80xi32, #tpu.memory_space<hbm>>
    tpu.enqueue_dma source(%dma_start3A_116 : memref<32x80xi32, #tpu.memory_space<hbm>>) target(%arg8 : memref<32x80xi32, #tpu.memory_space<vmem>>) target_semaphore(%arg16 : memref<!tpu.dma_semaphore, #tpu.memory_space<semaphore_mem>>)
    %dma_start3A_117 = arith.constant 3 : i32
    %dma_start3A_118 = arith.constant 0 : i32
    %dma_start3A_119 = arith.constant 0 : i32
    %dma_start3A_120 = tpu.memref_slice %arg4[%add3A, %dma_start3A_117, %dma_start3A_118, %dma_start3A_119] : memref<32x4x32x80xi32, #tpu.memory_space<hbm>> -> memref<1x1x32x80xi32, #tpu.memory_space<hbm>>
    %dma_start3A_121 = tpu.memref_squeeze %dma_start3A_120 : memref<1x1x32x80xi32, #tpu.memory_space<hbm>> -> memref<32x80xi32, #tpu.memory_space<hbm>>
    %dma_start3A_122 = arith.constant 0 : i32
    %dma_start3A_123 = arith.constant 0 : i32
    %dma_start3A_124 = tpu.memref_slice %arg4[%add3A, %dma_start3A_117, %dma_start3A_122, %dma_start3A_123] : memref<32x4x32x80xi32, #tpu.memory_space<hbm>> -> memref<1x1x32x80xi32, #tpu.memory_space<hbm>>
    %dma_start3A_125 = tpu.memref_squeeze %dma_start3A_124 : memref<1x1x32x80xi32, #tpu.memory_space<hbm>> -> memref<32x80xi32, #tpu.memory_space<hbm>>
    tpu.enqueue_dma source(%dma_start3A_125 : memref<32x80xi32, #tpu.memory_space<hbm>>) target(%arg10 : memref<32x80xi32, #tpu.memory_space<vmem>>) target_semaphore(%arg16 : memref<!tpu.dma_semaphore, #tpu.memory_space<semaphore_mem>>)
    %dma_start3A_126 = arith.constant 0 : i32
    %dma_start3A_127 = arith.constant 0 : i32
    %dma_start3A_128 = tpu.memref_slice %arg7[%dma_start3A_126, %dma_start3A_127] : memref<32x80xi32, #tpu.memory_space<vmem>> -> memref<1x80xi32, #tpu.memory_space<vmem>>
    %dma_start3A_129 = tpu.memref_squeeze %dma_start3A_128 : memref<1x80xi32, #tpu.memory_space<vmem>> -> memref<80xi32, #tpu.memory_space<vmem>>
    %dma_start3A_130 = arith.constant 0 : i32
    %dma_start3A_131 = arith.constant 0 : i32
    %dma_start3A_132 = tpu.memref_slice %arg2[%dma_start3A_130, %dma_start3A_131] : memref<10240x128xf32, #tpu.memory_space<hbm>> -> memref<10240x128xf32, #tpu.memory_space<hbm>>
    tpu.enqueue_indirect_dma source(%dma_start3A_132 : memref<10240x128xf32, #tpu.memory_space<hbm>>) target(%arg11 : memref<80x128xf32, #tpu.memory_space<vmem>>) offsets(%dma_start3A_129 : memref<80xi32, #tpu.memory_space<vmem>>) semaphore(%arg14 : memref<!tpu.dma_semaphore, #tpu.memory_space<semaphore_mem>>)
    %scan3A_133 = arith.constant 0 : i32
    %scan3A_134 = arith.constant 16 : i32
    %scan3A_135 = arith.addi %scan3A_133, %scan3A_134 : i32
    %scan3A_136 = arith.constant 1 : i32
    scf.for %scan3A_176 = %scan3A_133 to %scan3A_135 step %scan3A_136  : i32 {
      %mul3A_177 = arith.constant 2 : i32
      %mul3A_178 = arith.muli %scan3A_176, %mul3A_177 : i32
      %add3A_179 = arith.constant 0 : i32
      %add3A_180 = arith.addi %add3A_179, %mul3A_178 : i32
      %add3A_181 = arith.constant 1 : i32
      %add3A_182 = arith.addi %add3A_180, %add3A_181 : i32
      %dma_start3A_183 = arith.constant 0 : i32
      %dma_start3A_184 = tpu.memref_slice %arg7[%add3A_182, %dma_start3A_183] : memref<32x80xi32, #tpu.memory_space<vmem>> -> memref<1x80xi32, #tpu.memory_space<vmem>>
      %dma_start3A_185 = tpu.memref_squeeze %dma_start3A_184 : memref<1x80xi32, #tpu.memory_space<vmem>> -> memref<80xi32, #tpu.memory_space<vmem>>
      %dma_start3A_186 = arith.constant 0 : i32
      %dma_start3A_187 = arith.constant 0 : i32
      %dma_start3A_188 = tpu.memref_slice %arg2[%dma_start3A_186, %dma_start3A_187] : memref<10240x128xf32, #tpu.memory_space<hbm>> -> memref<10240x128xf32, #tpu.memory_space<hbm>>
      tpu.enqueue_indirect_dma source(%dma_start3A_188 : memref<10240x128xf32, #tpu.memory_space<hbm>>) target(%arg12 : memref<80x128xf32, #tpu.memory_space<vmem>>) offsets(%dma_start3A_185 : memref<80xi32, #tpu.memory_space<vmem>>) semaphore(%arg15 : memref<!tpu.dma_semaphore, #tpu.memory_space<semaphore_mem>>)
      %dma_wait3A_189 = arith.constant 0 : i32
      %dma_wait3A_190 = tpu.memref_slice %arg7[%add3A_180, %dma_wait3A_189] : memref<32x80xi32, #tpu.memory_space<vmem>> -> memref<1x80xi32, #tpu.memory_space<vmem>>
      %dma_wait3A_191 = tpu.memref_squeeze %dma_wait3A_190 : memref<1x80xi32, #tpu.memory_space<vmem>> -> memref<80xi32, #tpu.memory_space<vmem>>
      %dma_wait3A_192 = arith.constant 0 : i32
      %dma_wait3A_193 = arith.constant 0 : i32
      %dma_wait3A_194 = tpu.memref_slice %arg2[%dma_wait3A_192, %dma_wait3A_193] : memref<10240x128xf32, #tpu.memory_space<hbm>> -> memref<10240x128xf32, #tpu.memory_space<hbm>>
      tpu.wait_indirect_dma semaphore(%arg14 : memref<!tpu.dma_semaphore, #tpu.memory_space<semaphore_mem>>) src(%dma_wait3A_194 : memref<10240x128xf32, #tpu.memory_space<hbm>>) dst(%arg11 : memref<80x128xf32, #tpu.memory_space<vmem>>)
      "tpu.region"() ({
        %run_scoped3A_211 = tpu.sem_alloc : memref<!tpu.dma_semaphore, #tpu.memory_space<semaphore_mem>>
        %dma_start3A_212 = arith.constant 0 : i32
        %dma_start3A_213 = tpu.memref_slice %arg9[%add3A_180, %dma_start3A_212] : memref<32x80xi32, #tpu.memory_space<vmem>> -> memref<1x80xi32, #tpu.memory_space<vmem>>
        %dma_start3A_214 = tpu.memref_squeeze %dma_start3A_213 : memref<1x80xi32, #tpu.memory_space<vmem>> -> memref<80xi32, #tpu.memory_space<vmem>>
        %dma_start3A_215 = arith.constant 0 : i32
        %dma_start3A_216 = arith.constant 0 : i32
        %dma_start3A_217 = tpu.memref_slice %arg13[%dma_start3A_215, %dma_start3A_216] : memref<10240x128xf32, #tpu.memory_space<vmem_shared>> -> memref<10240x128xf32, #tpu.memory_space<vmem_shared>>
        tpu.enqueue_indirect_dma source(%arg11 : memref<80x128xf32, #tpu.memory_space<vmem>>) target(%dma_start3A_217 : memref<10240x128xf32, #tpu.memory_space<vmem_shared>>) offsets(%dma_start3A_214 : memref<80xi32, #tpu.memory_space<vmem>>) semaphore(%run_scoped3A_211 : memref<!tpu.dma_semaphore, #tpu.memory_space<semaphore_mem>>) {add = true}
        %dma_wait3A_218 = arith.constant 0 : i32
        %dma_wait3A_219 = tpu.memref_slice %arg9[%add3A_180, %dma_wait3A_218] : memref<32x80xi32, #tpu.memory_space<vmem>> -> memref<1x80xi32, #tpu.memory_space<vmem>>
        %dma_wait3A_220 = tpu.memref_squeeze %dma_wait3A_219 : memref<1x80xi32, #tpu.memory_space<vmem>> -> memref<80xi32, #tpu.memory_space<vmem>>
        %dma_wait3A_221 = arith.constant 0 : i32
        %dma_wait3A_222 = arith.constant 0 : i32
        %dma_wait3A_223 = tpu.memref_slice %arg13[%dma_wait3A_221, %dma_wait3A_222] : memref<10240x128xf32, #tpu.memory_space<vmem_shared>> -> memref<10240x128xf32, #tpu.memory_space<vmem_shared>>
        tpu.wait_indirect_dma semaphore(%run_scoped3A_211 : memref<!tpu.dma_semaphore, #tpu.memory_space<semaphore_mem>>) src(%arg11 : memref<80x128xf32, #tpu.memory_space<vmem>>) dst(%dma_wait3A_223 : memref<10240x128xf32, #tpu.memory_space<vmem_shared>>)
        tpu.yield
      }) : () -> ()
      %add3A_195 = arith.constant 2 : i32
      %add3A_196 = arith.addi %add3A_180, %add3A_195 : i32
      %lt3A = arith.constant 32 : i32
      %lt3A_197 = arith.cmpi slt, %add3A_196, %lt3A : i32
      %convert_element_type3A_198 = arith.extui %lt3A_197 : i1 to i32
      %cond3A_199 = arith.constant 0 : i32
      %cond3A_200 = arith.cmpi ne, %convert_element_type3A_198, %cond3A_199 : i32
      scf.if %cond3A_200 {
        %add3A_211 = arith.constant 2 : i32
        %add3A_212 = arith.addi %add3A_180, %add3A_211 : i32
        %dma_start3A_213 = arith.constant 0 : i32
        %dma_start3A_214 = tpu.memref_slice %arg7[%add3A_212, %dma_start3A_213] : memref<32x80xi32, #tpu.memory_space<vmem>> -> memref<1x80xi32, #tpu.memory_space<vmem>>
        %dma_start3A_215 = tpu.memref_squeeze %dma_start3A_214 : memref<1x80xi32, #tpu.memory_space<vmem>> -> memref<80xi32, #tpu.memory_space<vmem>>
        %dma_start3A_216 = arith.constant 0 : i32
        %dma_start3A_217 = arith.constant 0 : i32
        %dma_start3A_218 = tpu.memref_slice %arg2[%dma_start3A_216, %dma_start3A_217] : memref<10240x128xf32, #tpu.memory_space<hbm>> -> memref<10240x128xf32, #tpu.memory_space<hbm>>
        tpu.enqueue_indirect_dma source(%dma_start3A_218 : memref<10240x128xf32, #tpu.memory_space<hbm>>) target(%arg11 : memref<80x128xf32, #tpu.memory_space<vmem>>) offsets(%dma_start3A_215 : memref<80xi32, #tpu.memory_space<vmem>>) semaphore(%arg14 : memref<!tpu.dma_semaphore, #tpu.memory_space<semaphore_mem>>)
      } else {
      }
      %add3A_201 = arith.constant 1 : i32
      %add3A_202 = arith.addi %add3A_180, %add3A_201 : i32
      %dma_wait3A_203 = arith.constant 0 : i32
      %dma_wait3A_204 = tpu.memref_slice %arg7[%add3A_202, %dma_wait3A_203] : memref<32x80xi32, #tpu.memory_space<vmem>> -> memref<1x80xi32, #tpu.memory_space<vmem>>
      %dma_wait3A_205 = tpu.memref_squeeze %dma_wait3A_204 : memref<1x80xi32, #tpu.memory_space<vmem>> -> memref<80xi32, #tpu.memory_space<vmem>>
      %dma_wait3A_206 = arith.constant 0 : i32
      %dma_wait3A_207 = arith.constant 0 : i32
      %dma_wait3A_208 = tpu.memref_slice %arg2[%dma_wait3A_206, %dma_wait3A_207] : memref<10240x128xf32, #tpu.memory_space<hbm>> -> memref<10240x128xf32, #tpu.memory_space<hbm>>
      tpu.wait_indirect_dma semaphore(%arg15 : memref<!tpu.dma_semaphore, #tpu.memory_space<semaphore_mem>>) src(%dma_wait3A_208 : memref<10240x128xf32, #tpu.memory_space<hbm>>) dst(%arg12 : memref<80x128xf32, #tpu.memory_space<vmem>>)
      %add3A_209 = arith.constant 1 : i32
      %add3A_210 = arith.addi %add3A_180, %add3A_209 : i32
      "tpu.region"() ({
        %run_scoped3A_211 = tpu.sem_alloc : memref<!tpu.dma_semaphore, #tpu.memory_space<semaphore_mem>>
        %dma_start3A_212 = arith.constant 0 : i32
        %dma_start3A_213 = tpu.memref_slice %arg9[%add3A_210, %dma_start3A_212] : memref<32x80xi32, #tpu.memory_space<vmem>> -> memref<1x80xi32, #tpu.memory_space<vmem>>
        %dma_start3A_214 = tpu.memref_squeeze %dma_start3A_213 : memref<1x80xi32, #tpu.memory_space<vmem>> -> memref<80xi32, #tpu.memory_space<vmem>>
        %dma_start3A_215 = arith.constant 0 : i32
        %dma_start3A_216 = arith.constant 0 : i32
        %dma_start3A_217 = tpu.memref_slice %arg13[%dma_start3A_215, %dma_start3A_216] : memref<10240x128xf32, #tpu.memory_space<vmem_shared>> -> memref<10240x128xf32, #tpu.memory_space<vmem_shared>>
        tpu.enqueue_indirect_dma source(%arg12 : memref<80x128xf32, #tpu.memory_space<vmem>>) target(%dma_start3A_217 : memref<10240x128xf32, #tpu.memory_space<vmem_shared>>) offsets(%dma_start3A_214 : memref<80xi32, #tpu.memory_space<vmem>>) semaphore(%run_scoped3A_211 : memref<!tpu.dma_semaphore, #tpu.memory_space<semaphore_mem>>) {add = true}
        %dma_wait3A_218 = arith.constant 0 : i32
        %dma_wait3A_219 = tpu.memref_slice %arg9[%add3A_210, %dma_wait3A_218] : memref<32x80xi32, #tpu.memory_space<vmem>> -> memref<1x80xi32, #tpu.memory_space<vmem>>
        %dma_wait3A_220 = tpu.memref_squeeze %dma_wait3A_219 : memref<1x80xi32, #tpu.memory_space<vmem>> -> memref<80xi32, #tpu.memory_space<vmem>>
        %dma_wait3A_221 = arith.constant 0 : i32
        %dma_wait3A_222 = arith.constant 0 : i32
        %dma_wait3A_223 = tpu.memref_slice %arg13[%dma_wait3A_221, %dma_wait3A_222] : memref<10240x128xf32, #tpu.memory_space<vmem_shared>> -> memref<10240x128xf32, #tpu.memory_space<vmem_shared>>
        tpu.wait_indirect_dma semaphore(%run_scoped3A_211 : memref<!tpu.dma_semaphore, #tpu.memory_space<semaphore_mem>>) src(%arg12 : memref<80x128xf32, #tpu.memory_space<vmem>>) dst(%dma_wait3A_223 : memref<10240x128xf32, #tpu.memory_space<vmem_shared>>)
        tpu.yield
      }) : () -> ()
    }
    %scan3A_137 = arith.constant 16 : i32
    %dma_wait3A_138 = arith.constant 3 : i32
    %dma_wait3A_139 = arith.constant 0 : i32
    %dma_wait3A_140 = arith.constant 0 : i32
    %dma_wait3A_141 = tpu.memref_slice %arg3[%add3A, %dma_wait3A_138, %dma_wait3A_139, %dma_wait3A_140] : memref<32x4x32x80xi32, #tpu.memory_space<hbm>> -> memref<1x1x32x80xi32, #tpu.memory_space<hbm>>
    %dma_wait3A_142 = tpu.memref_squeeze %dma_wait3A_141 : memref<1x1x32x80xi32, #tpu.memory_space<hbm>> -> memref<32x80xi32, #tpu.memory_space<hbm>>
    %dma_wait3A_143 = arith.constant 0 : i32
    %dma_wait3A_144 = arith.constant 0 : i32
    %dma_wait3A_145 = tpu.memref_slice %arg3[%add3A, %dma_wait3A_138, %dma_wait3A_143, %dma_wait3A_144] : memref<32x4x32x80xi32, #tpu.memory_space<hbm>> -> memref<1x1x32x80xi32, #tpu.memory_space<hbm>>
    %dma_wait3A_146 = tpu.memref_squeeze %dma_wait3A_145 : memref<1x1x32x80xi32, #tpu.memory_space<hbm>> -> memref<32x80xi32, #tpu.memory_space<hbm>>
    tpu.wait_dma2 semaphore(%arg16 : memref<!tpu.dma_semaphore, #tpu.memory_space<semaphore_mem>>) src(%dma_wait3A_146 : memref<32x80xi32, #tpu.memory_space<hbm>>) dst(%arg8 : memref<32x80xi32, #tpu.memory_space<vmem>>)
    %dma_wait3A_147 = arith.constant 3 : i32
    %dma_wait3A_148 = arith.constant 0 : i32
    %dma_wait3A_149 = arith.constant 0 : i32
    %dma_wait3A_150 = tpu.memref_slice %arg4[%add3A, %dma_wait3A_147, %dma_wait3A_148, %dma_wait3A_149] : memref<32x4x32x80xi32, #tpu.memory_space<hbm>> -> memref<1x1x32x80xi32, #tpu.memory_space<hbm>>
    %dma_wait3A_151 = tpu.memref_squeeze %dma_wait3A_150 : memref<1x1x32x80xi32, #tpu.memory_space<hbm>> -> memref<32x80xi32, #tpu.memory_space<hbm>>
    %dma_wait3A_152 = arith.constant 0 : i32
    %dma_wait3A_153 = arith.constant 0 : i32
    %dma_wait3A_154 = tpu.memref_slice %arg4[%add3A, %dma_wait3A_147, %dma_wait3A_152, %dma_wait3A_153] : memref<32x4x32x80xi32, #tpu.memory_space<hbm>> -> memref<1x1x32x80xi32, #tpu.memory_space<hbm>>
    %dma_wait3A_155 = tpu.memref_squeeze %dma_wait3A_154 : memref<1x1x32x80xi32, #tpu.memory_space<hbm>> -> memref<32x80xi32, #tpu.memory_space<hbm>>
    tpu.wait_dma2 semaphore(%arg16 : memref<!tpu.dma_semaphore, #tpu.memory_space<semaphore_mem>>) src(%dma_wait3A_155 : memref<32x80xi32, #tpu.memory_space<hbm>>) dst(%arg10 : memref<32x80xi32, #tpu.memory_space<vmem>>)
    %dma_start3A_156 = arith.constant 0 : i32
    %dma_start3A_157 = arith.constant 0 : i32
    %dma_start3A_158 = tpu.memref_slice %arg8[%dma_start3A_156, %dma_start3A_157] : memref<32x80xi32, #tpu.memory_space<vmem>> -> memref<1x80xi32, #tpu.memory_space<vmem>>
    %dma_start3A_159 = tpu.memref_squeeze %dma_start3A_158 : memref<1x80xi32, #tpu.memory_space<vmem>> -> memref<80xi32, #tpu.memory_space<vmem>>
    %dma_start3A_160 = arith.constant 0 : i32
    %dma_start3A_161 = arith.constant 0 : i32
    %dma_start3A_162 = tpu.memref_slice %arg2[%dma_start3A_160, %dma_start3A_161] : memref<10240x128xf32, #tpu.memory_space<hbm>> -> memref<10240x128xf32, #tpu.memory_space<hbm>>
    tpu.enqueue_indirect_dma source(%dma_start3A_162 : memref<10240x128xf32, #tpu.memory_space<hbm>>) target(%arg11 : memref<80x128xf32, #tpu.memory_space<vmem>>) offsets(%dma_start3A_159 : memref<80xi32, #tpu.memory_space<vmem>>) semaphore(%arg14 : memref<!tpu.dma_semaphore, #tpu.memory_space<semaphore_mem>>)
    %scan3A_163 = arith.constant 0 : i32
    %scan3A_164 = arith.constant 16 : i32
    %scan3A_165 = arith.addi %scan3A_163, %scan3A_164 : i32
    %scan3A_166 = arith.constant 1 : i32
    scf.for %scan3A_176 = %scan3A_163 to %scan3A_165 step %scan3A_166  : i32 {
      %mul3A_177 = arith.constant 2 : i32
      %mul3A_178 = arith.muli %scan3A_176, %mul3A_177 : i32
      %add3A_179 = arith.constant 0 : i32
      %add3A_180 = arith.addi %add3A_179, %mul3A_178 : i32
      %add3A_181 = arith.constant 1 : i32
      %add3A_182 = arith.addi %add3A_180, %add3A_181 : i32
      %dma_start3A_183 = arith.constant 0 : i32
      %dma_start3A_184 = tpu.memref_slice %arg8[%add3A_182, %dma_start3A_183] : memref<32x80xi32, #tpu.memory_space<vmem>> -> memref<1x80xi32, #tpu.memory_space<vmem>>
      %dma_start3A_185 = tpu.memref_squeeze %dma_start3A_184 : memref<1x80xi32, #tpu.memory_space<vmem>> -> memref<80xi32, #tpu.memory_space<vmem>>
      %dma_start3A_186 = arith.constant 0 : i32
      %dma_start3A_187 = arith.constant 0 : i32
      %dma_start3A_188 = tpu.memref_slice %arg2[%dma_start3A_186, %dma_start3A_187] : memref<10240x128xf32, #tpu.memory_space<hbm>> -> memref<10240x128xf32, #tpu.memory_space<hbm>>
      tpu.enqueue_indirect_dma source(%dma_start3A_188 : memref<10240x128xf32, #tpu.memory_space<hbm>>) target(%arg12 : memref<80x128xf32, #tpu.memory_space<vmem>>) offsets(%dma_start3A_185 : memref<80xi32, #tpu.memory_space<vmem>>) semaphore(%arg15 : memref<!tpu.dma_semaphore, #tpu.memory_space<semaphore_mem>>)
      %dma_wait3A_189 = arith.constant 0 : i32
      %dma_wait3A_190 = tpu.memref_slice %arg8[%add3A_180, %dma_wait3A_189] : memref<32x80xi32, #tpu.memory_space<vmem>> -> memref<1x80xi32, #tpu.memory_space<vmem>>
      %dma_wait3A_191 = tpu.memref_squeeze %dma_wait3A_190 : memref<1x80xi32, #tpu.memory_space<vmem>> -> memref<80xi32, #tpu.memory_space<vmem>>
      %dma_wait3A_192 = arith.constant 0 : i32
      %dma_wait3A_193 = arith.constant 0 : i32
      %dma_wait3A_194 = tpu.memref_slice %arg2[%dma_wait3A_192, %dma_wait3A_193] : memref<10240x128xf32, #tpu.memory_space<hbm>> -> memref<10240x128xf32, #tpu.memory_space<hbm>>
      tpu.wait_indirect_dma semaphore(%arg14 : memref<!tpu.dma_semaphore, #tpu.memory_space<semaphore_mem>>) src(%dma_wait3A_194 : memref<10240x128xf32, #tpu.memory_space<hbm>>) dst(%arg11 : memref<80x128xf32, #tpu.memory_space<vmem>>)
      "tpu.region"() ({
        %run_scoped3A_211 = tpu.sem_alloc : memref<!tpu.dma_semaphore, #tpu.memory_space<semaphore_mem>>
        %dma_start3A_212 = arith.constant 0 : i32
        %dma_start3A_213 = tpu.memref_slice %arg10[%add3A_180, %dma_start3A_212] : memref<32x80xi32, #tpu.memory_space<vmem>> -> memref<1x80xi32, #tpu.memory_space<vmem>>
        %dma_start3A_214 = tpu.memref_squeeze %dma_start3A_213 : memref<1x80xi32, #tpu.memory_space<vmem>> -> memref<80xi32, #tpu.memory_space<vmem>>
        %dma_start3A_215 = arith.constant 0 : i32
        %dma_start3A_216 = arith.constant 0 : i32
        %dma_start3A_217 = tpu.memref_slice %arg13[%dma_start3A_215, %dma_start3A_216] : memref<10240x128xf32, #tpu.memory_space<vmem_shared>> -> memref<10240x128xf32, #tpu.memory_space<vmem_shared>>
        tpu.enqueue_indirect_dma source(%arg11 : memref<80x128xf32, #tpu.memory_space<vmem>>) target(%dma_start3A_217 : memref<10240x128xf32, #tpu.memory_space<vmem_shared>>) offsets(%dma_start3A_214 : memref<80xi32, #tpu.memory_space<vmem>>) semaphore(%run_scoped3A_211 : memref<!tpu.dma_semaphore, #tpu.memory_space<semaphore_mem>>) {add = true}
        %dma_wait3A_218 = arith.constant 0 : i32
        %dma_wait3A_219 = tpu.memref_slice %arg10[%add3A_180, %dma_wait3A_218] : memref<32x80xi32, #tpu.memory_space<vmem>> -> memref<1x80xi32, #tpu.memory_space<vmem>>
        %dma_wait3A_220 = tpu.memref_squeeze %dma_wait3A_219 : memref<1x80xi32, #tpu.memory_space<vmem>> -> memref<80xi32, #tpu.memory_space<vmem>>
        %dma_wait3A_221 = arith.constant 0 : i32
        %dma_wait3A_222 = arith.constant 0 : i32
        %dma_wait3A_223 = tpu.memref_slice %arg13[%dma_wait3A_221, %dma_wait3A_222] : memref<10240x128xf32, #tpu.memory_space<vmem_shared>> -> memref<10240x128xf32, #tpu.memory_space<vmem_shared>>
        tpu.wait_indirect_dma semaphore(%run_scoped3A_211 : memref<!tpu.dma_semaphore, #tpu.memory_space<semaphore_mem>>) src(%arg11 : memref<80x128xf32, #tpu.memory_space<vmem>>) dst(%dma_wait3A_223 : memref<10240x128xf32, #tpu.memory_space<vmem_shared>>)
        tpu.yield
      }) : () -> ()
      %add3A_195 = arith.constant 2 : i32
      %add3A_196 = arith.addi %add3A_180, %add3A_195 : i32
      %lt3A = arith.constant 32 : i32
      %lt3A_197 = arith.cmpi slt, %add3A_196, %lt3A : i32
      %convert_element_type3A_198 = arith.extui %lt3A_197 : i1 to i32
      %cond3A_199 = arith.constant 0 : i32
      %cond3A_200 = arith.cmpi ne, %convert_element_type3A_198, %cond3A_199 : i32
      scf.if %cond3A_200 {
        %add3A_211 = arith.constant 2 : i32
        %add3A_212 = arith.addi %add3A_180, %add3A_211 : i32
        %dma_start3A_213 = arith.constant 0 : i32
        %dma_start3A_214 = tpu.memref_slice %arg8[%add3A_212, %dma_start3A_213] : memref<32x80xi32, #tpu.memory_space<vmem>> -> memref<1x80xi32, #tpu.memory_space<vmem>>
        %dma_start3A_215 = tpu.memref_squeeze %dma_start3A_214 : memref<1x80xi32, #tpu.memory_space<vmem>> -> memref<80xi32, #tpu.memory_space<vmem>>
        %dma_start3A_216 = arith.constant 0 : i32
        %dma_start3A_217 = arith.constant 0 : i32
        %dma_start3A_218 = tpu.memref_slice %arg2[%dma_start3A_216, %dma_start3A_217] : memref<10240x128xf32, #tpu.memory_space<hbm>> -> memref<10240x128xf32, #tpu.memory_space<hbm>>
        tpu.enqueue_indirect_dma source(%dma_start3A_218 : memref<10240x128xf32, #tpu.memory_space<hbm>>) target(%arg11 : memref<80x128xf32, #tpu.memory_space<vmem>>) offsets(%dma_start3A_215 : memref<80xi32, #tpu.memory_space<vmem>>) semaphore(%arg14 : memref<!tpu.dma_semaphore, #tpu.memory_space<semaphore_mem>>)
      } else {
      }
      %add3A_201 = arith.constant 1 : i32
      %add3A_202 = arith.addi %add3A_180, %add3A_201 : i32
      %dma_wait3A_203 = arith.constant 0 : i32
      %dma_wait3A_204 = tpu.memref_slice %arg8[%add3A_202, %dma_wait3A_203] : memref<32x80xi32, #tpu.memory_space<vmem>> -> memref<1x80xi32, #tpu.memory_space<vmem>>
      %dma_wait3A_205 = tpu.memref_squeeze %dma_wait3A_204 : memref<1x80xi32, #tpu.memory_space<vmem>> -> memref<80xi32, #tpu.memory_space<vmem>>
      %dma_wait3A_206 = arith.constant 0 : i32
      %dma_wait3A_207 = arith.constant 0 : i32
      %dma_wait3A_208 = tpu.memref_slice %arg2[%dma_wait3A_206, %dma_wait3A_207] : memref<10240x128xf32, #tpu.memory_space<hbm>> -> memref<10240x128xf32, #tpu.memory_space<hbm>>
      tpu.wait_indirect_dma semaphore(%arg15 : memref<!tpu.dma_semaphore, #tpu.memory_space<semaphore_mem>>) src(%dma_wait3A_208 : memref<10240x128xf32, #tpu.memory_space<hbm>>) dst(%arg12 : memref<80x128xf32, #tpu.memory_space<vmem>>)
      %add3A_209 = arith.constant 1 : i32
      %add3A_210 = arith.addi %add3A_180, %add3A_209 : i32
      "tpu.region"() ({
        %run_scoped3A_211 = tpu.sem_alloc : memref<!tpu.dma_semaphore, #tpu.memory_space<semaphore_mem>>
        %dma_start3A_212 = arith.constant 0 : i32
        %dma_start3A_213 = tpu.memref_slice %arg10[%add3A_210, %dma_start3A_212] : memref<32x80xi32, #tpu.memory_space<vmem>> -> memref<1x80xi32, #tpu.memory_space<vmem>>
        %dma_start3A_214 = tpu.memref_squeeze %dma_start3A_213 : memref<1x80xi32, #tpu.memory_space<vmem>> -> memref<80xi32, #tpu.memory_space<vmem>>
        %dma_start3A_215 = arith.constant 0 : i32
        %dma_start3A_216 = arith.constant 0 : i32
        %dma_start3A_217 = tpu.memref_slice %arg13[%dma_start3A_215, %dma_start3A_216] : memref<10240x128xf32, #tpu.memory_space<vmem_shared>> -> memref<10240x128xf32, #tpu.memory_space<vmem_shared>>
        tpu.enqueue_indirect_dma source(%arg12 : memref<80x128xf32, #tpu.memory_space<vmem>>) target(%dma_start3A_217 : memref<10240x128xf32, #tpu.memory_space<vmem_shared>>) offsets(%dma_start3A_214 : memref<80xi32, #tpu.memory_space<vmem>>) semaphore(%run_scoped3A_211 : memref<!tpu.dma_semaphore, #tpu.memory_space<semaphore_mem>>) {add = true}
        %dma_wait3A_218 = arith.constant 0 : i32
        %dma_wait3A_219 = tpu.memref_slice %arg10[%add3A_210, %dma_wait3A_218] : memref<32x80xi32, #tpu.memory_space<vmem>> -> memref<1x80xi32, #tpu.memory_space<vmem>>
        %dma_wait3A_220 = tpu.memref_squeeze %dma_wait3A_219 : memref<1x80xi32, #tpu.memory_space<vmem>> -> memref<80xi32, #tpu.memory_space<vmem>>
        %dma_wait3A_221 = arith.constant 0 : i32
        %dma_wait3A_222 = arith.constant 0 : i32
        %dma_wait3A_223 = tpu.memref_slice %arg13[%dma_wait3A_221, %dma_wait3A_222] : memref<10240x128xf32, #tpu.memory_space<vmem_shared>> -> memref<10240x128xf32, #tpu.memory_space<vmem_shared>>
        tpu.wait_indirect_dma semaphore(%run_scoped3A_211 : memref<!tpu.dma_semaphore, #tpu.memory_space<semaphore_mem>>) src(%arg12 : memref<80x128xf32, #tpu.memory_space<vmem>>) dst(%dma_wait3A_223 : memref<10240x128xf32, #tpu.memory_space<vmem_shared>>)
        tpu.yield
      }) : () -> ()
    }
    %scan3A_167 = arith.constant 16 : i32
    %barrier3A_168 = arith.constant 0 : index
    tpu.barrier barrier_id(%barrier3A_168)
    %eq3A = arith.constant 0 : i32
    %eq3A_169 = arith.cmpi eq, %arg0, %eq3A : i32
    %convert_element_type3A = arith.extui %eq3A_169 : i1 to i32
    %cond3A = arith.constant 0 : i32
    %cond3A_170 = arith.cmpi ne, %convert_element_type3A, %cond3A : i32
    scf.if %cond3A_170 {
      "tpu.region"() ({
        %run_scoped3A_176 = tpu.sem_alloc : memref<!tpu.dma_semaphore, #tpu.memory_space<semaphore_mem>>
        %dma_start3A_177 = arith.constant 0 : i32
        %dma_start3A_178 = tpu.memref_slice %arg5[%mul3A_0, %dma_start3A_177] : memref<10240x128xf32, #tpu.memory_space<hbm>> -> memref<640x128xf32, #tpu.memory_space<hbm>>
        %dma_start3A_179 = arith.constant 0 : i32
        %dma_start3A_180 = tpu.memref_slice %arg13[%mul3A_0, %dma_start3A_179] : memref<10240x128xf32, #tpu.memory_space<vmem_shared>> -> memref<640x128xf32, #tpu.memory_space<vmem_shared>>
        tpu.enqueue_dma source(%dma_start3A_180 : memref<640x128xf32, #tpu.memory_space<vmem_shared>>) target(%dma_start3A_178 : memref<640x128xf32, #tpu.memory_space<hbm>>) target_semaphore(%run_scoped3A_176 : memref<!tpu.dma_semaphore, #tpu.memory_space<semaphore_mem>>)
        %dma_wait3A_181 = arith.constant 0 : i32
        %dma_wait3A_182 = tpu.memref_slice %arg5[%mul3A_0, %dma_wait3A_181] : memref<10240x128xf32, #tpu.memory_space<hbm>> -> memref<640x128xf32, #tpu.memory_space<hbm>>
        %dma_wait3A_183 = arith.constant 0 : i32
        %dma_wait3A_184 = tpu.memref_slice %arg13[%mul3A_0, %dma_wait3A_183] : memref<10240x128xf32, #tpu.memory_space<vmem_shared>> -> memref<640x128xf32, #tpu.memory_space<vmem_shared>>
        tpu.wait_dma2 semaphore(%run_scoped3A_176 : memref<!tpu.dma_semaphore, #tpu.memory_space<semaphore_mem>>) src(%dma_wait3A_184 : memref<640x128xf32, #tpu.memory_space<vmem_shared>>) dst(%dma_wait3A_182 : memref<640x128xf32, #tpu.memory_space<hbm>>)
        tpu.yield
      }) : () -> ()
    } else {
    }
    %eq3A_171 = arith.constant 1 : i32
    %eq3A_172 = arith.cmpi eq, %arg0, %eq3A_171 : i32
    %convert_element_type3A_173 = arith.extui %eq3A_172 : i1 to i32
    %cond3A_174 = arith.constant 0 : i32
    %cond3A_175 = arith.cmpi ne, %convert_element_type3A_173, %cond3A_174 : i32
    scf.if %cond3A_175 {
      "tpu.region"() ({
        %run_scoped3A_176 = tpu.sem_alloc : memref<!tpu.dma_semaphore, #tpu.memory_space<semaphore_mem>>
        %dma_start3A_177 = arith.constant 0 : i32
        %dma_start3A_178 = tpu.memref_slice %arg6[%mul3A_0, %dma_start3A_177] : memref<10240x128xf32, #tpu.memory_space<hbm>> -> memref<640x128xf32, #tpu.memory_space<hbm>>
        %dma_start3A_179 = arith.constant 0 : i32
        %dma_start3A_180 = tpu.memref_slice %arg13[%mul3A_0, %dma_start3A_179] : memref<10240x128xf32, #tpu.memory_space<vmem_shared>> -> memref<640x128xf32, #tpu.memory_space<vmem_shared>>
        tpu.enqueue_dma source(%dma_start3A_180 : memref<640x128xf32, #tpu.memory_space<vmem_shared>>) target(%dma_start3A_178 : memref<640x128xf32, #tpu.memory_space<hbm>>) target_semaphore(%run_scoped3A_176 : memref<!tpu.dma_semaphore, #tpu.memory_space<semaphore_mem>>)
        %dma_wait3A_181 = arith.constant 0 : i32
        %dma_wait3A_182 = tpu.memref_slice %arg6[%mul3A_0, %dma_wait3A_181] : memref<10240x128xf32, #tpu.memory_space<hbm>> -> memref<640x128xf32, #tpu.memory_space<hbm>>
        %dma_wait3A_183 = arith.constant 0 : i32
        %dma_wait3A_184 = tpu.memref_slice %arg13[%mul3A_0, %dma_wait3A_183] : memref<10240x128xf32, #tpu.memory_space<vmem_shared>> -> memref<640x128xf32, #tpu.memory_space<vmem_shared>>
        tpu.wait_dma2 semaphore(%run_scoped3A_176 : memref<!tpu.dma_semaphore, #tpu.memory_space<semaphore_mem>>) src(%dma_wait3A_184 : memref<640x128xf32, #tpu.memory_space<vmem_shared>>) dst(%dma_wait3A_182 : memref<640x128xf32, #tpu.memory_space<hbm>>)
        tpu.yield
      }) : () -> ()
    } else {
    }
    return
  }
}

#map = affine_map<(d0, d1) -> (0, 0)>
#map1 = affine_map<(d0, d1) -> (0, 0, 0, 0)>
module attributes {stable_mosaic.version = 14 : i64} {
  func.func @k(%arg0: i32, %arg1: i32, %arg2: memref<10240x128xf32, #tpu.memory_space<hbm>>, %arg3: memref<32x4x32x80xi32, #tpu.memory_space<hbm>>, %arg4: memref<32x4x32x80xi32, #tpu.memory_space<hbm>>, %arg5: memref<10240x128xf32, #tpu.memory_space<hbm>>, %arg6: memref<10240x128xf32, #tpu.memory_space<hbm>>, %arg7: memref<32x80xi32, #tpu.memory_space<vmem>>, %arg8: memref<32x80xi32, #tpu.memory_space<vmem>>, %arg9: memref<32x80xi32, #tpu.memory_space<vmem>>, %arg10: memref<32x80xi32, #tpu.memory_space<vmem>>, %arg11: memref<80x128xf32, #tpu.memory_space<vmem>>, %arg12: memref<80x128xf32, #tpu.memory_space<vmem>>, %arg13: memref<10240x128xf32, #tpu.memory_space<vmem_shared>>, %arg14: memref<!tpu.dma_semaphore, #tpu.memory_space<semaphore_mem>>, %arg15: memref<!tpu.dma_semaphore, #tpu.memory_space<semaphore_mem>>, %arg16: memref<!tpu.dma_semaphore, #tpu.memory_space<semaphore_mem>>) attributes {dimension_semantics = [#tpu.dimension_semantics<core_parallel>, #tpu.dimension_semantics<subcore_parallel>], iteration_bounds = array<i64: 2, 16>, scalar_prefetch = 0 : i64, scratch_operands = 10 : i64, tpu.core_type = #tpu.core_type<sc_vector_subcore>, window_params = [{transform_indices = #map}, {transform_indices = #map1}, {transform_indices = #map1}, {transform_indices = #map}, {transform_indices = #map}]} {
    %mul3A = arith.constant 640 : i32
    %mul3A_0 = arith.muli %arg1, %mul3A : i32
    %broadcast_in_dim3A = arith.constant 0.000000e+00 : f32
    %broadcast_in_dim3A_1 = vector.broadcast %broadcast_in_dim3A : f32 to vector<16xf32>
    %scan3A = arith.constant 0 : i32
    %scan3A_2 = arith.constant 80 : i32
    %scan3A_3 = arith.addi %scan3A, %scan3A_2 : i32
    %scan3A_4 = arith.constant 1 : i32
    scf.for %scan3A_176 = %scan3A to %scan3A_3 step %scan3A_4  : i32 {
      %mul3A_177 = arith.constant 1 : i32
      %mul3A_178 = arith.muli %scan3A_176, %mul3A_177 : i32
      %add3A_179 = arith.constant 0 : i32
      %add3A_180 = arith.addi %add3A_179, %mul3A_178 : i32
      %scan3A_181 = arith.constant 0 : i32
      %scan3A_182 = arith.constant 8 : i32
      %scan3A_183 = arith.addi %scan3A_181, %scan3A_182 : i32
      %scan3A_184 = arith.constant 1 : i32
      scf.for %scan3A_186 = %scan3A_181 to %scan3A_183 step %scan3A_184  : i32 {
        %mul3A_187 = arith.constant 16 : i32
        %mul3A_188 = arith.muli %scan3A_186, %mul3A_187 : i32
        %add3A_189 = arith.constant 0 : i32
        %add3A_190 = arith.addi %add3A_189, %mul3A_188 : i32
        %swap3A = arith.index_cast %add3A_180 : i32 to index
        %swap3A_191 = arith.index_cast %add3A_190 : i32 to index
        %swap3A_192 = tpu.vector_load %arg11[%swap3A, %swap3A_191] {strides = array<i32>} : memref<80x128xf32, #tpu.memory_space<vmem>>, vector<1x16xf32>,
        %swap3A_193 = vector.shape_cast %swap3A_192 : vector<1x16xf32> to vector<16xf32>
        %swap3A_194 = vector.shape_cast %broadcast_in_dim3A_1 : vector<16xf32> to vector<1x16xf32>
        tpu.vector_store %arg11[%swap3A, %swap3A_191], %swap3A_194 {strides = array<i32>} : memref<80x128xf32, #tpu.memory_space<vmem>>, vector<1x16xf32>,
      }
      %scan3A_185 = arith.constant 8 : i32
    }
    %scan3A_5 = arith.constant 80 : i32
    %scan3A_6 = arith.constant 0 : i32
    %scan3A_7 = arith.constant 8 : i32
    %scan3A_8 = arith.addi %scan3A_6, %scan3A_7 : i32
    %scan3A_9 = arith.constant 1 : i32
    scf.for %scan3A_176 = %scan3A_6 to %scan3A_8 step %scan3A_9  : i32 {
      %mul3A_177 = arith.constant 80 : i32
      %mul3A_178 = arith.muli %scan3A_176, %mul3A_177 : i32
      %add3A_179 = arith.constant 0 : i32
      %add3A_180 = arith.addi %add3A_179, %mul3A_178 : i32
      %add3A_181 = arith.addi %mul3A_0, %add3A_180 : i32
      "tpu.region"() ({
        %run_scoped3A_182 = tpu.sem_alloc : memref<!tpu.dma_semaphore, #tpu.memory_space<semaphore_mem>>
        %dma_start3A_183 = arith.constant 0 : i32
        %dma_start3A_184 = tpu.memref_slice %arg13[%add3A_181, %dma_start3A_183] : memref<10240x128xf32, #tpu.memory_space<vmem_shared>> -> memref<80x128xf32, #tpu.memory_space<vmem_shared>>
        %dma_start3A_185 = arith.constant 0 : i32
        %dma_start3A_186 = tpu.memref_slice %arg13[%add3A_181, %dma_start3A_185] : memref<10240x128xf32, #tpu.memory_space<vmem_shared>> -> memref<80x128xf32, #tpu.memory_space<vmem_shared>>
        tpu.enqueue_dma source(%arg11 : memref<80x128xf32, #tpu.memory_space<vmem>>) target(%dma_start3A_186 : memref<80x128xf32, #tpu.memory_space<vmem_shared>>) target_semaphore(%run_scoped3A_182 : memref<!tpu.dma_semaphore, #tpu.memory_space<semaphore_mem>>)
        %dma_wait3A_187 = arith.constant 0 : i32
        %dma_wait3A_188 = tpu.memref_slice %arg13[%add3A_181, %dma_wait3A_187] : memref<10240x128xf32, #tpu.memory_space<vmem_shared>> -> memref<80x128xf32, #tpu.memory_space<vmem_shared>>
        %dma_wait3A_189 = arith.constant 0 : i32
        %dma_wait3A_190 = tpu.memref_slice %arg13[%add3A_181, %dma_wait3A_189] : memref<10240x128xf32, #tpu.memory_space<vmem_shared>> -> memref<80x128xf32, #tpu.memory_space<vmem_shared>>
        tpu.wait_dma2 semaphore(%run_scoped3A_182 : memref<!tpu.dma_semaphore, #tpu.memory_space<semaphore_mem>>) src(%arg11 : memref<80x128xf32, #tpu.memory_space<vmem>>) dst(%dma_wait3A_190 : memref<80x128xf32, #tpu.memory_space<vmem_shared>>)
        tpu.yield
      }) : () -> ()
    }
    %scan3A_10 = arith.constant 8 : i32
    %mul3A_11 = arith.constant 16 : i32
    %mul3A_12 = arith.muli %arg0, %mul3A_11 : i32
    %add3A = arith.addi %mul3A_12, %arg1 : i32
    %run_scoped3A = arith.constant 0 : i32
    "tpu.region"() ({
      %run_scoped3A_176 = tpu.sem_alloc : memref<!tpu.dma_semaphore, #tpu.memory_space<semaphore_mem>>
      %dma_start3A_177 = arith.constant 0 : i32
      %dma_start3A_178 = arith.constant 0 : i32
      %dma_start3A_179 = tpu.memref_slice %arg3[%add3A, %run_scoped3A, %dma_start3A_177, %dma_start3A_178] : memref<32x4x32x80xi32, #tpu.memory_space<hbm>> -> memref<1x1x32x80xi32, #tpu.memory_space<hbm>>
      %dma_start3A_180 = tpu.memref_squeeze %dma_start3A_179 : memref<1x1x32x80xi32, #tpu.memory_space<hbm>> -> memref<32x80xi32, #tpu.memory_space<hbm>>
      %dma_start3A_181 = arith.constant 0 : i32
      %dma_start3A_182 = arith.constant 0 : i32
      %dma_start3A_183 = tpu.memref_slice %arg3[%add3A, %run_scoped3A, %dma_start3A_181, %dma_start3A_182] : memref<32x4x32x80xi32, #tpu.memory_space<hbm>> -> memref<1x1x32x80xi32, #tpu.memory_space<hbm>>
      %dma_start3A_184 = tpu.memref_squeeze %dma_start3A_183 : memref<1x1x32x80xi32, #tpu.memory_space<hbm>> -> memref<32x80xi32, #tpu.memory_space<hbm>>
      tpu.enqueue_dma source(%dma_start3A_184 : memref<32x80xi32, #tpu.memory_space<hbm>>) target(%arg7 : memref<32x80xi32, #tpu.memory_space<vmem>>) target_semaphore(%run_scoped3A_176 : memref<!tpu.dma_semaphore, #tpu.memory_space<semaphore_mem>>)
      %dma_wait3A_185 = arith.constant 0 : i32
      %dma_wait3A_186 = arith.constant 0 : i32
      %dma_wait3A_187 = tpu.memref_slice %arg3[%add3A, %run_scoped3A, %dma_wait3A_185, %dma_wait3A_186] : memref<32x4x32x80xi32, #tpu.memory_space<hbm>> -> memref<1x1x32x80xi32, #tpu.memory_space<hbm>>
      %dma_wait3A_188 = tpu.memref_squeeze %dma_wait3A_187 : memref<1x1x32x80xi32, #tpu.memory_space<hbm>> -> memref<32x80xi32, #tpu.memory_space<hbm>>
      %dma_wait3A_189 = arith.constant 0 : i32
      %dma_wait3A_190 = arith.constant 0 : i32
      %dma_wait3A_191 = tpu.memref_slice %arg3[%add3A, %run_scoped3A, %dma_wait3A_189, %dma_wait3A_190] : memref<32x4x32x80xi32, #tpu.memory_space<hbm>> -> memref<1x1x32x80xi32, #tpu.memory_space<hbm>>
      %dma_wait3A_192 = tpu.memref_squeeze %dma_wait3A_191 : memref<1x1x32x80xi32, #tpu.memory_space<hbm>> -> memref<32x80xi32, #tpu.memory_space<hbm>>
      tpu.wait_dma2 semaphore(%run_scoped3A_176 : memref<!tpu.dma_semaphore, #tpu.memory_space<semaphore_mem>>) src(%dma_wait3A_192 : memref<32x80xi32, #tpu.memory_space<hbm>>) dst(%arg7 : memref<32x80xi32, #tpu.memory_space<vmem>>)
      tpu.yield
    }) : () -> ()
    %run_scoped3A_13 = arith.constant 0 : i32
    "tpu.region"() ({
      %run_scoped3A_176 = tpu.sem_alloc : memref<!tpu.dma_semaphore, #tpu.memory_space<semaphore_mem>>
      %dma_start3A_177 = arith.constant 0 : i32
      %dma_start3A_178 = arith.constant 0 : i32
      %dma_start3A_179 = tpu.memref_slice %arg4[%add3A, %run_scoped3A_13, %dma_start3A_177, %dma_start3A_178] : memref<32x4x32x80xi32, #tpu.memory_space<hbm>> -> memref<1x1x32x80xi32, #tpu.memory_space<hbm>>
      %dma_start3A_180 = tpu.memref_squeeze %dma_start3A_179 : memref<1x1x32x80xi32, #tpu.memory_space<hbm>> -> memref<32x80xi32, #tpu.memory_space<hbm>>
      %dma_start3A_181 = arith.constant 0 : i32
      %dma_start3A_182 = arith.constant 0 : i32
      %dma_start3A_183 = tpu.memref_slice %arg4[%add3A, %run_scoped3A_13, %dma_start3A_181, %dma_start3A_182] : memref<32x4x32x80xi32, #tpu.memory_space<hbm>> -> memref<1x1x32x80xi32, #tpu.memory_space<hbm>>
      %dma_start3A_184 = tpu.memref_squeeze %dma_start3A_183 : memref<1x1x32x80xi32, #tpu.memory_space<hbm>> -> memref<32x80xi32, #tpu.memory_space<hbm>>
      tpu.enqueue_dma source(%dma_start3A_184 : memref<32x80xi32, #tpu.memory_space<hbm>>) target(%arg9 : memref<32x80xi32, #tpu.memory_space<vmem>>) target_semaphore(%run_scoped3A_176 : memref<!tpu.dma_semaphore, #tpu.memory_space<semaphore_mem>>)
      %dma_wait3A_185 = arith.constant 0 : i32
      %dma_wait3A_186 = arith.constant 0 : i32
      %dma_wait3A_187 = tpu.memref_slice %arg4[%add3A, %run_scoped3A_13, %dma_wait3A_185, %dma_wait3A_186] : memref<32x4x32x80xi32, #tpu.memory_space<hbm>> -> memref<1x1x32x80xi32, #tpu.memory_space<hbm>>
      %dma_wait3A_188 = tpu.memref_squeeze %dma_wait3A_187 : memref<1x1x32x80xi32, #tpu.memory_space<hbm>> -> memref<32x80xi32, #tpu.memory_space<hbm>>
      %dma_wait3A_189 = arith.constant 0 : i32
      %dma_wait3A_190 = arith.constant 0 : i32
      %dma_wait3A_191 = tpu.memref_slice %arg4[%add3A, %run_scoped3A_13, %dma_wait3A_189, %dma_wait3A_190] : memref<32x4x32x80xi32, #tpu.memory_space<hbm>> -> memref<1x1x32x80xi32, #tpu.memory_space<hbm>>
      %dma_wait3A_192 = tpu.memref_squeeze %dma_wait3A_191 : memref<1x1x32x80xi32, #tpu.memory_space<hbm>> -> memref<32x80xi32, #tpu.memory_space<hbm>>
      tpu.wait_dma2 semaphore(%run_scoped3A_176 : memref<!tpu.dma_semaphore, #tpu.memory_space<semaphore_mem>>) src(%dma_wait3A_192 : memref<32x80xi32, #tpu.memory_space<hbm>>) dst(%arg9 : memref<32x80xi32, #tpu.memory_space<vmem>>)
      tpu.yield
    }) : () -> ()
    %barrier3A = arith.constant 0 : index
    tpu.barrier barrier_id(%barrier3A)
    %dma_start3A = arith.constant 1 : i32
    %dma_start3A_14 = arith.constant 0 : i32
    %dma_start3A_15 = arith.constant 0 : i32
    %dma_start3A_16 = tpu.memref_slice %arg3[%add3A, %dma_start3A, %dma_start3A_14, %dma_start3A_15] : memref<32x4x32x80xi32, #tpu.memory_space<hbm>> -> memref<1x1x32x80xi32, #tpu.memory_space<hbm>>
    %dma_start3A_17 = tpu.memref_squeeze %dma_start3A_16 : memref<1x1x32x80xi32, #tpu.memory_space<hbm>> -> memref<32x80xi32, #tpu.memory_space<hbm>>
    %dma_start3A_18 = arith.constant 0 : i32
    %dma_start3A_19 = arith.constant 0 : i32
    %dma_start3A_20 = tpu.memref_slice %arg3[%add3A, %dma_start3A, %dma_start3A_18, %dma_start3A_19] : memref<32x4x32x80xi32, #tpu.memory_space<hbm>> -> memref<1x1x32x80xi32, #tpu.memory_space<hbm>>
    %dma_start3A_21 = tpu.memref_squeeze %dma_start3A_20 : memref<1x1x32x80xi32, #tpu.memory_space<hbm>> -> memref<32x80xi32, #tpu.memory_space<hbm>>
    tpu.enqueue_dma source(%dma_start3A_21 : memref<32x80xi32, #tpu.memory_space<hbm>>) target(%arg8 : memref<32x80xi32, #tpu.memory_space<vmem>>) target_semaphore(%arg16 : memref<!tpu.dma_semaphore, #tpu.memory_space<semaphore_mem>>)
    %dma_start3A_22 = arith.constant 1 : i32
    %dma_start3A_23 = arith.constant 0 : i32
    %dma_start3A_24 = arith.constant 0 : i32
    %dma_start3A_25 = tpu.memref_slice %arg4[%add3A, %dma_start3A_22, %dma_start3A_23, %dma_start3A_24] : memref<32x4x32x80xi32, #tpu.memory_space<hbm>> -> memref<1x1x32x80xi32, #tpu.memory_space<hbm>>
    %dma_start3A_26 = tpu.memref_squeeze %dma_start3A_25 : memref<1x1x32x80xi32, #tpu.memory_space<hbm>> -> memref<32x80xi32, #tpu.memory_space<hbm>>
    %dma_start3A_27 = arith.constant 0 : i32
    %dma_start3A_28 = arith.constant 0 : i32
    %dma_start3A_29 = tpu.memref_slice %arg4[%add3A, %dma_start3A_22, %dma_start3A_27, %dma_start3A_28] : memref<32x4x32x80xi32, #tpu.memory_space<hbm>> -> memref<1x1x32x80xi32, #tpu.memory_space<hbm>>
    %dma_start3A_30 = tpu.memref_squeeze %dma_start3A_29 : memref<1x1x32x80xi32, #tpu.memory_space<hbm>> -> memref<32x80xi32, #tpu.memory_space<hbm>>
    tpu.enqueue_dma source(%dma_start3A_30 : memref<32x80xi32, #tpu.memory_space<hbm>>) target(%arg10 : memref<32x80xi32, #tpu.memory_space<vmem>>) target_semaphore(%arg16 : memref<!tpu.dma_semaphore, #tpu.memory_space<semaphore_mem>>)
    %dma_start3A_31 = arith.constant 0 : i32
    %dma_start3A_32 = arith.constant 0 : i32
    %dma_start3A_33 = tpu.memref_slice %arg7[%dma_start3A_31, %dma_start3A_32] : memref<32x80xi32, #tpu.memory_space<vmem>> -> memref<1x80xi32, #tpu.memory_space<vmem>>
    %dma_start3A_34 = tpu.memref_squeeze %dma_start3A_33 : memref<1x80xi32, #tpu.memory_space<vmem>> -> memref<80xi32, #tpu.memory_space<vmem>>
    %dma_start3A_35 = arith.constant 0 : i32
    %dma_start3A_36 = arith.constant 0 : i32
    %dma_start3A_37 = tpu.memref_slice %arg2[%dma_start3A_35, %dma_start3A_36] : memref<10240x128xf32, #tpu.memory_space<hbm>> -> memref<10240x128xf32, #tpu.memory_space<hbm>>
    tpu.enqueue_indirect_dma source(%dma_start3A_37 : memref<10240x128xf32, #tpu.memory_space<hbm>>) target(%arg11 : memref<80x128xf32, #tpu.memory_space<vmem>>) offsets(%dma_start3A_34 : memref<80xi32, #tpu.memory_space<vmem>>) semaphore(%arg14 : memref<!tpu.dma_semaphore, #tpu.memory_space<semaphore_mem>>)
    %scan3A_38 = arith.constant 0 : i32
    %scan3A_39 = arith.constant 16 : i32
    %scan3A_40 = arith.addi %scan3A_38, %scan3A_39 : i32
    %scan3A_41 = arith.constant 1 : i32
    scf.for %scan3A_176 = %scan3A_38 to %scan3A_40 step %scan3A_41  : i32 {
      %mul3A_177 = arith.constant 2 : i32
      %mul3A_178 = arith.muli %scan3A_176, %mul3A_177 : i32
      %add3A_179 = arith.constant 0 : i32
      %add3A_180 = arith.addi %add3A_179, %mul3A_178 : i32
      %add3A_181 = arith.constant 1 : i32
      %add3A_182 = arith.addi %add3A_180, %add3A_181 : i32
      %dma_start3A_183 = arith.constant 0 : i32
      %dma_start3A_184 = tpu.memref_slice %arg7[%add3A_182, %dma_start3A_183] : memref<32x80xi32, #tpu.memory_space<vmem>> -> memref<1x80xi32, #tpu.memory_space<vmem>>
      %dma_start3A_185 = tpu.memref_squeeze %dma_start3A_184 : memref<1x80xi32, #tpu.memory_space<vmem>> -> memref<80xi32, #tpu.memory_space<vmem>>
      %dma_start3A_186 = arith.constant 0 : i32
      %dma_start3A_187 = arith.constant 0 : i32
      %dma_start3A_188 = tpu.memref_slice %arg2[%dma_start3A_186, %dma_start3A_187] : memref<10240x128xf32, #tpu.memory_space<hbm>> -> memref<10240x128xf32, #tpu.memory_space<hbm>>
      tpu.enqueue_indirect_dma source(%dma_start3A_188 : memref<10240x128xf32, #tpu.memory_space<hbm>>) target(%arg12 : memref<80x128xf32, #tpu.memory_space<vmem>>) offsets(%dma_start3A_185 : memref<80xi32, #tpu.memory_space<vmem>>) semaphore(%arg15 : memref<!tpu.dma_semaphore, #tpu.memory_space<semaphore_mem>>)
      %dma_wait3A_189 = arith.constant 0 : i32
      %dma_wait3A_190 = tpu.memref_slice %arg7[%add3A_180, %dma_wait3A_189] : memref<32x80xi32, #tpu.memory_space<vmem>> -> memref<1x80xi32, #tpu.memory_space<vmem>>
      %dma_wait3A_191 = tpu.memref_squeeze %dma_wait3A_190 : memref<1x80xi32, #tpu.memory_space<vmem>> -> memref<80xi32, #tpu.memory_space<vmem>>
      %dma_wait3A_192 = arith.constant 0 : i32
      %dma_wait3A_193 = arith.constant 0 : i32
      %dma_wait3A_194 = tpu.memref_slice %arg2[%dma_wait3A_192, %dma_wait3A_193] : memref<10240x128xf32, #tpu.memory_space<hbm>> -> memref<10240x128xf32, #tpu.memory_space<hbm>>
      tpu.wait_indirect_dma semaphore(%arg14 : memref<!tpu.dma_semaphore, #tpu.memory_space<semaphore_mem>>) src(%dma_wait3A_194 : memref<10240x128xf32, #tpu.memory_space<hbm>>) dst(%arg11 : memref<80x128xf32, #tpu.memory_space<vmem>>)
      "tpu.region"() ({
        %run_scoped3A_211 = tpu.sem_alloc : memref<!tpu.dma_semaphore, #tpu.memory_space<semaphore_mem>>
        %dma_start3A_212 = arith.constant 0 : i32
        %dma_start3A_213 = tpu.memref_slice %arg9[%add3A_180, %dma_start3A_212] : memref<32x80xi32, #tpu.memory_space<vmem>> -> memref<1x80xi32, #tpu.memory_space<vmem>>
        %dma_start3A_214 = tpu.memref_squeeze %dma_start3A_213 : memref<1x80xi32, #tpu.memory_space<vmem>> -> memref<80xi32, #tpu.memory_space<vmem>>
        %dma_start3A_215 = arith.constant 0 : i32
        %dma_start3A_216 = arith.constant 0 : i32
        %dma_start3A_217 = tpu.memref_slice %arg13[%dma_start3A_215, %dma_start3A_216] : memref<10240x128xf32, #tpu.memory_space<vmem_shared>> -> memref<10240x128xf32, #tpu.memory_space<vmem_shared>>
        tpu.enqueue_indirect_dma source(%arg11 : memref<80x128xf32, #tpu.memory_space<vmem>>) target(%dma_start3A_217 : memref<10240x128xf32, #tpu.memory_space<vmem_shared>>) offsets(%dma_start3A_214 : memref<80xi32, #tpu.memory_space<vmem>>) semaphore(%run_scoped3A_211 : memref<!tpu.dma_semaphore, #tpu.memory_space<semaphore_mem>>) {add = true}
        %dma_wait3A_218 = arith.constant 0 : i32
        %dma_wait3A_219 = tpu.memref_slice %arg9[%add3A_180, %dma_wait3A_218] : memref<32x80xi32, #tpu.memory_space<vmem>> -> memref<1x80xi32, #tpu.memory_space<vmem>>
        %dma_wait3A_220 = tpu.memref_squeeze %dma_wait3A_219 : memref<1x80xi32, #tpu.memory_space<vmem>> -> memref<80xi32, #tpu.memory_space<vmem>>
        %dma_wait3A_221 = arith.constant 0 : i32
        %dma_wait3A_222 = arith.constant 0 : i32
        %dma_wait3A_223 = tpu.memref_slice %arg13[%dma_wait3A_221, %dma_wait3A_222] : memref<10240x128xf32, #tpu.memory_space<vmem_shared>> -> memref<10240x128xf32, #tpu.memory_space<vmem_shared>>
        tpu.wait_indirect_dma semaphore(%run_scoped3A_211 : memref<!tpu.dma_semaphore, #tpu.memory_space<semaphore_mem>>) src(%arg11 : memref<80x128xf32, #tpu.memory_space<vmem>>) dst(%dma_wait3A_223 : memref<10240x128xf32, #tpu.memory_space<vmem_shared>>)
        tpu.yield
      }) : () -> ()
      %add3A_195 = arith.constant 2 : i32
      %add3A_196 = arith.addi %add3A_180, %add3A_195 : i32
      %lt3A = arith.constant 32 : i32
      %lt3A_197 = arith.cmpi slt, %add3A_196, %lt3A : i32
      %convert_element_type3A_198 = arith.extui %lt3A_197 : i1 to i32
      %cond3A_199 = arith.constant 0 : i32
      %cond3A_200 = arith.cmpi ne, %convert_element_type3A_198, %cond3A_199 : i32
      scf.if %cond3A_200 {
        %add3A_211 = arith.constant 2 : i32
        %add3A_212 = arith.addi %add3A_180, %add3A_211 : i32
        %dma_start3A_213 = arith.constant 0 : i32
        %dma_start3A_214 = tpu.memref_slice %arg7[%add3A_212, %dma_start3A_213] : memref<32x80xi32, #tpu.memory_space<vmem>> -> memref<1x80xi32, #tpu.memory_space<vmem>>
        %dma_start3A_215 = tpu.memref_squeeze %dma_start3A_214 : memref<1x80xi32, #tpu.memory_space<vmem>> -> memref<80xi32, #tpu.memory_space<vmem>>
        %dma_start3A_216 = arith.constant 0 : i32
        %dma_start3A_217 = arith.constant 0 : i32
        %dma_start3A_218 = tpu.memref_slice %arg2[%dma_start3A_216, %dma_start3A_217] : memref<10240x128xf32, #tpu.memory_space<hbm>> -> memref<10240x128xf32, #tpu.memory_space<hbm>>
        tpu.enqueue_indirect_dma source(%dma_start3A_218 : memref<10240x128xf32, #tpu.memory_space<hbm>>) target(%arg11 : memref<80x128xf32, #tpu.memory_space<vmem>>) offsets(%dma_start3A_215 : memref<80xi32, #tpu.memory_space<vmem>>) semaphore(%arg14 : memref<!tpu.dma_semaphore, #tpu.memory_space<semaphore_mem>>)
      } else {
      }
      %add3A_201 = arith.constant 1 : i32
      %add3A_202 = arith.addi %add3A_180, %add3A_201 : i32
      %dma_wait3A_203 = arith.constant 0 : i32
      %dma_wait3A_204 = tpu.memref_slice %arg7[%add3A_202, %dma_wait3A_203] : memref<32x80xi32, #tpu.memory_space<vmem>> -> memref<1x80xi32, #tpu.memory_space<vmem>>
      %dma_wait3A_205 = tpu.memref_squeeze %dma_wait3A_204 : memref<1x80xi32, #tpu.memory_space<vmem>> -> memref<80xi32, #tpu.memory_space<vmem>>
      %dma_wait3A_206 = arith.constant 0 : i32
      %dma_wait3A_207 = arith.constant 0 : i32
      %dma_wait3A_208 = tpu.memref_slice %arg2[%dma_wait3A_206, %dma_wait3A_207] : memref<10240x128xf32, #tpu.memory_space<hbm>> -> memref<10240x128xf32, #tpu.memory_space<hbm>>
      tpu.wait_indirect_dma semaphore(%arg15 : memref<!tpu.dma_semaphore, #tpu.memory_space<semaphore_mem>>) src(%dma_wait3A_208 : memref<10240x128xf32, #tpu.memory_space<hbm>>) dst(%arg12 : memref<80x128xf32, #tpu.memory_space<vmem>>)
      %add3A_209 = arith.constant 1 : i32
      %add3A_210 = arith.addi %add3A_180, %add3A_209 : i32
      "tpu.region"() ({
        %run_scoped3A_211 = tpu.sem_alloc : memref<!tpu.dma_semaphore, #tpu.memory_space<semaphore_mem>>
        %dma_start3A_212 = arith.constant 0 : i32
        %dma_start3A_213 = tpu.memref_slice %arg9[%add3A_210, %dma_start3A_212] : memref<32x80xi32, #tpu.memory_space<vmem>> -> memref<1x80xi32, #tpu.memory_space<vmem>>
        %dma_start3A_214 = tpu.memref_squeeze %dma_start3A_213 : memref<1x80xi32, #tpu.memory_space<vmem>> -> memref<80xi32, #tpu.memory_space<vmem>>
        %dma_start3A_215 = arith.constant 0 : i32
        %dma_start3A_216 = arith.constant 0 : i32
        %dma_start3A_217 = tpu.memref_slice %arg13[%dma_start3A_215, %dma_start3A_216] : memref<10240x128xf32, #tpu.memory_space<vmem_shared>> -> memref<10240x128xf32, #tpu.memory_space<vmem_shared>>
        tpu.enqueue_indirect_dma source(%arg12 : memref<80x128xf32, #tpu.memory_space<vmem>>) target(%dma_start3A_217 : memref<10240x128xf32, #tpu.memory_space<vmem_shared>>) offsets(%dma_start3A_214 : memref<80xi32, #tpu.memory_space<vmem>>) semaphore(%run_scoped3A_211 : memref<!tpu.dma_semaphore, #tpu.memory_space<semaphore_mem>>) {add = true}
        %dma_wait3A_218 = arith.constant 0 : i32
        %dma_wait3A_219 = tpu.memref_slice %arg9[%add3A_210, %dma_wait3A_218] : memref<32x80xi32, #tpu.memory_space<vmem>> -> memref<1x80xi32, #tpu.memory_space<vmem>>
        %dma_wait3A_220 = tpu.memref_squeeze %dma_wait3A_219 : memref<1x80xi32, #tpu.memory_space<vmem>> -> memref<80xi32, #tpu.memory_space<vmem>>
        %dma_wait3A_221 = arith.constant 0 : i32
        %dma_wait3A_222 = arith.constant 0 : i32
        %dma_wait3A_223 = tpu.memref_slice %arg13[%dma_wait3A_221, %dma_wait3A_222] : memref<10240x128xf32, #tpu.memory_space<vmem_shared>> -> memref<10240x128xf32, #tpu.memory_space<vmem_shared>>
        tpu.wait_indirect_dma semaphore(%run_scoped3A_211 : memref<!tpu.dma_semaphore, #tpu.memory_space<semaphore_mem>>) src(%arg12 : memref<80x128xf32, #tpu.memory_space<vmem>>) dst(%dma_wait3A_223 : memref<10240x128xf32, #tpu.memory_space<vmem_shared>>)
        tpu.yield
      }) : () -> ()
    }
    %scan3A_42 = arith.constant 16 : i32
    %dma_wait3A = arith.constant 1 : i32
    %dma_wait3A_43 = arith.constant 0 : i32
    %dma_wait3A_44 = arith.constant 0 : i32
    %dma_wait3A_45 = tpu.memref_slice %arg3[%add3A, %dma_wait3A, %dma_wait3A_43, %dma_wait3A_44] : memref<32x4x32x80xi32, #tpu.memory_space<hbm>> -> memref<1x1x32x80xi32, #tpu.memory_space<hbm>>
    %dma_wait3A_46 = tpu.memref_squeeze %dma_wait3A_45 : memref<1x1x32x80xi32, #tpu.memory_space<hbm>> -> memref<32x80xi32, #tpu.memory_space<hbm>>
    %dma_wait3A_47 = arith.constant 0 : i32
    %dma_wait3A_48 = arith.constant 0 : i32
    %dma_wait3A_49 = tpu.memref_slice %arg3[%add3A, %dma_wait3A, %dma_wait3A_47, %dma_wait3A_48] : memref<32x4x32x80xi32, #tpu.memory_space<hbm>> -> memref<1x1x32x80xi32, #tpu.memory_space<hbm>>
    %dma_wait3A_50 = tpu.memref_squeeze %dma_wait3A_49 : memref<1x1x32x80xi32, #tpu.memory_space<hbm>> -> memref<32x80xi32, #tpu.memory_space<hbm>>
    tpu.wait_dma2 semaphore(%arg16 : memref<!tpu.dma_semaphore, #tpu.memory_space<semaphore_mem>>) src(%dma_wait3A_50 : memref<32x80xi32, #tpu.memory_space<hbm>>) dst(%arg8 : memref<32x80xi32, #tpu.memory_space<vmem>>)
    %dma_wait3A_51 = arith.constant 1 : i32
    %dma_wait3A_52 = arith.constant 0 : i32
    %dma_wait3A_53 = arith.constant 0 : i32
    %dma_wait3A_54 = tpu.memref_slice %arg4[%add3A, %dma_wait3A_51, %dma_wait3A_52, %dma_wait3A_53] : memref<32x4x32x80xi32, #tpu.memory_space<hbm>> -> memref<1x1x32x80xi32, #tpu.memory_space<hbm>>
    %dma_wait3A_55 = tpu.memref_squeeze %dma_wait3A_54 : memref<1x1x32x80xi32, #tpu.memory_space<hbm>> -> memref<32x80xi32, #tpu.memory_space<hbm>>
    %dma_wait3A_56 = arith.constant 0 : i32
    %dma_wait3A_57 = arith.constant 0 : i32
    %dma_wait3A_58 = tpu.memref_slice %arg4[%add3A, %dma_wait3A_51, %dma_wait3A_56, %dma_wait3A_57] : memref<32x4x32x80xi32, #tpu.memory_space<hbm>> -> memref<1x1x32x80xi32, #tpu.memory_space<hbm>>
    %dma_wait3A_59 = tpu.memref_squeeze %dma_wait3A_58 : memref<1x1x32x80xi32, #tpu.memory_space<hbm>> -> memref<32x80xi32, #tpu.memory_space<hbm>>
    tpu.wait_dma2 semaphore(%arg16 : memref<!tpu.dma_semaphore, #tpu.memory_space<semaphore_mem>>) src(%dma_wait3A_59 : memref<32x80xi32, #tpu.memory_space<hbm>>) dst(%arg10 : memref<32x80xi32, #tpu.memory_space<vmem>>)
    %dma_start3A_60 = arith.constant 2 : i32
    %dma_start3A_61 = arith.constant 0 : i32
    %dma_start3A_62 = arith.constant 0 : i32
    %dma_start3A_63 = tpu.memref_slice %arg3[%add3A, %dma_start3A_60, %dma_start3A_61, %dma_start3A_62] : memref<32x4x32x80xi32, #tpu.memory_space<hbm>> -> memref<1x1x32x80xi32, #tpu.memory_space<hbm>>
    %dma_start3A_64 = tpu.memref_squeeze %dma_start3A_63 : memref<1x1x32x80xi32, #tpu.memory_space<hbm>> -> memref<32x80xi32, #tpu.memory_space<hbm>>
    %dma_start3A_65 = arith.constant 0 : i32
    %dma_start3A_66 = arith.constant 0 : i32
    %dma_start3A_67 = tpu.memref_slice %arg3[%add3A, %dma_start3A_60, %dma_start3A_65, %dma_start3A_66] : memref<32x4x32x80xi32, #tpu.memory_space<hbm>> -> memref<1x1x32x80xi32, #tpu.memory_space<hbm>>
    %dma_start3A_68 = tpu.memref_squeeze %dma_start3A_67 : memref<1x1x32x80xi32, #tpu.memory_space<hbm>> -> memref<32x80xi32, #tpu.memory_space<hbm>>
    tpu.enqueue_dma source(%dma_start3A_68 : memref<32x80xi32, #tpu.memory_space<hbm>>) target(%arg7 : memref<32x80xi32, #tpu.memory_space<vmem>>) target_semaphore(%arg16 : memref<!tpu.dma_semaphore, #tpu.memory_space<semaphore_mem>>)
    %dma_start3A_69 = arith.constant 2 : i32
    %dma_start3A_70 = arith.constant 0 : i32
    %dma_start3A_71 = arith.constant 0 : i32
    %dma_start3A_72 = tpu.memref_slice %arg4[%add3A, %dma_start3A_69, %dma_start3A_70, %dma_start3A_71] : memref<32x4x32x80xi32, #tpu.memory_space<hbm>> -> memref<1x1x32x80xi32, #tpu.memory_space<hbm>>
    %dma_start3A_73 = tpu.memref_squeeze %dma_start3A_72 : memref<1x1x32x80xi32, #tpu.memory_space<hbm>> -> memref<32x80xi32, #tpu.memory_space<hbm>>
    %dma_start3A_74 = arith.constant 0 : i32
    %dma_start3A_75 = arith.constant 0 : i32
    %dma_start3A_76 = tpu.memref_slice %arg4[%add3A, %dma_start3A_69, %dma_start3A_74, %dma_start3A_75] : memref<32x4x32x80xi32, #tpu.memory_space<hbm>> -> memref<1x1x32x80xi32, #tpu.memory_space<hbm>>
    %dma_start3A_77 = tpu.memref_squeeze %dma_start3A_76 : memref<1x1x32x80xi32, #tpu.memory_space<hbm>> -> memref<32x80xi32, #tpu.memory_space<hbm>>
    tpu.enqueue_dma source(%dma_start3A_77 : memref<32x80xi32, #tpu.memory_space<hbm>>) target(%arg9 : memref<32x80xi32, #tpu.memory_space<vmem>>) target_semaphore(%arg16 : memref<!tpu.dma_semaphore, #tpu.memory_space<semaphore_mem>>)
    %dma_start3A_78 = arith.constant 0 : i32
    %dma_start3A_79 = arith.constant 0 : i32
    %dma_start3A_80 = tpu.memref_slice %arg8[%dma_start3A_78, %dma_start3A_79] : memref<32x80xi32, #tpu.memory_space<vmem>> -> memref<1x80xi32, #tpu.memory_space<vmem>>
    %dma_start3A_81 = tpu.memref_squeeze %dma_start3A_80 : memref<1x80xi32, #tpu.memory_space<vmem>> -> memref<80xi32, #tpu.memory_space<vmem>>
    %dma_start3A_82 = arith.constant 0 : i32
    %dma_start3A_83 = arith.constant 0 : i32
    %dma_start3A_84 = tpu.memref_slice %arg2[%dma_start3A_82, %dma_start3A_83] : memref<10240x128xf32, #tpu.memory_space<hbm>> -> memref<10240x128xf32, #tpu.memory_space<hbm>>
    tpu.enqueue_indirect_dma source(%dma_start3A_84 : memref<10240x128xf32, #tpu.memory_space<hbm>>) target(%arg11 : memref<80x128xf32, #tpu.memory_space<vmem>>) offsets(%dma_start3A_81 : memref<80xi32, #tpu.memory_space<vmem>>) semaphore(%arg14 : memref<!tpu.dma_semaphore, #tpu.memory_space<semaphore_mem>>)
    %scan3A_85 = arith.constant 0 : i32
    %scan3A_86 = arith.constant 16 : i32
    %scan3A_87 = arith.addi %scan3A_85, %scan3A_86 : i32
    %scan3A_88 = arith.constant 1 : i32
    scf.for %scan3A_176 = %scan3A_85 to %scan3A_87 step %scan3A_88  : i32 {
      %mul3A_177 = arith.constant 2 : i32
      %mul3A_178 = arith.muli %scan3A_176, %mul3A_177 : i32
      %add3A_179 = arith.constant 0 : i32
      %add3A_180 = arith.addi %add3A_179, %mul3A_178 : i32
      %add3A_181 = arith.constant 1 : i32
      %add3A_182 = arith.addi %add3A_180, %add3A_181 : i32
      %dma_start3A_183 = arith.constant 0 : i32
      %dma_start3A_184 = tpu.memref_slice %arg8[%add3A_182, %dma_start3A_183] : memref<32x80xi32, #tpu.memory_space<vmem>> -> memref<1x80xi32, #tpu.memory_space<vmem>>
      %dma_start3A_185 = tpu.memref_squeeze %dma_start3A_184 : memref<1x80xi32, #tpu.memory_space<vmem>> -> memref<80xi32, #tpu.memory_space<vmem>>
      %dma_start3A_186 = arith.constant 0 : i32
      %dma_start3A_187 = arith.constant 0 : i32
      %dma_start3A_188 = tpu.memref_slice %arg2[%dma_start3A_186, %dma_start3A_187] : memref<10240x128xf32, #tpu.memory_space<hbm>> -> memref<10240x128xf32, #tpu.memory_space<hbm>>
      tpu.enqueue_indirect_dma source(%dma_start3A_188 : memref<10240x128xf32, #tpu.memory_space<hbm>>) target(%arg12 : memref<80x128xf32, #tpu.memory_space<vmem>>) offsets(%dma_start3A_185 : memref<80xi32, #tpu.memory_space<vmem>>) semaphore(%arg15 : memref<!tpu.dma_semaphore, #tpu.memory_space<semaphore_mem>>)
      %dma_wait3A_189 = arith.constant 0 : i32
      %dma_wait3A_190 = tpu.memref_slice %arg8[%add3A_180, %dma_wait3A_189] : memref<32x80xi32, #tpu.memory_space<vmem>> -> memref<1x80xi32, #tpu.memory_space<vmem>>
      %dma_wait3A_191 = tpu.memref_squeeze %dma_wait3A_190 : memref<1x80xi32, #tpu.memory_space<vmem>> -> memref<80xi32, #tpu.memory_space<vmem>>
      %dma_wait3A_192 = arith.constant 0 : i32
      %dma_wait3A_193 = arith.constant 0 : i32
      %dma_wait3A_194 = tpu.memref_slice %arg2[%dma_wait3A_192, %dma_wait3A_193] : memref<10240x128xf32, #tpu.memory_space<hbm>> -> memref<10240x128xf32, #tpu.memory_space<hbm>>
      tpu.wait_indirect_dma semaphore(%arg14 : memref<!tpu.dma_semaphore, #tpu.memory_space<semaphore_mem>>) src(%dma_wait3A_194 : memref<10240x128xf32, #tpu.memory_space<hbm>>) dst(%arg11 : memref<80x128xf32, #tpu.memory_space<vmem>>)
      "tpu.region"() ({
        %run_scoped3A_211 = tpu.sem_alloc : memref<!tpu.dma_semaphore, #tpu.memory_space<semaphore_mem>>
        %dma_start3A_212 = arith.constant 0 : i32
        %dma_start3A_213 = tpu.memref_slice %arg10[%add3A_180, %dma_start3A_212] : memref<32x80xi32, #tpu.memory_space<vmem>> -> memref<1x80xi32, #tpu.memory_space<vmem>>
        %dma_start3A_214 = tpu.memref_squeeze %dma_start3A_213 : memref<1x80xi32, #tpu.memory_space<vmem>> -> memref<80xi32, #tpu.memory_space<vmem>>
        %dma_start3A_215 = arith.constant 0 : i32
        %dma_start3A_216 = arith.constant 0 : i32
        %dma_start3A_217 = tpu.memref_slice %arg13[%dma_start3A_215, %dma_start3A_216] : memref<10240x128xf32, #tpu.memory_space<vmem_shared>> -> memref<10240x128xf32, #tpu.memory_space<vmem_shared>>
        tpu.enqueue_indirect_dma source(%arg11 : memref<80x128xf32, #tpu.memory_space<vmem>>) target(%dma_start3A_217 : memref<10240x128xf32, #tpu.memory_space<vmem_shared>>) offsets(%dma_start3A_214 : memref<80xi32, #tpu.memory_space<vmem>>) semaphore(%run_scoped3A_211 : memref<!tpu.dma_semaphore, #tpu.memory_space<semaphore_mem>>) {add = true}
        %dma_wait3A_218 = arith.constant 0 : i32
        %dma_wait3A_219 = tpu.memref_slice %arg10[%add3A_180, %dma_wait3A_218] : memref<32x80xi32, #tpu.memory_space<vmem>> -> memref<1x80xi32, #tpu.memory_space<vmem>>
        %dma_wait3A_220 = tpu.memref_squeeze %dma_wait3A_219 : memref<1x80xi32, #tpu.memory_space<vmem>> -> memref<80xi32, #tpu.memory_space<vmem>>
        %dma_wait3A_221 = arith.constant 0 : i32
        %dma_wait3A_222 = arith.constant 0 : i32
        %dma_wait3A_223 = tpu.memref_slice %arg13[%dma_wait3A_221, %dma_wait3A_222] : memref<10240x128xf32, #tpu.memory_space<vmem_shared>> -> memref<10240x128xf32, #tpu.memory_space<vmem_shared>>
        tpu.wait_indirect_dma semaphore(%run_scoped3A_211 : memref<!tpu.dma_semaphore, #tpu.memory_space<semaphore_mem>>) src(%arg11 : memref<80x128xf32, #tpu.memory_space<vmem>>) dst(%dma_wait3A_223 : memref<10240x128xf32, #tpu.memory_space<vmem_shared>>)
        tpu.yield
      }) : () -> ()
      %add3A_195 = arith.constant 2 : i32
      %add3A_196 = arith.addi %add3A_180, %add3A_195 : i32
      %lt3A = arith.constant 32 : i32
      %lt3A_197 = arith.cmpi slt, %add3A_196, %lt3A : i32
      %convert_element_type3A_198 = arith.extui %lt3A_197 : i1 to i32
      %cond3A_199 = arith.constant 0 : i32
      %cond3A_200 = arith.cmpi ne, %convert_element_type3A_198, %cond3A_199 : i32
      scf.if %cond3A_200 {
        %add3A_211 = arith.constant 2 : i32
        %add3A_212 = arith.addi %add3A_180, %add3A_211 : i32
        %dma_start3A_213 = arith.constant 0 : i32
        %dma_start3A_214 = tpu.memref_slice %arg8[%add3A_212, %dma_start3A_213] : memref<32x80xi32, #tpu.memory_space<vmem>> -> memref<1x80xi32, #tpu.memory_space<vmem>>
        %dma_start3A_215 = tpu.memref_squeeze %dma_start3A_214 : memref<1x80xi32, #tpu.memory_space<vmem>> -> memref<80xi32, #tpu.memory_space<vmem>>
        %dma_start3A_216 = arith.constant 0 : i32
        %dma_start3A_217 = arith.constant 0 : i32
        %dma_start3A_218 = tpu.memref_slice %arg2[%dma_start3A_216, %dma_start3A_217] : memref<10240x128xf32, #tpu.memory_space<hbm>> -> memref<10240x128xf32, #tpu.memory_space<hbm>>
        tpu.enqueue_indirect_dma source(%dma_start3A_218 : memref<10240x128xf32, #tpu.memory_space<hbm>>) target(%arg11 : memref<80x128xf32, #tpu.memory_space<vmem>>) offsets(%dma_start3A_215 : memref<80xi32, #tpu.memory_space<vmem>>) semaphore(%arg14 : memref<!tpu.dma_semaphore, #tpu.memory_space<semaphore_mem>>)
      } else {
      }
      %add3A_201 = arith.constant 1 : i32
      %add3A_202 = arith.addi %add3A_180, %add3A_201 : i32
      %dma_wait3A_203 = arith.constant 0 : i32
      %dma_wait3A_204 = tpu.memref_slice %arg8[%add3A_202, %dma_wait3A_203] : memref<32x80xi32, #tpu.memory_space<vmem>> -> memref<1x80xi32, #tpu.memory_space<vmem>>
      %dma_wait3A_205 = tpu.memref_squeeze %dma_wait3A_204 : memref<1x80xi32, #tpu.memory_space<vmem>> -> memref<80xi32, #tpu.memory_space<vmem>>
      %dma_wait3A_206 = arith.constant 0 : i32
      %dma_wait3A_207 = arith.constant 0 : i32
      %dma_wait3A_208 = tpu.memref_slice %arg2[%dma_wait3A_206, %dma_wait3A_207] : memref<10240x128xf32, #tpu.memory_space<hbm>> -> memref<10240x128xf32, #tpu.memory_space<hbm>>
      tpu.wait_indirect_dma semaphore(%arg15 : memref<!tpu.dma_semaphore, #tpu.memory_space<semaphore_mem>>) src(%dma_wait3A_208 : memref<10240x128xf32, #tpu.memory_space<hbm>>) dst(%arg12 : memref<80x128xf32, #tpu.memory_space<vmem>>)
      %add3A_209 = arith.constant 1 : i32
      %add3A_210 = arith.addi %add3A_180, %add3A_209 : i32
      "tpu.region"() ({
        %run_scoped3A_211 = tpu.sem_alloc : memref<!tpu.dma_semaphore, #tpu.memory_space<semaphore_mem>>
        %dma_start3A_212 = arith.constant 0 : i32
        %dma_start3A_213 = tpu.memref_slice %arg10[%add3A_210, %dma_start3A_212] : memref<32x80xi32, #tpu.memory_space<vmem>> -> memref<1x80xi32, #tpu.memory_space<vmem>>
        %dma_start3A_214 = tpu.memref_squeeze %dma_start3A_213 : memref<1x80xi32, #tpu.memory_space<vmem>> -> memref<80xi32, #tpu.memory_space<vmem>>
        %dma_start3A_215 = arith.constant 0 : i32
        %dma_start3A_216 = arith.constant 0 : i32
        %dma_start3A_217 = tpu.memref_slice %arg13[%dma_start3A_215, %dma_start3A_216] : memref<10240x128xf32, #tpu.memory_space<vmem_shared>> -> memref<10240x128xf32, #tpu.memory_space<vmem_shared>>
        tpu.enqueue_indirect_dma source(%arg12 : memref<80x128xf32, #tpu.memory_space<vmem>>) target(%dma_start3A_217 : memref<10240x128xf32, #tpu.memory_space<vmem_shared>>) offsets(%dma_start3A_214 : memref<80xi32, #tpu.memory_space<vmem>>) semaphore(%run_scoped3A_211 : memref<!tpu.dma_semaphore, #tpu.memory_space<semaphore_mem>>) {add = true}
        %dma_wait3A_218 = arith.constant 0 : i32
        %dma_wait3A_219 = tpu.memref_slice %arg10[%add3A_210, %dma_wait3A_218] : memref<32x80xi32, #tpu.memory_space<vmem>> -> memref<1x80xi32, #tpu.memory_space<vmem>>
        %dma_wait3A_220 = tpu.memref_squeeze %dma_wait3A_219 : memref<1x80xi32, #tpu.memory_space<vmem>> -> memref<80xi32, #tpu.memory_space<vmem>>
        %dma_wait3A_221 = arith.constant 0 : i32
        %dma_wait3A_222 = arith.constant 0 : i32
        %dma_wait3A_223 = tpu.memref_slice %arg13[%dma_wait3A_221, %dma_wait3A_222] : memref<10240x128xf32, #tpu.memory_space<vmem_shared>> -> memref<10240x128xf32, #tpu.memory_space<vmem_shared>>
        tpu.wait_indirect_dma semaphore(%run_scoped3A_211 : memref<!tpu.dma_semaphore, #tpu.memory_space<semaphore_mem>>) src(%arg12 : memref<80x128xf32, #tpu.memory_space<vmem>>) dst(%dma_wait3A_223 : memref<10240x128xf32, #tpu.memory_space<vmem_shared>>)
        tpu.yield
      }) : () -> ()
    }
    %scan3A_89 = arith.constant 16 : i32
    %dma_wait3A_90 = arith.constant 2 : i32
    %dma_wait3A_91 = arith.constant 0 : i32
    %dma_wait3A_92 = arith.constant 0 : i32
    %dma_wait3A_93 = tpu.memref_slice %arg3[%add3A, %dma_wait3A_90, %dma_wait3A_91, %dma_wait3A_92] : memref<32x4x32x80xi32, #tpu.memory_space<hbm>> -> memref<1x1x32x80xi32, #tpu.memory_space<hbm>>
    %dma_wait3A_94 = tpu.memref_squeeze %dma_wait3A_93 : memref<1x1x32x80xi32, #tpu.memory_space<hbm>> -> memref<32x80xi32, #tpu.memory_space<hbm>>
    %dma_wait3A_95 = arith.constant 0 : i32
    %dma_wait3A_96 = arith.constant 0 : i32
    %dma_wait3A_97 = tpu.memref_slice %arg3[%add3A, %dma_wait3A_90, %dma_wait3A_95, %dma_wait3A_96] : memref<32x4x32x80xi32, #tpu.memory_space<hbm>> -> memref<1x1x32x80xi32, #tpu.memory_space<hbm>>
    %dma_wait3A_98 = tpu.memref_squeeze %dma_wait3A_97 : memref<1x1x32x80xi32, #tpu.memory_space<hbm>> -> memref<32x80xi32, #tpu.memory_space<hbm>>
    tpu.wait_dma2 semaphore(%arg16 : memref<!tpu.dma_semaphore, #tpu.memory_space<semaphore_mem>>) src(%dma_wait3A_98 : memref<32x80xi32, #tpu.memory_space<hbm>>) dst(%arg7 : memref<32x80xi32, #tpu.memory_space<vmem>>)
    %dma_wait3A_99 = arith.constant 2 : i32
    %dma_wait3A_100 = arith.constant 0 : i32
    %dma_wait3A_101 = arith.constant 0 : i32
    %dma_wait3A_102 = tpu.memref_slice %arg4[%add3A, %dma_wait3A_99, %dma_wait3A_100, %dma_wait3A_101] : memref<32x4x32x80xi32, #tpu.memory_space<hbm>> -> memref<1x1x32x80xi32, #tpu.memory_space<hbm>>
    %dma_wait3A_103 = tpu.memref_squeeze %dma_wait3A_102 : memref<1x1x32x80xi32, #tpu.memory_space<hbm>> -> memref<32x80xi32, #tpu.memory_space<hbm>>
    %dma_wait3A_104 = arith.constant 0 : i32
    %dma_wait3A_105 = arith.constant 0 : i32
    %dma_wait3A_106 = tpu.memref_slice %arg4[%add3A, %dma_wait3A_99, %dma_wait3A_104, %dma_wait3A_105] : memref<32x4x32x80xi32, #tpu.memory_space<hbm>> -> memref<1x1x32x80xi32, #tpu.memory_space<hbm>>
    %dma_wait3A_107 = tpu.memref_squeeze %dma_wait3A_106 : memref<1x1x32x80xi32, #tpu.memory_space<hbm>> -> memref<32x80xi32, #tpu.memory_space<hbm>>
    tpu.wait_dma2 semaphore(%arg16 : memref<!tpu.dma_semaphore, #tpu.memory_space<semaphore_mem>>) src(%dma_wait3A_107 : memref<32x80xi32, #tpu.memory_space<hbm>>) dst(%arg9 : memref<32x80xi32, #tpu.memory_space<vmem>>)
    %dma_start3A_108 = arith.constant 3 : i32
    %dma_start3A_109 = arith.constant 0 : i32
    %dma_start3A_110 = arith.constant 0 : i32
    %dma_start3A_111 = tpu.memref_slice %arg3[%add3A, %dma_start3A_108, %dma_start3A_109, %dma_start3A_110] : memref<32x4x32x80xi32, #tpu.memory_space<hbm>> -> memref<1x1x32x80xi32, #tpu.memory_space<hbm>>
    %dma_start3A_112 = tpu.memref_squeeze %dma_start3A_111 : memref<1x1x32x80xi32, #tpu.memory_space<hbm>> -> memref<32x80xi32, #tpu.memory_space<hbm>>
    %dma_start3A_113 = arith.constant 0 : i32
    %dma_start3A_114 = arith.constant 0 : i32
    %dma_start3A_115 = tpu.memref_slice %arg3[%add3A, %dma_start3A_108, %dma_start3A_113, %dma_start3A_114] : memref<32x4x32x80xi32, #tpu.memory_space<hbm>> -> memref<1x1x32x80xi32, #tpu.memory_space<hbm>>
    %dma_start3A_116 = tpu.memref_squeeze %dma_start3A_115 : memref<1x1x32x80xi32, #tpu.memory_space<hbm>> -> memref<32x80xi32, #tpu.memory_space<hbm>>
    tpu.enqueue_dma source(%dma_start3A_116 : memref<32x80xi32, #tpu.memory_space<hbm>>) target(%arg8 : memref<32x80xi32, #tpu.memory_space<vmem>>) target_semaphore(%arg16 : memref<!tpu.dma_semaphore, #tpu.memory_space<semaphore_mem>>)
    %dma_start3A_117 = arith.constant 3 : i32
    %dma_start3A_118 = arith.constant 0 : i32
    %dma_start3A_119 = arith.constant 0 : i32
    %dma_start3A_120 = tpu.memref_slice %arg4[%add3A, %dma_start3A_117, %dma_start3A_118, %dma_start3A_119] : memref<32x4x32x80xi32, #tpu.memory_space<hbm>> -> memref<1x1x32x80xi32, #tpu.memory_space<hbm>>
    %dma_start3A_121 = tpu.memref_squeeze %dma_start3A_120 : memref<1x1x32x80xi32, #tpu.memory_space<hbm>> -> memref<32x80xi32, #tpu.memory_space<hbm>>
    %dma_start3A_122 = arith.constant 0 : i32
    %dma_start3A_123 = arith.constant 0 : i32
    %dma_start3A_124 = tpu.memref_slice %arg4[%add3A, %dma_start3A_117, %dma_start3A_122, %dma_start3A_123] : memref<32x4x32x80xi32, #tpu.memory_space<hbm>> -> memref<1x1x32x80xi32, #tpu.memory_space<hbm>>
    %dma_start3A_125 = tpu.memref_squeeze %dma_start3A_124 : memref<1x1x32x80xi32, #tpu.memory_space<hbm>> -> memref<32x80xi32, #tpu.memory_space<hbm>>
    tpu.enqueue_dma source(%dma_start3A_125 : memref<32x80xi32, #tpu.memory_space<hbm>>) target(%arg10 : memref<32x80xi32, #tpu.memory_space<vmem>>) target_semaphore(%arg16 : memref<!tpu.dma_semaphore, #tpu.memory_space<semaphore_mem>>)
    %dma_start3A_126 = arith.constant 0 : i32
    %dma_start3A_127 = arith.constant 0 : i32
    %dma_start3A_128 = tpu.memref_slice %arg7[%dma_start3A_126, %dma_start3A_127] : memref<32x80xi32, #tpu.memory_space<vmem>> -> memref<1x80xi32, #tpu.memory_space<vmem>>
    %dma_start3A_129 = tpu.memref_squeeze %dma_start3A_128 : memref<1x80xi32, #tpu.memory_space<vmem>> -> memref<80xi32, #tpu.memory_space<vmem>>
    %dma_start3A_130 = arith.constant 0 : i32
    %dma_start3A_131 = arith.constant 0 : i32
    %dma_start3A_132 = tpu.memref_slice %arg2[%dma_start3A_130, %dma_start3A_131] : memref<10240x128xf32, #tpu.memory_space<hbm>> -> memref<10240x128xf32, #tpu.memory_space<hbm>>
    tpu.enqueue_indirect_dma source(%dma_start3A_132 : memref<10240x128xf32, #tpu.memory_space<hbm>>) target(%arg11 : memref<80x128xf32, #tpu.memory_space<vmem>>) offsets(%dma_start3A_129 : memref<80xi32, #tpu.memory_space<vmem>>) semaphore(%arg14 : memref<!tpu.dma_semaphore, #tpu.memory_space<semaphore_mem>>)
    %scan3A_133 = arith.constant 0 : i32
    %scan3A_134 = arith.constant 16 : i32
    %scan3A_135 = arith.addi %scan3A_133, %scan3A_134 : i32
    %scan3A_136 = arith.constant 1 : i32
    scf.for %scan3A_176 = %scan3A_133 to %scan3A_135 step %scan3A_136  : i32 {
      %mul3A_177 = arith.constant 2 : i32
      %mul3A_178 = arith.muli %scan3A_176, %mul3A_177 : i32
      %add3A_179 = arith.constant 0 : i32
      %add3A_180 = arith.addi %add3A_179, %mul3A_178 : i32
      %add3A_181 = arith.constant 1 : i32
      %add3A_182 = arith.addi %add3A_180, %add3A_181 : i32
      %dma_start3A_183 = arith.constant 0 : i32
      %dma_start3A_184 = tpu.memref_slice %arg7[%add3A_182, %dma_start3A_183] : memref<32x80xi32, #tpu.memory_space<vmem>> -> memref<1x80xi32, #tpu.memory_space<vmem>>
      %dma_start3A_185 = tpu.memref_squeeze %dma_start3A_184 : memref<1x80xi32, #tpu.memory_space<vmem>> -> memref<80xi32, #tpu.memory_space<vmem>>
      %dma_start3A_186 = arith.constant 0 : i32
      %dma_start3A_187 = arith.constant 0 : i32
      %dma_start3A_188 = tpu.memref_slice %arg2[%dma_start3A_186, %dma_start3A_187] : memref<10240x128xf32, #tpu.memory_space<hbm>> -> memref<10240x128xf32, #tpu.memory_space<hbm>>
      tpu.enqueue_indirect_dma source(%dma_start3A_188 : memref<10240x128xf32, #tpu.memory_space<hbm>>) target(%arg12 : memref<80x128xf32, #tpu.memory_space<vmem>>) offsets(%dma_start3A_185 : memref<80xi32, #tpu.memory_space<vmem>>) semaphore(%arg15 : memref<!tpu.dma_semaphore, #tpu.memory_space<semaphore_mem>>)
      %dma_wait3A_189 = arith.constant 0 : i32
      %dma_wait3A_190 = tpu.memref_slice %arg7[%add3A_180, %dma_wait3A_189] : memref<32x80xi32, #tpu.memory_space<vmem>> -> memref<1x80xi32, #tpu.memory_space<vmem>>
      %dma_wait3A_191 = tpu.memref_squeeze %dma_wait3A_190 : memref<1x80xi32, #tpu.memory_space<vmem>> -> memref<80xi32, #tpu.memory_space<vmem>>
      %dma_wait3A_192 = arith.constant 0 : i32
      %dma_wait3A_193 = arith.constant 0 : i32
      %dma_wait3A_194 = tpu.memref_slice %arg2[%dma_wait3A_192, %dma_wait3A_193] : memref<10240x128xf32, #tpu.memory_space<hbm>> -> memref<10240x128xf32, #tpu.memory_space<hbm>>
      tpu.wait_indirect_dma semaphore(%arg14 : memref<!tpu.dma_semaphore, #tpu.memory_space<semaphore_mem>>) src(%dma_wait3A_194 : memref<10240x128xf32, #tpu.memory_space<hbm>>) dst(%arg11 : memref<80x128xf32, #tpu.memory_space<vmem>>)
      "tpu.region"() ({
        %run_scoped3A_211 = tpu.sem_alloc : memref<!tpu.dma_semaphore, #tpu.memory_space<semaphore_mem>>
        %dma_start3A_212 = arith.constant 0 : i32
        %dma_start3A_213 = tpu.memref_slice %arg9[%add3A_180, %dma_start3A_212] : memref<32x80xi32, #tpu.memory_space<vmem>> -> memref<1x80xi32, #tpu.memory_space<vmem>>
        %dma_start3A_214 = tpu.memref_squeeze %dma_start3A_213 : memref<1x80xi32, #tpu.memory_space<vmem>> -> memref<80xi32, #tpu.memory_space<vmem>>
        %dma_start3A_215 = arith.constant 0 : i32
        %dma_start3A_216 = arith.constant 0 : i32
        %dma_start3A_217 = tpu.memref_slice %arg13[%dma_start3A_215, %dma_start3A_216] : memref<10240x128xf32, #tpu.memory_space<vmem_shared>> -> memref<10240x128xf32, #tpu.memory_space<vmem_shared>>
        tpu.enqueue_indirect_dma source(%arg11 : memref<80x128xf32, #tpu.memory_space<vmem>>) target(%dma_start3A_217 : memref<10240x128xf32, #tpu.memory_space<vmem_shared>>) offsets(%dma_start3A_214 : memref<80xi32, #tpu.memory_space<vmem>>) semaphore(%run_scoped3A_211 : memref<!tpu.dma_semaphore, #tpu.memory_space<semaphore_mem>>) {add = true}
        %dma_wait3A_218 = arith.constant 0 : i32
        %dma_wait3A_219 = tpu.memref_slice %arg9[%add3A_180, %dma_wait3A_218] : memref<32x80xi32, #tpu.memory_space<vmem>> -> memref<1x80xi32, #tpu.memory_space<vmem>>
        %dma_wait3A_220 = tpu.memref_squeeze %dma_wait3A_219 : memref<1x80xi32, #tpu.memory_space<vmem>> -> memref<80xi32, #tpu.memory_space<vmem>>
        %dma_wait3A_221 = arith.constant 0 : i32
        %dma_wait3A_222 = arith.constant 0 : i32
        %dma_wait3A_223 = tpu.memref_slice %arg13[%dma_wait3A_221, %dma_wait3A_222] : memref<10240x128xf32, #tpu.memory_space<vmem_shared>> -> memref<10240x128xf32, #tpu.memory_space<vmem_shared>>
        tpu.wait_indirect_dma semaphore(%run_scoped3A_211 : memref<!tpu.dma_semaphore, #tpu.memory_space<semaphore_mem>>) src(%arg11 : memref<80x128xf32, #tpu.memory_space<vmem>>) dst(%dma_wait3A_223 : memref<10240x128xf32, #tpu.memory_space<vmem_shared>>)
        tpu.yield
      }) : () -> ()
      %add3A_195 = arith.constant 2 : i32
      %add3A_196 = arith.addi %add3A_180, %add3A_195 : i32
      %lt3A = arith.constant 32 : i32
      %lt3A_197 = arith.cmpi slt, %add3A_196, %lt3A : i32
      %convert_element_type3A_198 = arith.extui %lt3A_197 : i1 to i32
      %cond3A_199 = arith.constant 0 : i32
      %cond3A_200 = arith.cmpi ne, %convert_element_type3A_198, %cond3A_199 : i32
      scf.if %cond3A_200 {
        %add3A_211 = arith.constant 2 : i32
        %add3A_212 = arith.addi %add3A_180, %add3A_211 : i32
        %dma_start3A_213 = arith.constant 0 : i32
        %dma_start3A_214 = tpu.memref_slice %arg7[%add3A_212, %dma_start3A_213] : memref<32x80xi32, #tpu.memory_space<vmem>> -> memref<1x80xi32, #tpu.memory_space<vmem>>
        %dma_start3A_215 = tpu.memref_squeeze %dma_start3A_214 : memref<1x80xi32, #tpu.memory_space<vmem>> -> memref<80xi32, #tpu.memory_space<vmem>>
        %dma_start3A_216 = arith.constant 0 : i32
        %dma_start3A_217 = arith.constant 0 : i32
        %dma_start3A_218 = tpu.memref_slice %arg2[%dma_start3A_216, %dma_start3A_217] : memref<10240x128xf32, #tpu.memory_space<hbm>> -> memref<10240x128xf32, #tpu.memory_space<hbm>>
        tpu.enqueue_indirect_dma source(%dma_start3A_218 : memref<10240x128xf32, #tpu.memory_space<hbm>>) target(%arg11 : memref<80x128xf32, #tpu.memory_space<vmem>>) offsets(%dma_start3A_215 : memref<80xi32, #tpu.memory_space<vmem>>) semaphore(%arg14 : memref<!tpu.dma_semaphore, #tpu.memory_space<semaphore_mem>>)
      } else {
      }
      %add3A_201 = arith.constant 1 : i32
      %add3A_202 = arith.addi %add3A_180, %add3A_201 : i32
      %dma_wait3A_203 = arith.constant 0 : i32
      %dma_wait3A_204 = tpu.memref_slice %arg7[%add3A_202, %dma_wait3A_203] : memref<32x80xi32, #tpu.memory_space<vmem>> -> memref<1x80xi32, #tpu.memory_space<vmem>>
      %dma_wait3A_205 = tpu.memref_squeeze %dma_wait3A_204 : memref<1x80xi32, #tpu.memory_space<vmem>> -> memref<80xi32, #tpu.memory_space<vmem>>
      %dma_wait3A_206 = arith.constant 0 : i32
      %dma_wait3A_207 = arith.constant 0 : i32
      %dma_wait3A_208 = tpu.memref_slice %arg2[%dma_wait3A_206, %dma_wait3A_207] : memref<10240x128xf32, #tpu.memory_space<hbm>> -> memref<10240x128xf32, #tpu.memory_space<hbm>>
      tpu.wait_indirect_dma semaphore(%arg15 : memref<!tpu.dma_semaphore, #tpu.memory_space<semaphore_mem>>) src(%dma_wait3A_208 : memref<10240x128xf32, #tpu.memory_space<hbm>>) dst(%arg12 : memref<80x128xf32, #tpu.memory_space<vmem>>)
      %add3A_209 = arith.constant 1 : i32
      %add3A_210 = arith.addi %add3A_180, %add3A_209 : i32
      "tpu.region"() ({
        %run_scoped3A_211 = tpu.sem_alloc : memref<!tpu.dma_semaphore, #tpu.memory_space<semaphore_mem>>
        %dma_start3A_212 = arith.constant 0 : i32
        %dma_start3A_213 = tpu.memref_slice %arg9[%add3A_210, %dma_start3A_212] : memref<32x80xi32, #tpu.memory_space<vmem>> -> memref<1x80xi32, #tpu.memory_space<vmem>>
        %dma_start3A_214 = tpu.memref_squeeze %dma_start3A_213 : memref<1x80xi32, #tpu.memory_space<vmem>> -> memref<80xi32, #tpu.memory_space<vmem>>
        %dma_start3A_215 = arith.constant 0 : i32
        %dma_start3A_216 = arith.constant 0 : i32
        %dma_start3A_217 = tpu.memref_slice %arg13[%dma_start3A_215, %dma_start3A_216] : memref<10240x128xf32, #tpu.memory_space<vmem_shared>> -> memref<10240x128xf32, #tpu.memory_space<vmem_shared>>
        tpu.enqueue_indirect_dma source(%arg12 : memref<80x128xf32, #tpu.memory_space<vmem>>) target(%dma_start3A_217 : memref<10240x128xf32, #tpu.memory_space<vmem_shared>>) offsets(%dma_start3A_214 : memref<80xi32, #tpu.memory_space<vmem>>) semaphore(%run_scoped3A_211 : memref<!tpu.dma_semaphore, #tpu.memory_space<semaphore_mem>>) {add = true}
        %dma_wait3A_218 = arith.constant 0 : i32
        %dma_wait3A_219 = tpu.memref_slice %arg9[%add3A_210, %dma_wait3A_218] : memref<32x80xi32, #tpu.memory_space<vmem>> -> memref<1x80xi32, #tpu.memory_space<vmem>>
        %dma_wait3A_220 = tpu.memref_squeeze %dma_wait3A_219 : memref<1x80xi32, #tpu.memory_space<vmem>> -> memref<80xi32, #tpu.memory_space<vmem>>
        %dma_wait3A_221 = arith.constant 0 : i32
        %dma_wait3A_222 = arith.constant 0 : i32
        %dma_wait3A_223 = tpu.memref_slice %arg13[%dma_wait3A_221, %dma_wait3A_222] : memref<10240x128xf32, #tpu.memory_space<vmem_shared>> -> memref<10240x128xf32, #tpu.memory_space<vmem_shared>>
        tpu.wait_indirect_dma semaphore(%run_scoped3A_211 : memref<!tpu.dma_semaphore, #tpu.memory_space<semaphore_mem>>) src(%arg12 : memref<80x128xf32, #tpu.memory_space<vmem>>) dst(%dma_wait3A_223 : memref<10240x128xf32, #tpu.memory_space<vmem_shared>>)
        tpu.yield
      }) : () -> ()
    }
    %scan3A_137 = arith.constant 16 : i32
    %dma_wait3A_138 = arith.constant 3 : i32
    %dma_wait3A_139 = arith.constant 0 : i32
    %dma_wait3A_140 = arith.constant 0 : i32
    %dma_wait3A_141 = tpu.memref_slice %arg3[%add3A, %dma_wait3A_138, %dma_wait3A_139, %dma_wait3A_140] : memref<32x4x32x80xi32, #tpu.memory_space<hbm>> -> memref<1x1x32x80xi32, #tpu.memory_space<hbm>>
    %dma_wait3A_142 = tpu.memref_squeeze %dma_wait3A_141 : memref<1x1x32x80xi32, #tpu.memory_space<hbm>> -> memref<32x80xi32, #tpu.memory_space<hbm>>
    %dma_wait3A_143 = arith.constant 0 : i32
    %dma_wait3A_144 = arith.constant 0 : i32
    %dma_wait3A_145 = tpu.memref_slice %arg3[%add3A, %dma_wait3A_138, %dma_wait3A_143, %dma_wait3A_144] : memref<32x4x32x80xi32, #tpu.memory_space<hbm>> -> memref<1x1x32x80xi32, #tpu.memory_space<hbm>>
    %dma_wait3A_146 = tpu.memref_squeeze %dma_wait3A_145 : memref<1x1x32x80xi32, #tpu.memory_space<hbm>> -> memref<32x80xi32, #tpu.memory_space<hbm>>
    tpu.wait_dma2 semaphore(%arg16 : memref<!tpu.dma_semaphore, #tpu.memory_space<semaphore_mem>>) src(%dma_wait3A_146 : memref<32x80xi32, #tpu.memory_space<hbm>>) dst(%arg8 : memref<32x80xi32, #tpu.memory_space<vmem>>)
    %dma_wait3A_147 = arith.constant 3 : i32
    %dma_wait3A_148 = arith.constant 0 : i32
    %dma_wait3A_149 = arith.constant 0 : i32
    %dma_wait3A_150 = tpu.memref_slice %arg4[%add3A, %dma_wait3A_147, %dma_wait3A_148, %dma_wait3A_149] : memref<32x4x32x80xi32, #tpu.memory_space<hbm>> -> memref<1x1x32x80xi32, #tpu.memory_space<hbm>>
    %dma_wait3A_151 = tpu.memref_squeeze %dma_wait3A_150 : memref<1x1x32x80xi32, #tpu.memory_space<hbm>> -> memref<32x80xi32, #tpu.memory_space<hbm>>
    %dma_wait3A_152 = arith.constant 0 : i32
    %dma_wait3A_153 = arith.constant 0 : i32
    %dma_wait3A_154 = tpu.memref_slice %arg4[%add3A, %dma_wait3A_147, %dma_wait3A_152, %dma_wait3A_153] : memref<32x4x32x80xi32, #tpu.memory_space<hbm>> -> memref<1x1x32x80xi32, #tpu.memory_space<hbm>>
    %dma_wait3A_155 = tpu.memref_squeeze %dma_wait3A_154 : memref<1x1x32x80xi32, #tpu.memory_space<hbm>> -> memref<32x80xi32, #tpu.memory_space<hbm>>
    tpu.wait_dma2 semaphore(%arg16 : memref<!tpu.dma_semaphore, #tpu.memory_space<semaphore_mem>>) src(%dma_wait3A_155 : memref<32x80xi32, #tpu.memory_space<hbm>>) dst(%arg10 : memref<32x80xi32, #tpu.memory_space<vmem>>)
    %dma_start3A_156 = arith.constant 0 : i32
    %dma_start3A_157 = arith.constant 0 : i32
    %dma_start3A_158 = tpu.memref_slice %arg8[%dma_start3A_156, %dma_start3A_157] : memref<32x80xi32, #tpu.memory_space<vmem>> -> memref<1x80xi32, #tpu.memory_space<vmem>>
    %dma_start3A_159 = tpu.memref_squeeze %dma_start3A_158 : memref<1x80xi32, #tpu.memory_space<vmem>> -> memref<80xi32, #tpu.memory_space<vmem>>
    %dma_start3A_160 = arith.constant 0 : i32
    %dma_start3A_161 = arith.constant 0 : i32
    %dma_start3A_162 = tpu.memref_slice %arg2[%dma_start3A_160, %dma_start3A_161] : memref<10240x128xf32, #tpu.memory_space<hbm>> -> memref<10240x128xf32, #tpu.memory_space<hbm>>
    tpu.enqueue_indirect_dma source(%dma_start3A_162 : memref<10240x128xf32, #tpu.memory_space<hbm>>) target(%arg11 : memref<80x128xf32, #tpu.memory_space<vmem>>) offsets(%dma_start3A_159 : memref<80xi32, #tpu.memory_space<vmem>>) semaphore(%arg14 : memref<!tpu.dma_semaphore, #tpu.memory_space<semaphore_mem>>)
    %scan3A_163 = arith.constant 0 : i32
    %scan3A_164 = arith.constant 16 : i32
    %scan3A_165 = arith.addi %scan3A_163, %scan3A_164 : i32
    %scan3A_166 = arith.constant 1 : i32
    scf.for %scan3A_176 = %scan3A_163 to %scan3A_165 step %scan3A_166  : i32 {
      %mul3A_177 = arith.constant 2 : i32
      %mul3A_178 = arith.muli %scan3A_176, %mul3A_177 : i32
      %add3A_179 = arith.constant 0 : i32
      %add3A_180 = arith.addi %add3A_179, %mul3A_178 : i32
      %add3A_181 = arith.constant 1 : i32
      %add3A_182 = arith.addi %add3A_180, %add3A_181 : i32
      %dma_start3A_183 = arith.constant 0 : i32
      %dma_start3A_184 = tpu.memref_slice %arg8[%add3A_182, %dma_start3A_183] : memref<32x80xi32, #tpu.memory_space<vmem>> -> memref<1x80xi32, #tpu.memory_space<vmem>>
      %dma_start3A_185 = tpu.memref_squeeze %dma_start3A_184 : memref<1x80xi32, #tpu.memory_space<vmem>> -> memref<80xi32, #tpu.memory_space<vmem>>
      %dma_start3A_186 = arith.constant 0 : i32
      %dma_start3A_187 = arith.constant 0 : i32
      %dma_start3A_188 = tpu.memref_slice %arg2[%dma_start3A_186, %dma_start3A_187] : memref<10240x128xf32, #tpu.memory_space<hbm>> -> memref<10240x128xf32, #tpu.memory_space<hbm>>
      tpu.enqueue_indirect_dma source(%dma_start3A_188 : memref<10240x128xf32, #tpu.memory_space<hbm>>) target(%arg12 : memref<80x128xf32, #tpu.memory_space<vmem>>) offsets(%dma_start3A_185 : memref<80xi32, #tpu.memory_space<vmem>>) semaphore(%arg15 : memref<!tpu.dma_semaphore, #tpu.memory_space<semaphore_mem>>)
      %dma_wait3A_189 = arith.constant 0 : i32
      %dma_wait3A_190 = tpu.memref_slice %arg8[%add3A_180, %dma_wait3A_189] : memref<32x80xi32, #tpu.memory_space<vmem>> -> memref<1x80xi32, #tpu.memory_space<vmem>>
      %dma_wait3A_191 = tpu.memref_squeeze %dma_wait3A_190 : memref<1x80xi32, #tpu.memory_space<vmem>> -> memref<80xi32, #tpu.memory_space<vmem>>
      %dma_wait3A_192 = arith.constant 0 : i32
      %dma_wait3A_193 = arith.constant 0 : i32
      %dma_wait3A_194 = tpu.memref_slice %arg2[%dma_wait3A_192, %dma_wait3A_193] : memref<10240x128xf32, #tpu.memory_space<hbm>> -> memref<10240x128xf32, #tpu.memory_space<hbm>>
      tpu.wait_indirect_dma semaphore(%arg14 : memref<!tpu.dma_semaphore, #tpu.memory_space<semaphore_mem>>) src(%dma_wait3A_194 : memref<10240x128xf32, #tpu.memory_space<hbm>>) dst(%arg11 : memref<80x128xf32, #tpu.memory_space<vmem>>)
      "tpu.region"() ({
        %run_scoped3A_211 = tpu.sem_alloc : memref<!tpu.dma_semaphore, #tpu.memory_space<semaphore_mem>>
        %dma_start3A_212 = arith.constant 0 : i32
        %dma_start3A_213 = tpu.memref_slice %arg10[%add3A_180, %dma_start3A_212] : memref<32x80xi32, #tpu.memory_space<vmem>> -> memref<1x80xi32, #tpu.memory_space<vmem>>
        %dma_start3A_214 = tpu.memref_squeeze %dma_start3A_213 : memref<1x80xi32, #tpu.memory_space<vmem>> -> memref<80xi32, #tpu.memory_space<vmem>>
        %dma_start3A_215 = arith.constant 0 : i32
        %dma_start3A_216 = arith.constant 0 : i32
        %dma_start3A_217 = tpu.memref_slice %arg13[%dma_start3A_215, %dma_start3A_216] : memref<10240x128xf32, #tpu.memory_space<vmem_shared>> -> memref<10240x128xf32, #tpu.memory_space<vmem_shared>>
        tpu.enqueue_indirect_dma source(%arg11 : memref<80x128xf32, #tpu.memory_space<vmem>>) target(%dma_start3A_217 : memref<10240x128xf32, #tpu.memory_space<vmem_shared>>) offsets(%dma_start3A_214 : memref<80xi32, #tpu.memory_space<vmem>>) semaphore(%run_scoped3A_211 : memref<!tpu.dma_semaphore, #tpu.memory_space<semaphore_mem>>) {add = true}
        %dma_wait3A_218 = arith.constant 0 : i32
        %dma_wait3A_219 = tpu.memref_slice %arg10[%add3A_180, %dma_wait3A_218] : memref<32x80xi32, #tpu.memory_space<vmem>> -> memref<1x80xi32, #tpu.memory_space<vmem>>
        %dma_wait3A_220 = tpu.memref_squeeze %dma_wait3A_219 : memref<1x80xi32, #tpu.memory_space<vmem>> -> memref<80xi32, #tpu.memory_space<vmem>>
        %dma_wait3A_221 = arith.constant 0 : i32
        %dma_wait3A_222 = arith.constant 0 : i32
        %dma_wait3A_223 = tpu.memref_slice %arg13[%dma_wait3A_221, %dma_wait3A_222] : memref<10240x128xf32, #tpu.memory_space<vmem_shared>> -> memref<10240x128xf32, #tpu.memory_space<vmem_shared>>
        tpu.wait_indirect_dma semaphore(%run_scoped3A_211 : memref<!tpu.dma_semaphore, #tpu.memory_space<semaphore_mem>>) src(%arg11 : memref<80x128xf32, #tpu.memory_space<vmem>>) dst(%dma_wait3A_223 : memref<10240x128xf32, #tpu.memory_space<vmem_shared>>)
        tpu.yield
      }) : () -> ()
      %add3A_195 = arith.constant 2 : i32
      %add3A_196 = arith.addi %add3A_180, %add3A_195 : i32
      %lt3A = arith.constant 32 : i32
      %lt3A_197 = arith.cmpi slt, %add3A_196, %lt3A : i32
      %convert_element_type3A_198 = arith.extui %lt3A_197 : i1 to i32
      %cond3A_199 = arith.constant 0 : i32
      %cond3A_200 = arith.cmpi ne, %convert_element_type3A_198, %cond3A_199 : i32
      scf.if %cond3A_200 {
        %add3A_211 = arith.constant 2 : i32
        %add3A_212 = arith.addi %add3A_180, %add3A_211 : i32
        %dma_start3A_213 = arith.constant 0 : i32
        %dma_start3A_214 = tpu.memref_slice %arg8[%add3A_212, %dma_start3A_213] : memref<32x80xi32, #tpu.memory_space<vmem>> -> memref<1x80xi32, #tpu.memory_space<vmem>>
        %dma_start3A_215 = tpu.memref_squeeze %dma_start3A_214 : memref<1x80xi32, #tpu.memory_space<vmem>> -> memref<80xi32, #tpu.memory_space<vmem>>
        %dma_start3A_216 = arith.constant 0 : i32
        %dma_start3A_217 = arith.constant 0 : i32
        %dma_start3A_218 = tpu.memref_slice %arg2[%dma_start3A_216, %dma_start3A_217] : memref<10240x128xf32, #tpu.memory_space<hbm>> -> memref<10240x128xf32, #tpu.memory_space<hbm>>
        tpu.enqueue_indirect_dma source(%dma_start3A_218 : memref<10240x128xf32, #tpu.memory_space<hbm>>) target(%arg11 : memref<80x128xf32, #tpu.memory_space<vmem>>) offsets(%dma_start3A_215 : memref<80xi32, #tpu.memory_space<vmem>>) semaphore(%arg14 : memref<!tpu.dma_semaphore, #tpu.memory_space<semaphore_mem>>)
      } else {
      }
      %add3A_201 = arith.constant 1 : i32
      %add3A_202 = arith.addi %add3A_180, %add3A_201 : i32
      %dma_wait3A_203 = arith.constant 0 : i32
      %dma_wait3A_204 = tpu.memref_slice %arg8[%add3A_202, %dma_wait3A_203] : memref<32x80xi32, #tpu.memory_space<vmem>> -> memref<1x80xi32, #tpu.memory_space<vmem>>
      %dma_wait3A_205 = tpu.memref_squeeze %dma_wait3A_204 : memref<1x80xi32, #tpu.memory_space<vmem>> -> memref<80xi32, #tpu.memory_space<vmem>>
      %dma_wait3A_206 = arith.constant 0 : i32
      %dma_wait3A_207 = arith.constant 0 : i32
      %dma_wait3A_208 = tpu.memref_slice %arg2[%dma_wait3A_206, %dma_wait3A_207] : memref<10240x128xf32, #tpu.memory_space<hbm>> -> memref<10240x128xf32, #tpu.memory_space<hbm>>
      tpu.wait_indirect_dma semaphore(%arg15 : memref<!tpu.dma_semaphore, #tpu.memory_space<semaphore_mem>>) src(%dma_wait3A_208 : memref<10240x128xf32, #tpu.memory_space<hbm>>) dst(%arg12 : memref<80x128xf32, #tpu.memory_space<vmem>>)
      %add3A_209 = arith.constant 1 : i32
      %add3A_210 = arith.addi %add3A_180, %add3A_209 : i32
      "tpu.region"() ({
        %run_scoped3A_211 = tpu.sem_alloc : memref<!tpu.dma_semaphore, #tpu.memory_space<semaphore_mem>>
        %dma_start3A_212 = arith.constant 0 : i32
        %dma_start3A_213 = tpu.memref_slice %arg10[%add3A_210, %dma_start3A_212] : memref<32x80xi32, #tpu.memory_space<vmem>> -> memref<1x80xi32, #tpu.memory_space<vmem>>
        %dma_start3A_214 = tpu.memref_squeeze %dma_start3A_213 : memref<1x80xi32, #tpu.memory_space<vmem>> -> memref<80xi32, #tpu.memory_space<vmem>>
        %dma_start3A_215 = arith.constant 0 : i32
        %dma_start3A_216 = arith.constant 0 : i32
        %dma_start3A_217 = tpu.memref_slice %arg13[%dma_start3A_215, %dma_start3A_216] : memref<10240x128xf32, #tpu.memory_space<vmem_shared>> -> memref<10240x128xf32, #tpu.memory_space<vmem_shared>>
        tpu.enqueue_indirect_dma source(%arg12 : memref<80x128xf32, #tpu.memory_space<vmem>>) target(%dma_start3A_217 : memref<10240x128xf32, #tpu.memory_space<vmem_shared>>) offsets(%dma_start3A_214 : memref<80xi32, #tpu.memory_space<vmem>>) semaphore(%run_scoped3A_211 : memref<!tpu.dma_semaphore, #tpu.memory_space<semaphore_mem>>) {add = true}
        %dma_wait3A_218 = arith.constant 0 : i32
        %dma_wait3A_219 = tpu.memref_slice %arg10[%add3A_210, %dma_wait3A_218] : memref<32x80xi32, #tpu.memory_space<vmem>> -> memref<1x80xi32, #tpu.memory_space<vmem>>
        %dma_wait3A_220 = tpu.memref_squeeze %dma_wait3A_219 : memref<1x80xi32, #tpu.memory_space<vmem>> -> memref<80xi32, #tpu.memory_space<vmem>>
        %dma_wait3A_221 = arith.constant 0 : i32
        %dma_wait3A_222 = arith.constant 0 : i32
        %dma_wait3A_223 = tpu.memref_slice %arg13[%dma_wait3A_221, %dma_wait3A_222] : memref<10240x128xf32, #tpu.memory_space<vmem_shared>> -> memref<10240x128xf32, #tpu.memory_space<vmem_shared>>
        tpu.wait_indirect_dma semaphore(%run_scoped3A_211 : memref<!tpu.dma_semaphore, #tpu.memory_space<semaphore_mem>>) src(%arg12 : memref<80x128xf32, #tpu.memory_space<vmem>>) dst(%dma_wait3A_223 : memref<10240x128xf32, #tpu.memory_space<vmem_shared>>)
        tpu.yield
      }) : () -> ()
    }
    %scan3A_167 = arith.constant 16 : i32
    %barrier3A_168 = arith.constant 0 : index
    tpu.barrier barrier_id(%barrier3A_168)
    %eq3A = arith.constant 0 : i32
    %eq3A_169 = arith.cmpi eq, %arg0, %eq3A : i32
    %convert_element_type3A = arith.extui %eq3A_169 : i1 to i32
    %cond3A = arith.constant 0 : i32
    %cond3A_170 = arith.cmpi ne, %convert_element_type3A, %cond3A : i32
    scf.if %cond3A_170 {
      "tpu.region"() ({
        %run_scoped3A_176 = tpu.sem_alloc : memref<!tpu.dma_semaphore, #tpu.memory_space<semaphore_mem>>
        %dma_start3A_177 = arith.constant 0 : i32
        %dma_start3A_178 = tpu.memref_slice %arg5[%mul3A_0, %dma_start3A_177] : memref<10240x128xf32, #tpu.memory_space<hbm>> -> memref<640x128xf32, #tpu.memory_space<hbm>>
        %dma_start3A_179 = arith.constant 0 : i32
        %dma_start3A_180 = tpu.memref_slice %arg13[%mul3A_0, %dma_start3A_179] : memref<10240x128xf32, #tpu.memory_space<vmem_shared>> -> memref<640x128xf32, #tpu.memory_space<vmem_shared>>
        tpu.enqueue_dma source(%dma_start3A_180 : memref<640x128xf32, #tpu.memory_space<vmem_shared>>) target(%dma_start3A_178 : memref<640x128xf32, #tpu.memory_space<hbm>>) target_semaphore(%run_scoped3A_176 : memref<!tpu.dma_semaphore, #tpu.memory_space<semaphore_mem>>)
        %dma_wait3A_181 = arith.constant 0 : i32
        %dma_wait3A_182 = tpu.memref_slice %arg5[%mul3A_0, %dma_wait3A_181] : memref<10240x128xf32, #tpu.memory_space<hbm>> -> memref<640x128xf32, #tpu.memory_space<hbm>>
        %dma_wait3A_183 = arith.constant 0 : i32
        %dma_wait3A_184 = tpu.memref_slice %arg13[%mul3A_0, %dma_wait3A_183] : memref<10240x128xf32, #tpu.memory_space<vmem_shared>> -> memref<640x128xf32, #tpu.memory_space<vmem_shared>>
        tpu.wait_dma2 semaphore(%run_scoped3A_176 : memref<!tpu.dma_semaphore, #tpu.memory_space<semaphore_mem>>) src(%dma_wait3A_184 : memref<640x128xf32, #tpu.memory_space<vmem_shared>>) dst(%dma_wait3A_182 : memref<640x128xf32, #tpu.memory_space<hbm>>)
        tpu.yield
      }) : () -> ()
    } else {
    }
    %eq3A_171 = arith.constant 1 : i32
    %eq3A_172 = arith.cmpi eq, %arg0, %eq3A_171 : i32
    %convert_element_type3A_173 = arith.extui %eq3A_172 : i1 to i32
    %cond3A_174 = arith.constant 0 : i32
    %cond3A_175 = arith.cmpi ne, %convert_element_type3A_173, %cond3A_174 : i32
    scf.if %cond3A_175 {
      "tpu.region"() ({
        %run_scoped3A_176 = tpu.sem_alloc : memref<!tpu.dma_semaphore, #tpu.memory_space<semaphore_mem>>
        %dma_start3A_177 = arith.constant 0 : i32
        %dma_start3A_178 = tpu.memref_slice %arg6[%mul3A_0, %dma_start3A_177] : memref<10240x128xf32, #tpu.memory_space<hbm>> -> memref<640x128xf32, #tpu.memory_space<hbm>>
        %dma_start3A_179 = arith.constant 0 : i32
        %dma_start3A_180 = tpu.memref_slice %arg13[%mul3A_0, %dma_start3A_179] : memref<10240x128xf32, #tpu.memory_space<vmem_shared>> -> memref<640x128xf32, #tpu.memory_space<vmem_shared>>
        tpu.enqueue_dma source(%dma_start3A_180 : memref<640x128xf32, #tpu.memory_space<vmem_shared>>) target(%dma_start3A_178 : memref<640x128xf32, #tpu.memory_space<hbm>>) target_semaphore(%run_scoped3A_176 : memref<!tpu.dma_semaphore, #tpu.memory_space<semaphore_mem>>)
        %dma_wait3A_181 = arith.constant 0 : i32
        %dma_wait3A_182 = tpu.memref_slice %arg6[%mul3A_0, %dma_wait3A_181] : memref<10240x128xf32, #tpu.memory_space<hbm>> -> memref<640x128xf32, #tpu.memory_space<hbm>>
        %dma_wait3A_183 = arith.constant 0 : i32
        %dma_wait3A_184 = tpu.memref_slice %arg13[%mul3A_0, %dma_wait3A_183] : memref<10240x128xf32, #tpu.memory_space<vmem_shared>> -> memref<640x128xf32, #tpu.memory_space<vmem_shared>>
        tpu.wait_dma2 semaphore(%run_scoped3A_176 : memref<!tpu.dma_semaphore, #tpu.memory_space<semaphore_mem>>) src(%dma_wait3A_184 : memref<640x128xf32, #tpu.memory_space<vmem_shared>>) dst(%dma_wait3A_182 : memref<640x128xf32, #tpu.memory_space<hbm>>)
        tpu.yield
      }) : () -> ()
    } else {
    }
    return
  }
}

#map = affine_map<(d0, d1) -> (0, 0)>
#map1 = affine_map<(d0, d1) -> (0, 0, 0, 0)>
module attributes {stable_mosaic.version = 14 : i64} {
  func.func @k(%arg0: i32, %arg1: i32, %arg2: memref<10240x128xf32, #tpu.memory_space<hbm>>, %arg3: memref<32x4x32x80xi32, #tpu.memory_space<hbm>>, %arg4: memref<32x4x32x80xi32, #tpu.memory_space<hbm>>, %arg5: memref<10240x128xf32, #tpu.memory_space<hbm>>, %arg6: memref<10240x128xf32, #tpu.memory_space<hbm>>, %arg7: memref<32x80xi32, #tpu.memory_space<vmem>>, %arg8: memref<32x80xi32, #tpu.memory_space<vmem>>, %arg9: memref<32x80xi32, #tpu.memory_space<vmem>>, %arg10: memref<32x80xi32, #tpu.memory_space<vmem>>, %arg11: memref<80x128xf32, #tpu.memory_space<vmem>>, %arg12: memref<80x128xf32, #tpu.memory_space<vmem>>, %arg13: memref<10240x128xf32, #tpu.memory_space<vmem_shared>>, %arg14: memref<!tpu.dma_semaphore, #tpu.memory_space<semaphore_mem>>, %arg15: memref<!tpu.dma_semaphore, #tpu.memory_space<semaphore_mem>>, %arg16: memref<!tpu.dma_semaphore, #tpu.memory_space<semaphore_mem>>) attributes {dimension_semantics = [#tpu.dimension_semantics<core_parallel>, #tpu.dimension_semantics<subcore_parallel>], iteration_bounds = array<i64: 2, 16>, scalar_prefetch = 0 : i64, scratch_operands = 10 : i64, tpu.core_type = #tpu.core_type<sc_vector_subcore>, window_params = [{transform_indices = #map}, {transform_indices = #map1}, {transform_indices = #map1}, {transform_indices = #map}, {transform_indices = #map}]} {
    %mul3A = arith.constant 640 : i32
    %mul3A_0 = arith.muli %arg1, %mul3A : i32
    %broadcast_in_dim3A = arith.constant 0.000000e+00 : f32
    %broadcast_in_dim3A_1 = vector.broadcast %broadcast_in_dim3A : f32 to vector<16xf32>
    %scan3A = arith.constant 0 : i32
    %scan3A_2 = arith.constant 80 : i32
    %scan3A_3 = arith.addi %scan3A, %scan3A_2 : i32
    %scan3A_4 = arith.constant 1 : i32
    scf.for %scan3A_176 = %scan3A to %scan3A_3 step %scan3A_4  : i32 {
      %mul3A_177 = arith.constant 1 : i32
      %mul3A_178 = arith.muli %scan3A_176, %mul3A_177 : i32
      %add3A_179 = arith.constant 0 : i32
      %add3A_180 = arith.addi %add3A_179, %mul3A_178 : i32
      %scan3A_181 = arith.constant 0 : i32
      %scan3A_182 = arith.constant 8 : i32
      %scan3A_183 = arith.addi %scan3A_181, %scan3A_182 : i32
      %scan3A_184 = arith.constant 1 : i32
      scf.for %scan3A_186 = %scan3A_181 to %scan3A_183 step %scan3A_184  : i32 {
        %mul3A_187 = arith.constant 16 : i32
        %mul3A_188 = arith.muli %scan3A_186, %mul3A_187 : i32
        %add3A_189 = arith.constant 0 : i32
        %add3A_190 = arith.addi %add3A_189, %mul3A_188 : i32
        %swap3A = arith.index_cast %add3A_180 : i32 to index
        %swap3A_191 = arith.index_cast %add3A_190 : i32 to index
        %swap3A_192 = tpu.vector_load %arg11[%swap3A, %swap3A_191] {strides = array<i32>} : memref<80x128xf32, #tpu.memory_space<vmem>>, vector<1x16xf32>,
        %swap3A_193 = vector.shape_cast %swap3A_192 : vector<1x16xf32> to vector<16xf32>
        %swap3A_194 = vector.shape_cast %broadcast_in_dim3A_1 : vector<16xf32> to vector<1x16xf32>
        tpu.vector_store %arg11[%swap3A, %swap3A_191], %swap3A_194 {strides = array<i32>} : memref<80x128xf32, #tpu.memory_space<vmem>>, vector<1x16xf32>,
      }
      %scan3A_185 = arith.constant 8 : i32
    }
    %scan3A_5 = arith.constant 80 : i32
    %scan3A_6 = arith.constant 0 : i32
    %scan3A_7 = arith.constant 8 : i32
    %scan3A_8 = arith.addi %scan3A_6, %scan3A_7 : i32
    %scan3A_9 = arith.constant 1 : i32
    scf.for %scan3A_176 = %scan3A_6 to %scan3A_8 step %scan3A_9  : i32 {
      %mul3A_177 = arith.constant 80 : i32
      %mul3A_178 = arith.muli %scan3A_176, %mul3A_177 : i32
      %add3A_179 = arith.constant 0 : i32
      %add3A_180 = arith.addi %add3A_179, %mul3A_178 : i32
      %add3A_181 = arith.addi %mul3A_0, %add3A_180 : i32
      "tpu.region"() ({
        %run_scoped3A_182 = tpu.sem_alloc : memref<!tpu.dma_semaphore, #tpu.memory_space<semaphore_mem>>
        %dma_start3A_183 = arith.constant 0 : i32
        %dma_start3A_184 = tpu.memref_slice %arg13[%add3A_181, %dma_start3A_183] : memref<10240x128xf32, #tpu.memory_space<vmem_shared>> -> memref<80x128xf32, #tpu.memory_space<vmem_shared>>
        %dma_start3A_185 = arith.constant 0 : i32
        %dma_start3A_186 = tpu.memref_slice %arg13[%add3A_181, %dma_start3A_185] : memref<10240x128xf32, #tpu.memory_space<vmem_shared>> -> memref<80x128xf32, #tpu.memory_space<vmem_shared>>
        tpu.enqueue_dma source(%arg11 : memref<80x128xf32, #tpu.memory_space<vmem>>) target(%dma_start3A_186 : memref<80x128xf32, #tpu.memory_space<vmem_shared>>) target_semaphore(%run_scoped3A_182 : memref<!tpu.dma_semaphore, #tpu.memory_space<semaphore_mem>>)
        %dma_wait3A_187 = arith.constant 0 : i32
        %dma_wait3A_188 = tpu.memref_slice %arg13[%add3A_181, %dma_wait3A_187] : memref<10240x128xf32, #tpu.memory_space<vmem_shared>> -> memref<80x128xf32, #tpu.memory_space<vmem_shared>>
        %dma_wait3A_189 = arith.constant 0 : i32
        %dma_wait3A_190 = tpu.memref_slice %arg13[%add3A_181, %dma_wait3A_189] : memref<10240x128xf32, #tpu.memory_space<vmem_shared>> -> memref<80x128xf32, #tpu.memory_space<vmem_shared>>
        tpu.wait_dma2 semaphore(%run_scoped3A_182 : memref<!tpu.dma_semaphore, #tpu.memory_space<semaphore_mem>>) src(%arg11 : memref<80x128xf32, #tpu.memory_space<vmem>>) dst(%dma_wait3A_190 : memref<80x128xf32, #tpu.memory_space<vmem_shared>>)
        tpu.yield
      }) : () -> ()
    }
    %scan3A_10 = arith.constant 8 : i32
    %mul3A_11 = arith.constant 16 : i32
    %mul3A_12 = arith.muli %arg0, %mul3A_11 : i32
    %add3A = arith.addi %mul3A_12, %arg1 : i32
    %run_scoped3A = arith.constant 0 : i32
    "tpu.region"() ({
      %run_scoped3A_176 = tpu.sem_alloc : memref<!tpu.dma_semaphore, #tpu.memory_space<semaphore_mem>>
      %dma_start3A_177 = arith.constant 0 : i32
      %dma_start3A_178 = arith.constant 0 : i32
      %dma_start3A_179 = tpu.memref_slice %arg3[%add3A, %run_scoped3A, %dma_start3A_177, %dma_start3A_178] : memref<32x4x32x80xi32, #tpu.memory_space<hbm>> -> memref<1x1x32x80xi32, #tpu.memory_space<hbm>>
      %dma_start3A_180 = tpu.memref_squeeze %dma_start3A_179 : memref<1x1x32x80xi32, #tpu.memory_space<hbm>> -> memref<32x80xi32, #tpu.memory_space<hbm>>
      %dma_start3A_181 = arith.constant 0 : i32
      %dma_start3A_182 = arith.constant 0 : i32
      %dma_start3A_183 = tpu.memref_slice %arg3[%add3A, %run_scoped3A, %dma_start3A_181, %dma_start3A_182] : memref<32x4x32x80xi32, #tpu.memory_space<hbm>> -> memref<1x1x32x80xi32, #tpu.memory_space<hbm>>
      %dma_start3A_184 = tpu.memref_squeeze %dma_start3A_183 : memref<1x1x32x80xi32, #tpu.memory_space<hbm>> -> memref<32x80xi32, #tpu.memory_space<hbm>>
      tpu.enqueue_dma source(%dma_start3A_184 : memref<32x80xi32, #tpu.memory_space<hbm>>) target(%arg7 : memref<32x80xi32, #tpu.memory_space<vmem>>) target_semaphore(%run_scoped3A_176 : memref<!tpu.dma_semaphore, #tpu.memory_space<semaphore_mem>>)
      %dma_wait3A_185 = arith.constant 0 : i32
      %dma_wait3A_186 = arith.constant 0 : i32
      %dma_wait3A_187 = tpu.memref_slice %arg3[%add3A, %run_scoped3A, %dma_wait3A_185, %dma_wait3A_186] : memref<32x4x32x80xi32, #tpu.memory_space<hbm>> -> memref<1x1x32x80xi32, #tpu.memory_space<hbm>>
      %dma_wait3A_188 = tpu.memref_squeeze %dma_wait3A_187 : memref<1x1x32x80xi32, #tpu.memory_space<hbm>> -> memref<32x80xi32, #tpu.memory_space<hbm>>
      %dma_wait3A_189 = arith.constant 0 : i32
      %dma_wait3A_190 = arith.constant 0 : i32
      %dma_wait3A_191 = tpu.memref_slice %arg3[%add3A, %run_scoped3A, %dma_wait3A_189, %dma_wait3A_190] : memref<32x4x32x80xi32, #tpu.memory_space<hbm>> -> memref<1x1x32x80xi32, #tpu.memory_space<hbm>>
      %dma_wait3A_192 = tpu.memref_squeeze %dma_wait3A_191 : memref<1x1x32x80xi32, #tpu.memory_space<hbm>> -> memref<32x80xi32, #tpu.memory_space<hbm>>
      tpu.wait_dma2 semaphore(%run_scoped3A_176 : memref<!tpu.dma_semaphore, #tpu.memory_space<semaphore_mem>>) src(%dma_wait3A_192 : memref<32x80xi32, #tpu.memory_space<hbm>>) dst(%arg7 : memref<32x80xi32, #tpu.memory_space<vmem>>)
      tpu.yield
    }) : () -> ()
    %run_scoped3A_13 = arith.constant 0 : i32
    "tpu.region"() ({
      %run_scoped3A_176 = tpu.sem_alloc : memref<!tpu.dma_semaphore, #tpu.memory_space<semaphore_mem>>
      %dma_start3A_177 = arith.constant 0 : i32
      %dma_start3A_178 = arith.constant 0 : i32
      %dma_start3A_179 = tpu.memref_slice %arg4[%add3A, %run_scoped3A_13, %dma_start3A_177, %dma_start3A_178] : memref<32x4x32x80xi32, #tpu.memory_space<hbm>> -> memref<1x1x32x80xi32, #tpu.memory_space<hbm>>
      %dma_start3A_180 = tpu.memref_squeeze %dma_start3A_179 : memref<1x1x32x80xi32, #tpu.memory_space<hbm>> -> memref<32x80xi32, #tpu.memory_space<hbm>>
      %dma_start3A_181 = arith.constant 0 : i32
      %dma_start3A_182 = arith.constant 0 : i32
      %dma_start3A_183 = tpu.memref_slice %arg4[%add3A, %run_scoped3A_13, %dma_start3A_181, %dma_start3A_182] : memref<32x4x32x80xi32, #tpu.memory_space<hbm>> -> memref<1x1x32x80xi32, #tpu.memory_space<hbm>>
      %dma_start3A_184 = tpu.memref_squeeze %dma_start3A_183 : memref<1x1x32x80xi32, #tpu.memory_space<hbm>> -> memref<32x80xi32, #tpu.memory_space<hbm>>
      tpu.enqueue_dma source(%dma_start3A_184 : memref<32x80xi32, #tpu.memory_space<hbm>>) target(%arg9 : memref<32x80xi32, #tpu.memory_space<vmem>>) target_semaphore(%run_scoped3A_176 : memref<!tpu.dma_semaphore, #tpu.memory_space<semaphore_mem>>)
      %dma_wait3A_185 = arith.constant 0 : i32
      %dma_wait3A_186 = arith.constant 0 : i32
      %dma_wait3A_187 = tpu.memref_slice %arg4[%add3A, %run_scoped3A_13, %dma_wait3A_185, %dma_wait3A_186] : memref<32x4x32x80xi32, #tpu.memory_space<hbm>> -> memref<1x1x32x80xi32, #tpu.memory_space<hbm>>
      %dma_wait3A_188 = tpu.memref_squeeze %dma_wait3A_187 : memref<1x1x32x80xi32, #tpu.memory_space<hbm>> -> memref<32x80xi32, #tpu.memory_space<hbm>>
      %dma_wait3A_189 = arith.constant 0 : i32
      %dma_wait3A_190 = arith.constant 0 : i32
      %dma_wait3A_191 = tpu.memref_slice %arg4[%add3A, %run_scoped3A_13, %dma_wait3A_189, %dma_wait3A_190] : memref<32x4x32x80xi32, #tpu.memory_space<hbm>> -> memref<1x1x32x80xi32, #tpu.memory_space<hbm>>
      %dma_wait3A_192 = tpu.memref_squeeze %dma_wait3A_191 : memref<1x1x32x80xi32, #tpu.memory_space<hbm>> -> memref<32x80xi32, #tpu.memory_space<hbm>>
      tpu.wait_dma2 semaphore(%run_scoped3A_176 : memref<!tpu.dma_semaphore, #tpu.memory_space<semaphore_mem>>) src(%dma_wait3A_192 : memref<32x80xi32, #tpu.memory_space<hbm>>) dst(%arg9 : memref<32x80xi32, #tpu.memory_space<vmem>>)
      tpu.yield
    }) : () -> ()
    %barrier3A = arith.constant 0 : index
    tpu.barrier barrier_id(%barrier3A)
    %dma_start3A = arith.constant 1 : i32
    %dma_start3A_14 = arith.constant 0 : i32
    %dma_start3A_15 = arith.constant 0 : i32
    %dma_start3A_16 = tpu.memref_slice %arg3[%add3A, %dma_start3A, %dma_start3A_14, %dma_start3A_15] : memref<32x4x32x80xi32, #tpu.memory_space<hbm>> -> memref<1x1x32x80xi32, #tpu.memory_space<hbm>>
    %dma_start3A_17 = tpu.memref_squeeze %dma_start3A_16 : memref<1x1x32x80xi32, #tpu.memory_space<hbm>> -> memref<32x80xi32, #tpu.memory_space<hbm>>
    %dma_start3A_18 = arith.constant 0 : i32
    %dma_start3A_19 = arith.constant 0 : i32
    %dma_start3A_20 = tpu.memref_slice %arg3[%add3A, %dma_start3A, %dma_start3A_18, %dma_start3A_19] : memref<32x4x32x80xi32, #tpu.memory_space<hbm>> -> memref<1x1x32x80xi32, #tpu.memory_space<hbm>>
    %dma_start3A_21 = tpu.memref_squeeze %dma_start3A_20 : memref<1x1x32x80xi32, #tpu.memory_space<hbm>> -> memref<32x80xi32, #tpu.memory_space<hbm>>
    tpu.enqueue_dma source(%dma_start3A_21 : memref<32x80xi32, #tpu.memory_space<hbm>>) target(%arg8 : memref<32x80xi32, #tpu.memory_space<vmem>>) target_semaphore(%arg16 : memref<!tpu.dma_semaphore, #tpu.memory_space<semaphore_mem>>)
    %dma_start3A_22 = arith.constant 1 : i32
    %dma_start3A_23 = arith.constant 0 : i32
    %dma_start3A_24 = arith.constant 0 : i32
    %dma_start3A_25 = tpu.memref_slice %arg4[%add3A, %dma_start3A_22, %dma_start3A_23, %dma_start3A_24] : memref<32x4x32x80xi32, #tpu.memory_space<hbm>> -> memref<1x1x32x80xi32, #tpu.memory_space<hbm>>
    %dma_start3A_26 = tpu.memref_squeeze %dma_start3A_25 : memref<1x1x32x80xi32, #tpu.memory_space<hbm>> -> memref<32x80xi32, #tpu.memory_space<hbm>>
    %dma_start3A_27 = arith.constant 0 : i32
    %dma_start3A_28 = arith.constant 0 : i32
    %dma_start3A_29 = tpu.memref_slice %arg4[%add3A, %dma_start3A_22, %dma_start3A_27, %dma_start3A_28] : memref<32x4x32x80xi32, #tpu.memory_space<hbm>> -> memref<1x1x32x80xi32, #tpu.memory_space<hbm>>
    %dma_start3A_30 = tpu.memref_squeeze %dma_start3A_29 : memref<1x1x32x80xi32, #tpu.memory_space<hbm>> -> memref<32x80xi32, #tpu.memory_space<hbm>>
    tpu.enqueue_dma source(%dma_start3A_30 : memref<32x80xi32, #tpu.memory_space<hbm>>) target(%arg10 : memref<32x80xi32, #tpu.memory_space<vmem>>) target_semaphore(%arg16 : memref<!tpu.dma_semaphore, #tpu.memory_space<semaphore_mem>>)
    %dma_start3A_31 = arith.constant 0 : i32
    %dma_start3A_32 = arith.constant 0 : i32
    %dma_start3A_33 = tpu.memref_slice %arg7[%dma_start3A_31, %dma_start3A_32] : memref<32x80xi32, #tpu.memory_space<vmem>> -> memref<1x80xi32, #tpu.memory_space<vmem>>
    %dma_start3A_34 = tpu.memref_squeeze %dma_start3A_33 : memref<1x80xi32, #tpu.memory_space<vmem>> -> memref<80xi32, #tpu.memory_space<vmem>>
    %dma_start3A_35 = arith.constant 0 : i32
    %dma_start3A_36 = arith.constant 0 : i32
    %dma_start3A_37 = tpu.memref_slice %arg2[%dma_start3A_35, %dma_start3A_36] : memref<10240x128xf32, #tpu.memory_space<hbm>> -> memref<10240x128xf32, #tpu.memory_space<hbm>>
    tpu.enqueue_indirect_dma source(%dma_start3A_37 : memref<10240x128xf32, #tpu.memory_space<hbm>>) target(%arg11 : memref<80x128xf32, #tpu.memory_space<vmem>>) offsets(%dma_start3A_34 : memref<80xi32, #tpu.memory_space<vmem>>) semaphore(%arg14 : memref<!tpu.dma_semaphore, #tpu.memory_space<semaphore_mem>>)
    %scan3A_38 = arith.constant 0 : i32
    %scan3A_39 = arith.constant 16 : i32
    %scan3A_40 = arith.addi %scan3A_38, %scan3A_39 : i32
    %scan3A_41 = arith.constant 1 : i32
    scf.for %scan3A_176 = %scan3A_38 to %scan3A_40 step %scan3A_41  : i32 {
      %mul3A_177 = arith.constant 2 : i32
      %mul3A_178 = arith.muli %scan3A_176, %mul3A_177 : i32
      %add3A_179 = arith.constant 0 : i32
      %add3A_180 = arith.addi %add3A_179, %mul3A_178 : i32
      %add3A_181 = arith.constant 1 : i32
      %add3A_182 = arith.addi %add3A_180, %add3A_181 : i32
      %dma_start3A_183 = arith.constant 0 : i32
      %dma_start3A_184 = tpu.memref_slice %arg7[%add3A_182, %dma_start3A_183] : memref<32x80xi32, #tpu.memory_space<vmem>> -> memref<1x80xi32, #tpu.memory_space<vmem>>
      %dma_start3A_185 = tpu.memref_squeeze %dma_start3A_184 : memref<1x80xi32, #tpu.memory_space<vmem>> -> memref<80xi32, #tpu.memory_space<vmem>>
      %dma_start3A_186 = arith.constant 0 : i32
      %dma_start3A_187 = arith.constant 0 : i32
      %dma_start3A_188 = tpu.memref_slice %arg2[%dma_start3A_186, %dma_start3A_187] : memref<10240x128xf32, #tpu.memory_space<hbm>> -> memref<10240x128xf32, #tpu.memory_space<hbm>>
      tpu.enqueue_indirect_dma source(%dma_start3A_188 : memref<10240x128xf32, #tpu.memory_space<hbm>>) target(%arg12 : memref<80x128xf32, #tpu.memory_space<vmem>>) offsets(%dma_start3A_185 : memref<80xi32, #tpu.memory_space<vmem>>) semaphore(%arg15 : memref<!tpu.dma_semaphore, #tpu.memory_space<semaphore_mem>>)
      %dma_wait3A_189 = arith.constant 0 : i32
      %dma_wait3A_190 = tpu.memref_slice %arg7[%add3A_180, %dma_wait3A_189] : memref<32x80xi32, #tpu.memory_space<vmem>> -> memref<1x80xi32, #tpu.memory_space<vmem>>
      %dma_wait3A_191 = tpu.memref_squeeze %dma_wait3A_190 : memref<1x80xi32, #tpu.memory_space<vmem>> -> memref<80xi32, #tpu.memory_space<vmem>>
      %dma_wait3A_192 = arith.constant 0 : i32
      %dma_wait3A_193 = arith.constant 0 : i32
      %dma_wait3A_194 = tpu.memref_slice %arg2[%dma_wait3A_192, %dma_wait3A_193] : memref<10240x128xf32, #tpu.memory_space<hbm>> -> memref<10240x128xf32, #tpu.memory_space<hbm>>
      tpu.wait_indirect_dma semaphore(%arg14 : memref<!tpu.dma_semaphore, #tpu.memory_space<semaphore_mem>>) src(%dma_wait3A_194 : memref<10240x128xf32, #tpu.memory_space<hbm>>) dst(%arg11 : memref<80x128xf32, #tpu.memory_space<vmem>>)
      "tpu.region"() ({
        %run_scoped3A_211 = tpu.sem_alloc : memref<!tpu.dma_semaphore, #tpu.memory_space<semaphore_mem>>
        %dma_start3A_212 = arith.constant 0 : i32
        %dma_start3A_213 = tpu.memref_slice %arg9[%add3A_180, %dma_start3A_212] : memref<32x80xi32, #tpu.memory_space<vmem>> -> memref<1x80xi32, #tpu.memory_space<vmem>>
        %dma_start3A_214 = tpu.memref_squeeze %dma_start3A_213 : memref<1x80xi32, #tpu.memory_space<vmem>> -> memref<80xi32, #tpu.memory_space<vmem>>
        %dma_start3A_215 = arith.constant 0 : i32
        %dma_start3A_216 = arith.constant 0 : i32
        %dma_start3A_217 = tpu.memref_slice %arg13[%dma_start3A_215, %dma_start3A_216] : memref<10240x128xf32, #tpu.memory_space<vmem_shared>> -> memref<10240x128xf32, #tpu.memory_space<vmem_shared>>
        tpu.enqueue_indirect_dma source(%arg11 : memref<80x128xf32, #tpu.memory_space<vmem>>) target(%dma_start3A_217 : memref<10240x128xf32, #tpu.memory_space<vmem_shared>>) offsets(%dma_start3A_214 : memref<80xi32, #tpu.memory_space<vmem>>) semaphore(%run_scoped3A_211 : memref<!tpu.dma_semaphore, #tpu.memory_space<semaphore_mem>>) {add = true}
        %dma_wait3A_218 = arith.constant 0 : i32
        %dma_wait3A_219 = tpu.memref_slice %arg9[%add3A_180, %dma_wait3A_218] : memref<32x80xi32, #tpu.memory_space<vmem>> -> memref<1x80xi32, #tpu.memory_space<vmem>>
        %dma_wait3A_220 = tpu.memref_squeeze %dma_wait3A_219 : memref<1x80xi32, #tpu.memory_space<vmem>> -> memref<80xi32, #tpu.memory_space<vmem>>
        %dma_wait3A_221 = arith.constant 0 : i32
        %dma_wait3A_222 = arith.constant 0 : i32
        %dma_wait3A_223 = tpu.memref_slice %arg13[%dma_wait3A_221, %dma_wait3A_222] : memref<10240x128xf32, #tpu.memory_space<vmem_shared>> -> memref<10240x128xf32, #tpu.memory_space<vmem_shared>>
        tpu.wait_indirect_dma semaphore(%run_scoped3A_211 : memref<!tpu.dma_semaphore, #tpu.memory_space<semaphore_mem>>) src(%arg11 : memref<80x128xf32, #tpu.memory_space<vmem>>) dst(%dma_wait3A_223 : memref<10240x128xf32, #tpu.memory_space<vmem_shared>>)
        tpu.yield
      }) : () -> ()
      %add3A_195 = arith.constant 2 : i32
      %add3A_196 = arith.addi %add3A_180, %add3A_195 : i32
      %lt3A = arith.constant 32 : i32
      %lt3A_197 = arith.cmpi slt, %add3A_196, %lt3A : i32
      %convert_element_type3A_198 = arith.extui %lt3A_197 : i1 to i32
      %cond3A_199 = arith.constant 0 : i32
      %cond3A_200 = arith.cmpi ne, %convert_element_type3A_198, %cond3A_199 : i32
      scf.if %cond3A_200 {
        %add3A_211 = arith.constant 2 : i32
        %add3A_212 = arith.addi %add3A_180, %add3A_211 : i32
        %dma_start3A_213 = arith.constant 0 : i32
        %dma_start3A_214 = tpu.memref_slice %arg7[%add3A_212, %dma_start3A_213] : memref<32x80xi32, #tpu.memory_space<vmem>> -> memref<1x80xi32, #tpu.memory_space<vmem>>
        %dma_start3A_215 = tpu.memref_squeeze %dma_start3A_214 : memref<1x80xi32, #tpu.memory_space<vmem>> -> memref<80xi32, #tpu.memory_space<vmem>>
        %dma_start3A_216 = arith.constant 0 : i32
        %dma_start3A_217 = arith.constant 0 : i32
        %dma_start3A_218 = tpu.memref_slice %arg2[%dma_start3A_216, %dma_start3A_217] : memref<10240x128xf32, #tpu.memory_space<hbm>> -> memref<10240x128xf32, #tpu.memory_space<hbm>>
        tpu.enqueue_indirect_dma source(%dma_start3A_218 : memref<10240x128xf32, #tpu.memory_space<hbm>>) target(%arg11 : memref<80x128xf32, #tpu.memory_space<vmem>>) offsets(%dma_start3A_215 : memref<80xi32, #tpu.memory_space<vmem>>) semaphore(%arg14 : memref<!tpu.dma_semaphore, #tpu.memory_space<semaphore_mem>>)
      } else {
      }
      %add3A_201 = arith.constant 1 : i32
      %add3A_202 = arith.addi %add3A_180, %add3A_201 : i32
      %dma_wait3A_203 = arith.constant 0 : i32
      %dma_wait3A_204 = tpu.memref_slice %arg7[%add3A_202, %dma_wait3A_203] : memref<32x80xi32, #tpu.memory_space<vmem>> -> memref<1x80xi32, #tpu.memory_space<vmem>>
      %dma_wait3A_205 = tpu.memref_squeeze %dma_wait3A_204 : memref<1x80xi32, #tpu.memory_space<vmem>> -> memref<80xi32, #tpu.memory_space<vmem>>
      %dma_wait3A_206 = arith.constant 0 : i32
      %dma_wait3A_207 = arith.constant 0 : i32
      %dma_wait3A_208 = tpu.memref_slice %arg2[%dma_wait3A_206, %dma_wait3A_207] : memref<10240x128xf32, #tpu.memory_space<hbm>> -> memref<10240x128xf32, #tpu.memory_space<hbm>>
      tpu.wait_indirect_dma semaphore(%arg15 : memref<!tpu.dma_semaphore, #tpu.memory_space<semaphore_mem>>) src(%dma_wait3A_208 : memref<10240x128xf32, #tpu.memory_space<hbm>>) dst(%arg12 : memref<80x128xf32, #tpu.memory_space<vmem>>)
      %add3A_209 = arith.constant 1 : i32
      %add3A_210 = arith.addi %add3A_180, %add3A_209 : i32
      "tpu.region"() ({
        %run_scoped3A_211 = tpu.sem_alloc : memref<!tpu.dma_semaphore, #tpu.memory_space<semaphore_mem>>
        %dma_start3A_212 = arith.constant 0 : i32
        %dma_start3A_213 = tpu.memref_slice %arg9[%add3A_210, %dma_start3A_212] : memref<32x80xi32, #tpu.memory_space<vmem>> -> memref<1x80xi32, #tpu.memory_space<vmem>>
        %dma_start3A_214 = tpu.memref_squeeze %dma_start3A_213 : memref<1x80xi32, #tpu.memory_space<vmem>> -> memref<80xi32, #tpu.memory_space<vmem>>
        %dma_start3A_215 = arith.constant 0 : i32
        %dma_start3A_216 = arith.constant 0 : i32
        %dma_start3A_217 = tpu.memref_slice %arg13[%dma_start3A_215, %dma_start3A_216] : memref<10240x128xf32, #tpu.memory_space<vmem_shared>> -> memref<10240x128xf32, #tpu.memory_space<vmem_shared>>
        tpu.enqueue_indirect_dma source(%arg12 : memref<80x128xf32, #tpu.memory_space<vmem>>) target(%dma_start3A_217 : memref<10240x128xf32, #tpu.memory_space<vmem_shared>>) offsets(%dma_start3A_214 : memref<80xi32, #tpu.memory_space<vmem>>) semaphore(%run_scoped3A_211 : memref<!tpu.dma_semaphore, #tpu.memory_space<semaphore_mem>>) {add = true}
        %dma_wait3A_218 = arith.constant 0 : i32
        %dma_wait3A_219 = tpu.memref_slice %arg9[%add3A_210, %dma_wait3A_218] : memref<32x80xi32, #tpu.memory_space<vmem>> -> memref<1x80xi32, #tpu.memory_space<vmem>>
        %dma_wait3A_220 = tpu.memref_squeeze %dma_wait3A_219 : memref<1x80xi32, #tpu.memory_space<vmem>> -> memref<80xi32, #tpu.memory_space<vmem>>
        %dma_wait3A_221 = arith.constant 0 : i32
        %dma_wait3A_222 = arith.constant 0 : i32
        %dma_wait3A_223 = tpu.memref_slice %arg13[%dma_wait3A_221, %dma_wait3A_222] : memref<10240x128xf32, #tpu.memory_space<vmem_shared>> -> memref<10240x128xf32, #tpu.memory_space<vmem_shared>>
        tpu.wait_indirect_dma semaphore(%run_scoped3A_211 : memref<!tpu.dma_semaphore, #tpu.memory_space<semaphore_mem>>) src(%arg12 : memref<80x128xf32, #tpu.memory_space<vmem>>) dst(%dma_wait3A_223 : memref<10240x128xf32, #tpu.memory_space<vmem_shared>>)
        tpu.yield
      }) : () -> ()
    }
    %scan3A_42 = arith.constant 16 : i32
    %dma_wait3A = arith.constant 1 : i32
    %dma_wait3A_43 = arith.constant 0 : i32
    %dma_wait3A_44 = arith.constant 0 : i32
    %dma_wait3A_45 = tpu.memref_slice %arg3[%add3A, %dma_wait3A, %dma_wait3A_43, %dma_wait3A_44] : memref<32x4x32x80xi32, #tpu.memory_space<hbm>> -> memref<1x1x32x80xi32, #tpu.memory_space<hbm>>
    %dma_wait3A_46 = tpu.memref_squeeze %dma_wait3A_45 : memref<1x1x32x80xi32, #tpu.memory_space<hbm>> -> memref<32x80xi32, #tpu.memory_space<hbm>>
    %dma_wait3A_47 = arith.constant 0 : i32
    %dma_wait3A_48 = arith.constant 0 : i32
    %dma_wait3A_49 = tpu.memref_slice %arg3[%add3A, %dma_wait3A, %dma_wait3A_47, %dma_wait3A_48] : memref<32x4x32x80xi32, #tpu.memory_space<hbm>> -> memref<1x1x32x80xi32, #tpu.memory_space<hbm>>
    %dma_wait3A_50 = tpu.memref_squeeze %dma_wait3A_49 : memref<1x1x32x80xi32, #tpu.memory_space<hbm>> -> memref<32x80xi32, #tpu.memory_space<hbm>>
    tpu.wait_dma2 semaphore(%arg16 : memref<!tpu.dma_semaphore, #tpu.memory_space<semaphore_mem>>) src(%dma_wait3A_50 : memref<32x80xi32, #tpu.memory_space<hbm>>) dst(%arg8 : memref<32x80xi32, #tpu.memory_space<vmem>>)
    %dma_wait3A_51 = arith.constant 1 : i32
    %dma_wait3A_52 = arith.constant 0 : i32
    %dma_wait3A_53 = arith.constant 0 : i32
    %dma_wait3A_54 = tpu.memref_slice %arg4[%add3A, %dma_wait3A_51, %dma_wait3A_52, %dma_wait3A_53] : memref<32x4x32x80xi32, #tpu.memory_space<hbm>> -> memref<1x1x32x80xi32, #tpu.memory_space<hbm>>
    %dma_wait3A_55 = tpu.memref_squeeze %dma_wait3A_54 : memref<1x1x32x80xi32, #tpu.memory_space<hbm>> -> memref<32x80xi32, #tpu.memory_space<hbm>>
    %dma_wait3A_56 = arith.constant 0 : i32
    %dma_wait3A_57 = arith.constant 0 : i32
    %dma_wait3A_58 = tpu.memref_slice %arg4[%add3A, %dma_wait3A_51, %dma_wait3A_56, %dma_wait3A_57] : memref<32x4x32x80xi32, #tpu.memory_space<hbm>> -> memref<1x1x32x80xi32, #tpu.memory_space<hbm>>
    %dma_wait3A_59 = tpu.memref_squeeze %dma_wait3A_58 : memref<1x1x32x80xi32, #tpu.memory_space<hbm>> -> memref<32x80xi32, #tpu.memory_space<hbm>>
    tpu.wait_dma2 semaphore(%arg16 : memref<!tpu.dma_semaphore, #tpu.memory_space<semaphore_mem>>) src(%dma_wait3A_59 : memref<32x80xi32, #tpu.memory_space<hbm>>) dst(%arg10 : memref<32x80xi32, #tpu.memory_space<vmem>>)
    %dma_start3A_60 = arith.constant 2 : i32
    %dma_start3A_61 = arith.constant 0 : i32
    %dma_start3A_62 = arith.constant 0 : i32
    %dma_start3A_63 = tpu.memref_slice %arg3[%add3A, %dma_start3A_60, %dma_start3A_61, %dma_start3A_62] : memref<32x4x32x80xi32, #tpu.memory_space<hbm>> -> memref<1x1x32x80xi32, #tpu.memory_space<hbm>>
    %dma_start3A_64 = tpu.memref_squeeze %dma_start3A_63 : memref<1x1x32x80xi32, #tpu.memory_space<hbm>> -> memref<32x80xi32, #tpu.memory_space<hbm>>
    %dma_start3A_65 = arith.constant 0 : i32
    %dma_start3A_66 = arith.constant 0 : i32
    %dma_start3A_67 = tpu.memref_slice %arg3[%add3A, %dma_start3A_60, %dma_start3A_65, %dma_start3A_66] : memref<32x4x32x80xi32, #tpu.memory_space<hbm>> -> memref<1x1x32x80xi32, #tpu.memory_space<hbm>>
    %dma_start3A_68 = tpu.memref_squeeze %dma_start3A_67 : memref<1x1x32x80xi32, #tpu.memory_space<hbm>> -> memref<32x80xi32, #tpu.memory_space<hbm>>
    tpu.enqueue_dma source(%dma_start3A_68 : memref<32x80xi32, #tpu.memory_space<hbm>>) target(%arg7 : memref<32x80xi32, #tpu.memory_space<vmem>>) target_semaphore(%arg16 : memref<!tpu.dma_semaphore, #tpu.memory_space<semaphore_mem>>)
    %dma_start3A_69 = arith.constant 2 : i32
    %dma_start3A_70 = arith.constant 0 : i32
    %dma_start3A_71 = arith.constant 0 : i32
    %dma_start3A_72 = tpu.memref_slice %arg4[%add3A, %dma_start3A_69, %dma_start3A_70, %dma_start3A_71] : memref<32x4x32x80xi32, #tpu.memory_space<hbm>> -> memref<1x1x32x80xi32, #tpu.memory_space<hbm>>
    %dma_start3A_73 = tpu.memref_squeeze %dma_start3A_72 : memref<1x1x32x80xi32, #tpu.memory_space<hbm>> -> memref<32x80xi32, #tpu.memory_space<hbm>>
    %dma_start3A_74 = arith.constant 0 : i32
    %dma_start3A_75 = arith.constant 0 : i32
    %dma_start3A_76 = tpu.memref_slice %arg4[%add3A, %dma_start3A_69, %dma_start3A_74, %dma_start3A_75] : memref<32x4x32x80xi32, #tpu.memory_space<hbm>> -> memref<1x1x32x80xi32, #tpu.memory_space<hbm>>
    %dma_start3A_77 = tpu.memref_squeeze %dma_start3A_76 : memref<1x1x32x80xi32, #tpu.memory_space<hbm>> -> memref<32x80xi32, #tpu.memory_space<hbm>>
    tpu.enqueue_dma source(%dma_start3A_77 : memref<32x80xi32, #tpu.memory_space<hbm>>) target(%arg9 : memref<32x80xi32, #tpu.memory_space<vmem>>) target_semaphore(%arg16 : memref<!tpu.dma_semaphore, #tpu.memory_space<semaphore_mem>>)
    %dma_start3A_78 = arith.constant 0 : i32
    %dma_start3A_79 = arith.constant 0 : i32
    %dma_start3A_80 = tpu.memref_slice %arg8[%dma_start3A_78, %dma_start3A_79] : memref<32x80xi32, #tpu.memory_space<vmem>> -> memref<1x80xi32, #tpu.memory_space<vmem>>
    %dma_start3A_81 = tpu.memref_squeeze %dma_start3A_80 : memref<1x80xi32, #tpu.memory_space<vmem>> -> memref<80xi32, #tpu.memory_space<vmem>>
    %dma_start3A_82 = arith.constant 0 : i32
    %dma_start3A_83 = arith.constant 0 : i32
    %dma_start3A_84 = tpu.memref_slice %arg2[%dma_start3A_82, %dma_start3A_83] : memref<10240x128xf32, #tpu.memory_space<hbm>> -> memref<10240x128xf32, #tpu.memory_space<hbm>>
    tpu.enqueue_indirect_dma source(%dma_start3A_84 : memref<10240x128xf32, #tpu.memory_space<hbm>>) target(%arg11 : memref<80x128xf32, #tpu.memory_space<vmem>>) offsets(%dma_start3A_81 : memref<80xi32, #tpu.memory_space<vmem>>) semaphore(%arg14 : memref<!tpu.dma_semaphore, #tpu.memory_space<semaphore_mem>>)
    %scan3A_85 = arith.constant 0 : i32
    %scan3A_86 = arith.constant 16 : i32
    %scan3A_87 = arith.addi %scan3A_85, %scan3A_86 : i32
    %scan3A_88 = arith.constant 1 : i32
    scf.for %scan3A_176 = %scan3A_85 to %scan3A_87 step %scan3A_88  : i32 {
      %mul3A_177 = arith.constant 2 : i32
      %mul3A_178 = arith.muli %scan3A_176, %mul3A_177 : i32
      %add3A_179 = arith.constant 0 : i32
      %add3A_180 = arith.addi %add3A_179, %mul3A_178 : i32
      %add3A_181 = arith.constant 1 : i32
      %add3A_182 = arith.addi %add3A_180, %add3A_181 : i32
      %dma_start3A_183 = arith.constant 0 : i32
      %dma_start3A_184 = tpu.memref_slice %arg8[%add3A_182, %dma_start3A_183] : memref<32x80xi32, #tpu.memory_space<vmem>> -> memref<1x80xi32, #tpu.memory_space<vmem>>
      %dma_start3A_185 = tpu.memref_squeeze %dma_start3A_184 : memref<1x80xi32, #tpu.memory_space<vmem>> -> memref<80xi32, #tpu.memory_space<vmem>>
      %dma_start3A_186 = arith.constant 0 : i32
      %dma_start3A_187 = arith.constant 0 : i32
      %dma_start3A_188 = tpu.memref_slice %arg2[%dma_start3A_186, %dma_start3A_187] : memref<10240x128xf32, #tpu.memory_space<hbm>> -> memref<10240x128xf32, #tpu.memory_space<hbm>>
      tpu.enqueue_indirect_dma source(%dma_start3A_188 : memref<10240x128xf32, #tpu.memory_space<hbm>>) target(%arg12 : memref<80x128xf32, #tpu.memory_space<vmem>>) offsets(%dma_start3A_185 : memref<80xi32, #tpu.memory_space<vmem>>) semaphore(%arg15 : memref<!tpu.dma_semaphore, #tpu.memory_space<semaphore_mem>>)
      %dma_wait3A_189 = arith.constant 0 : i32
      %dma_wait3A_190 = tpu.memref_slice %arg8[%add3A_180, %dma_wait3A_189] : memref<32x80xi32, #tpu.memory_space<vmem>> -> memref<1x80xi32, #tpu.memory_space<vmem>>
      %dma_wait3A_191 = tpu.memref_squeeze %dma_wait3A_190 : memref<1x80xi32, #tpu.memory_space<vmem>> -> memref<80xi32, #tpu.memory_space<vmem>>
      %dma_wait3A_192 = arith.constant 0 : i32
      %dma_wait3A_193 = arith.constant 0 : i32
      %dma_wait3A_194 = tpu.memref_slice %arg2[%dma_wait3A_192, %dma_wait3A_193] : memref<10240x128xf32, #tpu.memory_space<hbm>> -> memref<10240x128xf32, #tpu.memory_space<hbm>>
      tpu.wait_indirect_dma semaphore(%arg14 : memref<!tpu.dma_semaphore, #tpu.memory_space<semaphore_mem>>) src(%dma_wait3A_194 : memref<10240x128xf32, #tpu.memory_space<hbm>>) dst(%arg11 : memref<80x128xf32, #tpu.memory_space<vmem>>)
      "tpu.region"() ({
        %run_scoped3A_211 = tpu.sem_alloc : memref<!tpu.dma_semaphore, #tpu.memory_space<semaphore_mem>>
        %dma_start3A_212 = arith.constant 0 : i32
        %dma_start3A_213 = tpu.memref_slice %arg10[%add3A_180, %dma_start3A_212] : memref<32x80xi32, #tpu.memory_space<vmem>> -> memref<1x80xi32, #tpu.memory_space<vmem>>
        %dma_start3A_214 = tpu.memref_squeeze %dma_start3A_213 : memref<1x80xi32, #tpu.memory_space<vmem>> -> memref<80xi32, #tpu.memory_space<vmem>>
        %dma_start3A_215 = arith.constant 0 : i32
        %dma_start3A_216 = arith.constant 0 : i32
        %dma_start3A_217 = tpu.memref_slice %arg13[%dma_start3A_215, %dma_start3A_216] : memref<10240x128xf32, #tpu.memory_space<vmem_shared>> -> memref<10240x128xf32, #tpu.memory_space<vmem_shared>>
        tpu.enqueue_indirect_dma source(%arg11 : memref<80x128xf32, #tpu.memory_space<vmem>>) target(%dma_start3A_217 : memref<10240x128xf32, #tpu.memory_space<vmem_shared>>) offsets(%dma_start3A_214 : memref<80xi32, #tpu.memory_space<vmem>>) semaphore(%run_scoped3A_211 : memref<!tpu.dma_semaphore, #tpu.memory_space<semaphore_mem>>) {add = true}
        %dma_wait3A_218 = arith.constant 0 : i32
        %dma_wait3A_219 = tpu.memref_slice %arg10[%add3A_180, %dma_wait3A_218] : memref<32x80xi32, #tpu.memory_space<vmem>> -> memref<1x80xi32, #tpu.memory_space<vmem>>
        %dma_wait3A_220 = tpu.memref_squeeze %dma_wait3A_219 : memref<1x80xi32, #tpu.memory_space<vmem>> -> memref<80xi32, #tpu.memory_space<vmem>>
        %dma_wait3A_221 = arith.constant 0 : i32
        %dma_wait3A_222 = arith.constant 0 : i32
        %dma_wait3A_223 = tpu.memref_slice %arg13[%dma_wait3A_221, %dma_wait3A_222] : memref<10240x128xf32, #tpu.memory_space<vmem_shared>> -> memref<10240x128xf32, #tpu.memory_space<vmem_shared>>
        tpu.wait_indirect_dma semaphore(%run_scoped3A_211 : memref<!tpu.dma_semaphore, #tpu.memory_space<semaphore_mem>>) src(%arg11 : memref<80x128xf32, #tpu.memory_space<vmem>>) dst(%dma_wait3A_223 : memref<10240x128xf32, #tpu.memory_space<vmem_shared>>)
        tpu.yield
      }) : () -> ()
      %add3A_195 = arith.constant 2 : i32
      %add3A_196 = arith.addi %add3A_180, %add3A_195 : i32
      %lt3A = arith.constant 32 : i32
      %lt3A_197 = arith.cmpi slt, %add3A_196, %lt3A : i32
      %convert_element_type3A_198 = arith.extui %lt3A_197 : i1 to i32
      %cond3A_199 = arith.constant 0 : i32
      %cond3A_200 = arith.cmpi ne, %convert_element_type3A_198, %cond3A_199 : i32
      scf.if %cond3A_200 {
        %add3A_211 = arith.constant 2 : i32
        %add3A_212 = arith.addi %add3A_180, %add3A_211 : i32
        %dma_start3A_213 = arith.constant 0 : i32
        %dma_start3A_214 = tpu.memref_slice %arg8[%add3A_212, %dma_start3A_213] : memref<32x80xi32, #tpu.memory_space<vmem>> -> memref<1x80xi32, #tpu.memory_space<vmem>>
        %dma_start3A_215 = tpu.memref_squeeze %dma_start3A_214 : memref<1x80xi32, #tpu.memory_space<vmem>> -> memref<80xi32, #tpu.memory_space<vmem>>
        %dma_start3A_216 = arith.constant 0 : i32
        %dma_start3A_217 = arith.constant 0 : i32
        %dma_start3A_218 = tpu.memref_slice %arg2[%dma_start3A_216, %dma_start3A_217] : memref<10240x128xf32, #tpu.memory_space<hbm>> -> memref<10240x128xf32, #tpu.memory_space<hbm>>
        tpu.enqueue_indirect_dma source(%dma_start3A_218 : memref<10240x128xf32, #tpu.memory_space<hbm>>) target(%arg11 : memref<80x128xf32, #tpu.memory_space<vmem>>) offsets(%dma_start3A_215 : memref<80xi32, #tpu.memory_space<vmem>>) semaphore(%arg14 : memref<!tpu.dma_semaphore, #tpu.memory_space<semaphore_mem>>)
      } else {
      }
      %add3A_201 = arith.constant 1 : i32
      %add3A_202 = arith.addi %add3A_180, %add3A_201 : i32
      %dma_wait3A_203 = arith.constant 0 : i32
      %dma_wait3A_204 = tpu.memref_slice %arg8[%add3A_202, %dma_wait3A_203] : memref<32x80xi32, #tpu.memory_space<vmem>> -> memref<1x80xi32, #tpu.memory_space<vmem>>
      %dma_wait3A_205 = tpu.memref_squeeze %dma_wait3A_204 : memref<1x80xi32, #tpu.memory_space<vmem>> -> memref<80xi32, #tpu.memory_space<vmem>>
      %dma_wait3A_206 = arith.constant 0 : i32
      %dma_wait3A_207 = arith.constant 0 : i32
      %dma_wait3A_208 = tpu.memref_slice %arg2[%dma_wait3A_206, %dma_wait3A_207] : memref<10240x128xf32, #tpu.memory_space<hbm>> -> memref<10240x128xf32, #tpu.memory_space<hbm>>
      tpu.wait_indirect_dma semaphore(%arg15 : memref<!tpu.dma_semaphore, #tpu.memory_space<semaphore_mem>>) src(%dma_wait3A_208 : memref<10240x128xf32, #tpu.memory_space<hbm>>) dst(%arg12 : memref<80x128xf32, #tpu.memory_space<vmem>>)
      %add3A_209 = arith.constant 1 : i32
      %add3A_210 = arith.addi %add3A_180, %add3A_209 : i32
      "tpu.region"() ({
        %run_scoped3A_211 = tpu.sem_alloc : memref<!tpu.dma_semaphore, #tpu.memory_space<semaphore_mem>>
        %dma_start3A_212 = arith.constant 0 : i32
        %dma_start3A_213 = tpu.memref_slice %arg10[%add3A_210, %dma_start3A_212] : memref<32x80xi32, #tpu.memory_space<vmem>> -> memref<1x80xi32, #tpu.memory_space<vmem>>
        %dma_start3A_214 = tpu.memref_squeeze %dma_start3A_213 : memref<1x80xi32, #tpu.memory_space<vmem>> -> memref<80xi32, #tpu.memory_space<vmem>>
        %dma_start3A_215 = arith.constant 0 : i32
        %dma_start3A_216 = arith.constant 0 : i32
        %dma_start3A_217 = tpu.memref_slice %arg13[%dma_start3A_215, %dma_start3A_216] : memref<10240x128xf32, #tpu.memory_space<vmem_shared>> -> memref<10240x128xf32, #tpu.memory_space<vmem_shared>>
        tpu.enqueue_indirect_dma source(%arg12 : memref<80x128xf32, #tpu.memory_space<vmem>>) target(%dma_start3A_217 : memref<10240x128xf32, #tpu.memory_space<vmem_shared>>) offsets(%dma_start3A_214 : memref<80xi32, #tpu.memory_space<vmem>>) semaphore(%run_scoped3A_211 : memref<!tpu.dma_semaphore, #tpu.memory_space<semaphore_mem>>) {add = true}
        %dma_wait3A_218 = arith.constant 0 : i32
        %dma_wait3A_219 = tpu.memref_slice %arg10[%add3A_210, %dma_wait3A_218] : memref<32x80xi32, #tpu.memory_space<vmem>> -> memref<1x80xi32, #tpu.memory_space<vmem>>
        %dma_wait3A_220 = tpu.memref_squeeze %dma_wait3A_219 : memref<1x80xi32, #tpu.memory_space<vmem>> -> memref<80xi32, #tpu.memory_space<vmem>>
        %dma_wait3A_221 = arith.constant 0 : i32
        %dma_wait3A_222 = arith.constant 0 : i32
        %dma_wait3A_223 = tpu.memref_slice %arg13[%dma_wait3A_221, %dma_wait3A_222] : memref<10240x128xf32, #tpu.memory_space<vmem_shared>> -> memref<10240x128xf32, #tpu.memory_space<vmem_shared>>
        tpu.wait_indirect_dma semaphore(%run_scoped3A_211 : memref<!tpu.dma_semaphore, #tpu.memory_space<semaphore_mem>>) src(%arg12 : memref<80x128xf32, #tpu.memory_space<vmem>>) dst(%dma_wait3A_223 : memref<10240x128xf32, #tpu.memory_space<vmem_shared>>)
        tpu.yield
      }) : () -> ()
    }
    %scan3A_89 = arith.constant 16 : i32
    %dma_wait3A_90 = arith.constant 2 : i32
    %dma_wait3A_91 = arith.constant 0 : i32
    %dma_wait3A_92 = arith.constant 0 : i32
    %dma_wait3A_93 = tpu.memref_slice %arg3[%add3A, %dma_wait3A_90, %dma_wait3A_91, %dma_wait3A_92] : memref<32x4x32x80xi32, #tpu.memory_space<hbm>> -> memref<1x1x32x80xi32, #tpu.memory_space<hbm>>
    %dma_wait3A_94 = tpu.memref_squeeze %dma_wait3A_93 : memref<1x1x32x80xi32, #tpu.memory_space<hbm>> -> memref<32x80xi32, #tpu.memory_space<hbm>>
    %dma_wait3A_95 = arith.constant 0 : i32
    %dma_wait3A_96 = arith.constant 0 : i32
    %dma_wait3A_97 = tpu.memref_slice %arg3[%add3A, %dma_wait3A_90, %dma_wait3A_95, %dma_wait3A_96] : memref<32x4x32x80xi32, #tpu.memory_space<hbm>> -> memref<1x1x32x80xi32, #tpu.memory_space<hbm>>
    %dma_wait3A_98 = tpu.memref_squeeze %dma_wait3A_97 : memref<1x1x32x80xi32, #tpu.memory_space<hbm>> -> memref<32x80xi32, #tpu.memory_space<hbm>>
    tpu.wait_dma2 semaphore(%arg16 : memref<!tpu.dma_semaphore, #tpu.memory_space<semaphore_mem>>) src(%dma_wait3A_98 : memref<32x80xi32, #tpu.memory_space<hbm>>) dst(%arg7 : memref<32x80xi32, #tpu.memory_space<vmem>>)
    %dma_wait3A_99 = arith.constant 2 : i32
    %dma_wait3A_100 = arith.constant 0 : i32
    %dma_wait3A_101 = arith.constant 0 : i32
    %dma_wait3A_102 = tpu.memref_slice %arg4[%add3A, %dma_wait3A_99, %dma_wait3A_100, %dma_wait3A_101] : memref<32x4x32x80xi32, #tpu.memory_space<hbm>> -> memref<1x1x32x80xi32, #tpu.memory_space<hbm>>
    %dma_wait3A_103 = tpu.memref_squeeze %dma_wait3A_102 : memref<1x1x32x80xi32, #tpu.memory_space<hbm>> -> memref<32x80xi32, #tpu.memory_space<hbm>>
    %dma_wait3A_104 = arith.constant 0 : i32
    %dma_wait3A_105 = arith.constant 0 : i32
    %dma_wait3A_106 = tpu.memref_slice %arg4[%add3A, %dma_wait3A_99, %dma_wait3A_104, %dma_wait3A_105] : memref<32x4x32x80xi32, #tpu.memory_space<hbm>> -> memref<1x1x32x80xi32, #tpu.memory_space<hbm>>
    %dma_wait3A_107 = tpu.memref_squeeze %dma_wait3A_106 : memref<1x1x32x80xi32, #tpu.memory_space<hbm>> -> memref<32x80xi32, #tpu.memory_space<hbm>>
    tpu.wait_dma2 semaphore(%arg16 : memref<!tpu.dma_semaphore, #tpu.memory_space<semaphore_mem>>) src(%dma_wait3A_107 : memref<32x80xi32, #tpu.memory_space<hbm>>) dst(%arg9 : memref<32x80xi32, #tpu.memory_space<vmem>>)
    %dma_start3A_108 = arith.constant 3 : i32
    %dma_start3A_109 = arith.constant 0 : i32
    %dma_start3A_110 = arith.constant 0 : i32
    %dma_start3A_111 = tpu.memref_slice %arg3[%add3A, %dma_start3A_108, %dma_start3A_109, %dma_start3A_110] : memref<32x4x32x80xi32, #tpu.memory_space<hbm>> -> memref<1x1x32x80xi32, #tpu.memory_space<hbm>>
    %dma_start3A_112 = tpu.memref_squeeze %dma_start3A_111 : memref<1x1x32x80xi32, #tpu.memory_space<hbm>> -> memref<32x80xi32, #tpu.memory_space<hbm>>
    %dma_start3A_113 = arith.constant 0 : i32
    %dma_start3A_114 = arith.constant 0 : i32
    %dma_start3A_115 = tpu.memref_slice %arg3[%add3A, %dma_start3A_108, %dma_start3A_113, %dma_start3A_114] : memref<32x4x32x80xi32, #tpu.memory_space<hbm>> -> memref<1x1x32x80xi32, #tpu.memory_space<hbm>>
    %dma_start3A_116 = tpu.memref_squeeze %dma_start3A_115 : memref<1x1x32x80xi32, #tpu.memory_space<hbm>> -> memref<32x80xi32, #tpu.memory_space<hbm>>
    tpu.enqueue_dma source(%dma_start3A_116 : memref<32x80xi32, #tpu.memory_space<hbm>>) target(%arg8 : memref<32x80xi32, #tpu.memory_space<vmem>>) target_semaphore(%arg16 : memref<!tpu.dma_semaphore, #tpu.memory_space<semaphore_mem>>)
    %dma_start3A_117 = arith.constant 3 : i32
    %dma_start3A_118 = arith.constant 0 : i32
    %dma_start3A_119 = arith.constant 0 : i32
    %dma_start3A_120 = tpu.memref_slice %arg4[%add3A, %dma_start3A_117, %dma_start3A_118, %dma_start3A_119] : memref<32x4x32x80xi32, #tpu.memory_space<hbm>> -> memref<1x1x32x80xi32, #tpu.memory_space<hbm>>
    %dma_start3A_121 = tpu.memref_squeeze %dma_start3A_120 : memref<1x1x32x80xi32, #tpu.memory_space<hbm>> -> memref<32x80xi32, #tpu.memory_space<hbm>>
    %dma_start3A_122 = arith.constant 0 : i32
    %dma_start3A_123 = arith.constant 0 : i32
    %dma_start3A_124 = tpu.memref_slice %arg4[%add3A, %dma_start3A_117, %dma_start3A_122, %dma_start3A_123] : memref<32x4x32x80xi32, #tpu.memory_space<hbm>> -> memref<1x1x32x80xi32, #tpu.memory_space<hbm>>
    %dma_start3A_125 = tpu.memref_squeeze %dma_start3A_124 : memref<1x1x32x80xi32, #tpu.memory_space<hbm>> -> memref<32x80xi32, #tpu.memory_space<hbm>>
    tpu.enqueue_dma source(%dma_start3A_125 : memref<32x80xi32, #tpu.memory_space<hbm>>) target(%arg10 : memref<32x80xi32, #tpu.memory_space<vmem>>) target_semaphore(%arg16 : memref<!tpu.dma_semaphore, #tpu.memory_space<semaphore_mem>>)
    %dma_start3A_126 = arith.constant 0 : i32
    %dma_start3A_127 = arith.constant 0 : i32
    %dma_start3A_128 = tpu.memref_slice %arg7[%dma_start3A_126, %dma_start3A_127] : memref<32x80xi32, #tpu.memory_space<vmem>> -> memref<1x80xi32, #tpu.memory_space<vmem>>
    %dma_start3A_129 = tpu.memref_squeeze %dma_start3A_128 : memref<1x80xi32, #tpu.memory_space<vmem>> -> memref<80xi32, #tpu.memory_space<vmem>>
    %dma_start3A_130 = arith.constant 0 : i32
    %dma_start3A_131 = arith.constant 0 : i32
    %dma_start3A_132 = tpu.memref_slice %arg2[%dma_start3A_130, %dma_start3A_131] : memref<10240x128xf32, #tpu.memory_space<hbm>> -> memref<10240x128xf32, #tpu.memory_space<hbm>>
    tpu.enqueue_indirect_dma source(%dma_start3A_132 : memref<10240x128xf32, #tpu.memory_space<hbm>>) target(%arg11 : memref<80x128xf32, #tpu.memory_space<vmem>>) offsets(%dma_start3A_129 : memref<80xi32, #tpu.memory_space<vmem>>) semaphore(%arg14 : memref<!tpu.dma_semaphore, #tpu.memory_space<semaphore_mem>>)
    %scan3A_133 = arith.constant 0 : i32
    %scan3A_134 = arith.constant 16 : i32
    %scan3A_135 = arith.addi %scan3A_133, %scan3A_134 : i32
    %scan3A_136 = arith.constant 1 : i32
    scf.for %scan3A_176 = %scan3A_133 to %scan3A_135 step %scan3A_136  : i32 {
      %mul3A_177 = arith.constant 2 : i32
      %mul3A_178 = arith.muli %scan3A_176, %mul3A_177 : i32
      %add3A_179 = arith.constant 0 : i32
      %add3A_180 = arith.addi %add3A_179, %mul3A_178 : i32
      %add3A_181 = arith.constant 1 : i32
      %add3A_182 = arith.addi %add3A_180, %add3A_181 : i32
      %dma_start3A_183 = arith.constant 0 : i32
      %dma_start3A_184 = tpu.memref_slice %arg7[%add3A_182, %dma_start3A_183] : memref<32x80xi32, #tpu.memory_space<vmem>> -> memref<1x80xi32, #tpu.memory_space<vmem>>
      %dma_start3A_185 = tpu.memref_squeeze %dma_start3A_184 : memref<1x80xi32, #tpu.memory_space<vmem>> -> memref<80xi32, #tpu.memory_space<vmem>>
      %dma_start3A_186 = arith.constant 0 : i32
      %dma_start3A_187 = arith.constant 0 : i32
      %dma_start3A_188 = tpu.memref_slice %arg2[%dma_start3A_186, %dma_start3A_187] : memref<10240x128xf32, #tpu.memory_space<hbm>> -> memref<10240x128xf32, #tpu.memory_space<hbm>>
      tpu.enqueue_indirect_dma source(%dma_start3A_188 : memref<10240x128xf32, #tpu.memory_space<hbm>>) target(%arg12 : memref<80x128xf32, #tpu.memory_space<vmem>>) offsets(%dma_start3A_185 : memref<80xi32, #tpu.memory_space<vmem>>) semaphore(%arg15 : memref<!tpu.dma_semaphore, #tpu.memory_space<semaphore_mem>>)
      %dma_wait3A_189 = arith.constant 0 : i32
      %dma_wait3A_190 = tpu.memref_slice %arg7[%add3A_180, %dma_wait3A_189] : memref<32x80xi32, #tpu.memory_space<vmem>> -> memref<1x80xi32, #tpu.memory_space<vmem>>
      %dma_wait3A_191 = tpu.memref_squeeze %dma_wait3A_190 : memref<1x80xi32, #tpu.memory_space<vmem>> -> memref<80xi32, #tpu.memory_space<vmem>>
      %dma_wait3A_192 = arith.constant 0 : i32
      %dma_wait3A_193 = arith.constant 0 : i32
      %dma_wait3A_194 = tpu.memref_slice %arg2[%dma_wait3A_192, %dma_wait3A_193] : memref<10240x128xf32, #tpu.memory_space<hbm>> -> memref<10240x128xf32, #tpu.memory_space<hbm>>
      tpu.wait_indirect_dma semaphore(%arg14 : memref<!tpu.dma_semaphore, #tpu.memory_space<semaphore_mem>>) src(%dma_wait3A_194 : memref<10240x128xf32, #tpu.memory_space<hbm>>) dst(%arg11 : memref<80x128xf32, #tpu.memory_space<vmem>>)
      "tpu.region"() ({
        %run_scoped3A_211 = tpu.sem_alloc : memref<!tpu.dma_semaphore, #tpu.memory_space<semaphore_mem>>
        %dma_start3A_212 = arith.constant 0 : i32
        %dma_start3A_213 = tpu.memref_slice %arg9[%add3A_180, %dma_start3A_212] : memref<32x80xi32, #tpu.memory_space<vmem>> -> memref<1x80xi32, #tpu.memory_space<vmem>>
        %dma_start3A_214 = tpu.memref_squeeze %dma_start3A_213 : memref<1x80xi32, #tpu.memory_space<vmem>> -> memref<80xi32, #tpu.memory_space<vmem>>
        %dma_start3A_215 = arith.constant 0 : i32
        %dma_start3A_216 = arith.constant 0 : i32
        %dma_start3A_217 = tpu.memref_slice %arg13[%dma_start3A_215, %dma_start3A_216] : memref<10240x128xf32, #tpu.memory_space<vmem_shared>> -> memref<10240x128xf32, #tpu.memory_space<vmem_shared>>
        tpu.enqueue_indirect_dma source(%arg11 : memref<80x128xf32, #tpu.memory_space<vmem>>) target(%dma_start3A_217 : memref<10240x128xf32, #tpu.memory_space<vmem_shared>>) offsets(%dma_start3A_214 : memref<80xi32, #tpu.memory_space<vmem>>) semaphore(%run_scoped3A_211 : memref<!tpu.dma_semaphore, #tpu.memory_space<semaphore_mem>>) {add = true}
        %dma_wait3A_218 = arith.constant 0 : i32
        %dma_wait3A_219 = tpu.memref_slice %arg9[%add3A_180, %dma_wait3A_218] : memref<32x80xi32, #tpu.memory_space<vmem>> -> memref<1x80xi32, #tpu.memory_space<vmem>>
        %dma_wait3A_220 = tpu.memref_squeeze %dma_wait3A_219 : memref<1x80xi32, #tpu.memory_space<vmem>> -> memref<80xi32, #tpu.memory_space<vmem>>
        %dma_wait3A_221 = arith.constant 0 : i32
        %dma_wait3A_222 = arith.constant 0 : i32
        %dma_wait3A_223 = tpu.memref_slice %arg13[%dma_wait3A_221, %dma_wait3A_222] : memref<10240x128xf32, #tpu.memory_space<vmem_shared>> -> memref<10240x128xf32, #tpu.memory_space<vmem_shared>>
        tpu.wait_indirect_dma semaphore(%run_scoped3A_211 : memref<!tpu.dma_semaphore, #tpu.memory_space<semaphore_mem>>) src(%arg11 : memref<80x128xf32, #tpu.memory_space<vmem>>) dst(%dma_wait3A_223 : memref<10240x128xf32, #tpu.memory_space<vmem_shared>>)
        tpu.yield
      }) : () -> ()
      %add3A_195 = arith.constant 2 : i32
      %add3A_196 = arith.addi %add3A_180, %add3A_195 : i32
      %lt3A = arith.constant 32 : i32
      %lt3A_197 = arith.cmpi slt, %add3A_196, %lt3A : i32
      %convert_element_type3A_198 = arith.extui %lt3A_197 : i1 to i32
      %cond3A_199 = arith.constant 0 : i32
      %cond3A_200 = arith.cmpi ne, %convert_element_type3A_198, %cond3A_199 : i32
      scf.if %cond3A_200 {
        %add3A_211 = arith.constant 2 : i32
        %add3A_212 = arith.addi %add3A_180, %add3A_211 : i32
        %dma_start3A_213 = arith.constant 0 : i32
        %dma_start3A_214 = tpu.memref_slice %arg7[%add3A_212, %dma_start3A_213] : memref<32x80xi32, #tpu.memory_space<vmem>> -> memref<1x80xi32, #tpu.memory_space<vmem>>
        %dma_start3A_215 = tpu.memref_squeeze %dma_start3A_214 : memref<1x80xi32, #tpu.memory_space<vmem>> -> memref<80xi32, #tpu.memory_space<vmem>>
        %dma_start3A_216 = arith.constant 0 : i32
        %dma_start3A_217 = arith.constant 0 : i32
        %dma_start3A_218 = tpu.memref_slice %arg2[%dma_start3A_216, %dma_start3A_217] : memref<10240x128xf32, #tpu.memory_space<hbm>> -> memref<10240x128xf32, #tpu.memory_space<hbm>>
        tpu.enqueue_indirect_dma source(%dma_start3A_218 : memref<10240x128xf32, #tpu.memory_space<hbm>>) target(%arg11 : memref<80x128xf32, #tpu.memory_space<vmem>>) offsets(%dma_start3A_215 : memref<80xi32, #tpu.memory_space<vmem>>) semaphore(%arg14 : memref<!tpu.dma_semaphore, #tpu.memory_space<semaphore_mem>>)
      } else {
      }
      %add3A_201 = arith.constant 1 : i32
      %add3A_202 = arith.addi %add3A_180, %add3A_201 : i32
      %dma_wait3A_203 = arith.constant 0 : i32
      %dma_wait3A_204 = tpu.memref_slice %arg7[%add3A_202, %dma_wait3A_203] : memref<32x80xi32, #tpu.memory_space<vmem>> -> memref<1x80xi32, #tpu.memory_space<vmem>>
      %dma_wait3A_205 = tpu.memref_squeeze %dma_wait3A_204 : memref<1x80xi32, #tpu.memory_space<vmem>> -> memref<80xi32, #tpu.memory_space<vmem>>
      %dma_wait3A_206 = arith.constant 0 : i32
      %dma_wait3A_207 = arith.constant 0 : i32
      %dma_wait3A_208 = tpu.memref_slice %arg2[%dma_wait3A_206, %dma_wait3A_207] : memref<10240x128xf32, #tpu.memory_space<hbm>> -> memref<10240x128xf32, #tpu.memory_space<hbm>>
      tpu.wait_indirect_dma semaphore(%arg15 : memref<!tpu.dma_semaphore, #tpu.memory_space<semaphore_mem>>) src(%dma_wait3A_208 : memref<10240x128xf32, #tpu.memory_space<hbm>>) dst(%arg12 : memref<80x128xf32, #tpu.memory_space<vmem>>)
      %add3A_209 = arith.constant 1 : i32
      %add3A_210 = arith.addi %add3A_180, %add3A_209 : i32
      "tpu.region"() ({
        %run_scoped3A_211 = tpu.sem_alloc : memref<!tpu.dma_semaphore, #tpu.memory_space<semaphore_mem>>
        %dma_start3A_212 = arith.constant 0 : i32
        %dma_start3A_213 = tpu.memref_slice %arg9[%add3A_210, %dma_start3A_212] : memref<32x80xi32, #tpu.memory_space<vmem>> -> memref<1x80xi32, #tpu.memory_space<vmem>>
        %dma_start3A_214 = tpu.memref_squeeze %dma_start3A_213 : memref<1x80xi32, #tpu.memory_space<vmem>> -> memref<80xi32, #tpu.memory_space<vmem>>
        %dma_start3A_215 = arith.constant 0 : i32
        %dma_start3A_216 = arith.constant 0 : i32
        %dma_start3A_217 = tpu.memref_slice %arg13[%dma_start3A_215, %dma_start3A_216] : memref<10240x128xf32, #tpu.memory_space<vmem_shared>> -> memref<10240x128xf32, #tpu.memory_space<vmem_shared>>
        tpu.enqueue_indirect_dma source(%arg12 : memref<80x128xf32, #tpu.memory_space<vmem>>) target(%dma_start3A_217 : memref<10240x128xf32, #tpu.memory_space<vmem_shared>>) offsets(%dma_start3A_214 : memref<80xi32, #tpu.memory_space<vmem>>) semaphore(%run_scoped3A_211 : memref<!tpu.dma_semaphore, #tpu.memory_space<semaphore_mem>>) {add = true}
        %dma_wait3A_218 = arith.constant 0 : i32
        %dma_wait3A_219 = tpu.memref_slice %arg9[%add3A_210, %dma_wait3A_218] : memref<32x80xi32, #tpu.memory_space<vmem>> -> memref<1x80xi32, #tpu.memory_space<vmem>>
        %dma_wait3A_220 = tpu.memref_squeeze %dma_wait3A_219 : memref<1x80xi32, #tpu.memory_space<vmem>> -> memref<80xi32, #tpu.memory_space<vmem>>
        %dma_wait3A_221 = arith.constant 0 : i32
        %dma_wait3A_222 = arith.constant 0 : i32
        %dma_wait3A_223 = tpu.memref_slice %arg13[%dma_wait3A_221, %dma_wait3A_222] : memref<10240x128xf32, #tpu.memory_space<vmem_shared>> -> memref<10240x128xf32, #tpu.memory_space<vmem_shared>>
        tpu.wait_indirect_dma semaphore(%run_scoped3A_211 : memref<!tpu.dma_semaphore, #tpu.memory_space<semaphore_mem>>) src(%arg12 : memref<80x128xf32, #tpu.memory_space<vmem>>) dst(%dma_wait3A_223 : memref<10240x128xf32, #tpu.memory_space<vmem_shared>>)
        tpu.yield
      }) : () -> ()
    }
    %scan3A_137 = arith.constant 16 : i32
    %dma_wait3A_138 = arith.constant 3 : i32
    %dma_wait3A_139 = arith.constant 0 : i32
    %dma_wait3A_140 = arith.constant 0 : i32
    %dma_wait3A_141 = tpu.memref_slice %arg3[%add3A, %dma_wait3A_138, %dma_wait3A_139, %dma_wait3A_140] : memref<32x4x32x80xi32, #tpu.memory_space<hbm>> -> memref<1x1x32x80xi32, #tpu.memory_space<hbm>>
    %dma_wait3A_142 = tpu.memref_squeeze %dma_wait3A_141 : memref<1x1x32x80xi32, #tpu.memory_space<hbm>> -> memref<32x80xi32, #tpu.memory_space<hbm>>
    %dma_wait3A_143 = arith.constant 0 : i32
    %dma_wait3A_144 = arith.constant 0 : i32
    %dma_wait3A_145 = tpu.memref_slice %arg3[%add3A, %dma_wait3A_138, %dma_wait3A_143, %dma_wait3A_144] : memref<32x4x32x80xi32, #tpu.memory_space<hbm>> -> memref<1x1x32x80xi32, #tpu.memory_space<hbm>>
    %dma_wait3A_146 = tpu.memref_squeeze %dma_wait3A_145 : memref<1x1x32x80xi32, #tpu.memory_space<hbm>> -> memref<32x80xi32, #tpu.memory_space<hbm>>
    tpu.wait_dma2 semaphore(%arg16 : memref<!tpu.dma_semaphore, #tpu.memory_space<semaphore_mem>>) src(%dma_wait3A_146 : memref<32x80xi32, #tpu.memory_space<hbm>>) dst(%arg8 : memref<32x80xi32, #tpu.memory_space<vmem>>)
    %dma_wait3A_147 = arith.constant 3 : i32
    %dma_wait3A_148 = arith.constant 0 : i32
    %dma_wait3A_149 = arith.constant 0 : i32
    %dma_wait3A_150 = tpu.memref_slice %arg4[%add3A, %dma_wait3A_147, %dma_wait3A_148, %dma_wait3A_149] : memref<32x4x32x80xi32, #tpu.memory_space<hbm>> -> memref<1x1x32x80xi32, #tpu.memory_space<hbm>>
    %dma_wait3A_151 = tpu.memref_squeeze %dma_wait3A_150 : memref<1x1x32x80xi32, #tpu.memory_space<hbm>> -> memref<32x80xi32, #tpu.memory_space<hbm>>
    %dma_wait3A_152 = arith.constant 0 : i32
    %dma_wait3A_153 = arith.constant 0 : i32
    %dma_wait3A_154 = tpu.memref_slice %arg4[%add3A, %dma_wait3A_147, %dma_wait3A_152, %dma_wait3A_153] : memref<32x4x32x80xi32, #tpu.memory_space<hbm>> -> memref<1x1x32x80xi32, #tpu.memory_space<hbm>>
    %dma_wait3A_155 = tpu.memref_squeeze %dma_wait3A_154 : memref<1x1x32x80xi32, #tpu.memory_space<hbm>> -> memref<32x80xi32, #tpu.memory_space<hbm>>
    tpu.wait_dma2 semaphore(%arg16 : memref<!tpu.dma_semaphore, #tpu.memory_space<semaphore_mem>>) src(%dma_wait3A_155 : memref<32x80xi32, #tpu.memory_space<hbm>>) dst(%arg10 : memref<32x80xi32, #tpu.memory_space<vmem>>)
    %dma_start3A_156 = arith.constant 0 : i32
    %dma_start3A_157 = arith.constant 0 : i32
    %dma_start3A_158 = tpu.memref_slice %arg8[%dma_start3A_156, %dma_start3A_157] : memref<32x80xi32, #tpu.memory_space<vmem>> -> memref<1x80xi32, #tpu.memory_space<vmem>>
    %dma_start3A_159 = tpu.memref_squeeze %dma_start3A_158 : memref<1x80xi32, #tpu.memory_space<vmem>> -> memref<80xi32, #tpu.memory_space<vmem>>
    %dma_start3A_160 = arith.constant 0 : i32
    %dma_start3A_161 = arith.constant 0 : i32
    %dma_start3A_162 = tpu.memref_slice %arg2[%dma_start3A_160, %dma_start3A_161] : memref<10240x128xf32, #tpu.memory_space<hbm>> -> memref<10240x128xf32, #tpu.memory_space<hbm>>
    tpu.enqueue_indirect_dma source(%dma_start3A_162 : memref<10240x128xf32, #tpu.memory_space<hbm>>) target(%arg11 : memref<80x128xf32, #tpu.memory_space<vmem>>) offsets(%dma_start3A_159 : memref<80xi32, #tpu.memory_space<vmem>>) semaphore(%arg14 : memref<!tpu.dma_semaphore, #tpu.memory_space<semaphore_mem>>)
    %scan3A_163 = arith.constant 0 : i32
    %scan3A_164 = arith.constant 16 : i32
    %scan3A_165 = arith.addi %scan3A_163, %scan3A_164 : i32
    %scan3A_166 = arith.constant 1 : i32
    scf.for %scan3A_176 = %scan3A_163 to %scan3A_165 step %scan3A_166  : i32 {
      %mul3A_177 = arith.constant 2 : i32
      %mul3A_178 = arith.muli %scan3A_176, %mul3A_177 : i32
      %add3A_179 = arith.constant 0 : i32
      %add3A_180 = arith.addi %add3A_179, %mul3A_178 : i32
      %add3A_181 = arith.constant 1 : i32
      %add3A_182 = arith.addi %add3A_180, %add3A_181 : i32
      %dma_start3A_183 = arith.constant 0 : i32
      %dma_start3A_184 = tpu.memref_slice %arg8[%add3A_182, %dma_start3A_183] : memref<32x80xi32, #tpu.memory_space<vmem>> -> memref<1x80xi32, #tpu.memory_space<vmem>>
      %dma_start3A_185 = tpu.memref_squeeze %dma_start3A_184 : memref<1x80xi32, #tpu.memory_space<vmem>> -> memref<80xi32, #tpu.memory_space<vmem>>
      %dma_start3A_186 = arith.constant 0 : i32
      %dma_start3A_187 = arith.constant 0 : i32
      %dma_start3A_188 = tpu.memref_slice %arg2[%dma_start3A_186, %dma_start3A_187] : memref<10240x128xf32, #tpu.memory_space<hbm>> -> memref<10240x128xf32, #tpu.memory_space<hbm>>
      tpu.enqueue_indirect_dma source(%dma_start3A_188 : memref<10240x128xf32, #tpu.memory_space<hbm>>) target(%arg12 : memref<80x128xf32, #tpu.memory_space<vmem>>) offsets(%dma_start3A_185 : memref<80xi32, #tpu.memory_space<vmem>>) semaphore(%arg15 : memref<!tpu.dma_semaphore, #tpu.memory_space<semaphore_mem>>)
      %dma_wait3A_189 = arith.constant 0 : i32
      %dma_wait3A_190 = tpu.memref_slice %arg8[%add3A_180, %dma_wait3A_189] : memref<32x80xi32, #tpu.memory_space<vmem>> -> memref<1x80xi32, #tpu.memory_space<vmem>>
      %dma_wait3A_191 = tpu.memref_squeeze %dma_wait3A_190 : memref<1x80xi32, #tpu.memory_space<vmem>> -> memref<80xi32, #tpu.memory_space<vmem>>
      %dma_wait3A_192 = arith.constant 0 : i32
      %dma_wait3A_193 = arith.constant 0 : i32
      %dma_wait3A_194 = tpu.memref_slice %arg2[%dma_wait3A_192, %dma_wait3A_193] : memref<10240x128xf32, #tpu.memory_space<hbm>> -> memref<10240x128xf32, #tpu.memory_space<hbm>>
      tpu.wait_indirect_dma semaphore(%arg14 : memref<!tpu.dma_semaphore, #tpu.memory_space<semaphore_mem>>) src(%dma_wait3A_194 : memref<10240x128xf32, #tpu.memory_space<hbm>>) dst(%arg11 : memref<80x128xf32, #tpu.memory_space<vmem>>)
      "tpu.region"() ({
        %run_scoped3A_211 = tpu.sem_alloc : memref<!tpu.dma_semaphore, #tpu.memory_space<semaphore_mem>>
        %dma_start3A_212 = arith.constant 0 : i32
        %dma_start3A_213 = tpu.memref_slice %arg10[%add3A_180, %dma_start3A_212] : memref<32x80xi32, #tpu.memory_space<vmem>> -> memref<1x80xi32, #tpu.memory_space<vmem>>
        %dma_start3A_214 = tpu.memref_squeeze %dma_start3A_213 : memref<1x80xi32, #tpu.memory_space<vmem>> -> memref<80xi32, #tpu.memory_space<vmem>>
        %dma_start3A_215 = arith.constant 0 : i32
        %dma_start3A_216 = arith.constant 0 : i32
        %dma_start3A_217 = tpu.memref_slice %arg13[%dma_start3A_215, %dma_start3A_216] : memref<10240x128xf32, #tpu.memory_space<vmem_shared>> -> memref<10240x128xf32, #tpu.memory_space<vmem_shared>>
        tpu.enqueue_indirect_dma source(%arg11 : memref<80x128xf32, #tpu.memory_space<vmem>>) target(%dma_start3A_217 : memref<10240x128xf32, #tpu.memory_space<vmem_shared>>) offsets(%dma_start3A_214 : memref<80xi32, #tpu.memory_space<vmem>>) semaphore(%run_scoped3A_211 : memref<!tpu.dma_semaphore, #tpu.memory_space<semaphore_mem>>) {add = true}
        %dma_wait3A_218 = arith.constant 0 : i32
        %dma_wait3A_219 = tpu.memref_slice %arg10[%add3A_180, %dma_wait3A_218] : memref<32x80xi32, #tpu.memory_space<vmem>> -> memref<1x80xi32, #tpu.memory_space<vmem>>
        %dma_wait3A_220 = tpu.memref_squeeze %dma_wait3A_219 : memref<1x80xi32, #tpu.memory_space<vmem>> -> memref<80xi32, #tpu.memory_space<vmem>>
        %dma_wait3A_221 = arith.constant 0 : i32
        %dma_wait3A_222 = arith.constant 0 : i32
        %dma_wait3A_223 = tpu.memref_slice %arg13[%dma_wait3A_221, %dma_wait3A_222] : memref<10240x128xf32, #tpu.memory_space<vmem_shared>> -> memref<10240x128xf32, #tpu.memory_space<vmem_shared>>
        tpu.wait_indirect_dma semaphore(%run_scoped3A_211 : memref<!tpu.dma_semaphore, #tpu.memory_space<semaphore_mem>>) src(%arg11 : memref<80x128xf32, #tpu.memory_space<vmem>>) dst(%dma_wait3A_223 : memref<10240x128xf32, #tpu.memory_space<vmem_shared>>)
        tpu.yield
      }) : () -> ()
      %add3A_195 = arith.constant 2 : i32
      %add3A_196 = arith.addi %add3A_180, %add3A_195 : i32
      %lt3A = arith.constant 32 : i32
      %lt3A_197 = arith.cmpi slt, %add3A_196, %lt3A : i32
      %convert_element_type3A_198 = arith.extui %lt3A_197 : i1 to i32
      %cond3A_199 = arith.constant 0 : i32
      %cond3A_200 = arith.cmpi ne, %convert_element_type3A_198, %cond3A_199 : i32
      scf.if %cond3A_200 {
        %add3A_211 = arith.constant 2 : i32
        %add3A_212 = arith.addi %add3A_180, %add3A_211 : i32
        %dma_start3A_213 = arith.constant 0 : i32
        %dma_start3A_214 = tpu.memref_slice %arg8[%add3A_212, %dma_start3A_213] : memref<32x80xi32, #tpu.memory_space<vmem>> -> memref<1x80xi32, #tpu.memory_space<vmem>>
        %dma_start3A_215 = tpu.memref_squeeze %dma_start3A_214 : memref<1x80xi32, #tpu.memory_space<vmem>> -> memref<80xi32, #tpu.memory_space<vmem>>
        %dma_start3A_216 = arith.constant 0 : i32
        %dma_start3A_217 = arith.constant 0 : i32
        %dma_start3A_218 = tpu.memref_slice %arg2[%dma_start3A_216, %dma_start3A_217] : memref<10240x128xf32, #tpu.memory_space<hbm>> -> memref<10240x128xf32, #tpu.memory_space<hbm>>
        tpu.enqueue_indirect_dma source(%dma_start3A_218 : memref<10240x128xf32, #tpu.memory_space<hbm>>) target(%arg11 : memref<80x128xf32, #tpu.memory_space<vmem>>) offsets(%dma_start3A_215 : memref<80xi32, #tpu.memory_space<vmem>>) semaphore(%arg14 : memref<!tpu.dma_semaphore, #tpu.memory_space<semaphore_mem>>)
      } else {
      }
      %add3A_201 = arith.constant 1 : i32
      %add3A_202 = arith.addi %add3A_180, %add3A_201 : i32
      %dma_wait3A_203 = arith.constant 0 : i32
      %dma_wait3A_204 = tpu.memref_slice %arg8[%add3A_202, %dma_wait3A_203] : memref<32x80xi32, #tpu.memory_space<vmem>> -> memref<1x80xi32, #tpu.memory_space<vmem>>
      %dma_wait3A_205 = tpu.memref_squeeze %dma_wait3A_204 : memref<1x80xi32, #tpu.memory_space<vmem>> -> memref<80xi32, #tpu.memory_space<vmem>>
      %dma_wait3A_206 = arith.constant 0 : i32
      %dma_wait3A_207 = arith.constant 0 : i32
      %dma_wait3A_208 = tpu.memref_slice %arg2[%dma_wait3A_206, %dma_wait3A_207] : memref<10240x128xf32, #tpu.memory_space<hbm>> -> memref<10240x128xf32, #tpu.memory_space<hbm>>
      tpu.wait_indirect_dma semaphore(%arg15 : memref<!tpu.dma_semaphore, #tpu.memory_space<semaphore_mem>>) src(%dma_wait3A_208 : memref<10240x128xf32, #tpu.memory_space<hbm>>) dst(%arg12 : memref<80x128xf32, #tpu.memory_space<vmem>>)
      %add3A_209 = arith.constant 1 : i32
      %add3A_210 = arith.addi %add3A_180, %add3A_209 : i32
      "tpu.region"() ({
        %run_scoped3A_211 = tpu.sem_alloc : memref<!tpu.dma_semaphore, #tpu.memory_space<semaphore_mem>>
        %dma_start3A_212 = arith.constant 0 : i32
        %dma_start3A_213 = tpu.memref_slice %arg10[%add3A_210, %dma_start3A_212] : memref<32x80xi32, #tpu.memory_space<vmem>> -> memref<1x80xi32, #tpu.memory_space<vmem>>
        %dma_start3A_214 = tpu.memref_squeeze %dma_start3A_213 : memref<1x80xi32, #tpu.memory_space<vmem>> -> memref<80xi32, #tpu.memory_space<vmem>>
        %dma_start3A_215 = arith.constant 0 : i32
        %dma_start3A_216 = arith.constant 0 : i32
        %dma_start3A_217 = tpu.memref_slice %arg13[%dma_start3A_215, %dma_start3A_216] : memref<10240x128xf32, #tpu.memory_space<vmem_shared>> -> memref<10240x128xf32, #tpu.memory_space<vmem_shared>>
        tpu.enqueue_indirect_dma source(%arg12 : memref<80x128xf32, #tpu.memory_space<vmem>>) target(%dma_start3A_217 : memref<10240x128xf32, #tpu.memory_space<vmem_shared>>) offsets(%dma_start3A_214 : memref<80xi32, #tpu.memory_space<vmem>>) semaphore(%run_scoped3A_211 : memref<!tpu.dma_semaphore, #tpu.memory_space<semaphore_mem>>) {add = true}
        %dma_wait3A_218 = arith.constant 0 : i32
        %dma_wait3A_219 = tpu.memref_slice %arg10[%add3A_210, %dma_wait3A_218] : memref<32x80xi32, #tpu.memory_space<vmem>> -> memref<1x80xi32, #tpu.memory_space<vmem>>
        %dma_wait3A_220 = tpu.memref_squeeze %dma_wait3A_219 : memref<1x80xi32, #tpu.memory_space<vmem>> -> memref<80xi32, #tpu.memory_space<vmem>>
        %dma_wait3A_221 = arith.constant 0 : i32
        %dma_wait3A_222 = arith.constant 0 : i32
        %dma_wait3A_223 = tpu.memref_slice %arg13[%dma_wait3A_221, %dma_wait3A_222] : memref<10240x128xf32, #tpu.memory_space<vmem_shared>> -> memref<10240x128xf32, #tpu.memory_space<vmem_shared>>
        tpu.wait_indirect_dma semaphore(%run_scoped3A_211 : memref<!tpu.dma_semaphore, #tpu.memory_space<semaphore_mem>>) src(%arg12 : memref<80x128xf32, #tpu.memory_space<vmem>>) dst(%dma_wait3A_223 : memref<10240x128xf32, #tpu.memory_space<vmem_shared>>)
        tpu.yield
      }) : () -> ()
    }
    %scan3A_167 = arith.constant 16 : i32
    %barrier3A_168 = arith.constant 0 : index
    tpu.barrier barrier_id(%barrier3A_168)
    %eq3A = arith.constant 0 : i32
    %eq3A_169 = arith.cmpi eq, %arg0, %eq3A : i32
    %convert_element_type3A = arith.extui %eq3A_169 : i1 to i32
    %cond3A = arith.constant 0 : i32
    %cond3A_170 = arith.cmpi ne, %convert_element_type3A, %cond3A : i32
    scf.if %cond3A_170 {
      "tpu.region"() ({
        %run_scoped3A_176 = tpu.sem_alloc : memref<!tpu.dma_semaphore, #tpu.memory_space<semaphore_mem>>
        %dma_start3A_177 = arith.constant 0 : i32
        %dma_start3A_178 = tpu.memref_slice %arg5[%mul3A_0, %dma_start3A_177] : memref<10240x128xf32, #tpu.memory_space<hbm>> -> memref<640x128xf32, #tpu.memory_space<hbm>>
        %dma_start3A_179 = arith.constant 0 : i32
        %dma_start3A_180 = tpu.memref_slice %arg13[%mul3A_0, %dma_start3A_179] : memref<10240x128xf32, #tpu.memory_space<vmem_shared>> -> memref<640x128xf32, #tpu.memory_space<vmem_shared>>
        tpu.enqueue_dma source(%dma_start3A_180 : memref<640x128xf32, #tpu.memory_space<vmem_shared>>) target(%dma_start3A_178 : memref<640x128xf32, #tpu.memory_space<hbm>>) target_semaphore(%run_scoped3A_176 : memref<!tpu.dma_semaphore, #tpu.memory_space<semaphore_mem>>)
        %dma_wait3A_181 = arith.constant 0 : i32
        %dma_wait3A_182 = tpu.memref_slice %arg5[%mul3A_0, %dma_wait3A_181] : memref<10240x128xf32, #tpu.memory_space<hbm>> -> memref<640x128xf32, #tpu.memory_space<hbm>>
        %dma_wait3A_183 = arith.constant 0 : i32
        %dma_wait3A_184 = tpu.memref_slice %arg13[%mul3A_0, %dma_wait3A_183] : memref<10240x128xf32, #tpu.memory_space<vmem_shared>> -> memref<640x128xf32, #tpu.memory_space<vmem_shared>>
        tpu.wait_dma2 semaphore(%run_scoped3A_176 : memref<!tpu.dma_semaphore, #tpu.memory_space<semaphore_mem>>) src(%dma_wait3A_184 : memref<640x128xf32, #tpu.memory_space<vmem_shared>>) dst(%dma_wait3A_182 : memref<640x128xf32, #tpu.memory_space<hbm>>)
        tpu.yield
      }) : () -> ()
    } else {
    }
    %eq3A_171 = arith.constant 1 : i32
    %eq3A_172 = arith.cmpi eq, %arg0, %eq3A_171 : i32
    %convert_element_type3A_173 = arith.extui %eq3A_172 : i1 to i32
    %cond3A_174 = arith.constant 0 : i32
    %cond3A_175 = arith.cmpi ne, %convert_element_type3A_173, %cond3A_174 : i32
    scf.if %cond3A_175 {
      "tpu.region"() ({
        %run_scoped3A_176 = tpu.sem_alloc : memref<!tpu.dma_semaphore, #tpu.memory_space<semaphore_mem>>
        %dma_start3A_177 = arith.constant 0 : i32
        %dma_start3A_178 = tpu.memref_slice %arg6[%mul3A_0, %dma_start3A_177] : memref<10240x128xf32, #tpu.memory_space<hbm>> -> memref<640x128xf32, #tpu.memory_space<hbm>>
        %dma_start3A_179 = arith.constant 0 : i32
        %dma_start3A_180 = tpu.memref_slice %arg13[%mul3A_0, %dma_start3A_179] : memref<10240x128xf32, #tpu.memory_space<vmem_shared>> -> memref<640x128xf32, #tpu.memory_space<vmem_shared>>
        tpu.enqueue_dma source(%dma_start3A_180 : memref<640x128xf32, #tpu.memory_space<vmem_shared>>) target(%dma_start3A_178 : memref<640x128xf32, #tpu.memory_space<hbm>>) target_semaphore(%run_scoped3A_176 : memref<!tpu.dma_semaphore, #tpu.memory_space<semaphore_mem>>)
        %dma_wait3A_181 = arith.constant 0 : i32
        %dma_wait3A_182 = tpu.memref_slice %arg6[%mul3A_0, %dma_wait3A_181] : memref<10240x128xf32, #tpu.memory_space<hbm>> -> memref<640x128xf32, #tpu.memory_space<hbm>>
        %dma_wait3A_183 = arith.constant 0 : i32
        %dma_wait3A_184 = tpu.memref_slice %arg13[%mul3A_0, %dma_wait3A_183] : memref<10240x128xf32, #tpu.memory_space<vmem_shared>> -> memref<640x128xf32, #tpu.memory_space<vmem_shared>>
        tpu.wait_dma2 semaphore(%run_scoped3A_176 : memref<!tpu.dma_semaphore, #tpu.memory_space<semaphore_mem>>) src(%dma_wait3A_184 : memref<640x128xf32, #tpu.memory_space<vmem_shared>>) dst(%dma_wait3A_182 : memref<640x128xf32, #tpu.memory_space<hbm>>)
        tpu.yield
      }) : () -> ()
    } else {
    }
    return
  }
}

module attributes {stable_mosaic.version = 14 : i64} {
  func.func @body(%arg0: i32, %arg1: memref<2048x128xf32, #tpu.memory_space<vmem>>, %arg2: memref<2048x128xf32, #tpu.memory_space<vmem>>, %arg3: memref<2048x128xf32, #tpu.memory_space<vmem>>, %arg4: memref<128x128xf32, #tpu.memory_space<vmem>>, %arg5: memref<1x128xf32, #tpu.memory_space<vmem>>, %arg6: memref<128x128xf32, #tpu.memory_space<vmem>>, %arg7: memref<1x128xf32, #tpu.memory_space<vmem>>, %arg8: memref<2048x128xf32, #tpu.memory_space<vmem>>) attributes {dimension_semantics = [#tpu.dimension_semantics<arbitrary>], iteration_bounds = array<i64: 5>, scalar_prefetch = 0 : i64, scratch_operands = 0 : i64, tpu.core_type = #tpu.core_type<tc>, window_params = [{transform_indices = @transform_0, window_bounds = array<i64: 2048, 128>}, {transform_indices = @transform_1, window_bounds = array<i64: 2048, 128>}, {transform_indices = @transform_2, window_bounds = array<i64: 2048, 128>}, {pipeline_mode = #tpu.pipeline_mode<synchronous>, transform_indices = @transform_3, window_bounds = array<i64: 128, 128>}, {pipeline_mode = #tpu.pipeline_mode<synchronous>, transform_indices = @transform_4, window_bounds = array<i64: 1, 128>}, {pipeline_mode = #tpu.pipeline_mode<synchronous>, transform_indices = @transform_5, window_bounds = array<i64: 128, 128>}, {pipeline_mode = #tpu.pipeline_mode<synchronous>, transform_indices = @transform_6, window_bounds = array<i64: 1, 128>}, {transform_indices = @transform_7, window_bounds = array<i64: 2048, 128>}]} {
    %get3A = arith.constant 0 : index
    %get3A_0 = arith.constant 0 : index
    %get3A_1 = vector.load %arg1[%get3A, %get3A_0] : memref<2048x128xf32, #tpu.memory_space<vmem>>, vector<2048x128xf32>
    %get3A_2 = arith.constant 0 : index
    %get3A_3 = arith.constant 0 : index
    %get3A_4 = vector.load %arg2[%get3A_2, %get3A_3] : memref<2048x128xf32, #tpu.memory_space<vmem>>, vector<2048x128xf32>
    %add3A = arith.addf %get3A_1, %get3A_4 : vector<2048x128xf32>
    %get3A_5 = arith.constant 0 : index
    %get3A_6 = arith.constant 0 : index
    %get3A_7 = vector.load %arg3[%get3A_5, %get3A_6] : memref<2048x128xf32, #tpu.memory_space<vmem>>, vector<2048x128xf32>
    %add3A_8 = arith.addf %add3A, %get3A_7 : vector<2048x128xf32>
    %get3A_9 = arith.constant 0 : index
    %get3A_10 = arith.constant 0 : index
    %get3A_11 = vector.load %arg4[%get3A_9, %get3A_10] : memref<128x128xf32, #tpu.memory_space<vmem>>, vector<128x128xf32>
    %dot_general3A = arith.constant dense<0.000000e+00> : vector<2048x128xf32>
    %dot_general3A_12 = tpu.matmul %add3A_8, %get3A_11, %dot_general3A {dimension_numbers = #tpu.dot_dimension_numbers<[1], [0], [0], [1], [0, 0, 1, 1], [], []>, transpose_lhs_hint = false} : vector<2048x128xf32>, vector<128x128xf32>, vector<2048x128xf32> -> vector<2048x128xf32>
    %get3A_13 = arith.constant 0 : index
    %get3A_14 = arith.constant 0 : index
    %get3A_15 = vector.load %arg5[%get3A_13, %get3A_14] : memref<1x128xf32, #tpu.memory_space<vmem>>, vector<1x128xf32>
    %add3A_16 = vector.broadcast %get3A_15 : vector<1x128xf32> to vector<2048x128xf32>
    %add3A_17 = arith.addf %dot_general3A_12, %add3A_16 : vector<2048x128xf32>
    %max3A = arith.constant 0.000000e+00 : f32
    %max3A_18 = vector.broadcast %max3A : f32 to vector<2048x128xf32>
    %max3A_19 = arith.maximumf %add3A_17, %max3A_18 : vector<2048x128xf32>
    %get3A_20 = arith.constant 0 : index
    %get3A_21 = arith.constant 0 : index
    %get3A_22 = vector.load %arg6[%get3A_20, %get3A_21] : memref<128x128xf32, #tpu.memory_space<vmem>>, vector<128x128xf32>
    %dot_general3A_23 = arith.constant dense<0.000000e+00> : vector<2048x128xf32>
    %dot_general3A_24 = tpu.matmul %max3A_19, %get3A_22, %dot_general3A_23 {dimension_numbers = #tpu.dot_dimension_numbers<[1], [0], [0], [1], [0, 0, 1, 1], [], []>, transpose_lhs_hint = false} : vector<2048x128xf32>, vector<128x128xf32>, vector<2048x128xf32> -> vector<2048x128xf32>
    %get3A_25 = arith.constant 0 : index
    %get3A_26 = arith.constant 0 : index
    %get3A_27 = vector.load %arg7[%get3A_25, %get3A_26] : memref<1x128xf32, #tpu.memory_space<vmem>>, vector<1x128xf32>
    %add3A_28 = vector.broadcast %get3A_27 : vector<1x128xf32> to vector<2048x128xf32>
    %add3A_29 = arith.addf %dot_general3A_24, %add3A_28 : vector<2048x128xf32>
    %swap3A = arith.constant 0 : index
    %swap3A_30 = arith.constant 0 : index
    %swap3A_31 = vector.load %arg8[%swap3A, %swap3A_30] : memref<2048x128xf32, #tpu.memory_space<vmem>>, vector<2048x128xf32>
    tpu.vector_store %arg8[%swap3A, %swap3A_30], %add3A_29 {strides = array<i32>} : memref<2048x128xf32, #tpu.memory_space<vmem>>, vector<2048x128xf32>,
    return
  }
  func.func @transform_0(%arg0: i32) -> (i32, i32) {
    %c0_i32 = arith.constant 0 : i32
    %c0_i32_0 = arith.constant 0 : i32
    return %arg0, %c0_i32 : i32, i32
  }
  func.func @transform_1(%arg0: i32) -> (i32, i32) {
    %c0_i32 = arith.constant 0 : i32
    %c0_i32_0 = arith.constant 0 : i32
    return %arg0, %c0_i32 : i32, i32
  }
  func.func @transform_2(%arg0: i32) -> (i32, i32) {
    %c0_i32 = arith.constant 0 : i32
    %c0_i32_0 = arith.constant 0 : i32
    return %arg0, %c0_i32 : i32, i32
  }
  func.func @transform_3(%arg0: i32) -> (i32, i32) {
    %c0_i32 = arith.constant 0 : i32
    %c0_i32_0 = arith.constant 0 : i32
    %c0_i32_1 = arith.constant 0 : i32
    return %c0_i32, %c0_i32_0 : i32, i32
  }
  func.func @transform_4(%arg0: i32) -> (i32, i32) {
    %c0_i32 = arith.constant 0 : i32
    %c0_i32_0 = arith.constant 0 : i32
    %c0_i32_1 = arith.constant 0 : i32
    return %c0_i32, %c0_i32_0 : i32, i32
  }
  func.func @transform_5(%arg0: i32) -> (i32, i32) {
    %c0_i32 = arith.constant 0 : i32
    %c0_i32_0 = arith.constant 0 : i32
    %c0_i32_1 = arith.constant 0 : i32
    return %c0_i32, %c0_i32_0 : i32, i32
  }
  func.func @transform_6(%arg0: i32) -> (i32, i32) {
    %c0_i32 = arith.constant 0 : i32
    %c0_i32_0 = arith.constant 0 : i32
    %c0_i32_1 = arith.constant 0 : i32
    return %c0_i32, %c0_i32_0 : i32, i32
  }
  func.func @transform_7(%arg0: i32) -> (i32, i32) {
    %c0_i32 = arith.constant 0 : i32
    %c0_i32_0 = arith.constant 0 : i32
    return %arg0, %c0_i32 : i32, i32
  }
}

module attributes {stable_mosaic.version = 14 : i64} {
  func.func @body(%arg0: i32, %arg1: memref<2048x128xf32, #tpu.memory_space<vmem>>, %arg2: memref<2048x128xf32, #tpu.memory_space<vmem>>, %arg3: memref<2048x128xf32, #tpu.memory_space<vmem>>, %arg4: memref<128x128xf32, #tpu.memory_space<vmem>>, %arg5: memref<1x128xf32, #tpu.memory_space<vmem>>, %arg6: memref<2048x128xf32, #tpu.memory_space<vmem>>) attributes {dimension_semantics = [#tpu.dimension_semantics<arbitrary>], iteration_bounds = array<i64: 5>, scalar_prefetch = 0 : i64, scratch_operands = 0 : i64, tpu.core_type = #tpu.core_type<tc>, window_params = [{transform_indices = @transform_0, window_bounds = array<i64: 2048, 128>}, {transform_indices = @transform_1, window_bounds = array<i64: 2048, 128>}, {transform_indices = @transform_2, window_bounds = array<i64: 2048, 128>}, {pipeline_mode = #tpu.pipeline_mode<synchronous>, transform_indices = @transform_3, window_bounds = array<i64: 128, 128>}, {pipeline_mode = #tpu.pipeline_mode<synchronous>, transform_indices = @transform_4, window_bounds = array<i64: 1, 128>}, {transform_indices = @transform_5, window_bounds = array<i64: 2048, 128>}]} {
    %get3A = arith.constant 0 : index
    %get3A_0 = arith.constant 0 : index
    %get3A_1 = vector.load %arg1[%get3A, %get3A_0] : memref<2048x128xf32, #tpu.memory_space<vmem>>, vector<2048x128xf32>
    %get3A_2 = arith.constant 0 : index
    %get3A_3 = arith.constant 0 : index
    %get3A_4 = vector.load %arg2[%get3A_2, %get3A_3] : memref<2048x128xf32, #tpu.memory_space<vmem>>, vector<2048x128xf32>
    %add3A = arith.addf %get3A_1, %get3A_4 : vector<2048x128xf32>
    %get3A_5 = arith.constant 0 : index
    %get3A_6 = arith.constant 0 : index
    %get3A_7 = vector.load %arg3[%get3A_5, %get3A_6] : memref<2048x128xf32, #tpu.memory_space<vmem>>, vector<2048x128xf32>
    %add3A_8 = arith.addf %add3A, %get3A_7 : vector<2048x128xf32>
    %get3A_9 = arith.constant 0 : index
    %get3A_10 = arith.constant 0 : index
    %get3A_11 = vector.load %arg4[%get3A_9, %get3A_10] : memref<128x128xf32, #tpu.memory_space<vmem>>, vector<128x128xf32>
    %dot_general3A = arith.constant dense<0.000000e+00> : vector<2048x128xf32>
    %dot_general3A_12 = tpu.matmul %add3A_8, %get3A_11, %dot_general3A {dimension_numbers = #tpu.dot_dimension_numbers<[1], [0], [0], [1], [0, 0, 1, 1], [], []>, transpose_lhs_hint = false} : vector<2048x128xf32>, vector<128x128xf32>, vector<2048x128xf32> -> vector<2048x128xf32>
    %get3A_13 = arith.constant 0 : index
    %get3A_14 = arith.constant 0 : index
    %get3A_15 = vector.load %arg5[%get3A_13, %get3A_14] : memref<1x128xf32, #tpu.memory_space<vmem>>, vector<1x128xf32>
    %add3A_16 = vector.broadcast %get3A_15 : vector<1x128xf32> to vector<2048x128xf32>
    %add3A_17 = arith.addf %dot_general3A_12, %add3A_16 : vector<2048x128xf32>
    %swap3A = arith.constant 0 : index
    %swap3A_18 = arith.constant 0 : index
    %swap3A_19 = vector.load %arg6[%swap3A, %swap3A_18] : memref<2048x128xf32, #tpu.memory_space<vmem>>, vector<2048x128xf32>
    tpu.vector_store %arg6[%swap3A, %swap3A_18], %add3A_17 {strides = array<i32>} : memref<2048x128xf32, #tpu.memory_space<vmem>>, vector<2048x128xf32>,
    return
  }
  func.func @transform_0(%arg0: i32) -> (i32, i32) {
    %c0_i32 = arith.constant 0 : i32
    %c0_i32_0 = arith.constant 0 : i32
    return %arg0, %c0_i32 : i32, i32
  }
  func.func @transform_1(%arg0: i32) -> (i32, i32) {
    %c0_i32 = arith.constant 0 : i32
    %c0_i32_0 = arith.constant 0 : i32
    return %arg0, %c0_i32 : i32, i32
  }
  func.func @transform_2(%arg0: i32) -> (i32, i32) {
    %c0_i32 = arith.constant 0 : i32
    %c0_i32_0 = arith.constant 0 : i32
    return %arg0, %c0_i32 : i32, i32
  }
  func.func @transform_3(%arg0: i32) -> (i32, i32) {
    %c0_i32 = arith.constant 0 : i32
    %c0_i32_0 = arith.constant 0 : i32
    %c0_i32_1 = arith.constant 0 : i32
    return %c0_i32, %c0_i32_0 : i32, i32
  }
  func.func @transform_4(%arg0: i32) -> (i32, i32) {
    %c0_i32 = arith.constant 0 : i32
    %c0_i32_0 = arith.constant 0 : i32
    %c0_i32_1 = arith.constant 0 : i32
    return %c0_i32, %c0_i32_0 : i32, i32
  }
  func.func @transform_5(%arg0: i32) -> (i32, i32) {
    %c0_i32 = arith.constant 0 : i32
    %c0_i32_0 = arith.constant 0 : i32
    return %arg0, %c0_i32 : i32, i32
  }
}

</mosaic_0001>

<sc_bundles>
// kernel: kernel.11.cloned.1.call-start
scs
__scs_entry_jumppad:
0x0: {  	(pc) =	sbr.rel $0x88, $3  }
0x1: {  	(tag) =	ssettag $0x0;
	lr =	simm.s32 $0x1  }
0x2: {  	[smem:$0x3F95] =	sst lr;
	_ =	strace $0xD0000000  }
0x3: {  	_ = 	snop  }
0x4: {  	_ = 	snop  }
0x5: {  	_ = 	snop  }
0x6: {  	_ = 	snop  }
0x7: {  	_ = 	snop  }
__scs_overlays_trampoline_lowered:
0x8: {  	[smem:$0x3FA4] =	sst s0  }
0x9: {  	[smem:$0x3FA5] =	sst s1  }
0xa: {  	[smem:$0x3FA6] =	sst s2  }
0xb: {  	[smem:$0x3FA7] =	sst s3  }
0xc: {  	[smem:$0x3FA8] =	sst s4  }
0xd: {  	[smem:$0x3FA9] =	sst s5  }
0xe: {  	[smem:$0x3FAA] =	sst s6  }
0xf: {  	[smem:$0x3FAB] =	sst s7  }
0x10: {  	[smem:$0x3FAC] =	sst s8  }
0x11: {  	[smem:$0x3FAD] =	sst s9;
	s0 =	simm.s32 @!p0 $0x0  }
0x12: {  	s1 =	sld [smem:$0x3F93];
	s0 =	simm.s32 @p0 $0x1  }
0x13: {  	[smem:$0x3FAE] =	sst s0;
	s0 =	simm.s32 @!p1 $0x0  }
0x14: {  	s2 =	sld [smem:$0x3F92];
	s0 =	simm.s32 @p1 $0x1  }
0x15: {  	[smem:$0x3FAF] =	sst s0;
	s0 =	simm.s32 @!p2 $0x0  }
0x16: {  	s3 =	sld [smem:$0x3FDB];
	s0 =	simm.s32 @p2 $0x1  }
0x17: {  	s4 =	simm.s32 $0x1BF5;
	[smem:$0x3FB1] =	sst s0  }
0x18: {  	s0 =	sld [smem:$0x3F94];
	_ =	swait.ge [sflag:s4], $0x0  }
0x19: {  	s7 =	sld [smem:$0x3F95]  }
0x1a: {  	s8 =	sadd.s32 $0xFFFFE003, lr  }
0x1b: {  	s9 =	sadd.s32 $0xFFFFFEF7, lr;
	s5 =	simm.s32 $0xFFFFFFFF;
	p2 =	slt.u32 s8, $0xFFFFF086  }
0x1c: {  	p1 =	slt.u32 s9, $0xF7A;
	s5 =	simm.s32 @!p2 $0x0  }
0x1d: {  	s5 =	simm.s32 @p1 $0x1;
	p0 =	seq.s32 s7, s2  }
0x1e: {  	s7 =	smul.u32 @!p0 $0xF7A, s2;
	p2 =	seq.s32 @!p0 s5, $0x0  }
0x1f: {  	s9 =	smul.u32 $0xF7A, s1;
	s8 =	simm.s32 @!p0 $0x1BF5;
	p2 =	por !p2, p0  }
0x20: {  	[sflag:s8] =	ssyncset.s32 @!p0 $0xFFFFF086;
	s6 =	sadd.s32 @!p0 s3, s7;
	s7 =	simm.s32 @!p0 $0x108  }
0x21: {  	s3 =	sadd.s32 s3, s9;
	s6 =	sadd.s32 @!p0 $0x88, s6;
	s7 =	simm.s32 @p2 $0x1082  }
0x22: {  	[simem:s7], [sflag:s8] =	dma.local @!p0 [hbm:s6], $0xF7A  }
0x23: {  	s9 =	sor.u32 $0xD0000000, s2;
	s6 =	simm.s32 $0x108;
	_ =	swait.ge @!p0 [sflag:s8], $0x0  }
0x24: {  	s3 =	sadd.s32 $0x88, s3;
	s6 =	simm.s32 @!p1 $0x1082;
	[sflag:s4] =	ssyncset.s32 $0xFFFFF086  }
0x25: {  	[simem:s6], [sflag:s4] =	dma.local [hbm:s3], $0xF7A  }
0x26: {  	[smem:$0x3F95] =	sst s1;
	(tag) =	ssettag s2;
	_ =	strace s9  }
0x27: {  	s1 =	sld [smem:$0x3FA5]  }
0x28: {  	s2 =	sld [smem:$0x3FA6]  }
0x29: {  	s4 =	sld [smem:$0x3FA8]  }
0x2a: {  	p0 =	seq.s32 s5, $0x0;
	s5 =	sld [smem:$0x3FA9]  }
0x2b: {  	s6 =	sld [smem:$0x3FAA]  }
0x2c: {  	s7 =	sld [smem:$0x3FAB]  }
0x2d: {  	s3 =	simm.s32 $0x108;
	s8 =	sld [smem:$0x3FAC]  }
0x2e: {  	s3 =	simm.s32 @!p0 $0x1082;
	s9 =	sld [smem:$0x3FAD]  }
0x2f: {  	lr =	sadd.s32 s0, s3;
	s0 =	sld [smem:$0x3FA4]  }
0x30: {  	s3 =	sld [smem:$0x3FA7]  }
0x31: {  	[smem:$0x3FB0] =	sst s10  }
0x32: {  	s10 =	sld [smem:$0x3FAE];
	_ =	sdelay $0x3  }
0x33: {  	p0 =	seq.s32 s10, $0x1;
	s10 =	sld [smem:$0x3FB0];
	_ =	sdelay $0x3  }
0x34: {  	[smem:$0x3FB0] =	sst s10  }
0x35: {  	s10 =	sld [smem:$0x3FAF];
	_ =	sdelay $0x3  }
0x36: {  	p1 =	seq.s32 s10, $0x1;
	s10 =	sld [smem:$0x3FB0];
	_ =	sdelay $0x3  }
0x37: {  	[smem:$0x3FB0] =	sst s10  }
0x38: {  	s10 =	sld [smem:$0x3FB1]  }
0x39: {  	_ = 	snop;
	(pc) =	sbr.ind lr, $3  }
0x3a: {  	_ = 	snop  }
0x3b: {  	_ = 	snop  }
0x3c: {  	p2 =	seq.s32 s10, $0x1;
	s10 =	sld [smem:$0x3FB0]  }
0x3d: {  	_ =	shalt  }
0x3e: {  	_ =	shalt  }
0x3f: {  	_ =	shalt  }
0x40: {  	_ =	shalt  }
0x41: {  	_ =	shalt  }
0x42: {  	_ =	shalt  }
0x43: {  	_ =	shalt  }
0x44: {  	_ =	shalt  }
0x45: {  	_ =	shalt  }
0x46: {  	_ =	shalt  }
0x47: {  	_ =	shalt  }
0x48: {  	_ =	shalt  }
0x49: {  	_ =	shalt  }
0x4a: {  	_ =	shalt  }
0x4b: {  	_ =	shalt  }
0x4c: {  	_ =	shalt  }
0x4d: {  	_ =	shalt  }
0x4e: {  	_ =	shalt  }
0x4f: {  	_ =	shalt  }
0x50: {  	_ =	shalt  }
0x51: {  	_ =	shalt  }
0x52: {  	_ =	shalt  }
0x53: {  	_ =	shalt  }
0x54: {  	_ =	shalt  }
0x55: {  	_ =	shalt  }
0x56: {  	_ =	shalt  }
0x57: {  	_ =	shalt  }
0x58: {  	_ =	shalt  }
0x59: {  	_ =	shalt  }
0x5a: {  	_ =	shalt  }
0x5b: {  	_ =	shalt  }
0x5c: {  	_ =	shalt  }
0x5d: {  	_ =	shalt  }
0x5e: {  	_ =	shalt  }
0x5f: {  	_ =	shalt  }
0x60: {  	_ =	shalt  }
0x61: {  	_ =	shalt  }
0x62: {  	_ =	shalt  }
0x63: {  	_ =	shalt  }
0x64: {  	_ =	shalt  }
0x65: {  	_ =	shalt  }
0x66: {  	_ =	shalt  }
0x67: {  	_ =	shalt  }
0x68: {  	_ =	shalt  }
0x69: {  	_ =	shalt  }
0x6a: {  	_ =	shalt  }
0x6b: {  	_ =	shalt  }
0x6c: {  	_ =	shalt  }
0x6d: {  	_ =	shalt  }
0x6e: {  	_ =	shalt  }
0x6f: {  	_ =	shalt  }
0x70: {  	_ =	shalt  }
0x71: {  	_ =	shalt  }
0x72: {  	_ =	shalt  }
0x73: {  	_ =	shalt  }
0x74: {  	_ =	shalt  }
0x75: {  	_ =	shalt  }
0x76: {  	_ =	shalt  }
0x77: {  	_ =	shalt  }
0x78: {  	_ =	shalt  }
0x79: {  	_ =	shalt  }
0x7a: {  	_ =	shalt  }
0x7b: {  	_ =	shalt  }
0x7c: {  	_ =	shalt  }
0x7d: {  	_ =	shalt  }
0x7e: {  	_ =	shalt  }
0x7f: {  	_ =	shalt  }
0x80: {  	_ =	shalt  }
0x81: {  	_ =	shalt  }
0x82: {  	_ =	shalt  }
0x83: {  	_ =	shalt  }
0x84: {  	_ =	shalt  }
0x85: {  	_ =	shalt  }
0x86: {  	_ =	shalt  }
0x87: {  	_ =	shalt  }
.Lfunc_end0:
.L_simem_size_0:
called_computation.1_lowered:
.L_overlay_start_0:
0x88: {  	s2 =	sld [smem:$0x3FD9]  }
0x89: {  	s3 =	sld [smem:$0x3FFE];
	_ =	sdelay $0x1  }
0x8a: {  	s1 =	srdreg.scid  }
0x8b: {  	s0 =	sand.u32 $0x1, s1  }
0x8c: {  	s17 =	sshll.u32 s0, $0xA;
	s2 =	sadd.s32 s3, s2  }
0x8d: {  	s2 =	sadd.s32 s2, s17  }
0x8e: {  	[smem:$0x3FBC] =	sst s2  }
0x8f: {  	_ = 	snop  }
0x90: {  	s2 =	sld [smem:$0x3FD0];
	(tm) =	ssettm $0x1  }
0x91: {  	s18 =	sld [smem:$0x3FFB];
	_ =	sdelay $0x3  }
0x92: {  	_ =	strace s18  }
0x93: {  	s3 =	sld [smem:$0x3FFC];
	_ =	sdelay $0x3  }
0x94: {  	_ =	strace s3  }
0x95: {  	s3 =	sld [smem:$0x3FFD];
	_ =	sdelay $0x3  }
0x96: {  	_ =	strace s3  }
0x97: {  	_ =	strace $0x8FFFFFFF  }
0x98: {  	s19 =	sld [smem:$0x3FDB];
	_ =	sdelay $0x1  }
0x99: {  	s4 =	simm.s32 $_scs_section_size  }
0x9a: {  	s5 =	simm.s32 $_size__tile_overlayer_lowered;
	s6 =	simm.s32 $_tile_overlayer_lowered  }
0x9b: {  	s22 =	simm.s32 $0x1BFF;
	s21 =	sshll.u32 s6, $0x1;
	s3 =	sadd.s32 s4, s19  }
0x9c: {  	s7 =	simm.s32 $0x0;
	s20 =	sshll.u32 s5, $0x1;
	s5 =	sadd.s32 s21, s3  }
0x9d: {  	[timem:s7], [sflag:s22] =	dma.local [hbm:s5], s20  }
0x9e: {  	_ =	swait.ge [sflag:s22], s20  }
0x9f: {  	s4 =	ssub.s32 $0x0, s20;
	[sflag:s22] =	ssyncset.done $0x0  }
0xa0: {  	[sflag:s22] =	ssyncadd.s32 s4;
	_ =	sdelay $0x1  }
0xa1: {  	s23 =	simm.s32 $0x1B8B  }
0xa2: {  	_ =	swait.ge [sflag:s23], $0x1  }
0xa3: {  	[sflag:s23] =	ssyncset.done $0x0  }
0xa4: {  	s25 =	simm.s32 $0x1B8E;
	s24 =	sld [smem:$0x3FFE];
	[sflag:s23] =	ssyncadd.s32 $0xFFFFFFFF  }
0xa5: {  	s26 =	simm.s32 $execute0_lowered;
	[smem:$0x3FD2] =	sst s25  }
0xa6: {  	s5 =	sshll.u32 s26, $0x1;
	_ =	strace $0x80000049;
	[dreg:$0x1] =	wrdreg $0xFFFFFFFF  }
0xa7: {  	s28 =	simm.s32 $_size_execute0_lowered;
	s3 =	sadd.s32 s3, s5;
	[dreg:$0x0] =	wrdreg $0x0  }
0xa8: {  	s5 =	sshll.u32 s28, $0x1;
	[dreg:$0x2] =	wrdreg s3  }
0xa9: {  	[dreg:$0x3] =	wrdreg s5  }
0xaa: {  	[dreg:$0x4] =	wrdreg $0xC0  }
0xab: {  	_ =	task [dreg:s7], $0x5FFFF  }
0xac: {  	[dreg:$0x1] =	wrdreg $0xFFFFFFFF  }
0xad: {  	[dreg:$0x0] =	wrdreg $0x60  }
0xae: {  	[dreg:$0x2] =	wrdreg s24  }
0xaf: {  	[dreg:$0x3] =	wrdreg s2  }
0xb0: {  	[dreg:$0x4] =	wrdreg $0x90000  }
0xb1: {  	[dreg:$0x5] =	wrdreg $0x9  }
0xb2: {  	_ =	task.clear_ibuf [dreg:s7], $0x6FFFF;
	_ =	strace $0x90000049  }
0xb3: {  	s29 =	simm.s32 $0x9;
	_ =	strace $0x8000004B  }
0xb4: {  	_ =	swait.ge [sflag:s29], $0x1  }
0xb5: {  	[sflag:s29] =	ssyncadd.s32 $0xFFFFFFFF  }
0xb6: {  	_ =	strace $0x9000004B  }
0xb7: {  	_ =	sfence  }
0xb8: {  	s30 =	sld [smem:$0x0];
	_ =	sdelay $0x2  }
0xb9: {  	s31 =	sshll.u32 s1, $0xD;
	s1 =	sshrl.u32 s1, $0x2  }
0xba: {  	s3 =	sand.u32 $0x4000, s31;
	s1 =	sadd.s32 s1, s30  }
0xbb: {  	s0 =	sor.u32 s3, s0;
	s1 =	sshll.u32 s1, $0x11  }
0xbc: {  	s0 =	sor.u32 s1, s0  }
0xbd: {  	s0 =	sadd.s32 $0x8F2B, s0  }
0xbe: {  	[sflag:s0] =	ssyncadd.remote.s32 $0x1  }
0xbf: {  	_ =	sfence.sel $0xFFFF  }
0xc0: {  	[dreg:$0x0] =	wrdreg $0xFFFFFFFF;
	(pc) =	sbr.abs _section_cstart, $3  }
0xc1: {  	[dreg:$0x1] =	wrdreg $0xFFFFFFFF  }
0xc2: {  	_ =	task.clear_ibuf [dreg:s7], $0x2FFFF;
	_ =	strace $0x9FFFFFFF  }
0xc3: {  	(tm) =	ssettm $0x7FFFFFFF  }
tec
execute0_lowered:
.L_overlay_start_1:
0x0: {  	(tag) =	ssettag $0x1  }
0x1: {  	s0 =	rddreg [dreg:$0x0]  }
0x2: {  	s3 =	rddreg [dreg:$0x1]  }
0x3: {  	s1 =	rddreg [dreg:$0x2]  }
0x4: {  	s2 =	simm.s32 $0x0;
	s5 =	srdreg.scid;
	s11 =	stileid.u32  }
0x5: {  	s28 =	simm.s32 $0x3000;
	s29 =	simm.s32 $0x50;
	s30 =	simm.s32 $0x6800  }
0x6: {  	s31 =	simm.s32 $0x1;
	[smem:$0x7FF] =	sst s2;
	s4 =	sadd.s32 $0x14800, s0  }
0x7: {  	s5 =	sand.u32 $0x1, s5;
	s8 =	sshll.u32 s11, $0xB;
	s20 =	smul.u32 $0x50000, s11  }
0x8: {  	s9 =	sadd.s32 $0x4800, s0;
	s23 =	smul.u32 $0x2800, s11;
	_ =	strace $0x8000004A  }
0x9: {  	s6 =	ssub.s32 $0x2, s5;
	s7 =	sshll.u32 s5, $0xF;
	p0 =	seq.s32 s5, $0x1  }
0xa: {  	s5 =	simm.s32 $0x64800;
	s10 =	sshrl.u32 s6, $0x1;
	s7 =	sor.u32 s8, s7  }
0xb: {  	s22 =	sshrl.u32 s20, $0x2;
	s5 =	simm.s32 @!p0 $0x3C800;
	s6 =	ssub.s32 s6, s10  }
0xc: {  	s8 =	sadd.s32 s3, s7;
	s16 =	sor.u32 $0x200, s7;
	s17 =	sadd.s32 s9, s7  }
0xd: {  	s19 =	sor.u32 $0x400, s7;
	s7 =	sor.u32 $0x600, s7;
	s13 =	sadd.s32 s22, s1  }
0xe: {  	s0 =	sadd.s32 s5, s0;
	s5 =	simm.s32 $0x2F00;
	[dreg:$0x4] =	wrdreg s8  }
0xf: {  	s10 =	simm.s32 $0x3F80;
	[dreg:$0x5] =	wrdreg s17;
	s18 =	sadd.s32 s3, s16  }
0x10: {  	s8 =	sadd.s32 s9, s16;
	s12 =	sadd.s32 s3, s19;
	[dreg:$0x6] =	wrdreg s18  }
0x11: {  	s3 =	sadd.s32 s3, s7;
	s21 =	sadd.s32 s9, s7;
	[dreg:$0x7] =	wrdreg s8  }
0x12: {  	s24 =	smax.u32 s6, $0x1;
	s25 =	sadd.s32 $0x2800, s13;
	[dreg:$0x8] =	wrdreg s12  }
0x13: {  	s26 =	sadd.s32 $0x5000, s13;
	s17 =	sadd.s32 $0x7800, s13;
	[dreg:$0xa] =	wrdreg s3  }
0x14: {  	s20 =	sadd.s32 $0xF000, s13;
	s22 =	sadd.s32 s0, s23;
	[dreg:$0xb] =	wrdreg s21  }
0x15: {  	s23 =	simm.s32 $0x4000;
	s0 =	simm.s32 $0x2;
	[dreg:$0xc] =	wrdreg s24  }
0x16: {  	s6 =	simm.s32 $0x2F80;
	s7 =	simm.s32 $0x3;
	[dreg:$0xd] =	wrdreg s25  }
0x17: {  	s8 =	sadd.s32 s9, s19;
	[dreg:$0xe] =	wrdreg s26;
	s18 =	sadd.s32 $0xA000, s13  }
0x18: {  	s19 =	sadd.s32 $0xC800, s13;
	s21 =	sadd.s32 $0x11800, s13;
	s24 =	simm.s32 $0x4  }
0x19: {  	s25 =	simm.s32 $0x2000;
	s26 =	simm.s32 $0x1000;
	s3 =	simm.s32 $0xF80  }
0x1a: {  	v0 =	vimm.f32 $0.0e+00;
	s9 =	simm.s32 $0x3F00;
	[dreg:$0x9] =	wrdreg s8;
	s8 =	simm.s32 $0x1F80  }
.LBB2_1:
0x1b: {  	s11 =	simm.s32 $0x70;
	s12 =	simm.s32 $0x3C0  }
.LBB2_2:
0x1c: {  	p0 =	sne.s32 s12, $0x9FC0;
	[tilespmem:s11+$0x4000] =	vst v0  }
0x1d: {  	[tilespmem:s11+$0x3F90] =	vst v0  }
0x1e: {  	[tilespmem:s11+$0x3FA0] =	vst v0  }
.Ltmp0:
0x1f: {  	[tilespmem:s11+$0x3FB0] =	vst v0;
	(pc) =	sbr.rel @p0 .LBB2_2-.Ltmp0, $4  }
0x20: {  	[tilespmem:s11+$0x3FC0] =	vst v0  }
0x21: {  	[tilespmem:s11+$0x3FD0] =	vst v0  }
0x22: {  	[tilespmem:s11+$0x3FE0] =	vst v0  }
0x23: {  	[tilespmem:s11+$0x3FF0] =	vst v0;
	s11 =	sshra.s32 s12, $0x2;
	s12 =	sadd.s32 $0x200, s12  }
0x24: {  	[tilespmem:s11+$0x4000] =	vst v0  }
0x25: {  	[tilespmem:s11+$0x3F90] =	vst v0  }
0x26: {  	[tilespmem:s11+$0x3FA0] =	vst v0  }
0x27: {  	[tilespmem:s11+$0x3FB0] =	vst v0  }
0x28: {  	[tilespmem:s11+$0x3FC0] =	vst v0  }
0x29: {  	[tilespmem:s11+$0x3FD0] =	vst v0  }
0x2a: {  	[tilespmem:s11+$0x3FE0] =	vst v0  }
0x2b: {  	[tilespmem:s11+$0x3FF0] =	vst v0  }
0x2c: {  	[spmem:s13] =	stream.linear.scatter [tilespmem:s23], [sflag:$0x4], $0x2800, $0x38;
	[tilespmem:$0x1D000] =	vst v63  }
0x2d: {  	_ =	swait.ge [sflag:s24], $0x2800  }
0x2e: {  	[sflag:s24] =	ssyncset.done $0x0  }
0x2f: {  	s16 =	rddreg [dreg:$0xd];
	[sflag:s24] =	ssyncadd.s32 $0xFFFFD800  }
0x30: {  	[spmem:s16] =	stream.linear.scatter [tilespmem:s23], [sflag:$0x4], $0x2800, $0x38;
	[tilespmem:$0x1D000] =	vst v63  }
0x31: {  	_ =	swait.ge [sflag:s24], $0x2800  }
0x32: {  	[sflag:s24] =	ssyncset.done $0x0  }
0x33: {  	s12 =	rddreg [dreg:$0xe];
	[sflag:s24] =	ssyncadd.s32 $0xFFFFD800  }
0x34: {  	[spmem:s12] =	stream.linear.scatter [tilespmem:s23], [sflag:$0x4], $0x2800, $0x38;
	[tilespmem:$0x1D000] =	vst v63  }
0x35: {  	_ =	swait.ge [sflag:s24], $0x2800  }
0x36: {  	[sflag:s24] =	ssyncset.done $0x0  }
0x37: {  	[sflag:s24] =	ssyncadd.s32 $0xFFFFD800  }
0x38: {  	[spmem:s17] =	stream.linear.scatter [tilespmem:s23], [sflag:$0x4], $0x2800, $0x38;
	[tilespmem:$0x1D000] =	vst v63  }
0x39: {  	_ =	swait.ge [sflag:s24], $0x2800  }
0x3a: {  	[sflag:s24] =	ssyncset.done $0x0  }
0x3b: {  	[sflag:s24] =	ssyncadd.s32 $0xFFFFD800  }
0x3c: {  	[spmem:s18] =	stream.linear.scatter [tilespmem:s23], [sflag:$0x4], $0x2800, $0x38;
	[tilespmem:$0x1D000] =	vst v63  }
0x3d: {  	_ =	swait.ge [sflag:s24], $0x2800  }
0x3e: {  	[sflag:s24] =	ssyncset.done $0x0  }
0x3f: {  	[sflag:s24] =	ssyncadd.s32 $0xFFFFD800  }
0x40: {  	[spmem:s19] =	stream.linear.scatter [tilespmem:s23], [sflag:$0x4], $0x2800, $0x38;
	[tilespmem:$0x1D000] =	vst v63  }
0x41: {  	_ =	swait.ge [sflag:s24], $0x2800  }
0x42: {  	[sflag:s24] =	ssyncset.done $0x0  }
0x43: {  	[sflag:s24] =	ssyncadd.s32 $0xFFFFD800  }
0x44: {  	[spmem:s20] =	stream.linear.scatter [tilespmem:s23], [sflag:$0x4], $0x2800, $0x38;
	[tilespmem:$0x1D000] =	vst v63  }
0x45: {  	_ =	swait.ge [sflag:s24], $0x2800  }
0x46: {  	[sflag:s24] =	ssyncset.done $0x0  }
0x47: {  	[sflag:s24] =	ssyncadd.s32 $0xFFFFD800  }
0x48: {  	[spmem:s21] =	stream.linear.scatter [tilespmem:s23], [sflag:$0x4], $0x2800, $0x38;
	[tilespmem:$0x1D000] =	vst v63  }
0x49: {  	_ =	swait.ge [sflag:s24], $0x2800  }
0x4a: {  	[sflag:s24] =	ssyncset.done $0x0  }
0x4b: {  	s11 =	simm.s32 $0x0;
	s12 =	rddreg [dreg:$0x4];
	[sflag:s24] =	ssyncadd.s32 $0xFFFFD800  }
0x4c: {  	[tilespmem:s11], [sflag:$0x4] =	stream.linear.gather [hbm4b:s12+s11], $0x1000, $0x38;
	[tilespmem:$0x1D000] =	vst v63  }
0x4d: {  	_ =	swait.ge [sflag:s24], $0x1000  }
0x4e: {  	[sflag:s24] =	ssyncset.done $0x0  }
0x4f: {  	s14 =	rddreg [dreg:$0x5];
	[sflag:s24] =	ssyncadd.s32 $0xFFFFF000  }
0x50: {  	[tilespmem:s25], [sflag:$0x4] =	stream.linear.gather [hbm4b:s14+s11], $0x1000, $0x38;
	[tilespmem:$0x1D000] =	vst v63  }
0x51: {  	_ =	swait.ge [sflag:s24], $0x1000  }
0x52: {  	[sflag:s24] =	ssyncset.done $0x0  }
0x53: {  	[sflag:s24] =	ssyncadd.s32 $0xFFFFF000  }
0x54: {  	[bflag:$0x0] =	sbarrier.arrive $0xFFFF  }
0x55: {  	s15 =	rddreg [dreg:$0x6]  }
0x56: {  	[tilespmem:s26], [sflag:$0x3] =	stream.linear.gather [hbm4b:s15+s11], $0x1000, $0x38;
	[tilespmem:$0x1D000] =	vst v63  }
0x57: {  	s16 =	rddreg [dreg:$0x7]  }
0x58: {  	[tilespmem:s28], [sflag:$0x3] =	stream.linear.gather [hbm4b:s16+s11], $0x1000, $0x38;
	[tilespmem:$0x1D000] =	vst v63  }
0x59: {  	_ = 	snop  }
0x5a: {  	[tilespmem:s23], [sflag:$0x1] =	stream.indirect.gather [hbm4b:s4+s29], $0x80, s11, s29, $0xb8;
	[tilespmem:$0x1D000] =	vst v63  }
0x5b: {  	s12 =	simm.s32 $0x80  }
0x5c: {  	[tilespmem:s30], [sflag:$0x2] =	stream.indirect.gather [hbm4b:s4+s29], $0x80, s12, s29, $0xb8;
	[tilespmem:$0x1D000] =	vst v63  }
0x5d: {  	_ =	swait.ge [sflag:s31], $0x2800  }
0x5e: {  	[sflag:s31] =	ssyncset.done $0x0  }
0x5f: {  	s14 =	simm.s32 $0x2000;
	[sflag:s31] =	ssyncadd.s32 $0xFFFFD800  }
0x60: {  	[spmem:s1] =	stream.indirect.scatter.add.f32 [tilespmem:s23], [sflag:$0x4], $0x80, s14, s29, $0xb8;
	[tilespmem:$0x1D000] =	vst v63  }
0x61: {  	_ =	swait.ge [sflag:s24], $0x2800  }
0x62: {  	[sflag:s24] =	ssyncset.done $0x0  }
0x63: {  	s15 =	simm.s32 $0x100;
	[sflag:s24] =	ssyncadd.s32 $0xFFFFD800  }
0x64: {  	[tilespmem:s23], [sflag:$0x1] =	stream.indirect.gather [hbm4b:s4+s29], $0x80, s15, s29, $0xb8;
	[tilespmem:$0x1D000] =	vst v63  }
0x65: {  	_ =	swait.ge [sflag:s0], $0x2800  }
0x66: {  	[sflag:s0] =	ssyncset.done $0x0  }
0x67: {  	s16 =	simm.s32 $0x2080;
	[sflag:s0] =	ssyncadd.s32 $0xFFFFD800  }
0x68: {  	[spmem:s1] =	stream.indirect.scatter.add.f32 [tilespmem:s30], [sflag:$0x4], $0x80, s16, s29, $0xb8;
	[tilespmem:$0x1D000] =	vst v63  }
0x69: {  	_ =	swait.ge [sflag:s24], $0x2800  }
0x6a: {  	s11 =	simm.s32 $0x100;
	s12 =	simm.s32 $0x800;
	[sflag:s24] =	ssyncset.done $0x0  }
.LBB2_4:
0x6b: {  	s14 =	sadd.s32 $0x80, s11  }
0x6c: {  	[sflag:s24] =	ssyncadd.s32 $0xFFFFD800;
	s15 =	smov.u32 s12;
	s16 =	sadd.s32 $0x400, s12  }
0x6d: {  	[tilespmem:s30], [sflag:$0x2] =	stream.indirect.gather [hbm4b:s4+s29], $0x80, s14, s29, $0xb8;
	[tilespmem:$0x1D000] =	vst v63  }
0x6e: {  	p0 =	sne.s32 s12, $0x3800;
	_ =	swait.ge [sflag:s31], $0x2800  }
0x6f: {  	[sflag:s31] =	ssyncset.done $0x0  }
0x70: {  	s12 =	sadd.s32 $0x2000, s11;
	[sflag:s31] =	ssyncadd.s32 $0xFFFFD800  }
0x71: {  	[spmem:s1] =	stream.indirect.scatter.add.f32 [tilespmem:s23], [sflag:$0x4], $0x80, s12, s29, $0xb8;
	[tilespmem:$0x1D000] =	vst v63  }
0x72: {  	_ =	swait.ge [sflag:s24], $0x2800  }
0x73: {  	[sflag:s24] =	ssyncset.done $0x0  }
0x74: {  	s12 =	sadd.s32 $0x100, s11;
	[sflag:s24] =	ssyncadd.s32 $0xFFFFD800  }
0x75: {  	[tilespmem:s23], [sflag:$0x1] =	stream.indirect.gather [hbm4b:s4+s29], $0x80, s12, s29, $0xb8;
	[tilespmem:$0x1D000] =	vst v63  }
0x76: {  	_ =	swait.ge [sflag:s0], $0x2800  }
.Ltmp1:
0x77: {  	[sflag:s0] =	ssyncset.done $0x0;
	(pc) =	sbr.rel @p0 .LBB2_4-.Ltmp1, $4  }
0x78: {  	s11 =	sadd.s32 $0x2080, s11;
	[sflag:s0] =	ssyncadd.s32 $0xFFFFD800  }
0x79: {  	[spmem:s1] =	stream.indirect.scatter.add.f32 [tilespmem:s30], [sflag:$0x4], $0x80, s11, s29, $0xb8;
	[tilespmem:$0x1D000] =	vst v63  }
0x7a: {  	_ =	swait.ge [sflag:s24], $0x2800  }
0x7b: {  	s12 =	smov.u32 s16;
	s11 =	sshra.s32 s15, $0x2;
	[sflag:s24] =	ssyncset.done $0x0  }
0x7c: {  	s12 =	sadd.s32 $0x80, s11;
	[sflag:s24] =	ssyncadd.s32 $0xFFFFD800  }
0x7d: {  	[tilespmem:s30], [sflag:$0x2] =	stream.indirect.gather [hbm4b:s4+s29], $0x80, s12, s29, $0xb8;
	[tilespmem:$0x1D000] =	vst v63  }
0x7e: {  	_ =	swait.ge [sflag:s31], $0x2800  }
0x7f: {  	[sflag:s31] =	ssyncset.done $0x0  }
0x80: {  	s15 =	sadd.s32 $0x2000, s11;
	[sflag:s31] =	ssyncadd.s32 $0xFFFFD800  }
0x81: {  	[spmem:s1] =	stream.indirect.scatter.add.f32 [tilespmem:s23], [sflag:$0x4], $0x80, s15, s29, $0xb8;
	[tilespmem:$0x1D000] =	vst v63  }
0x82: {  	_ =	swait.ge [sflag:s24], $0x2800  }
0x83: {  	[sflag:s24] =	ssyncset.done $0x0  }
0x84: {  	s16 =	sadd.s32 $0x100, s11;
	[sflag:s24] =	ssyncadd.s32 $0xFFFFD800  }
0x85: {  	[tilespmem:s23], [sflag:$0x1] =	stream.indirect.gather [hbm4b:s4+s29], $0x80, s16, s29, $0xb8;
	[tilespmem:$0x1D000] =	vst v63  }
0x86: {  	_ =	swait.ge [sflag:s0], $0x2800  }
0x87: {  	[sflag:s0] =	ssyncset.done $0x0  }
0x88: {  	s12 =	sadd.s32 $0x2080, s11;
	[sflag:s0] =	ssyncadd.s32 $0xFFFFD800  }
0x89: {  	[spmem:s1] =	stream.indirect.scatter.add.f32 [tilespmem:s30], [sflag:$0x4], $0x80, s12, s29, $0xb8;
	[tilespmem:$0x1D000] =	vst v63  }
0x8a: {  	_ =	swait.ge [sflag:s24], $0x2800  }
0x8b: {  	[sflag:s24] =	ssyncset.done $0x0  }
0x8c: {  	[sflag:s24] =	ssyncadd.s32 $0xFFFFD800  }
0x8d: {  	[tilespmem:s30], [sflag:$0x2] =	stream.indirect.gather [hbm4b:s4+s29], $0x80, s3, s29, $0xb8;
	[tilespmem:$0x1D000] =	vst v63  }
0x8e: {  	_ =	swait.ge [sflag:s31], $0x2800  }
0x8f: {  	[sflag:s31] =	ssyncset.done $0x0  }
0x90: {  	[sflag:s31] =	ssyncadd.s32 $0xFFFFD800  }
0x91: {  	[spmem:s1] =	stream.indirect.scatter.add.f32 [tilespmem:s23], [sflag:$0x4], $0x80, s5, s29, $0xb8;
	[tilespmem:$0x1D000] =	vst v63  }
0x92: {  	_ =	swait.ge [sflag:s24], $0x2800  }
0x93: {  	[sflag:s24] =	ssyncset.done $0x0  }
0x94: {  	[sflag:s24] =	ssyncadd.s32 $0xFFFFD800  }
0x95: {  	_ =	swait.ge [sflag:s0], $0x2800  }
0x96: {  	[sflag:s0] =	ssyncset.done $0x0  }
0x97: {  	[sflag:s0] =	ssyncadd.s32 $0xFFFFD800  }
0x98: {  	[spmem:s1] =	stream.indirect.scatter.add.f32 [tilespmem:s30], [sflag:$0x4], $0x80, s6, s29, $0xb8;
	[tilespmem:$0x1D000] =	vst v63  }
0x99: {  	_ =	swait.ge [sflag:s24], $0x2800  }
0x9a: {  	[sflag:s24] =	ssyncset.done $0x0  }
0x9b: {  	[sflag:s24] =	ssyncadd.s32 $0xFFFFD800  }
0x9c: {  	_ =	swait.ge [sflag:s7], $0x1000  }
0x9d: {  	[sflag:s7] =	ssyncset.done $0x0  }
0x9e: {  	[sflag:s7] =	ssyncadd.s32 $0xFFFFF000  }
0x9f: {  	_ =	swait.ge [sflag:s7], $0x1000  }
0xa0: {  	[sflag:s7] =	ssyncset.done $0x0  }
0xa1: {  	s14 =	simm.s32 $0x0;
	s15 =	rddreg [dreg:$0x8];
	[sflag:s7] =	ssyncadd.s32 $0xFFFFF000  }
0xa2: {  	[tilespmem:s14], [sflag:$0x3] =	stream.linear.gather [hbm4b:s15+s14], $0x1000, $0x38;
	[tilespmem:$0x1D000] =	vst v63  }
0xa3: {  	s16 =	rddreg [dreg:$0x9]  }
0xa4: {  	[tilespmem:s25], [sflag:$0x3] =	stream.linear.gather [hbm4b:s16+s14], $0x1000, $0x38;
	[tilespmem:$0x1D000] =	vst v63  }
0xa5: {  	_ = 	snop  }
0xa6: {  	[tilespmem:s23], [sflag:$0x1] =	stream.indirect.gather [hbm4b:s4+s29], $0x80, s26, s29, $0xb8;
	[tilespmem:$0x1D000] =	vst v63  }
0xa7: {  	s12 =	simm.s32 $0x1080  }
0xa8: {  	[tilespmem:s30], [sflag:$0x2] =	stream.indirect.gather [hbm4b:s4+s29], $0x80, s12, s29, $0xb8;
	[tilespmem:$0x1D000] =	vst v63  }
0xa9: {  	_ =	swait.ge [sflag:s31], $0x2800  }
0xaa: {  	[sflag:s31] =	ssyncset.done $0x0  }
0xab: {  	s14 =	simm.s32 $0x3000;
	[sflag:s31] =	ssyncadd.s32 $0xFFFFD800  }
0xac: {  	[spmem:s1] =	stream.indirect.scatter.add.f32 [tilespmem:s23], [sflag:$0x4], $0x80, s14, s29, $0xb8;
	[tilespmem:$0x1D000] =	vst v63  }
0xad: {  	_ =	swait.ge [sflag:s24], $0x2800  }
0xae: {  	[sflag:s24] =	ssyncset.done $0x0  }
0xaf: {  	s15 =	simm.s32 $0x1100;
	[sflag:s24] =	ssyncadd.s32 $0xFFFFD800  }
0xb0: {  	[tilespmem:s23], [sflag:$0x1] =	stream.indirect.gather [hbm4b:s4+s29], $0x80, s15, s29, $0xb8;
	[tilespmem:$0x1D000] =	vst v63  }
0xb1: {  	_ =	swait.ge [sflag:s0], $0x2800  }
0xb2: {  	[sflag:s0] =	ssyncset.done $0x0  }
0xb3: {  	s16 =	simm.s32 $0x3080;
	[sflag:s0] =	ssyncadd.s32 $0xFFFFD800  }
0xb4: {  	[spmem:s1] =	stream.indirect.scatter.add.f32 [tilespmem:s30], [sflag:$0x4], $0x80, s16, s29, $0xb8;
	[tilespmem:$0x1D000] =	vst v63  }
0xb5: {  	_ =	swait.ge [sflag:s24], $0x2800  }
0xb6: {  	s11 =	simm.s32 $0x100;
	s12 =	simm.s32 $0x800;
	[sflag:s24] =	ssyncset.done $0x0  }
.LBB2_6:
0xb7: {  	s14 =	sadd.s32 $0x1080, s11  }
0xb8: {  	[sflag:s24] =	ssyncadd.s32 $0xFFFFD800;
	s15 =	smov.u32 s12;
	s16 =	sadd.s32 $0x400, s12  }
0xb9: {  	[tilespmem:s30], [sflag:$0x2] =	stream.indirect.gather [hbm4b:s4+s29], $0x80, s14, s29, $0xb8;
	[tilespmem:$0x1D000] =	vst v63  }
0xba: {  	p0 =	sne.s32 s12, $0x3800;
	_ =	swait.ge [sflag:s31], $0x2800  }
0xbb: {  	[sflag:s31] =	ssyncset.done $0x0  }
0xbc: {  	s12 =	sadd.s32 $0x3000, s11;
	[sflag:s31] =	ssyncadd.s32 $0xFFFFD800  }
0xbd: {  	[spmem:s1] =	stream.indirect.scatter.add.f32 [tilespmem:s23], [sflag:$0x4], $0x80, s12, s29, $0xb8;
	[tilespmem:$0x1D000] =	vst v63  }
0xbe: {  	_ =	swait.ge [sflag:s24], $0x2800  }
0xbf: {  	[sflag:s24] =	ssyncset.done $0x0  }
0xc0: {  	s12 =	sadd.s32 $0x1100, s11;
	[sflag:s24] =	ssyncadd.s32 $0xFFFFD800  }
0xc1: {  	[tilespmem:s23], [sflag:$0x1] =	stream.indirect.gather [hbm4b:s4+s29], $0x80, s12, s29, $0xb8;
	[tilespmem:$0x1D000] =	vst v63  }
0xc2: {  	_ =	swait.ge [sflag:s0], $0x2800  }
.Ltmp2:
0xc3: {  	[sflag:s0] =	ssyncset.done $0x0;
	(pc) =	sbr.rel @p0 .LBB2_6-.Ltmp2, $4  }
0xc4: {  	s11 =	sadd.s32 $0x3080, s11;
	[sflag:s0] =	ssyncadd.s32 $0xFFFFD800  }
0xc5: {  	[spmem:s1] =	stream.indirect.scatter.add.f32 [tilespmem:s30], [sflag:$0x4], $0x80, s11, s29, $0xb8;
	[tilespmem:$0x1D000] =	vst v63  }
0xc6: {  	_ =	swait.ge [sflag:s24], $0x2800  }
0xc7: {  	s12 =	smov.u32 s16;
	s11 =	sshra.s32 s15, $0x2;
	[sflag:s24] =	ssyncset.done $0x0  }
0xc8: {  	s12 =	sadd.s32 $0x1080, s11;
	[sflag:s24] =	ssyncadd.s32 $0xFFFFD800  }
0xc9: {  	[tilespmem:s30], [sflag:$0x2] =	stream.indirect.gather [hbm4b:s4+s29], $0x80, s12, s29, $0xb8;
	[tilespmem:$0x1D000] =	vst v63  }
0xca: {  	_ =	swait.ge [sflag:s31], $0x2800  }
0xcb: {  	[sflag:s31] =	ssyncset.done $0x0  }
0xcc: {  	s15 =	sadd.s32 $0x3000, s11;
	[sflag:s31] =	ssyncadd.s32 $0xFFFFD800  }
0xcd: {  	[spmem:s1] =	stream.indirect.scatter.add.f32 [tilespmem:s23], [sflag:$0x4], $0x80, s15, s29, $0xb8;
	[tilespmem:$0x1D000] =	vst v63  }
0xce: {  	_ =	swait.ge [sflag:s24], $0x2800  }
0xcf: {  	[sflag:s24] =	ssyncset.done $0x0  }
0xd0: {  	s16 =	sadd.s32 $0x1100, s11;
	[sflag:s24] =	ssyncadd.s32 $0xFFFFD800  }
0xd1: {  	[tilespmem:s23], [sflag:$0x1] =	stream.indirect.gather [hbm4b:s4+s29], $0x80, s16, s29, $0xb8;
	[tilespmem:$0x1D000] =	vst v63  }
0xd2: {  	_ =	swait.ge [sflag:s0], $0x2800  }
0xd3: {  	[sflag:s0] =	ssyncset.done $0x0  }
0xd4: {  	s12 =	sadd.s32 $0x3080, s11;
	[sflag:s0] =	ssyncadd.s32 $0xFFFFD800  }
0xd5: {  	[spmem:s1] =	stream.indirect.scatter.add.f32 [tilespmem:s30], [sflag:$0x4], $0x80, s12, s29, $0xb8;
	[tilespmem:$0x1D000] =	vst v63  }
0xd6: {  	_ =	swait.ge [sflag:s24], $0x2800  }
0xd7: {  	[sflag:s24] =	ssyncset.done $0x0  }
0xd8: {  	[sflag:s24] =	ssyncadd.s32 $0xFFFFD800  }
0xd9: {  	[tilespmem:s30], [sflag:$0x2] =	stream.indirect.gather [hbm4b:s4+s29], $0x80, s8, s29, $0xb8;
	[tilespmem:$0x1D000] =	vst v63  }
0xda: {  	_ =	swait.ge [sflag:s31], $0x2800  }
0xdb: {  	[sflag:s31] =	ssyncset.done $0x0  }
0xdc: {  	[sflag:s31] =	ssyncadd.s32 $0xFFFFD800  }
0xdd: {  	[spmem:s1] =	stream.indirect.scatter.add.f32 [tilespmem:s23], [sflag:$0x4], $0x80, s9, s29, $0xb8;
	[tilespmem:$0x1D000] =	vst v63  }
0xde: {  	_ =	swait.ge [sflag:s24], $0x2800  }
0xdf: {  	[sflag:s24] =	ssyncset.done $0x0  }
0xe0: {  	[sflag:s24] =	ssyncadd.s32 $0xFFFFD800  }
0xe1: {  	_ =	swait.ge [sflag:s0], $0x2800  }
0xe2: {  	[sflag:s0] =	ssyncset.done $0x0  }
0xe3: {  	[sflag:s0] =	ssyncadd.s32 $0xFFFFD800  }
0xe4: {  	[spmem:s1] =	stream.indirect.scatter.add.f32 [tilespmem:s30], [sflag:$0x4], $0x80, s10, s29, $0xb8;
	[tilespmem:$0x1D000] =	vst v63  }
0xe5: {  	_ =	swait.ge [sflag:s24], $0x2800  }
0xe6: {  	[sflag:s24] =	ssyncset.done $0x0  }
0xe7: {  	[sflag:s24] =	ssyncadd.s32 $0xFFFFD800  }
0xe8: {  	_ =	swait.ge [sflag:s7], $0x1000  }
0xe9: {  	[sflag:s7] =	ssyncset.done $0x0  }
0xea: {  	[sflag:s7] =	ssyncadd.s32 $0xFFFFF000  }
0xeb: {  	_ =	swait.ge [sflag:s7], $0x1000  }
0xec: {  	[sflag:s7] =	ssyncset.done $0x0  }
0xed: {  	s14 =	simm.s32 $0x0;
	s15 =	rddreg [dreg:$0xa];
	[sflag:s7] =	ssyncadd.s32 $0xFFFFF000  }
0xee: {  	[tilespmem:s26], [sflag:$0x3] =	stream.linear.gather [hbm4b:s15+s14], $0x1000, $0x38;
	[tilespmem:$0x1D000] =	vst v63  }
0xef: {  	s16 =	rddreg [dreg:$0xb]  }
0xf0: {  	[tilespmem:s28], [sflag:$0x3] =	stream.linear.gather [hbm4b:s16+s14], $0x1000, $0x38;
	[tilespmem:$0x1D000] =	vst v63  }
0xf1: {  	_ = 	snop  }
0xf2: {  	[tilespmem:s23], [sflag:$0x1] =	stream.indirect.gather [hbm4b:s4+s29], $0x80, s14, s29, $0xb8;
	[tilespmem:$0x1D000] =	vst v63  }
0xf3: {  	s12 =	simm.s32 $0x80  }
0xf4: {  	[tilespmem:s30], [sflag:$0x2] =	stream.indirect.gather [hbm4b:s4+s29], $0x80, s12, s29, $0xb8;
	[tilespmem:$0x1D000] =	vst v63  }
0xf5: {  	_ =	swait.ge [sflag:s31], $0x2800  }
0xf6: {  	[sflag:s31] =	ssyncset.done $0x0  }
0xf7: {  	s14 =	simm.s32 $0x2000;
	[sflag:s31] =	ssyncadd.s32 $0xFFFFD800  }
0xf8: {  	[spmem:s1] =	stream.indirect.scatter.add.f32 [tilespmem:s23], [sflag:$0x4], $0x80, s14, s29, $0xb8;
	[tilespmem:$0x1D000] =	vst v63  }
0xf9: {  	_ =	swait.ge [sflag:s24], $0x2800  }
0xfa: {  	[sflag:s24] =	ssyncset.done $0x0  }
0xfb: {  	s15 =	simm.s32 $0x100;
	[sflag:s24] =	ssyncadd.s32 $0xFFFFD800  }
0xfc: {  	[tilespmem:s23], [sflag:$0x1] =	stream.indirect.gather [hbm4b:s4+s29], $0x80, s15, s29, $0xb8;
	[tilespmem:$0x1D000] =	vst v63  }
0xfd: {  	_ =	swait.ge [sflag:s0], $0x2800  }
0xfe: {  	[sflag:s0] =	ssyncset.done $0x0  }
0xff: {  	s16 =	simm.s32 $0x2080;
	[sflag:s0] =	ssyncadd.s32 $0xFFFFD800  }
0x100: {  	[spmem:s1] =	stream.indirect.scatter.add.f32 [tilespmem:s30], [sflag:$0x4], $0x80, s16, s29, $0xb8;
	[tilespmem:$0x1D000] =	vst v63  }
0x101: {  	_ =	swait.ge [sflag:s24], $0x2800  }
0x102: {  	s11 =	simm.s32 $0x100;
	s12 =	simm.s32 $0x800;
	[sflag:s24] =	ssyncset.done $0x0  }
.LBB2_8:
0x103: {  	s14 =	sadd.s32 $0x80, s11  }
0x104: {  	[sflag:s24] =	ssyncadd.s32 $0xFFFFD800;
	s15 =	smov.u32 s12;
	s16 =	sadd.s32 $0x400, s12  }
0x105: {  	[tilespmem:s30], [sflag:$0x2] =	stream.indirect.gather [hbm4b:s4+s29], $0x80, s14, s29, $0xb8;
	[tilespmem:$0x1D000] =	vst v63  }
0x106: {  	p0 =	sne.s32 s12, $0x3800;
	_ =	swait.ge [sflag:s31], $0x2800  }
0x107: {  	[sflag:s31] =	ssyncset.done $0x0  }
0x108: {  	s12 =	sadd.s32 $0x2000, s11;
	[sflag:s31] =	ssyncadd.s32 $0xFFFFD800  }
0x109: {  	[spmem:s1] =	stream.indirect.scatter.add.f32 [tilespmem:s23], [sflag:$0x4], $0x80, s12, s29, $0xb8;
	[tilespmem:$0x1D000] =	vst v63  }
0x10a: {  	_ =	swait.ge [sflag:s24], $0x2800  }
0x10b: {  	[sflag:s24] =	ssyncset.done $0x0  }
0x10c: {  	s12 =	sadd.s32 $0x100, s11;
	[sflag:s24] =	ssyncadd.s32 $0xFFFFD800  }
0x10d: {  	[tilespmem:s23], [sflag:$0x1] =	stream.indirect.gather [hbm4b:s4+s29], $0x80, s12, s29, $0xb8;
	[tilespmem:$0x1D000] =	vst v63  }
0x10e: {  	_ =	swait.ge [sflag:s0], $0x2800  }
.Ltmp3:
0x10f: {  	[sflag:s0] =	ssyncset.done $0x0;
	(pc) =	sbr.rel @p0 .LBB2_8-.Ltmp3, $4  }
0x110: {  	s11 =	sadd.s32 $0x2080, s11;
	[sflag:s0] =	ssyncadd.s32 $0xFFFFD800  }
0x111: {  	[spmem:s1] =	stream.indirect.scatter.add.f32 [tilespmem:s30], [sflag:$0x4], $0x80, s11, s29, $0xb8;
	[tilespmem:$0x1D000] =	vst v63  }
0x112: {  	_ =	swait.ge [sflag:s24], $0x2800  }
0x113: {  	s12 =	smov.u32 s16;
	s11 =	sshra.s32 s15, $0x2;
	[sflag:s24] =	ssyncset.done $0x0  }
0x114: {  	s12 =	sadd.s32 $0x80, s11;
	[sflag:s24] =	ssyncadd.s32 $0xFFFFD800  }
0x115: {  	[tilespmem:s30], [sflag:$0x2] =	stream.indirect.gather [hbm4b:s4+s29], $0x80, s12, s29, $0xb8;
	[tilespmem:$0x1D000] =	vst v63  }
0x116: {  	_ =	swait.ge [sflag:s31], $0x2800  }
0x117: {  	[sflag:s31] =	ssyncset.done $0x0  }
0x118: {  	s14 =	sadd.s32 $0x2000, s11;
	[sflag:s31] =	ssyncadd.s32 $0xFFFFD800  }
0x119: {  	[spmem:s1] =	stream.indirect.scatter.add.f32 [tilespmem:s23], [sflag:$0x4], $0x80, s14, s29, $0xb8;
	[tilespmem:$0x1D000] =	vst v63  }
0x11a: {  	_ =	swait.ge [sflag:s24], $0x2800  }
0x11b: {  	[sflag:s24] =	ssyncset.done $0x0  }
0x11c: {  	s15 =	sadd.s32 $0x100, s11;
	[sflag:s24] =	ssyncadd.s32 $0xFFFFD800  }
0x11d: {  	[tilespmem:s23], [sflag:$0x1] =	stream.indirect.gather [hbm4b:s4+s29], $0x80, s15, s29, $0xb8;
	[tilespmem:$0x1D000] =	vst v63  }
0x11e: {  	_ =	swait.ge [sflag:s0], $0x2800  }
0x11f: {  	[sflag:s0] =	ssyncset.done $0x0  }
0x120: {  	s16 =	sadd.s32 $0x2080, s11;
	[sflag:s0] =	ssyncadd.s32 $0xFFFFD800  }
0x121: {  	[spmem:s1] =	stream.indirect.scatter.add.f32 [tilespmem:s30], [sflag:$0x4], $0x80, s16, s29, $0xb8;
	[tilespmem:$0x1D000] =	vst v63  }
0x122: {  	_ =	swait.ge [sflag:s24], $0x2800  }
0x123: {  	[sflag:s24] =	ssyncset.done $0x0  }
0x124: {  	[sflag:s24] =	ssyncadd.s32 $0xFFFFD800  }
0x125: {  	[tilespmem:s30], [sflag:$0x2] =	stream.indirect.gather [hbm4b:s4+s29], $0x80, s3, s29, $0xb8;
	[tilespmem:$0x1D000] =	vst v63  }
0x126: {  	_ =	swait.ge [sflag:s31], $0x2800  }
0x127: {  	[sflag:s31] =	ssyncset.done $0x0  }
0x128: {  	[sflag:s31] =	ssyncadd.s32 $0xFFFFD800  }
0x129: {  	[spmem:s1] =	stream.indirect.scatter.add.f32 [tilespmem:s23], [sflag:$0x4], $0x80, s5, s29, $0xb8;
	[tilespmem:$0x1D000] =	vst v63  }
0x12a: {  	_ =	swait.ge [sflag:s24], $0x2800  }
0x12b: {  	[sflag:s24] =	ssyncset.done $0x0  }
0x12c: {  	[sflag:s24] =	ssyncadd.s32 $0xFFFFD800  }
0x12d: {  	_ =	swait.ge [sflag:s0], $0x2800  }
0x12e: {  	[sflag:s0] =	ssyncset.done $0x0  }
0x12f: {  	[sflag:s0] =	ssyncadd.s32 $0xFFFFD800  }
0x130: {  	[spmem:s1] =	stream.indirect.scatter.add.f32 [tilespmem:s30], [sflag:$0x4], $0x80, s6, s29, $0xb8;
	[tilespmem:$0x1D000] =	vst v63  }
0x131: {  	_ =	swait.ge [sflag:s24], $0x2800  }
0x132: {  	[sflag:s24] =	ssyncset.done $0x0  }
0x133: {  	[sflag:s24] =	ssyncadd.s32 $0xFFFFD800  }
0x134: {  	_ =	swait.ge [sflag:s7], $0x1000  }
0x135: {  	[sflag:s7] =	ssyncset.done $0x0  }
0x136: {  	[sflag:s7] =	ssyncadd.s32 $0xFFFFF000  }
0x137: {  	_ =	swait.ge [sflag:s7], $0x1000  }
0x138: {  	[sflag:s7] =	ssyncset.done $0x0  }
0x139: {  	[sflag:s7] =	ssyncadd.s32 $0xFFFFF000  }
0x13a: {  	[tilespmem:s23], [sflag:$0x1] =	stream.indirect.gather [hbm4b:s4+s29], $0x80, s26, s29, $0xb8;
	[tilespmem:$0x1D000] =	vst v63  }
0x13b: {  	s12 =	simm.s32 $0x1080  }
0x13c: {  	[tilespmem:s30], [sflag:$0x2] =	stream.indirect.gather [hbm4b:s4+s29], $0x80, s12, s29, $0xb8;
	[tilespmem:$0x1D000] =	vst v63  }
0x13d: {  	_ =	swait.ge [sflag:s31], $0x2800  }
0x13e: {  	[sflag:s31] =	ssyncset.done $0x0  }
0x13f: {  	s14 =	simm.s32 $0x3000;
	[sflag:s31] =	ssyncadd.s32 $0xFFFFD800  }
0x140: {  	[spmem:s1] =	stream.indirect.scatter.add.f32 [tilespmem:s23], [sflag:$0x4], $0x80, s14, s29, $0xb8;
	[tilespmem:$0x1D000] =	vst v63  }
0x141: {  	_ =	swait.ge [sflag:s24], $0x2800  }
0x142: {  	[sflag:s24] =	ssyncset.done $0x0  }
0x143: {  	s15 =	simm.s32 $0x1100;
	[sflag:s24] =	ssyncadd.s32 $0xFFFFD800  }
0x144: {  	[tilespmem:s23], [sflag:$0x1] =	stream.indirect.gather [hbm4b:s4+s29], $0x80, s15, s29, $0xb8;
	[tilespmem:$0x1D000] =	vst v63  }
0x145: {  	_ =	swait.ge [sflag:s0], $0x2800  }
0x146: {  	[sflag:s0] =	ssyncset.done $0x0  }
0x147: {  	s16 =	simm.s32 $0x3080;
	[sflag:s0] =	ssyncadd.s32 $0xFFFFD800  }
0x148: {  	[spmem:s1] =	stream.indirect.scatter.add.f32 [tilespmem:s30], [sflag:$0x4], $0x80, s16, s29, $0xb8;
	[tilespmem:$0x1D000] =	vst v63  }
0x149: {  	_ =	swait.ge [sflag:s24], $0x2800  }
0x14a: {  	s11 =	simm.s32 $0x100;
	s12 =	simm.s32 $0x800;
	[sflag:s24] =	ssyncset.done $0x0  }
.LBB2_10:
0x14b: {  	s14 =	sadd.s32 $0x1080, s11  }
0x14c: {  	[sflag:s24] =	ssyncadd.s32 $0xFFFFD800;
	s15 =	smov.u32 s12;
	s16 =	sadd.s32 $0x400, s12  }
0x14d: {  	[tilespmem:s30], [sflag:$0x2] =	stream.indirect.gather [hbm4b:s4+s29], $0x80, s14, s29, $0xb8;
	[tilespmem:$0x1D000] =	vst v63  }
0x14e: {  	p0 =	sne.s32 s12, $0x3800;
	_ =	swait.ge [sflag:s31], $0x2800  }
0x14f: {  	[sflag:s31] =	ssyncset.done $0x0  }
0x150: {  	s12 =	sadd.s32 $0x3000, s11;
	[sflag:s31] =	ssyncadd.s32 $0xFFFFD800  }
0x151: {  	[spmem:s1] =	stream.indirect.scatter.add.f32 [tilespmem:s23], [sflag:$0x4], $0x80, s12, s29, $0xb8;
	[tilespmem:$0x1D000] =	vst v63  }
0x152: {  	_ =	swait.ge [sflag:s24], $0x2800  }
0x153: {  	[sflag:s24] =	ssyncset.done $0x0  }
0x154: {  	s12 =	sadd.s32 $0x1100, s11;
	[sflag:s24] =	ssyncadd.s32 $0xFFFFD800  }
0x155: {  	[tilespmem:s23], [sflag:$0x1] =	stream.indirect.gather [hbm4b:s4+s29], $0x80, s12, s29, $0xb8;
	[tilespmem:$0x1D000] =	vst v63  }
0x156: {  	_ =	swait.ge [sflag:s0], $0x2800  }
.Ltmp4:
0x157: {  	[sflag:s0] =	ssyncset.done $0x0;
	(pc) =	sbr.rel @p0 .LBB2_10-.Ltmp4, $4  }
0x158: {  	s11 =	sadd.s32 $0x3080, s11;
	[sflag:s0] =	ssyncadd.s32 $0xFFFFD800  }
0x159: {  	[spmem:s1] =	stream.indirect.scatter.add.f32 [tilespmem:s30], [sflag:$0x4], $0x80, s11, s29, $0xb8;
	[tilespmem:$0x1D000] =	vst v63  }
0x15a: {  	_ =	swait.ge [sflag:s24], $0x2800  }
0x15b: {  	s12 =	smov.u32 s16;
	s11 =	sshra.s32 s15, $0x2;
	[sflag:s24] =	ssyncset.done $0x0  }
0x15c: {  	s12 =	sadd.s32 $0x1080, s11;
	[sflag:s24] =	ssyncadd.s32 $0xFFFFD800  }
0x15d: {  	[tilespmem:s30], [sflag:$0x2] =	stream.indirect.gather [hbm4b:s4+s29], $0x80, s12, s29, $0xb8;
	[tilespmem:$0x1D000] =	vst v63  }
0x15e: {  	_ =	swait.ge [sflag:s31], $0x2800  }
0x15f: {  	[sflag:s31] =	ssyncset.done $0x0  }
0x160: {  	s15 =	sadd.s32 $0x3000, s11;
	[sflag:s31] =	ssyncadd.s32 $0xFFFFD800  }
0x161: {  	[spmem:s1] =	stream.indirect.scatter.add.f32 [tilespmem:s23], [sflag:$0x4], $0x80, s15, s29, $0xb8;
	[tilespmem:$0x1D000] =	vst v63  }
0x162: {  	_ =	swait.ge [sflag:s24], $0x2800  }
0x163: {  	[sflag:s24] =	ssyncset.done $0x0  }
0x164: {  	s16 =	sadd.s32 $0x1100, s11;
	[sflag:s24] =	ssyncadd.s32 $0xFFFFD800  }
0x165: {  	[tilespmem:s23], [sflag:$0x1] =	stream.indirect.gather [hbm4b:s4+s29], $0x80, s16, s29, $0xb8;
	[tilespmem:$0x1D000] =	vst v63  }
0x166: {  	_ =	swait.ge [sflag:s0], $0x2800  }
0x167: {  	[sflag:s0] =	ssyncset.done $0x0  }
0x168: {  	s12 =	sadd.s32 $0x3080, s11;
	[sflag:s0] =	ssyncadd.s32 $0xFFFFD800  }
0x169: {  	[spmem:s1] =	stream.indirect.scatter.add.f32 [tilespmem:s30], [sflag:$0x4], $0x80, s12, s29, $0xb8;
	[tilespmem:$0x1D000] =	vst v63  }
0x16a: {  	_ =	swait.ge [sflag:s24], $0x2800  }
0x16b: {  	[sflag:s24] =	ssyncset.done $0x0  }
0x16c: {  	[sflag:s24] =	ssyncadd.s32 $0xFFFFD800  }
0x16d: {  	[tilespmem:s30], [sflag:$0x2] =	stream.indirect.gather [hbm4b:s4+s29], $0x80, s8, s29, $0xb8;
	[tilespmem:$0x1D000] =	vst v63  }
0x16e: {  	_ =	swait.ge [sflag:s31], $0x2800  }
0x16f: {  	[sflag:s31] =	ssyncset.done $0x0  }
0x170: {  	[sflag:s31] =	ssyncadd.s32 $0xFFFFD800  }
0x171: {  	[spmem:s1] =	stream.indirect.scatter.add.f32 [tilespmem:s23], [sflag:$0x4], $0x80, s9, s29, $0xb8;
	[tilespmem:$0x1D000] =	vst v63  }
0x172: {  	_ =	swait.ge [sflag:s24], $0x2800  }
0x173: {  	[sflag:s24] =	ssyncset.done $0x0  }
0x174: {  	[sflag:s24] =	ssyncadd.s32 $0xFFFFD800  }
0x175: {  	_ =	swait.ge [sflag:s0], $0x2800  }
0x176: {  	[sflag:s0] =	ssyncset.done $0x0  }
0x177: {  	[sflag:s0] =	ssyncadd.s32 $0xFFFFD800  }
0x178: {  	[spmem:s1] =	stream.indirect.scatter.add.f32 [tilespmem:s30], [sflag:$0x4], $0x80, s10, s29, $0xb8;
	[tilespmem:$0x1D000] =	vst v63  }
0x179: {  	_ =	swait.ge [sflag:s24], $0x2800  }
0x17a: {  	s14 =	stileid.u32;
	[sflag:s24] =	ssyncset.done $0x0  }
0x17b: {  	s11 =	sshll.u32 s14, $0x6;
	[sflag:s24] =	ssyncadd.s32 $0xFFFFD800  }
0x17c: {  	s11 =	sor.u32 $0x1C04, s11;
	s15 =	sshrl.u32 s13, $0x3;
	[bflag:$0x0] =	sbarrier.arrive $0xFFFF  }
0x17d: {  	[hbm:s22], [sflag:s11] =	dma.local [spmem:s15], $0x2800  }
0x17e: {  	_ =	swait.ge [sflag:s24], $0x2800  }
0x17f: {  	s2 =	sadd.s32 $0x1, s2;
	s16 =	rddreg [dreg:$0xc]  }
0x180: {  	p0 =	sne.s32 s2, s16  }
.Ltmp5:
0x181: {  	_ = 	snop;
	(pc) =	sbr.rel @p0 .LBB2_1-.Ltmp5, $3  }
0x182: {  	_ =	sdelay $0x1  }
0x183: {  	[sflag:s24] =	ssyncset.done $0x0  }
0x184: {  	[sflag:s24] =	ssyncadd.s32 $0xFFFFD800  }
0x185: {  	_ =	sfence.sel $0x180000  }
0x186: {  	[bflag:$0x0] =	sbarrier.arrive $0xFFFF  }
0x187: {  	_ =	strace $0x9000004A  }
0x188: {  	s0 =	stileid.u32;
	[bflag:$0x2] =	sbarrier.arrive $0xFFFF  }
0x189: {  	p0 =	sne.s32 s0, $0x0;
	s0 =	rddreg [dreg:$0x3]  }
0x18a: {  	s0 =	sadd.s32 @!p0 $0x100000, s0  }
0x18b: {  	[sflag:s0] =	ssyncadd.tile.s32 @!p0 $0x1;
	_ =	shalt  }
.Lfunc_end2:
_tile_overlayer_lowered:
.L_overlay_start_2:
0x18c: {  	(tag) =	ssettag $0x2  }
0x18d: {  	s0 =	rddreg [dreg:$0x0];
	s2 =	stileid.u32  }
0x18e: {  	s1 =	rddreg [dreg:$0x1];
	p0 =	sne.s32 s2, $0x0  }
0x18f: {  	s3 =	rddreg [dreg:$0x2];
	[bflag:$0x3] =	sbarrier.arrive $0xFFFF;
	s2 =	simm.s32 @!p0 $0x1C04  }
0x190: {  	[timem:s3], [sflag:s2] =	dma.local @!p0 [hbm:s0], s1  }
0x191: {  	s0 =	simm.s32 @!p0 $0x4  }
0x192: {  	_ =	swait.ge @!p0 [sflag:s0], s1  }
0x193: {  	s1 =	ssub.s32 @!p0 $0x0, s1;
	[sflag:s0] =	ssyncset.done @!p0 $0x0  }
0x194: {  	[sflag:s0] =	ssyncadd.s32 @!p0 s1  }
0x195: {  	[bflag:$0x3] =	sbarrier.arrive $0xFFFF  }
0x196: {  	_ =	shalt  }

// kernel: kernel.14.cloned.1.call-start
scs
__scs_entry_jumppad:
0x0: {  	(pc) =	sbr.rel $0x88, $3  }
0x1: {  	(tag) =	ssettag $0x0;
	lr =	simm.s32 $0x1  }
0x2: {  	[smem:$0x3F95] =	sst lr;
	_ =	strace $0xD0000000  }
0x3: {  	_ = 	snop  }
0x4: {  	_ = 	snop  }
0x5: {  	_ = 	snop  }
0x6: {  	_ = 	snop  }
0x7: {  	_ = 	snop  }
__scs_overlays_trampoline_lowered:
0x8: {  	[smem:$0x3FA4] =	sst s0  }
0x9: {  	[smem:$0x3FA5] =	sst s1  }
0xa: {  	[smem:$0x3FA6] =	sst s2  }
0xb: {  	[smem:$0x3FA7] =	sst s3  }
0xc: {  	[smem:$0x3FA8] =	sst s4  }
0xd: {  	[smem:$0x3FA9] =	sst s5  }
0xe: {  	[smem:$0x3FAA] =	sst s6  }
0xf: {  	[smem:$0x3FAB] =	sst s7  }
0x10: {  	[smem:$0x3FAC] =	sst s8  }
0x11: {  	[smem:$0x3FAD] =	sst s9;
	s0 =	simm.s32 @!p0 $0x0  }
0x12: {  	s1 =	sld [smem:$0x3F93];
	s0 =	simm.s32 @p0 $0x1  }
0x13: {  	[smem:$0x3FAE] =	sst s0;
	s0 =	simm.s32 @!p1 $0x0  }
0x14: {  	s2 =	sld [smem:$0x3F92];
	s0 =	simm.s32 @p1 $0x1  }
0x15: {  	[smem:$0x3FAF] =	sst s0;
	s0 =	simm.s32 @!p2 $0x0  }
0x16: {  	s3 =	sld [smem:$0x3FDB];
	s0 =	simm.s32 @p2 $0x1  }
0x17: {  	s4 =	simm.s32 $0x1BF5;
	[smem:$0x3FB1] =	sst s0  }
0x18: {  	s0 =	sld [smem:$0x3F94];
	_ =	swait.ge [sflag:s4], $0x0  }
0x19: {  	s7 =	sld [smem:$0x3F95]  }
0x1a: {  	s8 =	sadd.s32 $0xFFFFE003, lr  }
0x1b: {  	s9 =	sadd.s32 $0xFFFFFEF7, lr;
	s5 =	simm.s32 $0xFFFFFFFF;
	p2 =	slt.u32 s8, $0xFFFFF086  }
0x1c: {  	p1 =	slt.u32 s9, $0xF7A;
	s5 =	simm.s32 @!p2 $0x0  }
0x1d: {  	s5 =	simm.s32 @p1 $0x1;
	p0 =	seq.s32 s7, s2  }
0x1e: {  	s7 =	smul.u32 @!p0 $0xF7A, s2;
	p2 =	seq.s32 @!p0 s5, $0x0  }
0x1f: {  	s9 =	smul.u32 $0xF7A, s1;
	s8 =	simm.s32 @!p0 $0x1BF5;
	p2 =	por !p2, p0  }
0x20: {  	[sflag:s8] =	ssyncset.s32 @!p0 $0xFFFFF086;
	s6 =	sadd.s32 @!p0 s3, s7;
	s7 =	simm.s32 @!p0 $0x108  }
0x21: {  	s3 =	sadd.s32 s3, s9;
	s6 =	sadd.s32 @!p0 $0x88, s6;
	s7 =	simm.s32 @p2 $0x1082  }
0x22: {  	[simem:s7], [sflag:s8] =	dma.local @!p0 [hbm:s6], $0xF7A  }
0x23: {  	s9 =	sor.u32 $0xD0000000, s2;
	s6 =	simm.s32 $0x108;
	_ =	swait.ge @!p0 [sflag:s8], $0x0  }
0x24: {  	s3 =	sadd.s32 $0x88, s3;
	s6 =	simm.s32 @!p1 $0x1082;
	[sflag:s4] =	ssyncset.s32 $0xFFFFF086  }
0x25: {  	[simem:s6], [sflag:s4] =	dma.local [hbm:s3], $0xF7A  }
0x26: {  	[smem:$0x3F95] =	sst s1;
	(tag) =	ssettag s2;
	_ =	strace s9  }
0x27: {  	s1 =	sld [smem:$0x3FA5]  }
0x28: {  	s2 =	sld [smem:$0x3FA6]  }
0x29: {  	s4 =	sld [smem:$0x3FA8]  }
0x2a: {  	p0 =	seq.s32 s5, $0x0;
	s5 =	sld [smem:$0x3FA9]  }
0x2b: {  	s6 =	sld [smem:$0x3FAA]  }
0x2c: {  	s7 =	sld [smem:$0x3FAB]  }
0x2d: {  	s3 =	simm.s32 $0x108;
	s8 =	sld [smem:$0x3FAC]  }
0x2e: {  	s3 =	simm.s32 @!p0 $0x1082;
	s9 =	sld [smem:$0x3FAD]  }
0x2f: {  	lr =	sadd.s32 s0, s3;
	s0 =	sld [smem:$0x3FA4]  }
0x30: {  	s3 =	sld [smem:$0x3FA7]  }
0x31: {  	[smem:$0x3FB0] =	sst s10  }
0x32: {  	s10 =	sld [smem:$0x3FAE];
	_ =	sdelay $0x3  }
0x33: {  	p0 =	seq.s32 s10, $0x1;
	s10 =	sld [smem:$0x3FB0];
	_ =	sdelay $0x3  }
0x34: {  	[smem:$0x3FB0] =	sst s10  }
0x35: {  	s10 =	sld [smem:$0x3FAF];
	_ =	sdelay $0x3  }
0x36: {  	p1 =	seq.s32 s10, $0x1;
	s10 =	sld [smem:$0x3FB0];
	_ =	sdelay $0x3  }
0x37: {  	[smem:$0x3FB0] =	sst s10  }
0x38: {  	s10 =	sld [smem:$0x3FB1]  }
0x39: {  	_ = 	snop;
	(pc) =	sbr.ind lr, $3  }
0x3a: {  	_ = 	snop  }
0x3b: {  	_ = 	snop  }
0x3c: {  	p2 =	seq.s32 s10, $0x1;
	s10 =	sld [smem:$0x3FB0]  }
0x3d: {  	_ =	shalt  }
0x3e: {  	_ =	shalt  }
0x3f: {  	_ =	shalt  }
0x40: {  	_ =	shalt  }
0x41: {  	_ =	shalt  }
0x42: {  	_ =	shalt  }
0x43: {  	_ =	shalt  }
0x44: {  	_ =	shalt  }
0x45: {  	_ =	shalt  }
0x46: {  	_ =	shalt  }
0x47: {  	_ =	shalt  }
0x48: {  	_ =	shalt  }
0x49: {  	_ =	shalt  }
0x4a: {  	_ =	shalt  }
0x4b: {  	_ =	shalt  }
0x4c: {  	_ =	shalt  }
0x4d: {  	_ =	shalt  }
0x4e: {  	_ =	shalt  }
0x4f: {  	_ =	shalt  }
0x50: {  	_ =	shalt  }
0x51: {  	_ =	shalt  }
0x52: {  	_ =	shalt  }
0x53: {  	_ =	shalt  }
0x54: {  	_ =	shalt  }
0x55: {  	_ =	shalt  }
0x56: {  	_ =	shalt  }
0x57: {  	_ =	shalt  }
0x58: {  	_ =	shalt  }
0x59: {  	_ =	shalt  }
0x5a: {  	_ =	shalt  }
0x5b: {  	_ =	shalt  }
0x5c: {  	_ =	shalt  }
0x5d: {  	_ =	shalt  }
0x5e: {  	_ =	shalt  }
0x5f: {  	_ =	shalt  }
0x60: {  	_ =	shalt  }
0x61: {  	_ =	shalt  }
0x62: {  	_ =	shalt  }
0x63: {  	_ =	shalt  }
0x64: {  	_ =	shalt  }
0x65: {  	_ =	shalt  }
0x66: {  	_ =	shalt  }
0x67: {  	_ =	shalt  }
0x68: {  	_ =	shalt  }
0x69: {  	_ =	shalt  }
0x6a: {  	_ =	shalt  }
0x6b: {  	_ =	shalt  }
0x6c: {  	_ =	shalt  }
0x6d: {  	_ =	shalt  }
0x6e: {  	_ =	shalt  }
0x6f: {  	_ =	shalt  }
0x70: {  	_ =	shalt  }
0x71: {  	_ =	shalt  }
0x72: {  	_ =	shalt  }
0x73: {  	_ =	shalt  }
0x74: {  	_ =	shalt  }
0x75: {  	_ =	shalt  }
0x76: {  	_ =	shalt  }
0x77: {  	_ =	shalt  }
0x78: {  	_ =	shalt  }
0x79: {  	_ =	shalt  }
0x7a: {  	_ =	shalt  }
0x7b: {  	_ =	shalt  }
0x7c: {  	_ =	shalt  }
0x7d: {  	_ =	shalt  }
0x7e: {  	_ =	shalt  }
0x7f: {  	_ =	shalt  }
0x80: {  	_ =	shalt  }
0x81: {  	_ =	shalt  }
0x82: {  	_ =	shalt  }
0x83: {  	_ =	shalt  }
0x84: {  	_ =	shalt  }
0x85: {  	_ =	shalt  }
0x86: {  	_ =	shalt  }
0x87: {  	_ =	shalt  }
.Lfunc_end0:
.L_simem_size_0:
called_computation.2_lowered:
.L_overlay_start_0:
0x88: {  	s2 =	sld [smem:$0x3FD9]  }
0x89: {  	s3 =	sld [smem:$0x3FFE];
	_ =	sdelay $0x1  }
0x8a: {  	s1 =	srdreg.scid  }
0x8b: {  	s0 =	sand.u32 $0x1, s1  }
0x8c: {  	s17 =	sshll.u32 s0, $0xA;
	s2 =	sadd.s32 s3, s2  }
0x8d: {  	s2 =	sadd.s32 s2, s17  }
0x8e: {  	[smem:$0x3FBC] =	sst s2  }
0x8f: {  	_ = 	snop  }
0x90: {  	s2 =	sld [smem:$0x3FD0];
	(tm) =	ssettm $0x1  }
0x91: {  	s18 =	sld [smem:$0x3FFB];
	_ =	sdelay $0x3  }
0x92: {  	_ =	strace s18  }
0x93: {  	s3 =	sld [smem:$0x3FFC];
	_ =	sdelay $0x3  }
0x94: {  	_ =	strace s3  }
0x95: {  	s3 =	sld [smem:$0x3FFD];
	_ =	sdelay $0x3  }
0x96: {  	_ =	strace s3  }
0x97: {  	_ =	strace $0x8FFFFFFF  }
0x98: {  	s19 =	sld [smem:$0x3FDB];
	_ =	sdelay $0x1  }
0x99: {  	s4 =	simm.s32 $_scs_section_size  }
0x9a: {  	s5 =	simm.s32 $_size__tile_overlayer_lowered;
	s6 =	simm.s32 $_tile_overlayer_lowered  }
0x9b: {  	s22 =	simm.s32 $0x1BFF;
	s21 =	sshll.u32 s6, $0x1;
	s3 =	sadd.s32 s4, s19  }
0x9c: {  	s7 =	simm.s32 $0x0;
	s20 =	sshll.u32 s5, $0x1;
	s5 =	sadd.s32 s21, s3  }
0x9d: {  	[timem:s7], [sflag:s22] =	dma.local [hbm:s5], s20  }
0x9e: {  	_ =	swait.ge [sflag:s22], s20  }
0x9f: {  	s4 =	ssub.s32 $0x0, s20;
	[sflag:s22] =	ssyncset.done $0x0  }
0xa0: {  	[sflag:s22] =	ssyncadd.s32 s4;
	_ =	sdelay $0x1  }
0xa1: {  	s23 =	simm.s32 $0x1B8B  }
0xa2: {  	_ =	swait.ge [sflag:s23], $0x1  }
0xa3: {  	[sflag:s23] =	ssyncset.done $0x0  }
0xa4: {  	s25 =	simm.s32 $0x1B8E;
	s24 =	sld [smem:$0x3FFE];
	[sflag:s23] =	ssyncadd.s32 $0xFFFFFFFF  }
0xa5: {  	s26 =	simm.s32 $execute0_lowered;
	[smem:$0x3FD2] =	sst s25  }
0xa6: {  	s5 =	sshll.u32 s26, $0x1;
	_ =	strace $0x8000004C;
	[dreg:$0x1] =	wrdreg $0xFFFFFFFF  }
0xa7: {  	s28 =	simm.s32 $_size_execute0_lowered;
	s3 =	sadd.s32 s3, s5;
	[dreg:$0x0] =	wrdreg $0x0  }
0xa8: {  	s5 =	sshll.u32 s28, $0x1;
	[dreg:$0x2] =	wrdreg s3  }
0xa9: {  	[dreg:$0x3] =	wrdreg s5  }
0xaa: {  	[dreg:$0x4] =	wrdreg $0xC0  }
0xab: {  	_ =	task [dreg:s7], $0x5FFFF  }
0xac: {  	[dreg:$0x1] =	wrdreg $0xFFFFFFFF  }
0xad: {  	[dreg:$0x0] =	wrdreg $0x60  }
0xae: {  	[dreg:$0x2] =	wrdreg s24  }
0xaf: {  	[dreg:$0x3] =	wrdreg s2  }
0xb0: {  	[dreg:$0x4] =	wrdreg $0x90000  }
0xb1: {  	[dreg:$0x5] =	wrdreg $0x9  }
0xb2: {  	_ =	task.clear_ibuf [dreg:s7], $0x6FFFF;
	_ =	strace $0x9000004C  }
0xb3: {  	s29 =	simm.s32 $0x9;
	_ =	strace $0x8000004E  }
0xb4: {  	_ =	swait.ge [sflag:s29], $0x1  }
0xb5: {  	[sflag:s29] =	ssyncadd.s32 $0xFFFFFFFF  }
0xb6: {  	_ =	strace $0x9000004E  }
0xb7: {  	_ =	sfence  }
0xb8: {  	s30 =	sld [smem:$0x0];
	_ =	sdelay $0x2  }
0xb9: {  	s31 =	sshll.u32 s1, $0xD;
	s1 =	sshrl.u32 s1, $0x2  }
0xba: {  	s3 =	sand.u32 $0x4000, s31;
	s1 =	sadd.s32 s1, s30  }
0xbb: {  	s0 =	sor.u32 s3, s0;
	s1 =	sshll.u32 s1, $0x11  }
0xbc: {  	s0 =	sor.u32 s1, s0  }
0xbd: {  	s0 =	sadd.s32 $0x8F2B, s0  }
0xbe: {  	[sflag:s0] =	ssyncadd.remote.s32 $0x1  }
0xbf: {  	_ =	sfence.sel $0xFFFF  }
0xc0: {  	[dreg:$0x0] =	wrdreg $0xFFFFFFFF;
	(pc) =	sbr.abs _section_cstart, $3  }
0xc1: {  	[dreg:$0x1] =	wrdreg $0xFFFFFFFF  }
0xc2: {  	_ =	task.clear_ibuf [dreg:s7], $0x2FFFF;
	_ =	strace $0x9FFFFFFF  }
0xc3: {  	(tm) =	ssettm $0x7FFFFFFF  }
tec
execute0_lowered:
.L_overlay_start_1:
0x0: {  	(tag) =	ssettag $0x1  }
0x1: {  	s0 =	rddreg [dreg:$0x0]  }
0x2: {  	s3 =	rddreg [dreg:$0x1]  }
0x3: {  	s1 =	rddreg [dreg:$0x2]  }
0x4: {  	s2 =	simm.s32 $0x0;
	s5 =	srdreg.scid;
	s11 =	stileid.u32  }
0x5: {  	s28 =	simm.s32 $0x3000;
	s29 =	simm.s32 $0x50;
	s30 =	simm.s32 $0x6800  }
0x6: {  	s31 =	simm.s32 $0x1;
	[smem:$0x7FF] =	sst s2;
	s4 =	sadd.s32 $0x14800, s0  }
0x7: {  	s5 =	sand.u32 $0x1, s5;
	s8 =	sshll.u32 s11, $0xB;
	s20 =	smul.u32 $0x50000, s11  }
0x8: {  	s9 =	sadd.s32 $0x4800, s0;
	s23 =	smul.u32 $0x2800, s11;
	_ =	strace $0x8000004D  }
0x9: {  	s6 =	ssub.s32 $0x2, s5;
	s7 =	sshll.u32 s5, $0xF;
	p0 =	seq.s32 s5, $0x1  }
0xa: {  	s5 =	simm.s32 $0x64800;
	s10 =	sshrl.u32 s6, $0x1;
	s7 =	sor.u32 s8, s7  }
0xb: {  	s22 =	sshrl.u32 s20, $0x2;
	s5 =	simm.s32 @!p0 $0x3C800;
	s6 =	ssub.s32 s6, s10  }
0xc: {  	s8 =	sadd.s32 s3, s7;
	s16 =	sor.u32 $0x200, s7;
	s17 =	sadd.s32 s9, s7  }
0xd: {  	s19 =	sor.u32 $0x400, s7;
	s7 =	sor.u32 $0x600, s7;
	s13 =	sadd.s32 s22, s1  }
0xe: {  	s0 =	sadd.s32 s5, s0;
	s5 =	simm.s32 $0x2F00;
	[dreg:$0x4] =	wrdreg s8  }
0xf: {  	s10 =	simm.s32 $0x3F80;
	[dreg:$0x5] =	wrdreg s17;
	s18 =	sadd.s32 s3, s16  }
0x10: {  	s8 =	sadd.s32 s9, s16;
	s12 =	sadd.s32 s3, s19;
	[dreg:$0x6] =	wrdreg s18  }
0x11: {  	s3 =	sadd.s32 s3, s7;
	s21 =	sadd.s32 s9, s7;
	[dreg:$0x7] =	wrdreg s8  }
0x12: {  	s24 =	smax.u32 s6, $0x1;
	s25 =	sadd.s32 $0x2800, s13;
	[dreg:$0x8] =	wrdreg s12  }
0x13: {  	s26 =	sadd.s32 $0x5000, s13;
	s17 =	sadd.s32 $0x7800, s13;
	[dreg:$0xa] =	wrdreg s3  }
0x14: {  	s20 =	sadd.s32 $0xF000, s13;
	s22 =	sadd.s32 s0, s23;
	[dreg:$0xb] =	wrdreg s21  }
0x15: {  	s23 =	simm.s32 $0x4000;
	s0 =	simm.s32 $0x2;
	[dreg:$0xc] =	wrdreg s24  }
0x16: {  	s6 =	simm.s32 $0x2F80;
	s7 =	simm.s32 $0x3;
	[dreg:$0xd] =	wrdreg s25  }
0x17: {  	s8 =	sadd.s32 s9, s19;
	[dreg:$0xe] =	wrdreg s26;
	s18 =	sadd.s32 $0xA000, s13  }
0x18: {  	s19 =	sadd.s32 $0xC800, s13;
	s21 =	sadd.s32 $0x11800, s13;
	s24 =	simm.s32 $0x4  }
0x19: {  	s25 =	simm.s32 $0x2000;
	s26 =	simm.s32 $0x1000;
	s3 =	simm.s32 $0xF80  }
0x1a: {  	v0 =	vimm.f32 $0.0e+00;
	s9 =	simm.s32 $0x3F00;
	[dreg:$0x9] =	wrdreg s8;
	s8 =	simm.s32 $0x1F80  }
.LBB2_1:
0x1b: {  	s11 =	simm.s32 $0x70;
	s12 =	simm.s32 $0x3C0  }
.LBB2_2:
0x1c: {  	p0 =	sne.s32 s12, $0x9FC0;
	[tilespmem:s11+$0x4000] =	vst v0  }
0x1d: {  	[tilespmem:s11+$0x3F90] =	vst v0  }
0x1e: {  	[tilespmem:s11+$0x3FA0] =	vst v0  }
.Ltmp0:
0x1f: {  	[tilespmem:s11+$0x3FB0] =	vst v0;
	(pc) =	sbr.rel @p0 .LBB2_2-.Ltmp0, $4  }
0x20: {  	[tilespmem:s11+$0x3FC0] =	vst v0  }
0x21: {  	[tilespmem:s11+$0x3FD0] =	vst v0  }
0x22: {  	[tilespmem:s11+$0x3FE0] =	vst v0  }
0x23: {  	[tilespmem:s11+$0x3FF0] =	vst v0;
	s11 =	sshra.s32 s12, $0x2;
	s12 =	sadd.s32 $0x200, s12  }
0x24: {  	[tilespmem:s11+$0x4000] =	vst v0  }
0x25: {  	[tilespmem:s11+$0x3F90] =	vst v0  }
0x26: {  	[tilespmem:s11+$0x3FA0] =	vst v0  }
0x27: {  	[tilespmem:s11+$0x3FB0] =	vst v0  }
0x28: {  	[tilespmem:s11+$0x3FC0] =	vst v0  }
0x29: {  	[tilespmem:s11+$0x3FD0] =	vst v0  }
0x2a: {  	[tilespmem:s11+$0x3FE0] =	vst v0  }
0x2b: {  	[tilespmem:s11+$0x3FF0] =	vst v0  }
0x2c: {  	[spmem:s13] =	stream.linear.scatter [tilespmem:s23], [sflag:$0x4], $0x2800, $0x38;
	[tilespmem:$0x1D000] =	vst v63  }
0x2d: {  	_ =	swait.ge [sflag:s24], $0x2800  }
0x2e: {  	[sflag:s24] =	ssyncset.done $0x0  }
0x2f: {  	s16 =	rddreg [dreg:$0xd];
	[sflag:s24] =	ssyncadd.s32 $0xFFFFD800  }
0x30: {  	[spmem:s16] =	stream.linear.scatter [tilespmem:s23], [sflag:$0x4], $0x2800, $0x38;
	[tilespmem:$0x1D000] =	vst v63  }
0x31: {  	_ =	swait.ge [sflag:s24], $0x2800  }
0x32: {  	[sflag:s24] =	ssyncset.done $0x0  }
0x33: {  	s12 =	rddreg [dreg:$0xe];
	[sflag:s24] =	ssyncadd.s32 $0xFFFFD800  }
0x34: {  	[spmem:s12] =	stream.linear.scatter [tilespmem:s23], [sflag:$0x4], $0x2800, $0x38;
	[tilespmem:$0x1D000] =	vst v63  }
0x35: {  	_ =	swait.ge [sflag:s24], $0x2800  }
0x36: {  	[sflag:s24] =	ssyncset.done $0x0  }
0x37: {  	[sflag:s24] =	ssyncadd.s32 $0xFFFFD800  }
0x38: {  	[spmem:s17] =	stream.linear.scatter [tilespmem:s23], [sflag:$0x4], $0x2800, $0x38;
	[tilespmem:$0x1D000] =	vst v63  }
0x39: {  	_ =	swait.ge [sflag:s24], $0x2800  }
0x3a: {  	[sflag:s24] =	ssyncset.done $0x0  }
0x3b: {  	[sflag:s24] =	ssyncadd.s32 $0xFFFFD800  }
0x3c: {  	[spmem:s18] =	stream.linear.scatter [tilespmem:s23], [sflag:$0x4], $0x2800, $0x38;
	[tilespmem:$0x1D000] =	vst v63  }
0x3d: {  	_ =	swait.ge [sflag:s24], $0x2800  }
0x3e: {  	[sflag:s24] =	ssyncset.done $0x0  }
0x3f: {  	[sflag:s24] =	ssyncadd.s32 $0xFFFFD800  }
0x40: {  	[spmem:s19] =	stream.linear.scatter [tilespmem:s23], [sflag:$0x4], $0x2800, $0x38;
	[tilespmem:$0x1D000] =	vst v63  }
0x41: {  	_ =	swait.ge [sflag:s24], $0x2800  }
0x42: {  	[sflag:s24] =	ssyncset.done $0x0  }
0x43: {  	[sflag:s24] =	ssyncadd.s32 $0xFFFFD800  }
0x44: {  	[spmem:s20] =	stream.linear.scatter [tilespmem:s23], [sflag:$0x4], $0x2800, $0x38;
	[tilespmem:$0x1D000] =	vst v63  }
0x45: {  	_ =	swait.ge [sflag:s24], $0x2800  }
0x46: {  	[sflag:s24] =	ssyncset.done $0x0  }
0x47: {  	[sflag:s24] =	ssyncadd.s32 $0xFFFFD800  }
0x48: {  	[spmem:s21] =	stream.linear.scatter [tilespmem:s23], [sflag:$0x4], $0x2800, $0x38;
	[tilespmem:$0x1D000] =	vst v63  }
0x49: {  	_ =	swait.ge [sflag:s24], $0x2800  }
0x4a: {  	[sflag:s24] =	ssyncset.done $0x0  }
0x4b: {  	s11 =	simm.s32 $0x0;
	s12 =	rddreg [dreg:$0x4];
	[sflag:s24] =	ssyncadd.s32 $0xFFFFD800  }
0x4c: {  	[tilespmem:s11], [sflag:$0x4] =	stream.linear.gather [hbm4b:s12+s11], $0x1000, $0x38;
	[tilespmem:$0x1D000] =	vst v63  }
0x4d: {  	_ =	swait.ge [sflag:s24], $0x1000  }
0x4e: {  	[sflag:s24] =	ssyncset.done $0x0  }
0x4f: {  	s14 =	rddreg [dreg:$0x5];
	[sflag:s24] =	ssyncadd.s32 $0xFFFFF000  }
0x50: {  	[tilespmem:s25], [sflag:$0x4] =	stream.linear.gather [hbm4b:s14+s11], $0x1000, $0x38;
	[tilespmem:$0x1D000] =	vst v63  }
0x51: {  	_ =	swait.ge [sflag:s24], $0x1000  }
0x52: {  	[sflag:s24] =	ssyncset.done $0x0  }
0x53: {  	[sflag:s24] =	ssyncadd.s32 $0xFFFFF000  }
0x54: {  	[bflag:$0x0] =	sbarrier.arrive $0xFFFF  }
0x55: {  	s15 =	rddreg [dreg:$0x6]  }
0x56: {  	[tilespmem:s26], [sflag:$0x3] =	stream.linear.gather [hbm4b:s15+s11], $0x1000, $0x38;
	[tilespmem:$0x1D000] =	vst v63  }
0x57: {  	s16 =	rddreg [dreg:$0x7]  }
0x58: {  	[tilespmem:s28], [sflag:$0x3] =	stream.linear.gather [hbm4b:s16+s11], $0x1000, $0x38;
	[tilespmem:$0x1D000] =	vst v63  }
0x59: {  	_ = 	snop  }
0x5a: {  	[tilespmem:s23], [sflag:$0x1] =	stream.indirect.gather [hbm4b:s4+s29], $0x80, s11, s29, $0xb8;
	[tilespmem:$0x1D000] =	vst v63  }
0x5b: {  	s12 =	simm.s32 $0x80  }
0x5c: {  	[tilespmem:s30], [sflag:$0x2] =	stream.indirect.gather [hbm4b:s4+s29], $0x80, s12, s29, $0xb8;
	[tilespmem:$0x1D000] =	vst v63  }
0x5d: {  	_ =	swait.ge [sflag:s31], $0x2800  }
0x5e: {  	[sflag:s31] =	ssyncset.done $0x0  }
0x5f: {  	s14 =	simm.s32 $0x2000;
	[sflag:s31] =	ssyncadd.s32 $0xFFFFD800  }
0x60: {  	[spmem:s1] =	stream.indirect.scatter.add.f32 [tilespmem:s23], [sflag:$0x4], $0x80, s14, s29, $0xb8;
	[tilespmem:$0x1D000] =	vst v63  }
0x61: {  	_ =	swait.ge [sflag:s24], $0x2800  }
0x62: {  	[sflag:s24] =	ssyncset.done $0x0  }
0x63: {  	s15 =	simm.s32 $0x100;
	[sflag:s24] =	ssyncadd.s32 $0xFFFFD800  }
0x64: {  	[tilespmem:s23], [sflag:$0x1] =	stream.indirect.gather [hbm4b:s4+s29], $0x80, s15, s29, $0xb8;
	[tilespmem:$0x1D000] =	vst v63  }
0x65: {  	_ =	swait.ge [sflag:s0], $0x2800  }
0x66: {  	[sflag:s0] =	ssyncset.done $0x0  }
0x67: {  	s16 =	simm.s32 $0x2080;
	[sflag:s0] =	ssyncadd.s32 $0xFFFFD800  }
0x68: {  	[spmem:s1] =	stream.indirect.scatter.add.f32 [tilespmem:s30], [sflag:$0x4], $0x80, s16, s29, $0xb8;
	[tilespmem:$0x1D000] =	vst v63  }
0x69: {  	_ =	swait.ge [sflag:s24], $0x2800  }
0x6a: {  	s11 =	simm.s32 $0x100;
	s12 =	simm.s32 $0x800;
	[sflag:s24] =	ssyncset.done $0x0  }
.LBB2_4:
0x6b: {  	s14 =	sadd.s32 $0x80, s11  }
0x6c: {  	[sflag:s24] =	ssyncadd.s32 $0xFFFFD800;
	s15 =	smov.u32 s12;
	s16 =	sadd.s32 $0x400, s12  }
0x6d: {  	[tilespmem:s30], [sflag:$0x2] =	stream.indirect.gather [hbm4b:s4+s29], $0x80, s14, s29, $0xb8;
	[tilespmem:$0x1D000] =	vst v63  }
0x6e: {  	p0 =	sne.s32 s12, $0x3800;
	_ =	swait.ge [sflag:s31], $0x2800  }
0x6f: {  	[sflag:s31] =	ssyncset.done $0x0  }
0x70: {  	s12 =	sadd.s32 $0x2000, s11;
	[sflag:s31] =	ssyncadd.s32 $0xFFFFD800  }
0x71: {  	[spmem:s1] =	stream.indirect.scatter.add.f32 [tilespmem:s23], [sflag:$0x4], $0x80, s12, s29, $0xb8;
	[tilespmem:$0x1D000] =	vst v63  }
0x72: {  	_ =	swait.ge [sflag:s24], $0x2800  }
0x73: {  	[sflag:s24] =	ssyncset.done $0x0  }
0x74: {  	s12 =	sadd.s32 $0x100, s11;
	[sflag:s24] =	ssyncadd.s32 $0xFFFFD800  }
0x75: {  	[tilespmem:s23], [sflag:$0x1] =	stream.indirect.gather [hbm4b:s4+s29], $0x80, s12, s29, $0xb8;
	[tilespmem:$0x1D000] =	vst v63  }
0x76: {  	_ =	swait.ge [sflag:s0], $0x2800  }
.Ltmp1:
0x77: {  	[sflag:s0] =	ssyncset.done $0x0;
	(pc) =	sbr.rel @p0 .LBB2_4-.Ltmp1, $4  }
0x78: {  	s11 =	sadd.s32 $0x2080, s11;
	[sflag:s0] =	ssyncadd.s32 $0xFFFFD800  }
0x79: {  	[spmem:s1] =	stream.indirect.scatter.add.f32 [tilespmem:s30], [sflag:$0x4], $0x80, s11, s29, $0xb8;
	[tilespmem:$0x1D000] =	vst v63  }
0x7a: {  	_ =	swait.ge [sflag:s24], $0x2800  }
0x7b: {  	s12 =	smov.u32 s16;
	s11 =	sshra.s32 s15, $0x2;
	[sflag:s24] =	ssyncset.done $0x0  }
0x7c: {  	s12 =	sadd.s32 $0x80, s11;
	[sflag:s24] =	ssyncadd.s32 $0xFFFFD800  }
0x7d: {  	[tilespmem:s30], [sflag:$0x2] =	stream.indirect.gather [hbm4b:s4+s29], $0x80, s12, s29, $0xb8;
	[tilespmem:$0x1D000] =	vst v63  }
0x7e: {  	_ =	swait.ge [sflag:s31], $0x2800  }
0x7f: {  	[sflag:s31] =	ssyncset.done $0x0  }
0x80: {  	s15 =	sadd.s32 $0x2000, s11;
	[sflag:s31] =	ssyncadd.s32 $0xFFFFD800  }
0x81: {  	[spmem:s1] =	stream.indirect.scatter.add.f32 [tilespmem:s23], [sflag:$0x4], $0x80, s15, s29, $0xb8;
	[tilespmem:$0x1D000] =	vst v63  }
0x82: {  	_ =	swait.ge [sflag:s24], $0x2800  }
0x83: {  	[sflag:s24] =	ssyncset.done $0x0  }
0x84: {  	s16 =	sadd.s32 $0x100, s11;
	[sflag:s24] =	ssyncadd.s32 $0xFFFFD800  }
0x85: {  	[tilespmem:s23], [sflag:$0x1] =	stream.indirect.gather [hbm4b:s4+s29], $0x80, s16, s29, $0xb8;
	[tilespmem:$0x1D000] =	vst v63  }
0x86: {  	_ =	swait.ge [sflag:s0], $0x2800  }
0x87: {  	[sflag:s0] =	ssyncset.done $0x0  }
0x88: {  	s12 =	sadd.s32 $0x2080, s11;
	[sflag:s0] =	ssyncadd.s32 $0xFFFFD800  }
0x89: {  	[spmem:s1] =	stream.indirect.scatter.add.f32 [tilespmem:s30], [sflag:$0x4], $0x80, s12, s29, $0xb8;
	[tilespmem:$0x1D000] =	vst v63  }
0x8a: {  	_ =	swait.ge [sflag:s24], $0x2800  }
0x8b: {  	[sflag:s24] =	ssyncset.done $0x0  }
0x8c: {  	[sflag:s24] =	ssyncadd.s32 $0xFFFFD800  }
0x8d: {  	[tilespmem:s30], [sflag:$0x2] =	stream.indirect.gather [hbm4b:s4+s29], $0x80, s3, s29, $0xb8;
	[tilespmem:$0x1D000] =	vst v63  }
0x8e: {  	_ =	swait.ge [sflag:s31], $0x2800  }
0x8f: {  	[sflag:s31] =	ssyncset.done $0x0  }
0x90: {  	[sflag:s31] =	ssyncadd.s32 $0xFFFFD800  }
0x91: {  	[spmem:s1] =	stream.indirect.scatter.add.f32 [tilespmem:s23], [sflag:$0x4], $0x80, s5, s29, $0xb8;
	[tilespmem:$0x1D000] =	vst v63  }
0x92: {  	_ =	swait.ge [sflag:s24], $0x2800  }
0x93: {  	[sflag:s24] =	ssyncset.done $0x0  }
0x94: {  	[sflag:s24] =	ssyncadd.s32 $0xFFFFD800  }
0x95: {  	_ =	swait.ge [sflag:s0], $0x2800  }
0x96: {  	[sflag:s0] =	ssyncset.done $0x0  }
0x97: {  	[sflag:s0] =	ssyncadd.s32 $0xFFFFD800  }
0x98: {  	[spmem:s1] =	stream.indirect.scatter.add.f32 [tilespmem:s30], [sflag:$0x4], $0x80, s6, s29, $0xb8;
	[tilespmem:$0x1D000] =	vst v63  }
0x99: {  	_ =	swait.ge [sflag:s24], $0x2800  }
0x9a: {  	[sflag:s24] =	ssyncset.done $0x0  }
0x9b: {  	[sflag:s24] =	ssyncadd.s32 $0xFFFFD800  }
0x9c: {  	_ =	swait.ge [sflag:s7], $0x1000  }
0x9d: {  	[sflag:s7] =	ssyncset.done $0x0  }
0x9e: {  	[sflag:s7] =	ssyncadd.s32 $0xFFFFF000  }
0x9f: {  	_ =	swait.ge [sflag:s7], $0x1000  }
0xa0: {  	[sflag:s7] =	ssyncset.done $0x0  }
0xa1: {  	s14 =	simm.s32 $0x0;
	s15 =	rddreg [dreg:$0x8];
	[sflag:s7] =	ssyncadd.s32 $0xFFFFF000  }
0xa2: {  	[tilespmem:s14], [sflag:$0x3] =	stream.linear.gather [hbm4b:s15+s14], $0x1000, $0x38;
	[tilespmem:$0x1D000] =	vst v63  }
0xa3: {  	s16 =	rddreg [dreg:$0x9]  }
0xa4: {  	[tilespmem:s25], [sflag:$0x3] =	stream.linear.gather [hbm4b:s16+s14], $0x1000, $0x38;
	[tilespmem:$0x1D000] =	vst v63  }
0xa5: {  	_ = 	snop  }
0xa6: {  	[tilespmem:s23], [sflag:$0x1] =	stream.indirect.gather [hbm4b:s4+s29], $0x80, s26, s29, $0xb8;
	[tilespmem:$0x1D000] =	vst v63  }
0xa7: {  	s12 =	simm.s32 $0x1080  }
0xa8: {  	[tilespmem:s30], [sflag:$0x2] =	stream.indirect.gather [hbm4b:s4+s29], $0x80, s12, s29, $0xb8;
	[tilespmem:$0x1D000] =	vst v63  }
0xa9: {  	_ =	swait.ge [sflag:s31], $0x2800  }
0xaa: {  	[sflag:s31] =	ssyncset.done $0x0  }
0xab: {  	s14 =	simm.s32 $0x3000;
	[sflag:s31] =	ssyncadd.s32 $0xFFFFD800  }
0xac: {  	[spmem:s1] =	stream.indirect.scatter.add.f32 [tilespmem:s23], [sflag:$0x4], $0x80, s14, s29, $0xb8;
	[tilespmem:$0x1D000] =	vst v63  }
0xad: {  	_ =	swait.ge [sflag:s24], $0x2800  }
0xae: {  	[sflag:s24] =	ssyncset.done $0x0  }
0xaf: {  	s15 =	simm.s32 $0x1100;
	[sflag:s24] =	ssyncadd.s32 $0xFFFFD800  }
0xb0: {  	[tilespmem:s23], [sflag:$0x1] =	stream.indirect.gather [hbm4b:s4+s29], $0x80, s15, s29, $0xb8;
	[tilespmem:$0x1D000] =	vst v63  }
0xb1: {  	_ =	swait.ge [sflag:s0], $0x2800  }
0xb2: {  	[sflag:s0] =	ssyncset.done $0x0  }
0xb3: {  	s16 =	simm.s32 $0x3080;
	[sflag:s0] =	ssyncadd.s32 $0xFFFFD800  }
0xb4: {  	[spmem:s1] =	stream.indirect.scatter.add.f32 [tilespmem:s30], [sflag:$0x4], $0x80, s16, s29, $0xb8;
	[tilespmem:$0x1D000] =	vst v63  }
0xb5: {  	_ =	swait.ge [sflag:s24], $0x2800  }
0xb6: {  	s11 =	simm.s32 $0x100;
	s12 =	simm.s32 $0x800;
	[sflag:s24] =	ssyncset.done $0x0  }
.LBB2_6:
0xb7: {  	s14 =	sadd.s32 $0x1080, s11  }
0xb8: {  	[sflag:s24] =	ssyncadd.s32 $0xFFFFD800;
	s15 =	smov.u32 s12;
	s16 =	sadd.s32 $0x400, s12  }
0xb9: {  	[tilespmem:s30], [sflag:$0x2] =	stream.indirect.gather [hbm4b:s4+s29], $0x80, s14, s29, $0xb8;
	[tilespmem:$0x1D000] =	vst v63  }
0xba: {  	p0 =	sne.s32 s12, $0x3800;
	_ =	swait.ge [sflag:s31], $0x2800  }
0xbb: {  	[sflag:s31] =	ssyncset.done $0x0  }
0xbc: {  	s12 =	sadd.s32 $0x3000, s11;
	[sflag:s31] =	ssyncadd.s32 $0xFFFFD800  }
0xbd: {  	[spmem:s1] =	stream.indirect.scatter.add.f32 [tilespmem:s23], [sflag:$0x4], $0x80, s12, s29, $0xb8;
	[tilespmem:$0x1D000] =	vst v63  }
0xbe: {  	_ =	swait.ge [sflag:s24], $0x2800  }
0xbf: {  	[sflag:s24] =	ssyncset.done $0x0  }
0xc0: {  	s12 =	sadd.s32 $0x1100, s11;
	[sflag:s24] =	ssyncadd.s32 $0xFFFFD800  }
0xc1: {  	[tilespmem:s23], [sflag:$0x1] =	stream.indirect.gather [hbm4b:s4+s29], $0x80, s12, s29, $0xb8;
	[tilespmem:$0x1D000] =	vst v63  }
0xc2: {  	_ =	swait.ge [sflag:s0], $0x2800  }
.Ltmp2:
0xc3: {  	[sflag:s0] =	ssyncset.done $0x0;
	(pc) =	sbr.rel @p0 .LBB2_6-.Ltmp2, $4  }
0xc4: {  	s11 =	sadd.s32 $0x3080, s11;
	[sflag:s0] =	ssyncadd.s32 $0xFFFFD800  }
0xc5: {  	[spmem:s1] =	stream.indirect.scatter.add.f32 [tilespmem:s30], [sflag:$0x4], $0x80, s11, s29, $0xb8;
	[tilespmem:$0x1D000] =	vst v63  }
0xc6: {  	_ =	swait.ge [sflag:s24], $0x2800  }
0xc7: {  	s12 =	smov.u32 s16;
	s11 =	sshra.s32 s15, $0x2;
	[sflag:s24] =	ssyncset.done $0x0  }
0xc8: {  	s12 =	sadd.s32 $0x1080, s11;
	[sflag:s24] =	ssyncadd.s32 $0xFFFFD800  }
0xc9: {  	[tilespmem:s30], [sflag:$0x2] =	stream.indirect.gather [hbm4b:s4+s29], $0x80, s12, s29, $0xb8;
	[tilespmem:$0x1D000] =	vst v63  }
0xca: {  	_ =	swait.ge [sflag:s31], $0x2800  }
0xcb: {  	[sflag:s31] =	ssyncset.done $0x0  }
0xcc: {  	s15 =	sadd.s32 $0x3000, s11;
	[sflag:s31] =	ssyncadd.s32 $0xFFFFD800  }
0xcd: {  	[spmem:s1] =	stream.indirect.scatter.add.f32 [tilespmem:s23], [sflag:$0x4], $0x80, s15, s29, $0xb8;
	[tilespmem:$0x1D000] =	vst v63  }
0xce: {  	_ =	swait.ge [sflag:s24], $0x2800  }
0xcf: {  	[sflag:s24] =	ssyncset.done $0x0  }
0xd0: {  	s16 =	sadd.s32 $0x1100, s11;
	[sflag:s24] =	ssyncadd.s32 $0xFFFFD800  }
0xd1: {  	[tilespmem:s23], [sflag:$0x1] =	stream.indirect.gather [hbm4b:s4+s29], $0x80, s16, s29, $0xb8;
	[tilespmem:$0x1D000] =	vst v63  }
0xd2: {  	_ =	swait.ge [sflag:s0], $0x2800  }
0xd3: {  	[sflag:s0] =	ssyncset.done $0x0  }
0xd4: {  	s12 =	sadd.s32 $0x3080, s11;
	[sflag:s0] =	ssyncadd.s32 $0xFFFFD800  }
0xd5: {  	[spmem:s1] =	stream.indirect.scatter.add.f32 [tilespmem:s30], [sflag:$0x4], $0x80, s12, s29, $0xb8;
	[tilespmem:$0x1D000] =	vst v63  }
0xd6: {  	_ =	swait.ge [sflag:s24], $0x2800  }
0xd7: {  	[sflag:s24] =	ssyncset.done $0x0  }
0xd8: {  	[sflag:s24] =	ssyncadd.s32 $0xFFFFD800  }
0xd9: {  	[tilespmem:s30], [sflag:$0x2] =	stream.indirect.gather [hbm4b:s4+s29], $0x80, s8, s29, $0xb8;
	[tilespmem:$0x1D000] =	vst v63  }
0xda: {  	_ =	swait.ge [sflag:s31], $0x2800  }
0xdb: {  	[sflag:s31] =	ssyncset.done $0x0  }
0xdc: {  	[sflag:s31] =	ssyncadd.s32 $0xFFFFD800  }
0xdd: {  	[spmem:s1] =	stream.indirect.scatter.add.f32 [tilespmem:s23], [sflag:$0x4], $0x80, s9, s29, $0xb8;
	[tilespmem:$0x1D000] =	vst v63  }
0xde: {  	_ =	swait.ge [sflag:s24], $0x2800  }
0xdf: {  	[sflag:s24] =	ssyncset.done $0x0  }
0xe0: {  	[sflag:s24] =	ssyncadd.s32 $0xFFFFD800  }
0xe1: {  	_ =	swait.ge [sflag:s0], $0x2800  }
0xe2: {  	[sflag:s0] =	ssyncset.done $0x0  }
0xe3: {  	[sflag:s0] =	ssyncadd.s32 $0xFFFFD800  }
0xe4: {  	[spmem:s1] =	stream.indirect.scatter.add.f32 [tilespmem:s30], [sflag:$0x4], $0x80, s10, s29, $0xb8;
	[tilespmem:$0x1D000] =	vst v63  }
0xe5: {  	_ =	swait.ge [sflag:s24], $0x2800  }
0xe6: {  	[sflag:s24] =	ssyncset.done $0x0  }
0xe7: {  	[sflag:s24] =	ssyncadd.s32 $0xFFFFD800  }
0xe8: {  	_ =	swait.ge [sflag:s7], $0x1000  }
0xe9: {  	[sflag:s7] =	ssyncset.done $0x0  }
0xea: {  	[sflag:s7] =	ssyncadd.s32 $0xFFFFF000  }
0xeb: {  	_ =	swait.ge [sflag:s7], $0x1000  }
0xec: {  	[sflag:s7] =	ssyncset.done $0x0  }
0xed: {  	s14 =	simm.s32 $0x0;
	s15 =	rddreg [dreg:$0xa];
	[sflag:s7] =	ssyncadd.s32 $0xFFFFF000  }
0xee: {  	[tilespmem:s26], [sflag:$0x3] =	stream.linear.gather [hbm4b:s15+s14], $0x1000, $0x38;
	[tilespmem:$0x1D000] =	vst v63  }
0xef: {  	s16 =	rddreg [dreg:$0xb]  }
0xf0: {  	[tilespmem:s28], [sflag:$0x3] =	stream.linear.gather [hbm4b:s16+s14], $0x1000, $0x38;
	[tilespmem:$0x1D000] =	vst v63  }
0xf1: {  	_ = 	snop  }
0xf2: {  	[tilespmem:s23], [sflag:$0x1] =	stream.indirect.gather [hbm4b:s4+s29], $0x80, s14, s29, $0xb8;
	[tilespmem:$0x1D000] =	vst v63  }
0xf3: {  	s12 =	simm.s32 $0x80  }
0xf4: {  	[tilespmem:s30], [sflag:$0x2] =	stream.indirect.gather [hbm4b:s4+s29], $0x80, s12, s29, $0xb8;
	[tilespmem:$0x1D000] =	vst v63  }
0xf5: {  	_ =	swait.ge [sflag:s31], $0x2800  }
0xf6: {  	[sflag:s31] =	ssyncset.done $0x0  }
0xf7: {  	s14 =	simm.s32 $0x2000;
	[sflag:s31] =	ssyncadd.s32 $0xFFFFD800  }
0xf8: {  	[spmem:s1] =	stream.indirect.scatter.add.f32 [tilespmem:s23], [sflag:$0x4], $0x80, s14, s29, $0xb8;
	[tilespmem:$0x1D000] =	vst v63  }
0xf9: {  	_ =	swait.ge [sflag:s24], $0x2800  }
0xfa: {  	[sflag:s24] =	ssyncset.done $0x0  }
0xfb: {  	s15 =	simm.s32 $0x100;
	[sflag:s24] =	ssyncadd.s32 $0xFFFFD800  }
0xfc: {  	[tilespmem:s23], [sflag:$0x1] =	stream.indirect.gather [hbm4b:s4+s29], $0x80, s15, s29, $0xb8;
	[tilespmem:$0x1D000] =	vst v63  }
0xfd: {  	_ =	swait.ge [sflag:s0], $0x2800  }
0xfe: {  	[sflag:s0] =	ssyncset.done $0x0  }
0xff: {  	s16 =	simm.s32 $0x2080;
	[sflag:s0] =	ssyncadd.s32 $0xFFFFD800  }
0x100: {  	[spmem:s1] =	stream.indirect.scatter.add.f32 [tilespmem:s30], [sflag:$0x4], $0x80, s16, s29, $0xb8;
	[tilespmem:$0x1D000] =	vst v63  }
0x101: {  	_ =	swait.ge [sflag:s24], $0x2800  }
0x102: {  	s11 =	simm.s32 $0x100;
	s12 =	simm.s32 $0x800;
	[sflag:s24] =	ssyncset.done $0x0  }
.LBB2_8:
0x103: {  	s14 =	sadd.s32 $0x80, s11  }
0x104: {  	[sflag:s24] =	ssyncadd.s32 $0xFFFFD800;
	s15 =	smov.u32 s12;
	s16 =	sadd.s32 $0x400, s12  }
0x105: {  	[tilespmem:s30], [sflag:$0x2] =	stream.indirect.gather [hbm4b:s4+s29], $0x80, s14, s29, $0xb8;
	[tilespmem:$0x1D000] =	vst v63  }
0x106: {  	p0 =	sne.s32 s12, $0x3800;
	_ =	swait.ge [sflag:s31], $0x2800  }
0x107: {  	[sflag:s31] =	ssyncset.done $0x0  }
0x108: {  	s12 =	sadd.s32 $0x2000, s11;
	[sflag:s31] =	ssyncadd.s32 $0xFFFFD800  }
0x109: {  	[spmem:s1] =	stream.indirect.scatter.add.f32 [tilespmem:s23], [sflag:$0x4], $0x80, s12, s29, $0xb8;
	[tilespmem:$0x1D000] =	vst v63  }
0x10a: {  	_ =	swait.ge [sflag:s24], $0x2800  }
0x10b: {  	[sflag:s24] =	ssyncset.done $0x0  }
0x10c: {  	s12 =	sadd.s32 $0x100, s11;
	[sflag:s24] =	ssyncadd.s32 $0xFFFFD800  }
0x10d: {  	[tilespmem:s23], [sflag:$0x1] =	stream.indirect.gather [hbm4b:s4+s29], $0x80, s12, s29, $0xb8;
	[tilespmem:$0x1D000] =	vst v63  }
0x10e: {  	_ =	swait.ge [sflag:s0], $0x2800  }
.Ltmp3:
0x10f: {  	[sflag:s0] =	ssyncset.done $0x0;
	(pc) =	sbr.rel @p0 .LBB2_8-.Ltmp3, $4  }
0x110: {  	s11 =	sadd.s32 $0x2080, s11;
	[sflag:s0] =	ssyncadd.s32 $0xFFFFD800  }
0x111: {  	[spmem:s1] =	stream.indirect.scatter.add.f32 [tilespmem:s30], [sflag:$0x4], $0x80, s11, s29, $0xb8;
	[tilespmem:$0x1D000] =	vst v63  }
0x112: {  	_ =	swait.ge [sflag:s24], $0x2800  }
0x113: {  	s12 =	smov.u32 s16;
	s11 =	sshra.s32 s15, $0x2;
	[sflag:s24] =	ssyncset.done $0x0  }
0x114: {  	s12 =	sadd.s32 $0x80, s11;
	[sflag:s24] =	ssyncadd.s32 $0xFFFFD800  }
0x115: {  	[tilespmem:s30], [sflag:$0x2] =	stream.indirect.gather [hbm4b:s4+s29], $0x80, s12, s29, $0xb8;
	[tilespmem:$0x1D000] =	vst v63  }
0x116: {  	_ =	swait.ge [sflag:s31], $0x2800  }
0x117: {  	[sflag:s31] =	ssyncset.done $0x0  }
0x118: {  	s14 =	sadd.s32 $0x2000, s11;
	[sflag:s31] =	ssyncadd.s32 $0xFFFFD800  }
0x119: {  	[spmem:s1] =	stream.indirect.scatter.add.f32 [tilespmem:s23], [sflag:$0x4], $0x80, s14, s29, $0xb8;
	[tilespmem:$0x1D000] =	vst v63  }
0x11a: {  	_ =	swait.ge [sflag:s24], $0x2800  }
0x11b: {  	[sflag:s24] =	ssyncset.done $0x0  }
0x11c: {  	s15 =	sadd.s32 $0x100, s11;
	[sflag:s24] =	ssyncadd.s32 $0xFFFFD800  }
0x11d: {  	[tilespmem:s23], [sflag:$0x1] =	stream.indirect.gather [hbm4b:s4+s29], $0x80, s15, s29, $0xb8;
	[tilespmem:$0x1D000] =	vst v63  }
0x11e: {  	_ =	swait.ge [sflag:s0], $0x2800  }
0x11f: {  	[sflag:s0] =	ssyncset.done $0x0  }
0x120: {  	s16 =	sadd.s32 $0x2080, s11;
	[sflag:s0] =	ssyncadd.s32 $0xFFFFD800  }
0x121: {  	[spmem:s1] =	stream.indirect.scatter.add.f32 [tilespmem:s30], [sflag:$0x4], $0x80, s16, s29, $0xb8;
	[tilespmem:$0x1D000] =	vst v63  }
0x122: {  	_ =	swait.ge [sflag:s24], $0x2800  }
0x123: {  	[sflag:s24] =	ssyncset.done $0x0  }
0x124: {  	[sflag:s24] =	ssyncadd.s32 $0xFFFFD800  }
0x125: {  	[tilespmem:s30], [sflag:$0x2] =	stream.indirect.gather [hbm4b:s4+s29], $0x80, s3, s29, $0xb8;
	[tilespmem:$0x1D000] =	vst v63  }
0x126: {  	_ =	swait.ge [sflag:s31], $0x2800  }
0x127: {  	[sflag:s31] =	ssyncset.done $0x0  }
0x128: {  	[sflag:s31] =	ssyncadd.s32 $0xFFFFD800  }
0x129: {  	[spmem:s1] =	stream.indirect.scatter.add.f32 [tilespmem:s23], [sflag:$0x4], $0x80, s5, s29, $0xb8;
	[tilespmem:$0x1D000] =	vst v63  }
0x12a: {  	_ =	swait.ge [sflag:s24], $0x2800  }
0x12b: {  	[sflag:s24] =	ssyncset.done $0x0  }
0x12c: {  	[sflag:s24] =	ssyncadd.s32 $0xFFFFD800  }
0x12d: {  	_ =	swait.ge [sflag:s0], $0x2800  }
0x12e: {  	[sflag:s0] =	ssyncset.done $0x0  }
0x12f: {  	[sflag:s0] =	ssyncadd.s32 $0xFFFFD800  }
0x130: {  	[spmem:s1] =	stream.indirect.scatter.add.f32 [tilespmem:s30], [sflag:$0x4], $0x80, s6, s29, $0xb8;
	[tilespmem:$0x1D000] =	vst v63  }
0x131: {  	_ =	swait.ge [sflag:s24], $0x2800  }
0x132: {  	[sflag:s24] =	ssyncset.done $0x0  }
0x133: {  	[sflag:s24] =	ssyncadd.s32 $0xFFFFD800  }
0x134: {  	_ =	swait.ge [sflag:s7], $0x1000  }
0x135: {  	[sflag:s7] =	ssyncset.done $0x0  }
0x136: {  	[sflag:s7] =	ssyncadd.s32 $0xFFFFF000  }
0x137: {  	_ =	swait.ge [sflag:s7], $0x1000  }
0x138: {  	[sflag:s7] =	ssyncset.done $0x0  }
0x139: {  	[sflag:s7] =	ssyncadd.s32 $0xFFFFF000  }
0x13a: {  	[tilespmem:s23], [sflag:$0x1] =	stream.indirect.gather [hbm4b:s4+s29], $0x80, s26, s29, $0xb8;
	[tilespmem:$0x1D000] =	vst v63  }
0x13b: {  	s12 =	simm.s32 $0x1080  }
0x13c: {  	[tilespmem:s30], [sflag:$0x2] =	stream.indirect.gather [hbm4b:s4+s29], $0x80, s12, s29, $0xb8;
	[tilespmem:$0x1D000] =	vst v63  }
0x13d: {  	_ =	swait.ge [sflag:s31], $0x2800  }
0x13e: {  	[sflag:s31] =	ssyncset.done $0x0  }
0x13f: {  	s14 =	simm.s32 $0x3000;
	[sflag:s31] =	ssyncadd.s32 $0xFFFFD800  }
0x140: {  	[spmem:s1] =	stream.indirect.scatter.add.f32 [tilespmem:s23], [sflag:$0x4], $0x80, s14, s29, $0xb8;
	[tilespmem:$0x1D000] =	vst v63  }
0x141: {  	_ =	swait.ge [sflag:s24], $0x2800  }
0x142: {  	[sflag:s24] =	ssyncset.done $0x0  }
0x143: {  	s15 =	simm.s32 $0x1100;
	[sflag:s24] =	ssyncadd.s32 $0xFFFFD800  }
0x144: {  	[tilespmem:s23], [sflag:$0x1] =	stream.indirect.gather [hbm4b:s4+s29], $0x80, s15, s29, $0xb8;
	[tilespmem:$0x1D000] =	vst v63  }
0x145: {  	_ =	swait.ge [sflag:s0], $0x2800  }
0x146: {  	[sflag:s0] =	ssyncset.done $0x0  }
0x147: {  	s16 =	simm.s32 $0x3080;
	[sflag:s0] =	ssyncadd.s32 $0xFFFFD800  }
0x148: {  	[spmem:s1] =	stream.indirect.scatter.add.f32 [tilespmem:s30], [sflag:$0x4], $0x80, s16, s29, $0xb8;
	[tilespmem:$0x1D000] =	vst v63  }
0x149: {  	_ =	swait.ge [sflag:s24], $0x2800  }
0x14a: {  	s11 =	simm.s32 $0x100;
	s12 =	simm.s32 $0x800;
	[sflag:s24] =	ssyncset.done $0x0  }
.LBB2_10:
0x14b: {  	s14 =	sadd.s32 $0x1080, s11  }
0x14c: {  	[sflag:s24] =	ssyncadd.s32 $0xFFFFD800;
	s15 =	smov.u32 s12;
	s16 =	sadd.s32 $0x400, s12  }
0x14d: {  	[tilespmem:s30], [sflag:$0x2] =	stream.indirect.gather [hbm4b:s4+s29], $0x80, s14, s29, $0xb8;
	[tilespmem:$0x1D000] =	vst v63  }
0x14e: {  	p0 =	sne.s32 s12, $0x3800;
	_ =	swait.ge [sflag:s31], $0x2800  }
0x14f: {  	[sflag:s31] =	ssyncset.done $0x0  }
0x150: {  	s12 =	sadd.s32 $0x3000, s11;
	[sflag:s31] =	ssyncadd.s32 $0xFFFFD800  }
0x151: {  	[spmem:s1] =	stream.indirect.scatter.add.f32 [tilespmem:s23], [sflag:$0x4], $0x80, s12, s29, $0xb8;
	[tilespmem:$0x1D000] =	vst v63  }
0x152: {  	_ =	swait.ge [sflag:s24], $0x2800  }
0x153: {  	[sflag:s24] =	ssyncset.done $0x0  }
0x154: {  	s12 =	sadd.s32 $0x1100, s11;
	[sflag:s24] =	ssyncadd.s32 $0xFFFFD800  }
0x155: {  	[tilespmem:s23], [sflag:$0x1] =	stream.indirect.gather [hbm4b:s4+s29], $0x80, s12, s29, $0xb8;
	[tilespmem:$0x1D000] =	vst v63  }
0x156: {  	_ =	swait.ge [sflag:s0], $0x2800  }
.Ltmp4:
0x157: {  	[sflag:s0] =	ssyncset.done $0x0;
	(pc) =	sbr.rel @p0 .LBB2_10-.Ltmp4, $4  }
0x158: {  	s11 =	sadd.s32 $0x3080, s11;
	[sflag:s0] =	ssyncadd.s32 $0xFFFFD800  }
0x159: {  	[spmem:s1] =	stream.indirect.scatter.add.f32 [tilespmem:s30], [sflag:$0x4], $0x80, s11, s29, $0xb8;
	[tilespmem:$0x1D000] =	vst v63  }
0x15a: {  	_ =	swait.ge [sflag:s24], $0x2800  }
0x15b: {  	s12 =	smov.u32 s16;
	s11 =	sshra.s32 s15, $0x2;
	[sflag:s24] =	ssyncset.done $0x0  }
0x15c: {  	s12 =	sadd.s32 $0x1080, s11;
	[sflag:s24] =	ssyncadd.s32 $0xFFFFD800  }
0x15d: {  	[tilespmem:s30], [sflag:$0x2] =	stream.indirect.gather [hbm4b:s4+s29], $0x80, s12, s29, $0xb8;
	[tilespmem:$0x1D000] =	vst v63  }
0x15e: {  	_ =	swait.ge [sflag:s31], $0x2800  }
0x15f: {  	[sflag:s31] =	ssyncset.done $0x0  }
0x160: {  	s15 =	sadd.s32 $0x3000, s11;
	[sflag:s31] =	ssyncadd.s32 $0xFFFFD800  }
0x161: {  	[spmem:s1] =	stream.indirect.scatter.add.f32 [tilespmem:s23], [sflag:$0x4], $0x80, s15, s29, $0xb8;
	[tilespmem:$0x1D000] =	vst v63  }
0x162: {  	_ =	swait.ge [sflag:s24], $0x2800  }
0x163: {  	[sflag:s24] =	ssyncset.done $0x0  }
0x164: {  	s16 =	sadd.s32 $0x1100, s11;
	[sflag:s24] =	ssyncadd.s32 $0xFFFFD800  }
0x165: {  	[tilespmem:s23], [sflag:$0x1] =	stream.indirect.gather [hbm4b:s4+s29], $0x80, s16, s29, $0xb8;
	[tilespmem:$0x1D000] =	vst v63  }
0x166: {  	_ =	swait.ge [sflag:s0], $0x2800  }
0x167: {  	[sflag:s0] =	ssyncset.done $0x0  }
0x168: {  	s12 =	sadd.s32 $0x3080, s11;
	[sflag:s0] =	ssyncadd.s32 $0xFFFFD800  }
0x169: {  	[spmem:s1] =	stream.indirect.scatter.add.f32 [tilespmem:s30], [sflag:$0x4], $0x80, s12, s29, $0xb8;
	[tilespmem:$0x1D000] =	vst v63  }
0x16a: {  	_ =	swait.ge [sflag:s24], $0x2800  }
0x16b: {  	[sflag:s24] =	ssyncset.done $0x0  }
0x16c: {  	[sflag:s24] =	ssyncadd.s32 $0xFFFFD800  }
0x16d: {  	[tilespmem:s30], [sflag:$0x2] =	stream.indirect.gather [hbm4b:s4+s29], $0x80, s8, s29, $0xb8;
	[tilespmem:$0x1D000] =	vst v63  }
0x16e: {  	_ =	swait.ge [sflag:s31], $0x2800  }
0x16f: {  	[sflag:s31] =	ssyncset.done $0x0  }
0x170: {  	[sflag:s31] =	ssyncadd.s32 $0xFFFFD800  }
0x171: {  	[spmem:s1] =	stream.indirect.scatter.add.f32 [tilespmem:s23], [sflag:$0x4], $0x80, s9, s29, $0xb8;
	[tilespmem:$0x1D000] =	vst v63  }
0x172: {  	_ =	swait.ge [sflag:s24], $0x2800  }
0x173: {  	[sflag:s24] =	ssyncset.done $0x0  }
0x174: {  	[sflag:s24] =	ssyncadd.s32 $0xFFFFD800  }
0x175: {  	_ =	swait.ge [sflag:s0], $0x2800  }
0x176: {  	[sflag:s0] =	ssyncset.done $0x0  }
0x177: {  	[sflag:s0] =	ssyncadd.s32 $0xFFFFD800  }
0x178: {  	[spmem:s1] =	stream.indirect.scatter.add.f32 [tilespmem:s30], [sflag:$0x4], $0x80, s10, s29, $0xb8;
	[tilespmem:$0x1D000] =	vst v63  }
0x179: {  	_ =	swait.ge [sflag:s24], $0x2800  }
0x17a: {  	s14 =	stileid.u32;
	[sflag:s24] =	ssyncset.done $0x0  }
0x17b: {  	s11 =	sshll.u32 s14, $0x6;
	[sflag:s24] =	ssyncadd.s32 $0xFFFFD800  }
0x17c: {  	s11 =	sor.u32 $0x1C04, s11;
	s15 =	sshrl.u32 s13, $0x3;
	[bflag:$0x0] =	sbarrier.arrive $0xFFFF  }
0x17d: {  	[hbm:s22], [sflag:s11] =	dma.local [spmem:s15], $0x2800  }
0x17e: {  	_ =	swait.ge [sflag:s24], $0x2800  }
0x17f: {  	s2 =	sadd.s32 $0x1, s2;
	s16 =	rddreg [dreg:$0xc]  }
0x180: {  	p0 =	sne.s32 s2, s16  }
.Ltmp5:
0x181: {  	_ = 	snop;
	(pc) =	sbr.rel @p0 .LBB2_1-.Ltmp5, $3  }
0x182: {  	_ =	sdelay $0x1  }
0x183: {  	[sflag:s24] =	ssyncset.done $0x0  }
0x184: {  	[sflag:s24] =	ssyncadd.s32 $0xFFFFD800  }
0x185: {  	_ =	sfence.sel $0x180000  }
0x186: {  	[bflag:$0x0] =	sbarrier.arrive $0xFFFF  }
0x187: {  	_ =	strace $0x9000004D  }
0x188: {  	s0 =	stileid.u32;
	[bflag:$0x2] =	sbarrier.arrive $0xFFFF  }
0x189: {  	p0 =	sne.s32 s0, $0x0;
	s0 =	rddreg [dreg:$0x3]  }
0x18a: {  	s0 =	sadd.s32 @!p0 $0x100000, s0  }
0x18b: {  	[sflag:s0] =	ssyncadd.tile.s32 @!p0 $0x1;
	_ =	shalt  }
.Lfunc_end2:
_tile_overlayer_lowered:
.L_overlay_start_2:
0x18c: {  	(tag) =	ssettag $0x2  }
0x18d: {  	s0 =	rddreg [dreg:$0x0];
	s2 =	stileid.u32  }
0x18e: {  	s1 =	rddreg [dreg:$0x1];
	p0 =	sne.s32 s2, $0x0  }
0x18f: {  	s3 =	rddreg [dreg:$0x2];
	[bflag:$0x3] =	sbarrier.arrive $0xFFFF;
	s2 =	simm.s32 @!p0 $0x1C04  }
0x190: {  	[timem:s3], [sflag:s2] =	dma.local @!p0 [hbm:s0], s1  }
0x191: {  	s0 =	simm.s32 @!p0 $0x4  }
0x192: {  	_ =	swait.ge @!p0 [sflag:s0], s1  }
0x193: {  	s1 =	ssub.s32 @!p0 $0x0, s1;
	[sflag:s0] =	ssyncset.done @!p0 $0x0  }
0x194: {  	[sflag:s0] =	ssyncadd.s32 @!p0 s1  }
0x195: {  	[bflag:$0x3] =	sbarrier.arrive $0xFFFF  }
0x196: {  	_ =	shalt  }

// kernel: kernel.8.cloned.1.call-start
scs
__scs_entry_jumppad:
0x0: {  	(pc) =	sbr.rel $0x88, $3  }
0x1: {  	(tag) =	ssettag $0x0;
	lr =	simm.s32 $0x1  }
0x2: {  	[smem:$0x3F95] =	sst lr;
	_ =	strace $0xD0000000  }
0x3: {  	_ = 	snop  }
0x4: {  	_ = 	snop  }
0x5: {  	_ = 	snop  }
0x6: {  	_ = 	snop  }
0x7: {  	_ = 	snop  }
__scs_overlays_trampoline_lowered:
0x8: {  	[smem:$0x3FA4] =	sst s0  }
0x9: {  	[smem:$0x3FA5] =	sst s1  }
0xa: {  	[smem:$0x3FA6] =	sst s2  }
0xb: {  	[smem:$0x3FA7] =	sst s3  }
0xc: {  	[smem:$0x3FA8] =	sst s4  }
0xd: {  	[smem:$0x3FA9] =	sst s5  }
0xe: {  	[smem:$0x3FAA] =	sst s6  }
0xf: {  	[smem:$0x3FAB] =	sst s7  }
0x10: {  	[smem:$0x3FAC] =	sst s8  }
0x11: {  	[smem:$0x3FAD] =	sst s9;
	s0 =	simm.s32 @!p0 $0x0  }
0x12: {  	s1 =	sld [smem:$0x3F93];
	s0 =	simm.s32 @p0 $0x1  }
0x13: {  	[smem:$0x3FAE] =	sst s0;
	s0 =	simm.s32 @!p1 $0x0  }
0x14: {  	s2 =	sld [smem:$0x3F92];
	s0 =	simm.s32 @p1 $0x1  }
0x15: {  	[smem:$0x3FAF] =	sst s0;
	s0 =	simm.s32 @!p2 $0x0  }
0x16: {  	s3 =	sld [smem:$0x3FDB];
	s0 =	simm.s32 @p2 $0x1  }
0x17: {  	s4 =	simm.s32 $0x1BF5;
	[smem:$0x3FB1] =	sst s0  }
0x18: {  	s0 =	sld [smem:$0x3F94];
	_ =	swait.ge [sflag:s4], $0x0  }
0x19: {  	s7 =	sld [smem:$0x3F95]  }
0x1a: {  	s8 =	sadd.s32 $0xFFFFE003, lr  }
0x1b: {  	s9 =	sadd.s32 $0xFFFFFEF7, lr;
	s5 =	simm.s32 $0xFFFFFFFF;
	p2 =	slt.u32 s8, $0xFFFFF086  }
0x1c: {  	p1 =	slt.u32 s9, $0xF7A;
	s5 =	simm.s32 @!p2 $0x0  }
0x1d: {  	s5 =	simm.s32 @p1 $0x1;
	p0 =	seq.s32 s7, s2  }
0x1e: {  	s7 =	smul.u32 @!p0 $0xF7A, s2;
	p2 =	seq.s32 @!p0 s5, $0x0  }
0x1f: {  	s9 =	smul.u32 $0xF7A, s1;
	s8 =	simm.s32 @!p0 $0x1BF5;
	p2 =	por !p2, p0  }
0x20: {  	[sflag:s8] =	ssyncset.s32 @!p0 $0xFFFFF086;
	s6 =	sadd.s32 @!p0 s3, s7;
	s7 =	simm.s32 @!p0 $0x108  }
0x21: {  	s3 =	sadd.s32 s3, s9;
	s6 =	sadd.s32 @!p0 $0x88, s6;
	s7 =	simm.s32 @p2 $0x1082  }
0x22: {  	[simem:s7], [sflag:s8] =	dma.local @!p0 [hbm:s6], $0xF7A  }
0x23: {  	s9 =	sor.u32 $0xD0000000, s2;
	s6 =	simm.s32 $0x108;
	_ =	swait.ge @!p0 [sflag:s8], $0x0  }
0x24: {  	s3 =	sadd.s32 $0x88, s3;
	s6 =	simm.s32 @!p1 $0x1082;
	[sflag:s4] =	ssyncset.s32 $0xFFFFF086  }
0x25: {  	[simem:s6], [sflag:s4] =	dma.local [hbm:s3], $0xF7A  }
0x26: {  	[smem:$0x3F95] =	sst s1;
	(tag) =	ssettag s2;
	_ =	strace s9  }
0x27: {  	s1 =	sld [smem:$0x3FA5]  }
0x28: {  	s2 =	sld [smem:$0x3FA6]  }
0x29: {  	s4 =	sld [smem:$0x3FA8]  }
0x2a: {  	p0 =	seq.s32 s5, $0x0;
	s5 =	sld [smem:$0x3FA9]  }
0x2b: {  	s6 =	sld [smem:$0x3FAA]  }
0x2c: {  	s7 =	sld [smem:$0x3FAB]  }
0x2d: {  	s3 =	simm.s32 $0x108;
	s8 =	sld [smem:$0x3FAC]  }
0x2e: {  	s3 =	simm.s32 @!p0 $0x1082;
	s9 =	sld [smem:$0x3FAD]  }
0x2f: {  	lr =	sadd.s32 s0, s3;
	s0 =	sld [smem:$0x3FA4]  }
0x30: {  	s3 =	sld [smem:$0x3FA7]  }
0x31: {  	[smem:$0x3FB0] =	sst s10  }
0x32: {  	s10 =	sld [smem:$0x3FAE];
	_ =	sdelay $0x3  }
0x33: {  	p0 =	seq.s32 s10, $0x1;
	s10 =	sld [smem:$0x3FB0];
	_ =	sdelay $0x3  }
0x34: {  	[smem:$0x3FB0] =	sst s10  }
0x35: {  	s10 =	sld [smem:$0x3FAF];
	_ =	sdelay $0x3  }
0x36: {  	p1 =	seq.s32 s10, $0x1;
	s10 =	sld [smem:$0x3FB0];
	_ =	sdelay $0x3  }
0x37: {  	[smem:$0x3FB0] =	sst s10  }
0x38: {  	s10 =	sld [smem:$0x3FB1]  }
0x39: {  	_ = 	snop;
	(pc) =	sbr.ind lr, $3  }
0x3a: {  	_ = 	snop  }
0x3b: {  	_ = 	snop  }
0x3c: {  	p2 =	seq.s32 s10, $0x1;
	s10 =	sld [smem:$0x3FB0]  }
0x3d: {  	_ =	shalt  }
0x3e: {  	_ =	shalt  }
0x3f: {  	_ =	shalt  }
0x40: {  	_ =	shalt  }
0x41: {  	_ =	shalt  }
0x42: {  	_ =	shalt  }
0x43: {  	_ =	shalt  }
0x44: {  	_ =	shalt  }
0x45: {  	_ =	shalt  }
0x46: {  	_ =	shalt  }
0x47: {  	_ =	shalt  }
0x48: {  	_ =	shalt  }
0x49: {  	_ =	shalt  }
0x4a: {  	_ =	shalt  }
0x4b: {  	_ =	shalt  }
0x4c: {  	_ =	shalt  }
0x4d: {  	_ =	shalt  }
0x4e: {  	_ =	shalt  }
0x4f: {  	_ =	shalt  }
0x50: {  	_ =	shalt  }
0x51: {  	_ =	shalt  }
0x52: {  	_ =	shalt  }
0x53: {  	_ =	shalt  }
0x54: {  	_ =	shalt  }
0x55: {  	_ =	shalt  }
0x56: {  	_ =	shalt  }
0x57: {  	_ =	shalt  }
0x58: {  	_ =	shalt  }
0x59: {  	_ =	shalt  }
0x5a: {  	_ =	shalt  }
0x5b: {  	_ =	shalt  }
0x5c: {  	_ =	shalt  }
0x5d: {  	_ =	shalt  }
0x5e: {  	_ =	shalt  }
0x5f: {  	_ =	shalt  }
0x60: {  	_ =	shalt  }
0x61: {  	_ =	shalt  }
0x62: {  	_ =	shalt  }
0x63: {  	_ =	shalt  }
0x64: {  	_ =	shalt  }
0x65: {  	_ =	shalt  }
0x66: {  	_ =	shalt  }
0x67: {  	_ =	shalt  }
0x68: {  	_ =	shalt  }
0x69: {  	_ =	shalt  }
0x6a: {  	_ =	shalt  }
0x6b: {  	_ =	shalt  }
0x6c: {  	_ =	shalt  }
0x6d: {  	_ =	shalt  }
0x6e: {  	_ =	shalt  }
0x6f: {  	_ =	shalt  }
0x70: {  	_ =	shalt  }
0x71: {  	_ =	shalt  }
0x72: {  	_ =	shalt  }
0x73: {  	_ =	shalt  }
0x74: {  	_ =	shalt  }
0x75: {  	_ =	shalt  }
0x76: {  	_ =	shalt  }
0x77: {  	_ =	shalt  }
0x78: {  	_ =	shalt  }
0x79: {  	_ =	shalt  }
0x7a: {  	_ =	shalt  }
0x7b: {  	_ =	shalt  }
0x7c: {  	_ =	shalt  }
0x7d: {  	_ =	shalt  }
0x7e: {  	_ =	shalt  }
0x7f: {  	_ =	shalt  }
0x80: {  	_ =	shalt  }
0x81: {  	_ =	shalt  }
0x82: {  	_ =	shalt  }
0x83: {  	_ =	shalt  }
0x84: {  	_ =	shalt  }
0x85: {  	_ =	shalt  }
0x86: {  	_ =	shalt  }
0x87: {  	_ =	shalt  }
.Lfunc_end0:
.L_simem_size_0:
called_computation_lowered:
.L_overlay_start_0:
0x88: {  	s2 =	sld [smem:$0x3FD9]  }
0x89: {  	s3 =	sld [smem:$0x3FFE];
	_ =	sdelay $0x1  }
0x8a: {  	s1 =	srdreg.scid  }
0x8b: {  	s0 =	sand.u32 $0x1, s1  }
0x8c: {  	s17 =	sshll.u32 s0, $0xA;
	s2 =	sadd.s32 s3, s2  }
0x8d: {  	s2 =	sadd.s32 s2, s17  }
0x8e: {  	[smem:$0x3FBC] =	sst s2  }
0x8f: {  	_ = 	snop  }
0x90: {  	s2 =	sld [smem:$0x3FD0];
	(tm) =	ssettm $0x1  }
0x91: {  	s18 =	sld [smem:$0x3FFB];
	_ =	sdelay $0x3  }
0x92: {  	_ =	strace s18  }
0x93: {  	s3 =	sld [smem:$0x3FFC];
	_ =	sdelay $0x3  }
0x94: {  	_ =	strace s3  }
0x95: {  	s3 =	sld [smem:$0x3FFD];
	_ =	sdelay $0x3  }
0x96: {  	_ =	strace s3  }
0x97: {  	_ =	strace $0x8FFFFFFF  }
0x98: {  	s19 =	sld [smem:$0x3FDB];
	_ =	sdelay $0x1  }
0x99: {  	s4 =	simm.s32 $_scs_section_size  }
0x9a: {  	s5 =	simm.s32 $_size__tile_overlayer_lowered;
	s6 =	simm.s32 $_tile_overlayer_lowered  }
0x9b: {  	s22 =	simm.s32 $0x1BFF;
	s21 =	sshll.u32 s6, $0x1;
	s3 =	sadd.s32 s4, s19  }
0x9c: {  	s7 =	simm.s32 $0x0;
	s20 =	sshll.u32 s5, $0x1;
	s5 =	sadd.s32 s21, s3  }
0x9d: {  	[timem:s7], [sflag:s22] =	dma.local [hbm:s5], s20  }
0x9e: {  	_ =	swait.ge [sflag:s22], s20  }
0x9f: {  	s4 =	ssub.s32 $0x0, s20;
	[sflag:s22] =	ssyncset.done $0x0  }
0xa0: {  	[sflag:s22] =	ssyncadd.s32 s4;
	_ =	sdelay $0x1  }
0xa1: {  	s23 =	simm.s32 $0x1B8B  }
0xa2: {  	_ =	swait.ge [sflag:s23], $0x1  }
0xa3: {  	[sflag:s23] =	ssyncset.done $0x0  }
0xa4: {  	s25 =	simm.s32 $0x1B8E;
	s24 =	sld [smem:$0x3FFE];
	[sflag:s23] =	ssyncadd.s32 $0xFFFFFFFF  }
0xa5: {  	s26 =	simm.s32 $execute0_lowered;
	[smem:$0x3FD2] =	sst s25  }
0xa6: {  	s5 =	sshll.u32 s26, $0x1;
	_ =	strace $0x80000046;
	[dreg:$0x1] =	wrdreg $0xFFFFFFFF  }
0xa7: {  	s28 =	simm.s32 $_size_execute0_lowered;
	s3 =	sadd.s32 s3, s5;
	[dreg:$0x0] =	wrdreg $0x0  }
0xa8: {  	s5 =	sshll.u32 s28, $0x1;
	[dreg:$0x2] =	wrdreg s3  }
0xa9: {  	[dreg:$0x3] =	wrdreg s5  }
0xaa: {  	[dreg:$0x4] =	wrdreg $0xC0  }
0xab: {  	_ =	task [dreg:s7], $0x5FFFF  }
0xac: {  	[dreg:$0x1] =	wrdreg $0xFFFFFFFF  }
0xad: {  	[dreg:$0x0] =	wrdreg $0x60  }
0xae: {  	[dreg:$0x2] =	wrdreg s24  }
0xaf: {  	[dreg:$0x3] =	wrdreg s2  }
0xb0: {  	[dreg:$0x4] =	wrdreg $0x90000  }
0xb1: {  	[dreg:$0x5] =	wrdreg $0x9  }
0xb2: {  	_ =	task.clear_ibuf [dreg:s7], $0x6FFFF;
	_ =	strace $0x90000046  }
0xb3: {  	s29 =	simm.s32 $0x9;
	_ =	strace $0x80000048  }
0xb4: {  	_ =	swait.ge [sflag:s29], $0x1  }
0xb5: {  	[sflag:s29] =	ssyncadd.s32 $0xFFFFFFFF  }
0xb6: {  	_ =	strace $0x90000048  }
0xb7: {  	_ =	sfence  }
0xb8: {  	s30 =	sld [smem:$0x0];
	_ =	sdelay $0x2  }
0xb9: {  	s31 =	sshll.u32 s1, $0xD;
	s1 =	sshrl.u32 s1, $0x2  }
0xba: {  	s3 =	sand.u32 $0x4000, s31;
	s1 =	sadd.s32 s1, s30  }
0xbb: {  	s0 =	sor.u32 s3, s0;
	s1 =	sshll.u32 s1, $0x11  }
0xbc: {  	s0 =	sor.u32 s1, s0  }
0xbd: {  	s0 =	sadd.s32 $0x8F2B, s0  }
0xbe: {  	[sflag:s0] =	ssyncadd.remote.s32 $0x1  }
0xbf: {  	_ =	sfence.sel $0xFFFF  }
0xc0: {  	[dreg:$0x0] =	wrdreg $0xFFFFFFFF;
	(pc) =	sbr.abs _section_cstart, $3  }
0xc1: {  	[dreg:$0x1] =	wrdreg $0xFFFFFFFF  }
0xc2: {  	_ =	task.clear_ibuf [dreg:s7], $0x2FFFF;
	_ =	strace $0x9FFFFFFF  }
0xc3: {  	(tm) =	ssettm $0x7FFFFFFF  }
tec
execute0_lowered:
.L_overlay_start_1:
0x0: {  	(tag) =	ssettag $0x1  }
0x1: {  	s0 =	rddreg [dreg:$0x0]  }
0x2: {  	s3 =	rddreg [dreg:$0x1]  }
0x3: {  	s1 =	rddreg [dreg:$0x2]  }
0x4: {  	s2 =	simm.s32 $0x0;
	s5 =	srdreg.scid;
	s11 =	stileid.u32  }
0x5: {  	s28 =	simm.s32 $0x3000;
	s29 =	simm.s32 $0x50;
	s30 =	simm.s32 $0x6800  }
0x6: {  	s31 =	simm.s32 $0x1;
	[smem:$0x7FF] =	sst s2;
	s4 =	sadd.s32 $0x14800, s0  }
0x7: {  	s5 =	sand.u32 $0x1, s5;
	s8 =	sshll.u32 s11, $0xB;
	s20 =	smul.u32 $0x50000, s11  }
0x8: {  	s9 =	sadd.s32 $0x4800, s0;
	s23 =	smul.u32 $0x2800, s11;
	_ =	strace $0x80000047  }
0x9: {  	s6 =	ssub.s32 $0x2, s5;
	s7 =	sshll.u32 s5, $0xF;
	p0 =	seq.s32 s5, $0x1  }
0xa: {  	s5 =	simm.s32 $0x64800;
	s10 =	sshrl.u32 s6, $0x1;
	s7 =	sor.u32 s8, s7  }
0xb: {  	s22 =	sshrl.u32 s20, $0x2;
	s5 =	simm.s32 @!p0 $0x3C800;
	s6 =	ssub.s32 s6, s10  }
0xc: {  	s8 =	sadd.s32 s3, s7;
	s16 =	sor.u32 $0x200, s7;
	s17 =	sadd.s32 s9, s7  }
0xd: {  	s19 =	sor.u32 $0x400, s7;
	s7 =	sor.u32 $0x600, s7;
	s13 =	sadd.s32 s22, s1  }
0xe: {  	s0 =	sadd.s32 s5, s0;
	s5 =	simm.s32 $0x2F00;
	[dreg:$0x4] =	wrdreg s8  }
0xf: {  	s10 =	simm.s32 $0x3F80;
	[dreg:$0x5] =	wrdreg s17;
	s18 =	sadd.s32 s3, s16  }
0x10: {  	s8 =	sadd.s32 s9, s16;
	s12 =	sadd.s32 s3, s19;
	[dreg:$0x6] =	wrdreg s18  }
0x11: {  	s3 =	sadd.s32 s3, s7;
	s21 =	sadd.s32 s9, s7;
	[dreg:$0x7] =	wrdreg s8  }
0x12: {  	s24 =	smax.u32 s6, $0x1;
	s25 =	sadd.s32 $0x2800, s13;
	[dreg:$0x8] =	wrdreg s12  }
0x13: {  	s26 =	sadd.s32 $0x5000, s13;
	s17 =	sadd.s32 $0x7800, s13;
	[dreg:$0xa] =	wrdreg s3  }
0x14: {  	s20 =	sadd.s32 $0xF000, s13;
	s22 =	sadd.s32 s0, s23;
	[dreg:$0xb] =	wrdreg s21  }
0x15: {  	s23 =	simm.s32 $0x4000;
	s0 =	simm.s32 $0x2;
	[dreg:$0xc] =	wrdreg s24  }
0x16: {  	s6 =	simm.s32 $0x2F80;
	s7 =	simm.s32 $0x3;
	[dreg:$0xd] =	wrdreg s25  }
0x17: {  	s8 =	sadd.s32 s9, s19;
	[dreg:$0xe] =	wrdreg s26;
	s18 =	sadd.s32 $0xA000, s13  }
0x18: {  	s19 =	sadd.s32 $0xC800, s13;
	s21 =	sadd.s32 $0x11800, s13;
	s24 =	simm.s32 $0x4  }
0x19: {  	s25 =	simm.s32 $0x2000;
	s26 =	simm.s32 $0x1000;
	s3 =	simm.s32 $0xF80  }
0x1a: {  	v0 =	vimm.f32 $0.0e+00;
	s9 =	simm.s32 $0x3F00;
	[dreg:$0x9] =	wrdreg s8;
	s8 =	simm.s32 $0x1F80  }
.LBB2_1:
0x1b: {  	s11 =	simm.s32 $0x70;
	s12 =	simm.s32 $0x3C0  }
.LBB2_2:
0x1c: {  	p0 =	sne.s32 s12, $0x9FC0;
	[tilespmem:s11+$0x4000] =	vst v0  }
0x1d: {  	[tilespmem:s11+$0x3F90] =	vst v0  }
0x1e: {  	[tilespmem:s11+$0x3FA0] =	vst v0  }
.Ltmp0:
0x1f: {  	[tilespmem:s11+$0x3FB0] =	vst v0;
	(pc) =	sbr.rel @p0 .LBB2_2-.Ltmp0, $4  }
0x20: {  	[tilespmem:s11+$0x3FC0] =	vst v0  }
0x21: {  	[tilespmem:s11+$0x3FD0] =	vst v0  }
0x22: {  	[tilespmem:s11+$0x3FE0] =	vst v0  }
0x23: {  	[tilespmem:s11+$0x3FF0] =	vst v0;
	s11 =	sshra.s32 s12, $0x2;
	s12 =	sadd.s32 $0x200, s12  }
0x24: {  	[tilespmem:s11+$0x4000] =	vst v0  }
0x25: {  	[tilespmem:s11+$0x3F90] =	vst v0  }
0x26: {  	[tilespmem:s11+$0x3FA0] =	vst v0  }
0x27: {  	[tilespmem:s11+$0x3FB0] =	vst v0  }
0x28: {  	[tilespmem:s11+$0x3FC0] =	vst v0  }
0x29: {  	[tilespmem:s11+$0x3FD0] =	vst v0  }
0x2a: {  	[tilespmem:s11+$0x3FE0] =	vst v0  }
0x2b: {  	[tilespmem:s11+$0x3FF0] =	vst v0  }
0x2c: {  	[spmem:s13] =	stream.linear.scatter [tilespmem:s23], [sflag:$0x4], $0x2800, $0x38;
	[tilespmem:$0x1D000] =	vst v63  }
0x2d: {  	_ =	swait.ge [sflag:s24], $0x2800  }
0x2e: {  	[sflag:s24] =	ssyncset.done $0x0  }
0x2f: {  	s16 =	rddreg [dreg:$0xd];
	[sflag:s24] =	ssyncadd.s32 $0xFFFFD800  }
0x30: {  	[spmem:s16] =	stream.linear.scatter [tilespmem:s23], [sflag:$0x4], $0x2800, $0x38;
	[tilespmem:$0x1D000] =	vst v63  }
0x31: {  	_ =	swait.ge [sflag:s24], $0x2800  }
0x32: {  	[sflag:s24] =	ssyncset.done $0x0  }
0x33: {  	s12 =	rddreg [dreg:$0xe];
	[sflag:s24] =	ssyncadd.s32 $0xFFFFD800  }
0x34: {  	[spmem:s12] =	stream.linear.scatter [tilespmem:s23], [sflag:$0x4], $0x2800, $0x38;
	[tilespmem:$0x1D000] =	vst v63  }
0x35: {  	_ =	swait.ge [sflag:s24], $0x2800  }
0x36: {  	[sflag:s24] =	ssyncset.done $0x0  }
0x37: {  	[sflag:s24] =	ssyncadd.s32 $0xFFFFD800  }
0x38: {  	[spmem:s17] =	stream.linear.scatter [tilespmem:s23], [sflag:$0x4], $0x2800, $0x38;
	[tilespmem:$0x1D000] =	vst v63  }
0x39: {  	_ =	swait.ge [sflag:s24], $0x2800  }
0x3a: {  	[sflag:s24] =	ssyncset.done $0x0  }
0x3b: {  	[sflag:s24] =	ssyncadd.s32 $0xFFFFD800  }
0x3c: {  	[spmem:s18] =	stream.linear.scatter [tilespmem:s23], [sflag:$0x4], $0x2800, $0x38;
	[tilespmem:$0x1D000] =	vst v63  }
0x3d: {  	_ =	swait.ge [sflag:s24], $0x2800  }
0x3e: {  	[sflag:s24] =	ssyncset.done $0x0  }
0x3f: {  	[sflag:s24] =	ssyncadd.s32 $0xFFFFD800  }
0x40: {  	[spmem:s19] =	stream.linear.scatter [tilespmem:s23], [sflag:$0x4], $0x2800, $0x38;
	[tilespmem:$0x1D000] =	vst v63  }
0x41: {  	_ =	swait.ge [sflag:s24], $0x2800  }
0x42: {  	[sflag:s24] =	ssyncset.done $0x0  }
0x43: {  	[sflag:s24] =	ssyncadd.s32 $0xFFFFD800  }
0x44: {  	[spmem:s20] =	stream.linear.scatter [tilespmem:s23], [sflag:$0x4], $0x2800, $0x38;
	[tilespmem:$0x1D000] =	vst v63  }
0x45: {  	_ =	swait.ge [sflag:s24], $0x2800  }
0x46: {  	[sflag:s24] =	ssyncset.done $0x0  }
0x47: {  	[sflag:s24] =	ssyncadd.s32 $0xFFFFD800  }
0x48: {  	[spmem:s21] =	stream.linear.scatter [tilespmem:s23], [sflag:$0x4], $0x2800, $0x38;
	[tilespmem:$0x1D000] =	vst v63  }
0x49: {  	_ =	swait.ge [sflag:s24], $0x2800  }
0x4a: {  	[sflag:s24] =	ssyncset.done $0x0  }
0x4b: {  	s11 =	simm.s32 $0x0;
	s12 =	rddreg [dreg:$0x4];
	[sflag:s24] =	ssyncadd.s32 $0xFFFFD800  }
0x4c: {  	[tilespmem:s11], [sflag:$0x4] =	stream.linear.gather [hbm4b:s12+s11], $0x1000, $0x38;
	[tilespmem:$0x1D000] =	vst v63  }
0x4d: {  	_ =	swait.ge [sflag:s24], $0x1000  }
0x4e: {  	[sflag:s24] =	ssyncset.done $0x0  }
0x4f: {  	s14 =	rddreg [dreg:$0x5];
	[sflag:s24] =	ssyncadd.s32 $0xFFFFF000  }
0x50: {  	[tilespmem:s25], [sflag:$0x4] =	stream.linear.gather [hbm4b:s14+s11], $0x1000, $0x38;
	[tilespmem:$0x1D000] =	vst v63  }
0x51: {  	_ =	swait.ge [sflag:s24], $0x1000  }
0x52: {  	[sflag:s24] =	ssyncset.done $0x0  }
0x53: {  	[sflag:s24] =	ssyncadd.s32 $0xFFFFF000  }
0x54: {  	[bflag:$0x0] =	sbarrier.arrive $0xFFFF  }
0x55: {  	s15 =	rddreg [dreg:$0x6]  }
0x56: {  	[tilespmem:s26], [sflag:$0x3] =	stream.linear.gather [hbm4b:s15+s11], $0x1000, $0x38;
	[tilespmem:$0x1D000] =	vst v63  }
0x57: {  	s16 =	rddreg [dreg:$0x7]  }
0x58: {  	[tilespmem:s28], [sflag:$0x3] =	stream.linear.gather [hbm4b:s16+s11], $0x1000, $0x38;
	[tilespmem:$0x1D000] =	vst v63  }
0x59: {  	_ = 	snop  }
0x5a: {  	[tilespmem:s23], [sflag:$0x1] =	stream.indirect.gather [hbm4b:s4+s29], $0x80, s11, s29, $0xb8;
	[tilespmem:$0x1D000] =	vst v63  }
0x5b: {  	s12 =	simm.s32 $0x80  }
0x5c: {  	[tilespmem:s30], [sflag:$0x2] =	stream.indirect.gather [hbm4b:s4+s29], $0x80, s12, s29, $0xb8;
	[tilespmem:$0x1D000] =	vst v63  }
0x5d: {  	_ =	swait.ge [sflag:s31], $0x2800  }
0x5e: {  	[sflag:s31] =	ssyncset.done $0x0  }
0x5f: {  	s14 =	simm.s32 $0x2000;
	[sflag:s31] =	ssyncadd.s32 $0xFFFFD800  }
0x60: {  	[spmem:s1] =	stream.indirect.scatter.add.f32 [tilespmem:s23], [sflag:$0x4], $0x80, s14, s29, $0xb8;
	[tilespmem:$0x1D000] =	vst v63  }
0x61: {  	_ =	swait.ge [sflag:s24], $0x2800  }
0x62: {  	[sflag:s24] =	ssyncset.done $0x0  }
0x63: {  	s15 =	simm.s32 $0x100;
	[sflag:s24] =	ssyncadd.s32 $0xFFFFD800  }
0x64: {  	[tilespmem:s23], [sflag:$0x1] =	stream.indirect.gather [hbm4b:s4+s29], $0x80, s15, s29, $0xb8;
	[tilespmem:$0x1D000] =	vst v63  }
0x65: {  	_ =	swait.ge [sflag:s0], $0x2800  }
0x66: {  	[sflag:s0] =	ssyncset.done $0x0  }
0x67: {  	s16 =	simm.s32 $0x2080;
	[sflag:s0] =	ssyncadd.s32 $0xFFFFD800  }
0x68: {  	[spmem:s1] =	stream.indirect.scatter.add.f32 [tilespmem:s30], [sflag:$0x4], $0x80, s16, s29, $0xb8;
	[tilespmem:$0x1D000] =	vst v63  }
0x69: {  	_ =	swait.ge [sflag:s24], $0x2800  }
0x6a: {  	s11 =	simm.s32 $0x100;
	s12 =	simm.s32 $0x800;
	[sflag:s24] =	ssyncset.done $0x0  }
.LBB2_4:
0x6b: {  	s14 =	sadd.s32 $0x80, s11  }
0x6c: {  	[sflag:s24] =	ssyncadd.s32 $0xFFFFD800;
	s15 =	smov.u32 s12;
	s16 =	sadd.s32 $0x400, s12  }
0x6d: {  	[tilespmem:s30], [sflag:$0x2] =	stream.indirect.gather [hbm4b:s4+s29], $0x80, s14, s29, $0xb8;
	[tilespmem:$0x1D000] =	vst v63  }
0x6e: {  	p0 =	sne.s32 s12, $0x3800;
	_ =	swait.ge [sflag:s31], $0x2800  }
0x6f: {  	[sflag:s31] =	ssyncset.done $0x0  }
0x70: {  	s12 =	sadd.s32 $0x2000, s11;
	[sflag:s31] =	ssyncadd.s32 $0xFFFFD800  }
0x71: {  	[spmem:s1] =	stream.indirect.scatter.add.f32 [tilespmem:s23], [sflag:$0x4], $0x80, s12, s29, $0xb8;
	[tilespmem:$0x1D000] =	vst v63  }
0x72: {  	_ =	swait.ge [sflag:s24], $0x2800  }
0x73: {  	[sflag:s24] =	ssyncset.done $0x0  }
0x74: {  	s12 =	sadd.s32 $0x100, s11;
	[sflag:s24] =	ssyncadd.s32 $0xFFFFD800  }
0x75: {  	[tilespmem:s23], [sflag:$0x1] =	stream.indirect.gather [hbm4b:s4+s29], $0x80, s12, s29, $0xb8;
	[tilespmem:$0x1D000] =	vst v63  }
0x76: {  	_ =	swait.ge [sflag:s0], $0x2800  }
.Ltmp1:
0x77: {  	[sflag:s0] =	ssyncset.done $0x0;
	(pc) =	sbr.rel @p0 .LBB2_4-.Ltmp1, $4  }
0x78: {  	s11 =	sadd.s32 $0x2080, s11;
	[sflag:s0] =	ssyncadd.s32 $0xFFFFD800  }
0x79: {  	[spmem:s1] =	stream.indirect.scatter.add.f32 [tilespmem:s30], [sflag:$0x4], $0x80, s11, s29, $0xb8;
	[tilespmem:$0x1D000] =	vst v63  }
0x7a: {  	_ =	swait.ge [sflag:s24], $0x2800  }
0x7b: {  	s12 =	smov.u32 s16;
	s11 =	sshra.s32 s15, $0x2;
	[sflag:s24] =	ssyncset.done $0x0  }
0x7c: {  	s12 =	sadd.s32 $0x80, s11;
	[sflag:s24] =	ssyncadd.s32 $0xFFFFD800  }
0x7d: {  	[tilespmem:s30], [sflag:$0x2] =	stream.indirect.gather [hbm4b:s4+s29], $0x80, s12, s29, $0xb8;
	[tilespmem:$0x1D000] =	vst v63  }
0x7e: {  	_ =	swait.ge [sflag:s31], $0x2800  }
0x7f: {  	[sflag:s31] =	ssyncset.done $0x0  }
0x80: {  	s15 =	sadd.s32 $0x2000, s11;
	[sflag:s31] =	ssyncadd.s32 $0xFFFFD800  }
0x81: {  	[spmem:s1] =	stream.indirect.scatter.add.f32 [tilespmem:s23], [sflag:$0x4], $0x80, s15, s29, $0xb8;
	[tilespmem:$0x1D000] =	vst v63  }
0x82: {  	_ =	swait.ge [sflag:s24], $0x2800  }
0x83: {  	[sflag:s24] =	ssyncset.done $0x0  }
0x84: {  	s16 =	sadd.s32 $0x100, s11;
	[sflag:s24] =	ssyncadd.s32 $0xFFFFD800  }
0x85: {  	[tilespmem:s23], [sflag:$0x1] =	stream.indirect.gather [hbm4b:s4+s29], $0x80, s16, s29, $0xb8;
	[tilespmem:$0x1D000] =	vst v63  }
0x86: {  	_ =	swait.ge [sflag:s0], $0x2800  }
0x87: {  	[sflag:s0] =	ssyncset.done $0x0  }
0x88: {  	s12 =	sadd.s32 $0x2080, s11;
	[sflag:s0] =	ssyncadd.s32 $0xFFFFD800  }
0x89: {  	[spmem:s1] =	stream.indirect.scatter.add.f32 [tilespmem:s30], [sflag:$0x4], $0x80, s12, s29, $0xb8;
	[tilespmem:$0x1D000] =	vst v63  }
0x8a: {  	_ =	swait.ge [sflag:s24], $0x2800  }
0x8b: {  	[sflag:s24] =	ssyncset.done $0x0  }
0x8c: {  	[sflag:s24] =	ssyncadd.s32 $0xFFFFD800  }
0x8d: {  	[tilespmem:s30], [sflag:$0x2] =	stream.indirect.gather [hbm4b:s4+s29], $0x80, s3, s29, $0xb8;
	[tilespmem:$0x1D000] =	vst v63  }
0x8e: {  	_ =	swait.ge [sflag:s31], $0x2800  }
0x8f: {  	[sflag:s31] =	ssyncset.done $0x0  }
0x90: {  	[sflag:s31] =	ssyncadd.s32 $0xFFFFD800  }
0x91: {  	[spmem:s1] =	stream.indirect.scatter.add.f32 [tilespmem:s23], [sflag:$0x4], $0x80, s5, s29, $0xb8;
	[tilespmem:$0x1D000] =	vst v63  }
0x92: {  	_ =	swait.ge [sflag:s24], $0x2800  }
0x93: {  	[sflag:s24] =	ssyncset.done $0x0  }
0x94: {  	[sflag:s24] =	ssyncadd.s32 $0xFFFFD800  }
0x95: {  	_ =	swait.ge [sflag:s0], $0x2800  }
0x96: {  	[sflag:s0] =	ssyncset.done $0x0  }
0x97: {  	[sflag:s0] =	ssyncadd.s32 $0xFFFFD800  }
0x98: {  	[spmem:s1] =	stream.indirect.scatter.add.f32 [tilespmem:s30], [sflag:$0x4], $0x80, s6, s29, $0xb8;
	[tilespmem:$0x1D000] =	vst v63  }
0x99: {  	_ =	swait.ge [sflag:s24], $0x2800  }
0x9a: {  	[sflag:s24] =	ssyncset.done $0x0  }
0x9b: {  	[sflag:s24] =	ssyncadd.s32 $0xFFFFD800  }
0x9c: {  	_ =	swait.ge [sflag:s7], $0x1000  }
0x9d: {  	[sflag:s7] =	ssyncset.done $0x0  }
0x9e: {  	[sflag:s7] =	ssyncadd.s32 $0xFFFFF000  }
0x9f: {  	_ =	swait.ge [sflag:s7], $0x1000  }
0xa0: {  	[sflag:s7] =	ssyncset.done $0x0  }
0xa1: {  	s14 =	simm.s32 $0x0;
	s15 =	rddreg [dreg:$0x8];
	[sflag:s7] =	ssyncadd.s32 $0xFFFFF000  }
0xa2: {  	[tilespmem:s14], [sflag:$0x3] =	stream.linear.gather [hbm4b:s15+s14], $0x1000, $0x38;
	[tilespmem:$0x1D000] =	vst v63  }
0xa3: {  	s16 =	rddreg [dreg:$0x9]  }
0xa4: {  	[tilespmem:s25], [sflag:$0x3] =	stream.linear.gather [hbm4b:s16+s14], $0x1000, $0x38;
	[tilespmem:$0x1D000] =	vst v63  }
0xa5: {  	_ = 	snop  }
0xa6: {  	[tilespmem:s23], [sflag:$0x1] =	stream.indirect.gather [hbm4b:s4+s29], $0x80, s26, s29, $0xb8;
	[tilespmem:$0x1D000] =	vst v63  }
0xa7: {  	s12 =	simm.s32 $0x1080  }
0xa8: {  	[tilespmem:s30], [sflag:$0x2] =	stream.indirect.gather [hbm4b:s4+s29], $0x80, s12, s29, $0xb8;
	[tilespmem:$0x1D000] =	vst v63  }
0xa9: {  	_ =	swait.ge [sflag:s31], $0x2800  }
0xaa: {  	[sflag:s31] =	ssyncset.done $0x0  }
0xab: {  	s14 =	simm.s32 $0x3000;
	[sflag:s31] =	ssyncadd.s32 $0xFFFFD800  }
0xac: {  	[spmem:s1] =	stream.indirect.scatter.add.f32 [tilespmem:s23], [sflag:$0x4], $0x80, s14, s29, $0xb8;
	[tilespmem:$0x1D000] =	vst v63  }
0xad: {  	_ =	swait.ge [sflag:s24], $0x2800  }
0xae: {  	[sflag:s24] =	ssyncset.done $0x0  }
0xaf: {  	s15 =	simm.s32 $0x1100;
	[sflag:s24] =	ssyncadd.s32 $0xFFFFD800  }
0xb0: {  	[tilespmem:s23], [sflag:$0x1] =	stream.indirect.gather [hbm4b:s4+s29], $0x80, s15, s29, $0xb8;
	[tilespmem:$0x1D000] =	vst v63  }
0xb1: {  	_ =	swait.ge [sflag:s0], $0x2800  }
0xb2: {  	[sflag:s0] =	ssyncset.done $0x0  }
0xb3: {  	s16 =	simm.s32 $0x3080;
	[sflag:s0] =	ssyncadd.s32 $0xFFFFD800  }
0xb4: {  	[spmem:s1] =	stream.indirect.scatter.add.f32 [tilespmem:s30], [sflag:$0x4], $0x80, s16, s29, $0xb8;
	[tilespmem:$0x1D000] =	vst v63  }
0xb5: {  	_ =	swait.ge [sflag:s24], $0x2800  }
0xb6: {  	s11 =	simm.s32 $0x100;
	s12 =	simm.s32 $0x800;
	[sflag:s24] =	ssyncset.done $0x0  }
.LBB2_6:
0xb7: {  	s14 =	sadd.s32 $0x1080, s11  }
0xb8: {  	[sflag:s24] =	ssyncadd.s32 $0xFFFFD800;
	s15 =	smov.u32 s12;
	s16 =	sadd.s32 $0x400, s12  }
0xb9: {  	[tilespmem:s30], [sflag:$0x2] =	stream.indirect.gather [hbm4b:s4+s29], $0x80, s14, s29, $0xb8;
	[tilespmem:$0x1D000] =	vst v63  }
0xba: {  	p0 =	sne.s32 s12, $0x3800;
	_ =	swait.ge [sflag:s31], $0x2800  }
0xbb: {  	[sflag:s31] =	ssyncset.done $0x0  }
0xbc: {  	s12 =	sadd.s32 $0x3000, s11;
	[sflag:s31] =	ssyncadd.s32 $0xFFFFD800  }
0xbd: {  	[spmem:s1] =	stream.indirect.scatter.add.f32 [tilespmem:s23], [sflag:$0x4], $0x80, s12, s29, $0xb8;
	[tilespmem:$0x1D000] =	vst v63  }
0xbe: {  	_ =	swait.ge [sflag:s24], $0x2800  }
0xbf: {  	[sflag:s24] =	ssyncset.done $0x0  }
0xc0: {  	s12 =	sadd.s32 $0x1100, s11;
	[sflag:s24] =	ssyncadd.s32 $0xFFFFD800  }
0xc1: {  	[tilespmem:s23], [sflag:$0x1] =	stream.indirect.gather [hbm4b:s4+s29], $0x80, s12, s29, $0xb8;
	[tilespmem:$0x1D000] =	vst v63  }
0xc2: {  	_ =	swait.ge [sflag:s0], $0x2800  }
.Ltmp2:
0xc3: {  	[sflag:s0] =	ssyncset.done $0x0;
	(pc) =	sbr.rel @p0 .LBB2_6-.Ltmp2, $4  }
0xc4: {  	s11 =	sadd.s32 $0x3080, s11;
	[sflag:s0] =	ssyncadd.s32 $0xFFFFD800  }
0xc5: {  	[spmem:s1] =	stream.indirect.scatter.add.f32 [tilespmem:s30], [sflag:$0x4], $0x80, s11, s29, $0xb8;
	[tilespmem:$0x1D000] =	vst v63  }
0xc6: {  	_ =	swait.ge [sflag:s24], $0x2800  }
0xc7: {  	s12 =	smov.u32 s16;
	s11 =	sshra.s32 s15, $0x2;
	[sflag:s24] =	ssyncset.done $0x0  }
0xc8: {  	s12 =	sadd.s32 $0x1080, s11;
	[sflag:s24] =	ssyncadd.s32 $0xFFFFD800  }
0xc9: {  	[tilespmem:s30], [sflag:$0x2] =	stream.indirect.gather [hbm4b:s4+s29], $0x80, s12, s29, $0xb8;
	[tilespmem:$0x1D000] =	vst v63  }
0xca: {  	_ =	swait.ge [sflag:s31], $0x2800  }
0xcb: {  	[sflag:s31] =	ssyncset.done $0x0  }
0xcc: {  	s15 =	sadd.s32 $0x3000, s11;
	[sflag:s31] =	ssyncadd.s32 $0xFFFFD800  }
0xcd: {  	[spmem:s1] =	stream.indirect.scatter.add.f32 [tilespmem:s23], [sflag:$0x4], $0x80, s15, s29, $0xb8;
	[tilespmem:$0x1D000] =	vst v63  }
0xce: {  	_ =	swait.ge [sflag:s24], $0x2800  }
0xcf: {  	[sflag:s24] =	ssyncset.done $0x0  }
0xd0: {  	s16 =	sadd.s32 $0x1100, s11;
	[sflag:s24] =	ssyncadd.s32 $0xFFFFD800  }
0xd1: {  	[tilespmem:s23], [sflag:$0x1] =	stream.indirect.gather [hbm4b:s4+s29], $0x80, s16, s29, $0xb8;
	[tilespmem:$0x1D000] =	vst v63  }
0xd2: {  	_ =	swait.ge [sflag:s0], $0x2800  }
0xd3: {  	[sflag:s0] =	ssyncset.done $0x0  }
0xd4: {  	s12 =	sadd.s32 $0x3080, s11;
	[sflag:s0] =	ssyncadd.s32 $0xFFFFD800  }
0xd5: {  	[spmem:s1] =	stream.indirect.scatter.add.f32 [tilespmem:s30], [sflag:$0x4], $0x80, s12, s29, $0xb8;
	[tilespmem:$0x1D000] =	vst v63  }
0xd6: {  	_ =	swait.ge [sflag:s24], $0x2800  }
0xd7: {  	[sflag:s24] =	ssyncset.done $0x0  }
0xd8: {  	[sflag:s24] =	ssyncadd.s32 $0xFFFFD800  }
0xd9: {  	[tilespmem:s30], [sflag:$0x2] =	stream.indirect.gather [hbm4b:s4+s29], $0x80, s8, s29, $0xb8;
	[tilespmem:$0x1D000] =	vst v63  }
0xda: {  	_ =	swait.ge [sflag:s31], $0x2800  }
0xdb: {  	[sflag:s31] =	ssyncset.done $0x0  }
0xdc: {  	[sflag:s31] =	ssyncadd.s32 $0xFFFFD800  }
0xdd: {  	[spmem:s1] =	stream.indirect.scatter.add.f32 [tilespmem:s23], [sflag:$0x4], $0x80, s9, s29, $0xb8;
	[tilespmem:$0x1D000] =	vst v63  }
0xde: {  	_ =	swait.ge [sflag:s24], $0x2800  }
0xdf: {  	[sflag:s24] =	ssyncset.done $0x0  }
0xe0: {  	[sflag:s24] =	ssyncadd.s32 $0xFFFFD800  }
0xe1: {  	_ =	swait.ge [sflag:s0], $0x2800  }
0xe2: {  	[sflag:s0] =	ssyncset.done $0x0  }
0xe3: {  	[sflag:s0] =	ssyncadd.s32 $0xFFFFD800  }
0xe4: {  	[spmem:s1] =	stream.indirect.scatter.add.f32 [tilespmem:s30], [sflag:$0x4], $0x80, s10, s29, $0xb8;
	[tilespmem:$0x1D000] =	vst v63  }
0xe5: {  	_ =	swait.ge [sflag:s24], $0x2800  }
0xe6: {  	[sflag:s24] =	ssyncset.done $0x0  }
0xe7: {  	[sflag:s24] =	ssyncadd.s32 $0xFFFFD800  }
0xe8: {  	_ =	swait.ge [sflag:s7], $0x1000  }
0xe9: {  	[sflag:s7] =	ssyncset.done $0x0  }
0xea: {  	[sflag:s7] =	ssyncadd.s32 $0xFFFFF000  }
0xeb: {  	_ =	swait.ge [sflag:s7], $0x1000  }
0xec: {  	[sflag:s7] =	ssyncset.done $0x0  }
0xed: {  	s14 =	simm.s32 $0x0;
	s15 =	rddreg [dreg:$0xa];
	[sflag:s7] =	ssyncadd.s32 $0xFFFFF000  }
0xee: {  	[tilespmem:s26], [sflag:$0x3] =	stream.linear.gather [hbm4b:s15+s14], $0x1000, $0x38;
	[tilespmem:$0x1D000] =	vst v63  }
0xef: {  	s16 =	rddreg [dreg:$0xb]  }
0xf0: {  	[tilespmem:s28], [sflag:$0x3] =	stream.linear.gather [hbm4b:s16+s14], $0x1000, $0x38;
	[tilespmem:$0x1D000] =	vst v63  }
0xf1: {  	_ = 	snop  }
0xf2: {  	[tilespmem:s23], [sflag:$0x1] =	stream.indirect.gather [hbm4b:s4+s29], $0x80, s14, s29, $0xb8;
	[tilespmem:$0x1D000] =	vst v63  }
0xf3: {  	s12 =	simm.s32 $0x80  }
0xf4: {  	[tilespmem:s30], [sflag:$0x2] =	stream.indirect.gather [hbm4b:s4+s29], $0x80, s12, s29, $0xb8;
	[tilespmem:$0x1D000] =	vst v63  }
0xf5: {  	_ =	swait.ge [sflag:s31], $0x2800  }
0xf6: {  	[sflag:s31] =	ssyncset.done $0x0  }
0xf7: {  	s14 =	simm.s32 $0x2000;
	[sflag:s31] =	ssyncadd.s32 $0xFFFFD800  }
0xf8: {  	[spmem:s1] =	stream.indirect.scatter.add.f32 [tilespmem:s23], [sflag:$0x4], $0x80, s14, s29, $0xb8;
	[tilespmem:$0x1D000] =	vst v63  }
0xf9: {  	_ =	swait.ge [sflag:s24], $0x2800  }
0xfa: {  	[sflag:s24] =	ssyncset.done $0x0  }
0xfb: {  	s15 =	simm.s32 $0x100;
	[sflag:s24] =	ssyncadd.s32 $0xFFFFD800  }
0xfc: {  	[tilespmem:s23], [sflag:$0x1] =	stream.indirect.gather [hbm4b:s4+s29], $0x80, s15, s29, $0xb8;
	[tilespmem:$0x1D000] =	vst v63  }
0xfd: {  	_ =	swait.ge [sflag:s0], $0x2800  }
0xfe: {  	[sflag:s0] =	ssyncset.done $0x0  }
0xff: {  	s16 =	simm.s32 $0x2080;
	[sflag:s0] =	ssyncadd.s32 $0xFFFFD800  }
0x100: {  	[spmem:s1] =	stream.indirect.scatter.add.f32 [tilespmem:s30], [sflag:$0x4], $0x80, s16, s29, $0xb8;
	[tilespmem:$0x1D000] =	vst v63  }
0x101: {  	_ =	swait.ge [sflag:s24], $0x2800  }
0x102: {  	s11 =	simm.s32 $0x100;
	s12 =	simm.s32 $0x800;
	[sflag:s24] =	ssyncset.done $0x0  }
.LBB2_8:
0x103: {  	s14 =	sadd.s32 $0x80, s11  }
0x104: {  	[sflag:s24] =	ssyncadd.s32 $0xFFFFD800;
	s15 =	smov.u32 s12;
	s16 =	sadd.s32 $0x400, s12  }
0x105: {  	[tilespmem:s30], [sflag:$0x2] =	stream.indirect.gather [hbm4b:s4+s29], $0x80, s14, s29, $0xb8;
	[tilespmem:$0x1D000] =	vst v63  }
0x106: {  	p0 =	sne.s32 s12, $0x3800;
	_ =	swait.ge [sflag:s31], $0x2800  }
0x107: {  	[sflag:s31] =	ssyncset.done $0x0  }
0x108: {  	s12 =	sadd.s32 $0x2000, s11;
	[sflag:s31] =	ssyncadd.s32 $0xFFFFD800  }
0x109: {  	[spmem:s1] =	stream.indirect.scatter.add.f32 [tilespmem:s23], [sflag:$0x4], $0x80, s12, s29, $0xb8;
	[tilespmem:$0x1D000] =	vst v63  }
0x10a: {  	_ =	swait.ge [sflag:s24], $0x2800  }
0x10b: {  	[sflag:s24] =	ssyncset.done $0x0  }
0x10c: {  	s12 =	sadd.s32 $0x100, s11;
	[sflag:s24] =	ssyncadd.s32 $0xFFFFD800  }
0x10d: {  	[tilespmem:s23], [sflag:$0x1] =	stream.indirect.gather [hbm4b:s4+s29], $0x80, s12, s29, $0xb8;
	[tilespmem:$0x1D000] =	vst v63  }
0x10e: {  	_ =	swait.ge [sflag:s0], $0x2800  }
.Ltmp3:
0x10f: {  	[sflag:s0] =	ssyncset.done $0x0;
	(pc) =	sbr.rel @p0 .LBB2_8-.Ltmp3, $4  }
0x110: {  	s11 =	sadd.s32 $0x2080, s11;
	[sflag:s0] =	ssyncadd.s32 $0xFFFFD800  }
0x111: {  	[spmem:s1] =	stream.indirect.scatter.add.f32 [tilespmem:s30], [sflag:$0x4], $0x80, s11, s29, $0xb8;
	[tilespmem:$0x1D000] =	vst v63  }
0x112: {  	_ =	swait.ge [sflag:s24], $0x2800  }
0x113: {  	s12 =	smov.u32 s16;
	s11 =	sshra.s32 s15, $0x2;
	[sflag:s24] =	ssyncset.done $0x0  }
0x114: {  	s12 =	sadd.s32 $0x80, s11;
	[sflag:s24] =	ssyncadd.s32 $0xFFFFD800  }
0x115: {  	[tilespmem:s30], [sflag:$0x2] =	stream.indirect.gather [hbm4b:s4+s29], $0x80, s12, s29, $0xb8;
	[tilespmem:$0x1D000] =	vst v63  }
0x116: {  	_ =	swait.ge [sflag:s31], $0x2800  }
0x117: {  	[sflag:s31] =	ssyncset.done $0x0  }
0x118: {  	s14 =	sadd.s32 $0x2000, s11;
	[sflag:s31] =	ssyncadd.s32 $0xFFFFD800  }
0x119: {  	[spmem:s1] =	stream.indirect.scatter.add.f32 [tilespmem:s23], [sflag:$0x4], $0x80, s14, s29, $0xb8;
	[tilespmem:$0x1D000] =	vst v63  }
0x11a: {  	_ =	swait.ge [sflag:s24], $0x2800  }
0x11b: {  	[sflag:s24] =	ssyncset.done $0x0  }
0x11c: {  	s15 =	sadd.s32 $0x100, s11;
	[sflag:s24] =	ssyncadd.s32 $0xFFFFD800  }
0x11d: {  	[tilespmem:s23], [sflag:$0x1] =	stream.indirect.gather [hbm4b:s4+s29], $0x80, s15, s29, $0xb8;
	[tilespmem:$0x1D000] =	vst v63  }
0x11e: {  	_ =	swait.ge [sflag:s0], $0x2800  }
0x11f: {  	[sflag:s0] =	ssyncset.done $0x0  }
0x120: {  	s16 =	sadd.s32 $0x2080, s11;
	[sflag:s0] =	ssyncadd.s32 $0xFFFFD800  }
0x121: {  	[spmem:s1] =	stream.indirect.scatter.add.f32 [tilespmem:s30], [sflag:$0x4], $0x80, s16, s29, $0xb8;
	[tilespmem:$0x1D000] =	vst v63  }
0x122: {  	_ =	swait.ge [sflag:s24], $0x2800  }
0x123: {  	[sflag:s24] =	ssyncset.done $0x0  }
0x124: {  	[sflag:s24] =	ssyncadd.s32 $0xFFFFD800  }
0x125: {  	[tilespmem:s30], [sflag:$0x2] =	stream.indirect.gather [hbm4b:s4+s29], $0x80, s3, s29, $0xb8;
	[tilespmem:$0x1D000] =	vst v63  }
0x126: {  	_ =	swait.ge [sflag:s31], $0x2800  }
0x127: {  	[sflag:s31] =	ssyncset.done $0x0  }
0x128: {  	[sflag:s31] =	ssyncadd.s32 $0xFFFFD800  }
0x129: {  	[spmem:s1] =	stream.indirect.scatter.add.f32 [tilespmem:s23], [sflag:$0x4], $0x80, s5, s29, $0xb8;
	[tilespmem:$0x1D000] =	vst v63  }
0x12a: {  	_ =	swait.ge [sflag:s24], $0x2800  }
0x12b: {  	[sflag:s24] =	ssyncset.done $0x0  }
0x12c: {  	[sflag:s24] =	ssyncadd.s32 $0xFFFFD800  }
0x12d: {  	_ =	swait.ge [sflag:s0], $0x2800  }
0x12e: {  	[sflag:s0] =	ssyncset.done $0x0  }
0x12f: {  	[sflag:s0] =	ssyncadd.s32 $0xFFFFD800  }
0x130: {  	[spmem:s1] =	stream.indirect.scatter.add.f32 [tilespmem:s30], [sflag:$0x4], $0x80, s6, s29, $0xb8;
	[tilespmem:$0x1D000] =	vst v63  }
0x131: {  	_ =	swait.ge [sflag:s24], $0x2800  }
0x132: {  	[sflag:s24] =	ssyncset.done $0x0  }
0x133: {  	[sflag:s24] =	ssyncadd.s32 $0xFFFFD800  }
0x134: {  	_ =	swait.ge [sflag:s7], $0x1000  }
0x135: {  	[sflag:s7] =	ssyncset.done $0x0  }
0x136: {  	[sflag:s7] =	ssyncadd.s32 $0xFFFFF000  }
0x137: {  	_ =	swait.ge [sflag:s7], $0x1000  }
0x138: {  	[sflag:s7] =	ssyncset.done $0x0  }
0x139: {  	[sflag:s7] =	ssyncadd.s32 $0xFFFFF000  }
0x13a: {  	[tilespmem:s23], [sflag:$0x1] =	stream.indirect.gather [hbm4b:s4+s29], $0x80, s26, s29, $0xb8;
	[tilespmem:$0x1D000] =	vst v63  }
0x13b: {  	s12 =	simm.s32 $0x1080  }
0x13c: {  	[tilespmem:s30], [sflag:$0x2] =	stream.indirect.gather [hbm4b:s4+s29], $0x80, s12, s29, $0xb8;
	[tilespmem:$0x1D000] =	vst v63  }
0x13d: {  	_ =	swait.ge [sflag:s31], $0x2800  }
0x13e: {  	[sflag:s31] =	ssyncset.done $0x0  }
0x13f: {  	s14 =	simm.s32 $0x3000;
	[sflag:s31] =	ssyncadd.s32 $0xFFFFD800  }
0x140: {  	[spmem:s1] =	stream.indirect.scatter.add.f32 [tilespmem:s23], [sflag:$0x4], $0x80, s14, s29, $0xb8;
	[tilespmem:$0x1D000] =	vst v63  }
0x141: {  	_ =	swait.ge [sflag:s24], $0x2800  }
0x142: {  	[sflag:s24] =	ssyncset.done $0x0  }
0x143: {  	s15 =	simm.s32 $0x1100;
	[sflag:s24] =	ssyncadd.s32 $0xFFFFD800  }
0x144: {  	[tilespmem:s23], [sflag:$0x1] =	stream.indirect.gather [hbm4b:s4+s29], $0x80, s15, s29, $0xb8;
	[tilespmem:$0x1D000] =	vst v63  }
0x145: {  	_ =	swait.ge [sflag:s0], $0x2800  }
0x146: {  	[sflag:s0] =	ssyncset.done $0x0  }
0x147: {  	s16 =	simm.s32 $0x3080;
	[sflag:s0] =	ssyncadd.s32 $0xFFFFD800  }
0x148: {  	[spmem:s1] =	stream.indirect.scatter.add.f32 [tilespmem:s30], [sflag:$0x4], $0x80, s16, s29, $0xb8;
	[tilespmem:$0x1D000] =	vst v63  }
0x149: {  	_ =	swait.ge [sflag:s24], $0x2800  }
0x14a: {  	s11 =	simm.s32 $0x100;
	s12 =	simm.s32 $0x800;
	[sflag:s24] =	ssyncset.done $0x0  }
.LBB2_10:
0x14b: {  	s14 =	sadd.s32 $0x1080, s11  }
0x14c: {  	[sflag:s24] =	ssyncadd.s32 $0xFFFFD800;
	s15 =	smov.u32 s12;
	s16 =	sadd.s32 $0x400, s12  }
0x14d: {  	[tilespmem:s30], [sflag:$0x2] =	stream.indirect.gather [hbm4b:s4+s29], $0x80, s14, s29, $0xb8;
	[tilespmem:$0x1D000] =	vst v63  }
0x14e: {  	p0 =	sne.s32 s12, $0x3800;
	_ =	swait.ge [sflag:s31], $0x2800  }
0x14f: {  	[sflag:s31] =	ssyncset.done $0x0  }
0x150: {  	s12 =	sadd.s32 $0x3000, s11;
	[sflag:s31] =	ssyncadd.s32 $0xFFFFD800  }
0x151: {  	[spmem:s1] =	stream.indirect.scatter.add.f32 [tilespmem:s23], [sflag:$0x4], $0x80, s12, s29, $0xb8;
	[tilespmem:$0x1D000] =	vst v63  }
0x152: {  	_ =	swait.ge [sflag:s24], $0x2800  }
0x153: {  	[sflag:s24] =	ssyncset.done $0x0  }
0x154: {  	s12 =	sadd.s32 $0x1100, s11;
	[sflag:s24] =	ssyncadd.s32 $0xFFFFD800  }
0x155: {  	[tilespmem:s23], [sflag:$0x1] =	stream.indirect.gather [hbm4b:s4+s29], $0x80, s12, s29, $0xb8;
	[tilespmem:$0x1D000] =	vst v63  }
0x156: {  	_ =	swait.ge [sflag:s0], $0x2800  }
.Ltmp4:
0x157: {  	[sflag:s0] =	ssyncset.done $0x0;
	(pc) =	sbr.rel @p0 .LBB2_10-.Ltmp4, $4  }
0x158: {  	s11 =	sadd.s32 $0x3080, s11;
	[sflag:s0] =	ssyncadd.s32 $0xFFFFD800  }
0x159: {  	[spmem:s1] =	stream.indirect.scatter.add.f32 [tilespmem:s30], [sflag:$0x4], $0x80, s11, s29, $0xb8;
	[tilespmem:$0x1D000] =	vst v63  }
0x15a: {  	_ =	swait.ge [sflag:s24], $0x2800  }
0x15b: {  	s12 =	smov.u32 s16;
	s11 =	sshra.s32 s15, $0x2;
	[sflag:s24] =	ssyncset.done $0x0  }
0x15c: {  	s12 =	sadd.s32 $0x1080, s11;
	[sflag:s24] =	ssyncadd.s32 $0xFFFFD800  }
0x15d: {  	[tilespmem:s30], [sflag:$0x2] =	stream.indirect.gather [hbm4b:s4+s29], $0x80, s12, s29, $0xb8;
	[tilespmem:$0x1D000] =	vst v63  }
0x15e: {  	_ =	swait.ge [sflag:s31], $0x2800  }
0x15f: {  	[sflag:s31] =	ssyncset.done $0x0  }
0x160: {  	s15 =	sadd.s32 $0x3000, s11;
	[sflag:s31] =	ssyncadd.s32 $0xFFFFD800  }
0x161: {  	[spmem:s1] =	stream.indirect.scatter.add.f32 [tilespmem:s23], [sflag:$0x4], $0x80, s15, s29, $0xb8;
	[tilespmem:$0x1D000] =	vst v63  }
0x162: {  	_ =	swait.ge [sflag:s24], $0x2800  }
0x163: {  	[sflag:s24] =	ssyncset.done $0x0  }
0x164: {  	s16 =	sadd.s32 $0x1100, s11;
	[sflag:s24] =	ssyncadd.s32 $0xFFFFD800  }
0x165: {  	[tilespmem:s23], [sflag:$0x1] =	stream.indirect.gather [hbm4b:s4+s29], $0x80, s16, s29, $0xb8;
	[tilespmem:$0x1D000] =	vst v63  }
0x166: {  	_ =	swait.ge [sflag:s0], $0x2800  }
0x167: {  	[sflag:s0] =	ssyncset.done $0x0  }
0x168: {  	s12 =	sadd.s32 $0x3080, s11;
	[sflag:s0] =	ssyncadd.s32 $0xFFFFD800  }
0x169: {  	[spmem:s1] =	stream.indirect.scatter.add.f32 [tilespmem:s30], [sflag:$0x4], $0x80, s12, s29, $0xb8;
	[tilespmem:$0x1D000] =	vst v63  }
0x16a: {  	_ =	swait.ge [sflag:s24], $0x2800  }
0x16b: {  	[sflag:s24] =	ssyncset.done $0x0  }
0x16c: {  	[sflag:s24] =	ssyncadd.s32 $0xFFFFD800  }
0x16d: {  	[tilespmem:s30], [sflag:$0x2] =	stream.indirect.gather [hbm4b:s4+s29], $0x80, s8, s29, $0xb8;
	[tilespmem:$0x1D000] =	vst v63  }
0x16e: {  	_ =	swait.ge [sflag:s31], $0x2800  }
0x16f: {  	[sflag:s31] =	ssyncset.done $0x0  }
0x170: {  	[sflag:s31] =	ssyncadd.s32 $0xFFFFD800  }
0x171: {  	[spmem:s1] =	stream.indirect.scatter.add.f32 [tilespmem:s23], [sflag:$0x4], $0x80, s9, s29, $0xb8;
	[tilespmem:$0x1D000] =	vst v63  }
0x172: {  	_ =	swait.ge [sflag:s24], $0x2800  }
0x173: {  	[sflag:s24] =	ssyncset.done $0x0  }
0x174: {  	[sflag:s24] =	ssyncadd.s32 $0xFFFFD800  }
0x175: {  	_ =	swait.ge [sflag:s0], $0x2800  }
0x176: {  	[sflag:s0] =	ssyncset.done $0x0  }
0x177: {  	[sflag:s0] =	ssyncadd.s32 $0xFFFFD800  }
0x178: {  	[spmem:s1] =	stream.indirect.scatter.add.f32 [tilespmem:s30], [sflag:$0x4], $0x80, s10, s29, $0xb8;
	[tilespmem:$0x1D000] =	vst v63  }
0x179: {  	_ =	swait.ge [sflag:s24], $0x2800  }
0x17a: {  	s14 =	stileid.u32;
	[sflag:s24] =	ssyncset.done $0x0  }
0x17b: {  	s11 =	sshll.u32 s14, $0x6;
	[sflag:s24] =	ssyncadd.s32 $0xFFFFD800  }
0x17c: {  	s11 =	sor.u32 $0x1C04, s11;
	s15 =	sshrl.u32 s13, $0x3;
	[bflag:$0x0] =	sbarrier.arrive $0xFFFF  }
0x17d: {  	[hbm:s22], [sflag:s11] =	dma.local [spmem:s15], $0x2800  }
0x17e: {  	_ =	swait.ge [sflag:s24], $0x2800  }
0x17f: {  	s2 =	sadd.s32 $0x1, s2;
	s16 =	rddreg [dreg:$0xc]  }
0x180: {  	p0 =	sne.s32 s2, s16  }
.Ltmp5:
0x181: {  	_ = 	snop;
	(pc) =	sbr.rel @p0 .LBB2_1-.Ltmp5, $3  }
0x182: {  	_ =	sdelay $0x1  }
0x183: {  	[sflag:s24] =	ssyncset.done $0x0  }
0x184: {  	[sflag:s24] =	ssyncadd.s32 $0xFFFFD800  }
0x185: {  	_ =	sfence.sel $0x180000  }
0x186: {  	[bflag:$0x0] =	sbarrier.arrive $0xFFFF  }
0x187: {  	_ =	strace $0x90000047  }
0x188: {  	s0 =	stileid.u32;
	[bflag:$0x2] =	sbarrier.arrive $0xFFFF  }
0x189: {  	p0 =	sne.s32 s0, $0x0;
	s0 =	rddreg [dreg:$0x3]  }
0x18a: {  	s0 =	sadd.s32 @!p0 $0x100000, s0  }
0x18b: {  	[sflag:s0] =	ssyncadd.tile.s32 @!p0 $0x1;
	_ =	shalt  }
.Lfunc_end2:
_tile_overlayer_lowered:
.L_overlay_start_2:
0x18c: {  	(tag) =	ssettag $0x2  }
0x18d: {  	s0 =	rddreg [dreg:$0x0];
	s2 =	stileid.u32  }
0x18e: {  	s1 =	rddreg [dreg:$0x1];
	p0 =	sne.s32 s2, $0x0  }
0x18f: {  	s3 =	rddreg [dreg:$0x2];
	[bflag:$0x3] =	sbarrier.arrive $0xFFFF;
	s2 =	simm.s32 @!p0 $0x1C04  }
0x190: {  	[timem:s3], [sflag:s2] =	dma.local @!p0 [hbm:s0], s1  }
0x191: {  	s0 =	simm.s32 @!p0 $0x4  }
0x192: {  	_ =	swait.ge @!p0 [sflag:s0], s1  }
0x193: {  	s1 =	ssub.s32 @!p0 $0x0, s1;
	[sflag:s0] =	ssyncset.done @!p0 $0x0  }
0x194: {  	[sflag:s0] =	ssyncadd.s32 @!p0 s1  }
0x195: {  	[bflag:$0x3] =	sbarrier.arrive $0xFFFF  }
0x196: {  	_ =	shalt  }

</sc_bundles>
